<compile_context>
chip_gen: v7x
topology: tpu7x:2x2x1
jax: 0.10.2.dev20260603
libtpu: 0.0.44.dev20260713+nightly
codegen_flags: <defaults>
</compile_context>

<pallas_src>
import functools

import jax
import jax.numpy as jnp
from jax import lax
from jax.experimental import pallas as pl
from jax.experimental.pallas import tpu as pltpu
from jax.experimental.pallas import tpu_sc as plsc

N_NODES = 10000
N_EDGES = 160000
DIM = 256
FH = 128

N_BLK = 1024
NP = 10240
NODES_PER_TILE = 640

CHUNK = 128
GRP = 8
N_GRPS = 10
N_CHUNKS = GRP * N_GRPS
E_PER_TILE = CHUNK * N_CHUNKS
EP = 16 * E_PER_TILE


def _mm_body(x_ref, w_ref, attm_ref, h0_ref, h1_ref, ab_ref):
    h = jnp.dot(x_ref[...], w_ref[...], preferred_element_type=jnp.float32)
    h0_ref[...] = h[:, :FH]
    h1_ref[...] = h[:, FH:]
    ab_ref[...] = jnp.dot(h, attm_ref[...], preferred_element_type=jnp.float32)


def _project(x, W, attm):
    xp = jnp.pad(x, ((0, NP - N_NODES), (0, 0)))
    grid = NP // N_BLK
    return pl.pallas_call(
        _mm_body,
        grid=(grid,),
        in_specs=[
            pl.BlockSpec((N_BLK, DIM), lambda i: (i, 0)),
            pl.BlockSpec((DIM, DIM), lambda i: (0, 0)),
            pl.BlockSpec((DIM, 8), lambda i: (0, 0)),
        ],
        out_specs=[
            pl.BlockSpec((N_BLK, FH), lambda i: (i, 0)),
            pl.BlockSpec((N_BLK, FH), lambda i: (i, 0)),
            pl.BlockSpec((N_BLK, 8), lambda i: (i, 0)),
        ],
        out_shape=[
            jax.ShapeDtypeStruct((NP, FH), jnp.float32),
            jax.ShapeDtypeStruct((NP, FH), jnp.float32),
            jax.ShapeDtypeStruct((NP, 8), jnp.float32),
        ],
    )(xp, W, attm)


def _sc_body(h0, h1, a_hbm, b_hbm, src2d, dst2d, out_hbm,
             wtab_v, src_v, dst_v, rows0_v, rows1_v, recip_v,
             agg_s, denom_s, sem0, sem1, semw0, semw1, semr0, semr1):
    cid = lax.axis_index("c")
    sid = lax.axis_index("s")
    zeros16 = jnp.zeros((16,), jnp.float32)

    def stage_group(g):
        row0 = sid * N_CHUNKS + g * GRP
        gp = g & 1
        pltpu.sync_copy(src2d.at[pl.ds(row0, GRP)], src_v.at[gp])
        pltpu.sync_copy(dst2d.at[pl.ds(row0, GRP)], dst_v.at[gp])

    pltpu.sync_copy(a_hbm, wtab_v)

    def prea_g(g, carry):
        stage_group(g)

        def prea_c(c, carry2):
            gc = g * GRP + c
            for k in range(8):
                s16 = src_v[g & 1, c, pl.ds(k * 16, 16)]
                rows0_v[gc, pl.ds(k * 16, 16)] = plsc.load_gather(
                    wtab_v, [s16])
            return carry2
        lax.fori_loop(0, GRP, prea_c, 0)
        return carry
    lax.fori_loop(0, N_GRPS, prea_g, 0)

    pltpu.sync_copy(b_hbm, wtab_v)

    def preb_g(g, carry):
        stage_group(g)

        def preb_c(c, carry2):
            gc = g * GRP + c
            base = sid * E_PER_TILE + gc * CHUNK
            for k in range(8):
                d16 = dst_v[g & 1, c, pl.ds(k * 16, 16)]
                z = rows0_v[gc, pl.ds(k * 16, 16)] + plsc.load_gather(
                    wtab_v, [d16])
                z = jnp.where(z >= 0.0, z, 0.2 * z)
                wv = jnp.exp(z)
                gid = base + k * 16 + jnp.arange(16, dtype=jnp.int32)
                wv = jnp.where(gid < N_EDGES, wv, 0.0)
                rows0_v[gc, pl.ds(k * 16, 16)] = wv
            return carry2
        lax.fori_loop(0, GRP, preb_c, 0)
        return carry
    lax.fori_loop(0, N_GRPS, preb_g, 0)

    def wcopy(i, carry):
        wtab_v[pl.ds(i * 16, 16)] = rows0_v[i >> 3,
                                            pl.ds((i & 7) * 16, 16)]
        return carry
    lax.fori_loop(0, E_PER_TILE // 16, wcopy, 0)

    def zero_rows(r, carry):
        for f in range(8):
            rows0_v[r, pl.ds(f * 16, 16)] = zeros16
        return carry
    lax.fori_loop(0, CHUNK, zero_rows, 0)
    for j in range(NODES_PER_TILE // CHUNK):
        pltpu.sync_copy(
            rows0_v,
            agg_s.at[pl.ds(sid * NODES_PER_TILE + j * CHUNK, CHUNK)])

    def zero_recip(i, carry):
        recip_v[pl.ds(i * 16, 16)] = zeros16
        return carry
    lax.fori_loop(0, NODES_PER_TILE // 16, zero_recip, 0)
    pltpu.sync_copy(recip_v, denom_s.at[pl.ds(sid * NODES_PER_TILE,
                                              NODES_PER_TILE)])
    plsc.subcore_barrier()

    def edge_phase(h_ref):
        def issue(c, rows, sem):
            gp = (c >> 3) & 1
            cig = c & 7
            pltpu.async_copy(h_ref.at[src_v.at[gp, cig]], rows, sem)

        def wait(c, rows, sem):
            gp = (c >> 3) & 1
            cig = c & 7
            pltpu.make_async_copy(h_ref.at[src_v.at[gp, cig]], rows,
                                  sem).wait()

        def issue_w(c, semw):
            gp = (c >> 3) & 1
            cig = c & 7
            pltpu.async_copy(wtab_v.at[pl.ds(c * CHUNK, CHUNK)],
                             denom_s.at[dst_v.at[gp, cig]], semw, add=True)

        def wait_w(c, semw):
            gp = (c >> 3) & 1
            cig = c & 7
            pltpu.make_async_copy(wtab_v.at[pl.ds(c * CHUNK, CHUNK)],
                                  denom_s.at[dst_v.at[gp, cig]],
                                  semw).wait()

        def process(c, rows):
            gp = (c >> 3) & 1
            cig = c & 7

            def scale4(rr, carry3):
                for dr in range(4):
                    r = rr * 4 + dr
                    wspl = plsc.load_gather(
                        wtab_v, [jnp.full((16,), c * CHUNK + r, jnp.int32)])
                    for f in range(8):
                        rows[r, pl.ds(f * 16, 16)] = (
                            rows[r, pl.ds(f * 16, 16)] * wspl)
                return carry3
            lax.fori_loop(0, CHUNK // 4, scale4, 0)

        def issue_r(c, rows, semr):
            gp = (c >> 3) & 1
            cig = c & 7
            pltpu.async_copy(rows, agg_s.at[dst_v.at[gp, cig]], semr,
                             add=True)

        def wait_r(c, rows, semr):
            gp = (c >> 3) & 1
            cig = c & 7
            pltpu.make_async_copy(rows, agg_s.at[dst_v.at[gp, cig]],
                                  semr).wait()

        stage_group(0)
        issue(0, rows0_v, sem0)

        def pair_body(cc, carry):
            g = cc >> 2

            @pl.when(((cc & 3) == 3) & (g < N_GRPS - 1))
            def _():
                stage_group(g + 1)

            ca = 2 * cc

            @pl.when(cc > 0)
            def _():
                wait_w(ca - 2, semw0)
                wait_w(ca - 1, semw1)
            issue_w(ca, semw0)
            issue_w(ca + 1, semw1)
            wait(ca, rows0_v, sem0)

            @pl.when(cc > 0)
            def _():
                wait_r(ca - 1, rows1_v, semr1)
            issue(ca + 1, rows1_v, sem1)
            process(ca, rows0_v)
            issue_r(ca, rows0_v, semr0)
            wait(ca + 1, rows1_v, sem1)
            wait_r(ca, rows0_v, semr0)

            @pl.when(cc < N_CHUNKS // 2 - 1)
            def _():
                issue(ca + 2, rows0_v, sem0)
            process(ca + 1, rows1_v)
            issue_r(ca + 1, rows1_v, semr1)
            return carry
        lax.fori_loop(0, N_CHUNKS // 2, pair_body, 0)
        wait_w(N_CHUNKS - 2, semw0)
        wait_w(N_CHUNKS - 1, semw1)
        wait_r(N_CHUNKS - 1, rows1_v, semr1)

    @pl.when(cid == 0)
    def _():
        edge_phase(h0)

    @pl.when(cid == 1)
    def _():
        edge_phase(h1)

    plsc.subcore_barrier()

    nbase = sid * NODES_PER_TILE
    pltpu.sync_copy(denom_s.at[pl.ds(nbase, NODES_PER_TILE)], recip_v)

    def red_body(j, carry):
        acc = recip_v[pl.ds(j * 16, 16)]
        safe = jnp.where(acc > 0.0, acc, 1.0)
        recip_v[pl.ds(j * 16, 16)] = jnp.where(acc > 0.0, 1.0 / safe, 0.0)
        return carry
    lax.fori_loop(0, NODES_PER_TILE // 16, red_body, 0)

    def finalize(col0):
        def blk_body(j, carry):
            rbase = nbase + j * CHUNK
            pltpu.sync_copy(agg_s.at[pl.ds(rbase, CHUNK)], rows0_v)

            def fin_row(r, carry2):
                rsp = plsc.load_gather(
                    recip_v, [jnp.full((16,), j * CHUNK + r, jnp.int32)])
                for f in range(8):
                    v = rows0_v[r, pl.ds(f * 16, 16)] * rsp
                    v = jnp.where(v > 0.0, v, jnp.exp(v) - 1.0)
                    rows0_v[r, pl.ds(f * 16, 16)] = v
                return carry2
            lax.fori_loop(0, CHUNK, fin_row, 0)

            for q in range(8):
                rb = rbase + q * 16

                @pl.when(rb < N_NODES)
                def _():
                    pltpu.sync_copy(
                        rows0_v.at[pl.ds(q * 16, 16)],
                        out_hbm.at[pl.ds(rb, 16), pl.ds(col0, FH)])
            return carry
        lax.fori_loop(0, NODES_PER_TILE // CHUNK, blk_body, 0)

    @pl.when(cid == 0)
    def _():
        finalize(0)

    @pl.when(cid == 1)
    def _():
        finalize(FH)


@functools.partial(
    pl.kernel,
    out_type=jax.ShapeDtypeStruct((N_NODES, DIM), jnp.float32),
    mesh=plsc.VectorSubcoreMesh(core_axis_name="c", subcore_axis_name="s"),
    scratch_types=[
        pltpu.VMEM((E_PER_TILE,), jnp.float32),
        pltpu.VMEM((2, GRP, CHUNK), jnp.int32),
        pltpu.VMEM((2, GRP, CHUNK), jnp.int32),
        pltpu.VMEM((CHUNK, FH), jnp.float32),
        pltpu.VMEM((CHUNK, FH), jnp.float32),
        pltpu.VMEM((NODES_PER_TILE,), jnp.float32),
        pltpu.VMEM_SHARED((NP, FH), jnp.float32),
        pltpu.VMEM_SHARED((NP,), jnp.float32),
        pltpu.SemaphoreType.DMA,
        pltpu.SemaphoreType.DMA,
        pltpu.SemaphoreType.DMA,
        pltpu.SemaphoreType.DMA,
        pltpu.SemaphoreType.DMA,
        pltpu.SemaphoreType.DMA,
    ],
    compiler_params=pltpu.CompilerParams(needs_layout_passes=False),
)
def _edge_kernel(h0, h1, a_hbm, b_hbm, src2d, dst2d, out_hbm, *scratch):
    _sc_body(h0, h1, a_hbm, b_hbm, src2d, dst2d, out_hbm, *scratch)


def kernel(x, edge_index, W, att):
    att1 = att[:DIM]
    att2 = att[DIM:]
    attm = jnp.pad(jnp.stack([att1, att2], axis=1), ((0, 0), (0, 6)))
    h0, h1, ab = _project(x, W, attm)
    a = ab[:, 0]
    b = ab[:, 1]
    src = edge_index[0].astype(jnp.int32)
    dst = edge_index[1].astype(jnp.int32)
    src2d = jnp.pad(src, (0, EP - N_EDGES)).reshape(-1, CHUNK)
    dst2d = jnp.pad(dst, (0, EP - N_EDGES)).reshape(-1, CHUNK)
    return _edge_kernel(h0, h1, a, b, src2d, dst2d)

# --- scband reference (transcript-rebuilt; emitter-appended) ---
"""Pipeline reference for scband-handwritten-gatconv-1606317769044 (READ-ONLY COPY).

The authoritative reference and input builder live on the scoring server;
editing this copy changes nothing except your own understanding.
"""

import jax, jax.numpy as jnp
import numpy as np

N_NODES = 10000
N_EDGES = 160000
IN_DIM = 256
OUT_DIM = 256


def setup_inputs(seed: int = 0) -> dict:
    key = jax.random.key(seed)
    k1, k2, k3, k4 = jax.random.split(key, 4)
    x = jax.random.normal(k1, (N_NODES, IN_DIM), dtype=jnp.float32)
    edge_index = jax.random.randint(k2, (2, N_EDGES), 0, N_NODES, dtype=jnp.int64)
    # Linear weights (no bias). Stored as [in, out] so forward is x @ W.
    W = jax.random.normal(k3, (IN_DIM, OUT_DIM), dtype=jnp.float32) * (1.0 / np.sqrt(IN_DIM))
    # attention vector: maps concat([h_src, h_dst]) -> scalar
    att = jax.random.normal(k4, (2 * OUT_DIM,), dtype=jnp.float32) * (1.0 / np.sqrt(2 * OUT_DIM))
    return {"x": x, "edge_index": edge_index, "W": W, "att": att}


def reference(x, edge_index, W, att):
    h = x @ W                                   # [N, out_dim]
    src = edge_index[0]
    dst = edge_index[1]
    h_src = jnp.take(h, src, axis=0)            # gather [E, out_dim]
    h_dst = jnp.take(h, dst, axis=0)            # gather [E, out_dim]
    e = jnp.concatenate([h_src, h_dst], axis=-1) @ att   # [E]
    e = jax.nn.leaky_relu(e, negative_slope=0.2)
    # per-destination softmax over incoming edges (numerically stable)
    m = jax.ops.segment_max(e, dst, num_segments=N_NODES)        # [N], -inf for empty
    e_exp = jnp.exp(e - jnp.take(m, dst, axis=0))                # [E]
    denom = jax.ops.segment_sum(e_exp, dst, num_segments=N_NODES)  # [N]
    alpha = e_exp / jnp.take(denom, dst, axis=0)                 # [E]
    # weighted aggregation: scatter-add over destination nodes
    agg = jax.ops.segment_sum(alpha[:, None] * h_src, dst, num_segments=N_NODES)  # [N, out_dim]
    return jax.nn.elu(agg)

if __name__ == "__main__":
    import jax
    _d = setup_inputs()
    print(jax.jit(kernel)(*tuple(_d.values())))

</pallas_src>

<mosaic_0001>
#map = affine_map<(d0, d1) -> (0, 0)>
#map1 = affine_map<(d0, d1) -> (0)>
module attributes {stable_mosaic.version = 14 : i64} {
  func.func @_edge_kernel(%arg0: i32, %arg1: i32, %arg2: memref<10240x128xf32, #tpu.memory_space<hbm>>, %arg3: memref<10240x128xf32, #tpu.memory_space<hbm>>, %arg4: memref<10240xf32, #tpu.memory_space<hbm>>, %arg5: memref<10240xf32, #tpu.memory_space<hbm>>, %arg6: memref<1280x128xi32, #tpu.memory_space<hbm>>, %arg7: memref<1280x128xi32, #tpu.memory_space<hbm>>, %arg8: memref<10000x256xf32, #tpu.memory_space<hbm>>, %arg9: memref<10240xf32, #tpu.memory_space<vmem>>, %arg10: memref<2x8x128xi32, #tpu.memory_space<vmem>>, %arg11: memref<2x8x128xi32, #tpu.memory_space<vmem>>, %arg12: memref<128x128xf32, #tpu.memory_space<vmem>>, %arg13: memref<128x128xf32, #tpu.memory_space<vmem>>, %arg14: memref<640xf32, #tpu.memory_space<vmem>>, %arg15: memref<10240x128xf32, #tpu.memory_space<vmem_shared>>, %arg16: memref<10240xf32, #tpu.memory_space<vmem_shared>>, %arg17: memref<!tpu.dma_semaphore, #tpu.memory_space<semaphore_mem>>, %arg18: memref<!tpu.dma_semaphore, #tpu.memory_space<semaphore_mem>>, %arg19: memref<!tpu.dma_semaphore, #tpu.memory_space<semaphore_mem>>, %arg20: memref<!tpu.dma_semaphore, #tpu.memory_space<semaphore_mem>>, %arg21: memref<!tpu.dma_semaphore, #tpu.memory_space<semaphore_mem>>, %arg22: memref<!tpu.dma_semaphore, #tpu.memory_space<semaphore_mem>>) attributes {dimension_semantics = [#tpu.dimension_semantics<core_parallel>, #tpu.dimension_semantics<subcore_parallel>], iteration_bounds = array<i64: 2, 16>, scalar_prefetch = 0 : i64, scratch_operands = 14 : i64, tpu.core_type = #tpu.core_type<sc_vector_subcore>, window_params = [{transform_indices = #map}, {transform_indices = #map}, {transform_indices = #map1}, {transform_indices = #map1}, {transform_indices = #map}, {transform_indices = #map}, {transform_indices = #map}]} {
    %broadcast_in_dim3A = arith.constant 0.000000e+00 : f32
    %broadcast_in_dim3A_0 = vector.broadcast %broadcast_in_dim3A : f32 to vector<16xf32>
    "tpu.region"() ({
      %run_scoped3A = tpu.sem_alloc : memref<!tpu.dma_semaphore, #tpu.memory_space<semaphore_mem>>
      tpu.enqueue_dma source(%arg4 : memref<10240xf32, #tpu.memory_space<hbm>>) target(%arg9 : memref<10240xf32, #tpu.memory_space<vmem>>) target_semaphore(%run_scoped3A : memref<!tpu.dma_semaphore, #tpu.memory_space<semaphore_mem>>)
      tpu.wait_dma2 semaphore(%run_scoped3A : memref<!tpu.dma_semaphore, #tpu.memory_space<semaphore_mem>>) src(%arg4 : memref<10240xf32, #tpu.memory_space<hbm>>) dst(%arg9 : memref<10240xf32, #tpu.memory_space<vmem>>)
      tpu.yield
    }) : () -> ()
    %scan3A = arith.constant 0 : i32
    %scan3A_1 = arith.constant 0 : i32
    %scan3A_2 = arith.constant 10 : i32
    %scan3A_3 = arith.addi %scan3A_1, %scan3A_2 : i32
    %scan3A_4 = arith.constant 1 : i32
    scf.for %scan3A_76 = %scan3A_1 to %scan3A_3 step %scan3A_4  : i32 {
      %mul3A_77 = arith.constant 80 : i32
      %mul3A_78 = arith.muli %arg1, %mul3A_77 : i32
      %mul3A_79 = arith.constant 8 : i32
      %mul3A_80 = arith.muli %scan3A_76, %mul3A_79 : i32
      %add3A_81 = arith.addi %mul3A_78, %mul3A_80 : i32
      %and3A = arith.constant 1 : i32
      %and3A_82 = arith.andi %scan3A_76, %and3A : i32
      "tpu.region"() ({
        %run_scoped3A = tpu.sem_alloc : memref<!tpu.dma_semaphore, #tpu.memory_space<semaphore_mem>>
        %dma_start3A = arith.constant 0 : i32
        %dma_start3A_89 = arith.constant 0 : i32
        %dma_start3A_90 = tpu.memref_slice %arg10[%and3A_82, %dma_start3A, %dma_start3A_89] : memref<2x8x128xi32, #tpu.memory_space<vmem>> -> memref<1x8x128xi32, #tpu.memory_space<vmem>>
        %dma_start3A_91 = tpu.memref_squeeze %dma_start3A_90 : memref<1x8x128xi32, #tpu.memory_space<vmem>> -> memref<8x128xi32, #tpu.memory_space<vmem>>
        %dma_start3A_92 = arith.constant 0 : i32
        %dma_start3A_93 = tpu.memref_slice %arg6[%add3A_81, %dma_start3A_92] : memref<1280x128xi32, #tpu.memory_space<hbm>> -> memref<8x128xi32, #tpu.memory_space<hbm>>
        %dma_start3A_94 = arith.constant 0 : i32
        %dma_start3A_95 = arith.constant 0 : i32
        %dma_start3A_96 = tpu.memref_slice %arg10[%and3A_82, %dma_start3A_94, %dma_start3A_95] : memref<2x8x128xi32, #tpu.memory_space<vmem>> -> memref<1x8x128xi32, #tpu.memory_space<vmem>>
        %dma_start3A_97 = tpu.memref_squeeze %dma_start3A_96 : memref<1x8x128xi32, #tpu.memory_space<vmem>> -> memref<8x128xi32, #tpu.memory_space<vmem>>
        %dma_start3A_98 = arith.constant 0 : i32
        %dma_start3A_99 = tpu.memref_slice %arg6[%add3A_81, %dma_start3A_98] : memref<1280x128xi32, #tpu.memory_space<hbm>> -> memref<8x128xi32, #tpu.memory_space<hbm>>
        tpu.enqueue_dma source(%dma_start3A_99 : memref<8x128xi32, #tpu.memory_space<hbm>>) target(%dma_start3A_97 : memref<8x128xi32, #tpu.memory_space<vmem>>) target_semaphore(%run_scoped3A : memref<!tpu.dma_semaphore, #tpu.memory_space<semaphore_mem>>)
        %dma_wait3A = arith.constant 0 : i32
        %dma_wait3A_100 = arith.constant 0 : i32
        %dma_wait3A_101 = tpu.memref_slice %arg10[%and3A_82, %dma_wait3A, %dma_wait3A_100] : memref<2x8x128xi32, #tpu.memory_space<vmem>> -> memref<1x8x128xi32, #tpu.memory_space<vmem>>
        %dma_wait3A_102 = tpu.memref_squeeze %dma_wait3A_101 : memref<1x8x128xi32, #tpu.memory_space<vmem>> -> memref<8x128xi32, #tpu.memory_space<vmem>>
        %dma_wait3A_103 = arith.constant 0 : i32
        %dma_wait3A_104 = tpu.memref_slice %arg6[%add3A_81, %dma_wait3A_103] : memref<1280x128xi32, #tpu.memory_space<hbm>> -> memref<8x128xi32, #tpu.memory_space<hbm>>
        %dma_wait3A_105 = arith.constant 0 : i32
        %dma_wait3A_106 = arith.constant 0 : i32
        %dma_wait3A_107 = tpu.memref_slice %arg10[%and3A_82, %dma_wait3A_105, %dma_wait3A_106] : memref<2x8x128xi32, #tpu.memory_space<vmem>> -> memref<1x8x128xi32, #tpu.memory_space<vmem>>
        %dma_wait3A_108 = tpu.memref_squeeze %dma_wait3A_107 : memref<1x8x128xi32, #tpu.memory_space<vmem>> -> memref<8x128xi32, #tpu.memory_space<vmem>>
        %dma_wait3A_109 = arith.constant 0 : i32
        %dma_wait3A_110 = tpu.memref_slice %arg6[%add3A_81, %dma_wait3A_109] : memref<1280x128xi32, #tpu.memory_space<hbm>> -> memref<8x128xi32, #tpu.memory_space<hbm>>
        tpu.wait_dma2 semaphore(%run_scoped3A : memref<!tpu.dma_semaphore, #tpu.memory_space<semaphore_mem>>) src(%dma_wait3A_110 : memref<8x128xi32, #tpu.memory_space<hbm>>) dst(%dma_wait3A_108 : memref<8x128xi32, #tpu.memory_space<vmem>>)
        tpu.yield
      }) : () -> ()
      "tpu.region"() ({
        %run_scoped3A = tpu.sem_alloc : memref<!tpu.dma_semaphore, #tpu.memory_space<semaphore_mem>>
        %dma_start3A = arith.constant 0 : i32
        %dma_start3A_89 = arith.constant 0 : i32
        %dma_start3A_90 = tpu.memref_slice %arg11[%and3A_82, %dma_start3A, %dma_start3A_89] : memref<2x8x128xi32, #tpu.memory_space<vmem>> -> memref<1x8x128xi32, #tpu.memory_space<vmem>>
        %dma_start3A_91 = tpu.memref_squeeze %dma_start3A_90 : memref<1x8x128xi32, #tpu.memory_space<vmem>> -> memref<8x128xi32, #tpu.memory_space<vmem>>
        %dma_start3A_92 = arith.constant 0 : i32
        %dma_start3A_93 = tpu.memref_slice %arg7[%add3A_81, %dma_start3A_92] : memref<1280x128xi32, #tpu.memory_space<hbm>> -> memref<8x128xi32, #tpu.memory_space<hbm>>
        %dma_start3A_94 = arith.constant 0 : i32
        %dma_start3A_95 = arith.constant 0 : i32
        %dma_start3A_96 = tpu.memref_slice %arg11[%and3A_82, %dma_start3A_94, %dma_start3A_95] : memref<2x8x128xi32, #tpu.memory_space<vmem>> -> memref<1x8x128xi32, #tpu.memory_space<vmem>>
        %dma_start3A_97 = tpu.memref_squeeze %dma_start3A_96 : memref<1x8x128xi32, #tpu.memory_space<vmem>> -> memref<8x128xi32, #tpu.memory_space<vmem>>
        %dma_start3A_98 = arith.constant 0 : i32
        %dma_start3A_99 = tpu.memref_slice %arg7[%add3A_81, %dma_start3A_98] : memref<1280x128xi32, #tpu.memory_space<hbm>> -> memref<8x128xi32, #tpu.memory_space<hbm>>
        tpu.enqueue_dma source(%dma_start3A_99 : memref<8x128xi32, #tpu.memory_space<hbm>>) target(%dma_start3A_97 : memref<8x128xi32, #tpu.memory_space<vmem>>) target_semaphore(%run_scoped3A : memref<!tpu.dma_semaphore, #tpu.memory_space<semaphore_mem>>)
        %dma_wait3A = arith.constant 0 : i32
        %dma_wait3A_100 = arith.constant 0 : i32
        %dma_wait3A_101 = tpu.memref_slice %arg11[%and3A_82, %dma_wait3A, %dma_wait3A_100] : memref<2x8x128xi32, #tpu.memory_space<vmem>> -> memref<1x8x128xi32, #tpu.memory_space<vmem>>
        %dma_wait3A_102 = tpu.memref_squeeze %dma_wait3A_101 : memref<1x8x128xi32, #tpu.memory_space<vmem>> -> memref<8x128xi32, #tpu.memory_space<vmem>>
        %dma_wait3A_103 = arith.constant 0 : i32
        %dma_wait3A_104 = tpu.memref_slice %arg7[%add3A_81, %dma_wait3A_103] : memref<1280x128xi32, #tpu.memory_space<hbm>> -> memref<8x128xi32, #tpu.memory_space<hbm>>
        %dma_wait3A_105 = arith.constant 0 : i32
        %dma_wait3A_106 = arith.constant 0 : i32
        %dma_wait3A_107 = tpu.memref_slice %arg11[%and3A_82, %dma_wait3A_105, %dma_wait3A_106] : memref<2x8x128xi32, #tpu.memory_space<vmem>> -> memref<1x8x128xi32, #tpu.memory_space<vmem>>
        %dma_wait3A_108 = tpu.memref_squeeze %dma_wait3A_107 : memref<1x8x128xi32, #tpu.memory_space<vmem>> -> memref<8x128xi32, #tpu.memory_space<vmem>>
        %dma_wait3A_109 = arith.constant 0 : i32
        %dma_wait3A_110 = tpu.memref_slice %arg7[%add3A_81, %dma_wait3A_109] : memref<1280x128xi32, #tpu.memory_space<hbm>> -> memref<8x128xi32, #tpu.memory_space<hbm>>
        tpu.wait_dma2 semaphore(%run_scoped3A : memref<!tpu.dma_semaphore, #tpu.memory_space<semaphore_mem>>) src(%dma_wait3A_110 : memref<8x128xi32, #tpu.memory_space<hbm>>) dst(%dma_wait3A_108 : memref<8x128xi32, #tpu.memory_space<vmem>>)
        tpu.yield
      }) : () -> ()
      %scan3A_83 = arith.constant 0 : i32
      %scan3A_84 = arith.constant 0 : i32
      %scan3A_85 = arith.constant 8 : i32
      %scan3A_86 = arith.addi %scan3A_84, %scan3A_85 : i32
      %scan3A_87 = arith.constant 1 : i32
      scf.for %scan3A_89 = %scan3A_84 to %scan3A_86 step %scan3A_87  : i32 {
        %mul3A_90 = arith.constant 8 : i32
        %mul3A_91 = arith.muli %scan3A_76, %mul3A_90 : i32
        %add3A_92 = arith.addi %mul3A_91, %scan3A_89 : i32
        %and3A_93 = arith.constant 1 : i32
        %and3A_94 = arith.andi %scan3A_76, %and3A_93 : i32
        %get3A = arith.index_cast %and3A_94 : i32 to index
        %get3A_95 = arith.index_cast %scan3A_89 : i32 to index
        %get3A_96 = arith.constant 0 : index
        %get3A_97 = tpu.vector_load %arg10[%get3A, %get3A_95, %get3A_96] {strides = array<i32>} : memref<2x8x128xi32, #tpu.memory_space<vmem>>, vector<16xi32>,
        %gather3A = tpu.vector_load_idx %arg9[%get3A_97] : memref<10240xf32, #tpu.memory_space<vmem>>[vector<16xi32>], vector<16xf32>,
        %swap3A = arith.index_cast %add3A_92 : i32 to index
        %swap3A_98 = arith.constant 0 : index
        %swap3A_99 = tpu.vector_load %arg12[%swap3A, %swap3A_98] {strides = array<i32>} : memref<128x128xf32, #tpu.memory_space<vmem>>, vector<16xf32>,
        tpu.vector_store %arg12[%swap3A, %swap3A_98], %gather3A {strides = array<i32>} : memref<128x128xf32, #tpu.memory_space<vmem>>, vector<16xf32>,
        %and3A_100 = arith.constant 1 : i32
        %and3A_101 = arith.andi %scan3A_76, %and3A_100 : i32
        %get3A_102 = arith.index_cast %and3A_101 : i32 to index
        %get3A_103 = arith.index_cast %scan3A_89 : i32 to index
        %get3A_104 = arith.constant 16 : index
        %get3A_105 = tpu.vector_load %arg10[%get3A_102, %get3A_103, %get3A_104] {strides = array<i32>} : memref<2x8x128xi32, #tpu.memory_space<vmem>>, vector<16xi32>,
        %gather3A_106 = tpu.vector_load_idx %arg9[%get3A_105] : memref<10240xf32, #tpu.memory_space<vmem>>[vector<16xi32>], vector<16xf32>,
        %swap3A_107 = arith.index_cast %add3A_92 : i32 to index
        %swap3A_108 = arith.constant 16 : index
        %swap3A_109 = tpu.vector_load %arg12[%swap3A_107, %swap3A_108] {strides = array<i32>} : memref<128x128xf32, #tpu.memory_space<vmem>>, vector<16xf32>,
        tpu.vector_store %arg12[%swap3A_107, %swap3A_108], %gather3A_106 {strides = array<i32>} : memref<128x128xf32, #tpu.memory_space<vmem>>, vector<16xf32>,
        %and3A_110 = arith.constant 1 : i32
        %and3A_111 = arith.andi %scan3A_76, %and3A_110 : i32
        %get3A_112 = arith.index_cast %and3A_111 : i32 to index
        %get3A_113 = arith.index_cast %scan3A_89 : i32 to index
        %get3A_114 = arith.constant 32 : index
        %get3A_115 = tpu.vector_load %arg10[%get3A_112, %get3A_113, %get3A_114] {strides = array<i32>} : memref<2x8x128xi32, #tpu.memory_space<vmem>>, vector<16xi32>,
        %gather3A_116 = tpu.vector_load_idx %arg9[%get3A_115] : memref<10240xf32, #tpu.memory_space<vmem>>[vector<16xi32>], vector<16xf32>,
        %swap3A_117 = arith.index_cast %add3A_92 : i32 to index
        %swap3A_118 = arith.constant 32 : index
        %swap3A_119 = tpu.vector_load %arg12[%swap3A_117, %swap3A_118] {strides = array<i32>} : memref<128x128xf32, #tpu.memory_space<vmem>>, vector<16xf32>,
        tpu.vector_store %arg12[%swap3A_117, %swap3A_118], %gather3A_116 {strides = array<i32>} : memref<128x128xf32, #tpu.memory_space<vmem>>, vector<16xf32>,
        %and3A_120 = arith.constant 1 : i32
        %and3A_121 = arith.andi %scan3A_76, %and3A_120 : i32
        %get3A_122 = arith.index_cast %and3A_121 : i32 to index
        %get3A_123 = arith.index_cast %scan3A_89 : i32 to index
        %get3A_124 = arith.constant 48 : index
        %get3A_125 = tpu.vector_load %arg10[%get3A_122, %get3A_123, %get3A_124] {strides = array<i32>} : memref<2x8x128xi32, #tpu.memory_space<vmem>>, vector<16xi32>,
        %gather3A_126 = tpu.vector_load_idx %arg9[%get3A_125] : memref<10240xf32, #tpu.memory_space<vmem>>[vector<16xi32>], vector<16xf32>,
        %swap3A_127 = arith.index_cast %add3A_92 : i32 to index
        %swap3A_128 = arith.constant 48 : index
        %swap3A_129 = tpu.vector_load %arg12[%swap3A_127, %swap3A_128] {strides = array<i32>} : memref<128x128xf32, #tpu.memory_space<vmem>>, vector<16xf32>,
        tpu.vector_store %arg12[%swap3A_127, %swap3A_128], %gather3A_126 {strides = array<i32>} : memref<128x128xf32, #tpu.memory_space<vmem>>, vector<16xf32>,
        %and3A_130 = arith.constant 1 : i32
        %and3A_131 = arith.andi %scan3A_76, %and3A_130 : i32
        %get3A_132 = arith.index_cast %and3A_131 : i32 to index
        %get3A_133 = arith.index_cast %scan3A_89 : i32 to index
        %get3A_134 = arith.constant 64 : index
        %get3A_135 = tpu.vector_load %arg10[%get3A_132, %get3A_133, %get3A_134] {strides = array<i32>} : memref<2x8x128xi32, #tpu.memory_space<vmem>>, vector<16xi32>,
        %gather3A_136 = tpu.vector_load_idx %arg9[%get3A_135] : memref<10240xf32, #tpu.memory_space<vmem>>[vector<16xi32>], vector<16xf32>,
        %swap3A_137 = arith.index_cast %add3A_92 : i32 to index
        %swap3A_138 = arith.constant 64 : index
        %swap3A_139 = tpu.vector_load %arg12[%swap3A_137, %swap3A_138] {strides = array<i32>} : memref<128x128xf32, #tpu.memory_space<vmem>>, vector<16xf32>,
        tpu.vector_store %arg12[%swap3A_137, %swap3A_138], %gather3A_136 {strides = array<i32>} : memref<128x128xf32, #tpu.memory_space<vmem>>, vector<16xf32>,
        %and3A_140 = arith.constant 1 : i32
        %and3A_141 = arith.andi %scan3A_76, %and3A_140 : i32
        %get3A_142 = arith.index_cast %and3A_141 : i32 to index
        %get3A_143 = arith.index_cast %scan3A_89 : i32 to index
        %get3A_144 = arith.constant 80 : index
        %get3A_145 = tpu.vector_load %arg10[%get3A_142, %get3A_143, %get3A_144] {strides = array<i32>} : memref<2x8x128xi32, #tpu.memory_space<vmem>>, vector<16xi32>,
        %gather3A_146 = tpu.vector_load_idx %arg9[%get3A_145] : memref<10240xf32, #tpu.memory_space<vmem>>[vector<16xi32>], vector<16xf32>,
        %swap3A_147 = arith.index_cast %add3A_92 : i32 to index
        %swap3A_148 = arith.constant 80 : index
        %swap3A_149 = tpu.vector_load %arg12[%swap3A_147, %swap3A_148] {strides = array<i32>} : memref<128x128xf32, #tpu.memory_space<vmem>>, vector<16xf32>,
        tpu.vector_store %arg12[%swap3A_147, %swap3A_148], %gather3A_146 {strides = array<i32>} : memref<128x128xf32, #tpu.memory_space<vmem>>, vector<16xf32>,
        %and3A_150 = arith.constant 1 : i32
        %and3A_151 = arith.andi %scan3A_76, %and3A_150 : i32
        %get3A_152 = arith.index_cast %and3A_151 : i32 to index
        %get3A_153 = arith.index_cast %scan3A_89 : i32 to index
        %get3A_154 = arith.constant 96 : index
        %get3A_155 = tpu.vector_load %arg10[%get3A_152, %get3A_153, %get3A_154] {strides = array<i32>} : memref<2x8x128xi32, #tpu.memory_space<vmem>>, vector<16xi32>,
        %gather3A_156 = tpu.vector_load_idx %arg9[%get3A_155] : memref<10240xf32, #tpu.memory_space<vmem>>[vector<16xi32>], vector<16xf32>,
        %swap3A_157 = arith.index_cast %add3A_92 : i32 to index
        %swap3A_158 = arith.constant 96 : index
        %swap3A_159 = tpu.vector_load %arg12[%swap3A_157, %swap3A_158] {strides = array<i32>} : memref<128x128xf32, #tpu.memory_space<vmem>>, vector<16xf32>,
        tpu.vector_store %arg12[%swap3A_157, %swap3A_158], %gather3A_156 {strides = array<i32>} : memref<128x128xf32, #tpu.memory_space<vmem>>, vector<16xf32>,
        %and3A_160 = arith.constant 1 : i32
        %and3A_161 = arith.andi %scan3A_76, %and3A_160 : i32
        %get3A_162 = arith.index_cast %and3A_161 : i32 to index
        %get3A_163 = arith.index_cast %scan3A_89 : i32 to index
        %get3A_164 = arith.constant 112 : index
        %get3A_165 = tpu.vector_load %arg10[%get3A_162, %get3A_163, %get3A_164] {strides = array<i32>} : memref<2x8x128xi32, #tpu.memory_space<vmem>>, vector<16xi32>,
        %gather3A_166 = tpu.vector_load_idx %arg9[%get3A_165] : memref<10240xf32, #tpu.memory_space<vmem>>[vector<16xi32>], vector<16xf32>,
        %swap3A_167 = arith.index_cast %add3A_92 : i32 to index
        %swap3A_168 = arith.constant 112 : index
        %swap3A_169 = tpu.vector_load %arg12[%swap3A_167, %swap3A_168] {strides = array<i32>} : memref<128x128xf32, #tpu.memory_space<vmem>>, vector<16xf32>,
        tpu.vector_store %arg12[%swap3A_167, %swap3A_168], %gather3A_166 {strides = array<i32>} : memref<128x128xf32, #tpu.memory_space<vmem>>, vector<16xf32>,
      }
      %scan3A_88 = arith.constant 8 : i32
    }
    %scan3A_5 = arith.constant 10 : i32
    "tpu.region"() ({
      %run_scoped3A = tpu.sem_alloc : memref<!tpu.dma_semaphore, #tpu.memory_space<semaphore_mem>>
      tpu.enqueue_dma source(%arg5 : memref<10240xf32, #tpu.memory_space<hbm>>) target(%arg9 : memref<10240xf32, #tpu.memory_space<vmem>>) target_semaphore(%run_scoped3A : memref<!tpu.dma_semaphore, #tpu.memory_space<semaphore_mem>>)
      tpu.wait_dma2 semaphore(%run_scoped3A : memref<!tpu.dma_semaphore, #tpu.memory_space<semaphore_mem>>) src(%arg5 : memref<10240xf32, #tpu.memory_space<hbm>>) dst(%arg9 : memref<10240xf32, #tpu.memory_space<vmem>>)
      tpu.yield
    }) : () -> ()
    %scan3A_6 = arith.constant 0 : i32
    %scan3A_7 = arith.constant 0 : i32
    %scan3A_8 = arith.constant 10 : i32
    %scan3A_9 = arith.addi %scan3A_7, %scan3A_8 : i32
    %scan3A_10 = arith.constant 1 : i32
    scf.for %scan3A_76 = %scan3A_7 to %scan3A_9 step %scan3A_10  : i32 {
      %mul3A_77 = arith.constant 80 : i32
      %mul3A_78 = arith.muli %arg1, %mul3A_77 : i32
      %mul3A_79 = arith.constant 8 : i32
      %mul3A_80 = arith.muli %scan3A_76, %mul3A_79 : i32
      %add3A_81 = arith.addi %mul3A_78, %mul3A_80 : i32
      %and3A = arith.constant 1 : i32
      %and3A_82 = arith.andi %scan3A_76, %and3A : i32
      "tpu.region"() ({
        %run_scoped3A = tpu.sem_alloc : memref<!tpu.dma_semaphore, #tpu.memory_space<semaphore_mem>>
        %dma_start3A = arith.constant 0 : i32
        %dma_start3A_89 = arith.constant 0 : i32
        %dma_start3A_90 = tpu.memref_slice %arg10[%and3A_82, %dma_start3A, %dma_start3A_89] : memref<2x8x128xi32, #tpu.memory_space<vmem>> -> memref<1x8x128xi32, #tpu.memory_space<vmem>>
        %dma_start3A_91 = tpu.memref_squeeze %dma_start3A_90 : memref<1x8x128xi32, #tpu.memory_space<vmem>> -> memref<8x128xi32, #tpu.memory_space<vmem>>
        %dma_start3A_92 = arith.constant 0 : i32
        %dma_start3A_93 = tpu.memref_slice %arg6[%add3A_81, %dma_start3A_92] : memref<1280x128xi32, #tpu.memory_space<hbm>> -> memref<8x128xi32, #tpu.memory_space<hbm>>
        %dma_start3A_94 = arith.constant 0 : i32
        %dma_start3A_95 = arith.constant 0 : i32
        %dma_start3A_96 = tpu.memref_slice %arg10[%and3A_82, %dma_start3A_94, %dma_start3A_95] : memref<2x8x128xi32, #tpu.memory_space<vmem>> -> memref<1x8x128xi32, #tpu.memory_space<vmem>>
        %dma_start3A_97 = tpu.memref_squeeze %dma_start3A_96 : memref<1x8x128xi32, #tpu.memory_space<vmem>> -> memref<8x128xi32, #tpu.memory_space<vmem>>
        %dma_start3A_98 = arith.constant 0 : i32
        %dma_start3A_99 = tpu.memref_slice %arg6[%add3A_81, %dma_start3A_98] : memref<1280x128xi32, #tpu.memory_space<hbm>> -> memref<8x128xi32, #tpu.memory_space<hbm>>
        tpu.enqueue_dma source(%dma_start3A_99 : memref<8x128xi32, #tpu.memory_space<hbm>>) target(%dma_start3A_97 : memref<8x128xi32, #tpu.memory_space<vmem>>) target_semaphore(%run_scoped3A : memref<!tpu.dma_semaphore, #tpu.memory_space<semaphore_mem>>)
        %dma_wait3A = arith.constant 0 : i32
        %dma_wait3A_100 = arith.constant 0 : i32
        %dma_wait3A_101 = tpu.memref_slice %arg10[%and3A_82, %dma_wait3A, %dma_wait3A_100] : memref<2x8x128xi32, #tpu.memory_space<vmem>> -> memref<1x8x128xi32, #tpu.memory_space<vmem>>
        %dma_wait3A_102 = tpu.memref_squeeze %dma_wait3A_101 : memref<1x8x128xi32, #tpu.memory_space<vmem>> -> memref<8x128xi32, #tpu.memory_space<vmem>>
        %dma_wait3A_103 = arith.constant 0 : i32
        %dma_wait3A_104 = tpu.memref_slice %arg6[%add3A_81, %dma_wait3A_103] : memref<1280x128xi32, #tpu.memory_space<hbm>> -> memref<8x128xi32, #tpu.memory_space<hbm>>
        %dma_wait3A_105 = arith.constant 0 : i32
        %dma_wait3A_106 = arith.constant 0 : i32
        %dma_wait3A_107 = tpu.memref_slice %arg10[%and3A_82, %dma_wait3A_105, %dma_wait3A_106] : memref<2x8x128xi32, #tpu.memory_space<vmem>> -> memref<1x8x128xi32, #tpu.memory_space<vmem>>
        %dma_wait3A_108 = tpu.memref_squeeze %dma_wait3A_107 : memref<1x8x128xi32, #tpu.memory_space<vmem>> -> memref<8x128xi32, #tpu.memory_space<vmem>>
        %dma_wait3A_109 = arith.constant 0 : i32
        %dma_wait3A_110 = tpu.memref_slice %arg6[%add3A_81, %dma_wait3A_109] : memref<1280x128xi32, #tpu.memory_space<hbm>> -> memref<8x128xi32, #tpu.memory_space<hbm>>
        tpu.wait_dma2 semaphore(%run_scoped3A : memref<!tpu.dma_semaphore, #tpu.memory_space<semaphore_mem>>) src(%dma_wait3A_110 : memref<8x128xi32, #tpu.memory_space<hbm>>) dst(%dma_wait3A_108 : memref<8x128xi32, #tpu.memory_space<vmem>>)
        tpu.yield
      }) : () -> ()
      "tpu.region"() ({
        %run_scoped3A = tpu.sem_alloc : memref<!tpu.dma_semaphore, #tpu.memory_space<semaphore_mem>>
        %dma_start3A = arith.constant 0 : i32
        %dma_start3A_89 = arith.constant 0 : i32
        %dma_start3A_90 = tpu.memref_slice %arg11[%and3A_82, %dma_start3A, %dma_start3A_89] : memref<2x8x128xi32, #tpu.memory_space<vmem>> -> memref<1x8x128xi32, #tpu.memory_space<vmem>>
        %dma_start3A_91 = tpu.memref_squeeze %dma_start3A_90 : memref<1x8x128xi32, #tpu.memory_space<vmem>> -> memref<8x128xi32, #tpu.memory_space<vmem>>
        %dma_start3A_92 = arith.constant 0 : i32
        %dma_start3A_93 = tpu.memref_slice %arg7[%add3A_81, %dma_start3A_92] : memref<1280x128xi32, #tpu.memory_space<hbm>> -> memref<8x128xi32, #tpu.memory_space<hbm>>
        %dma_start3A_94 = arith.constant 0 : i32
        %dma_start3A_95 = arith.constant 0 : i32
        %dma_start3A_96 = tpu.memref_slice %arg11[%and3A_82, %dma_start3A_94, %dma_start3A_95] : memref<2x8x128xi32, #tpu.memory_space<vmem>> -> memref<1x8x128xi32, #tpu.memory_space<vmem>>
        %dma_start3A_97 = tpu.memref_squeeze %dma_start3A_96 : memref<1x8x128xi32, #tpu.memory_space<vmem>> -> memref<8x128xi32, #tpu.memory_space<vmem>>
        %dma_start3A_98 = arith.constant 0 : i32
        %dma_start3A_99 = tpu.memref_slice %arg7[%add3A_81, %dma_start3A_98] : memref<1280x128xi32, #tpu.memory_space<hbm>> -> memref<8x128xi32, #tpu.memory_space<hbm>>
        tpu.enqueue_dma source(%dma_start3A_99 : memref<8x128xi32, #tpu.memory_space<hbm>>) target(%dma_start3A_97 : memref<8x128xi32, #tpu.memory_space<vmem>>) target_semaphore(%run_scoped3A : memref<!tpu.dma_semaphore, #tpu.memory_space<semaphore_mem>>)
        %dma_wait3A = arith.constant 0 : i32
        %dma_wait3A_100 = arith.constant 0 : i32
        %dma_wait3A_101 = tpu.memref_slice %arg11[%and3A_82, %dma_wait3A, %dma_wait3A_100] : memref<2x8x128xi32, #tpu.memory_space<vmem>> -> memref<1x8x128xi32, #tpu.memory_space<vmem>>
        %dma_wait3A_102 = tpu.memref_squeeze %dma_wait3A_101 : memref<1x8x128xi32, #tpu.memory_space<vmem>> -> memref<8x128xi32, #tpu.memory_space<vmem>>
        %dma_wait3A_103 = arith.constant 0 : i32
        %dma_wait3A_104 = tpu.memref_slice %arg7[%add3A_81, %dma_wait3A_103] : memref<1280x128xi32, #tpu.memory_space<hbm>> -> memref<8x128xi32, #tpu.memory_space<hbm>>
        %dma_wait3A_105 = arith.constant 0 : i32
        %dma_wait3A_106 = arith.constant 0 : i32
        %dma_wait3A_107 = tpu.memref_slice %arg11[%and3A_82, %dma_wait3A_105, %dma_wait3A_106] : memref<2x8x128xi32, #tpu.memory_space<vmem>> -> memref<1x8x128xi32, #tpu.memory_space<vmem>>
        %dma_wait3A_108 = tpu.memref_squeeze %dma_wait3A_107 : memref<1x8x128xi32, #tpu.memory_space<vmem>> -> memref<8x128xi32, #tpu.memory_space<vmem>>
        %dma_wait3A_109 = arith.constant 0 : i32
        %dma_wait3A_110 = tpu.memref_slice %arg7[%add3A_81, %dma_wait3A_109] : memref<1280x128xi32, #tpu.memory_space<hbm>> -> memref<8x128xi32, #tpu.memory_space<hbm>>
        tpu.wait_dma2 semaphore(%run_scoped3A : memref<!tpu.dma_semaphore, #tpu.memory_space<semaphore_mem>>) src(%dma_wait3A_110 : memref<8x128xi32, #tpu.memory_space<hbm>>) dst(%dma_wait3A_108 : memref<8x128xi32, #tpu.memory_space<vmem>>)
        tpu.yield
      }) : () -> ()
      %scan3A_83 = arith.constant 0 : i32
      %scan3A_84 = arith.constant 0 : i32
      %scan3A_85 = arith.constant 8 : i32
      %scan3A_86 = arith.addi %scan3A_84, %scan3A_85 : i32
      %scan3A_87 = arith.constant 1 : i32
      scf.for %scan3A_89 = %scan3A_84 to %scan3A_86 step %scan3A_87  : i32 {
        %mul3A_90 = arith.constant 8 : i32
        %mul3A_91 = arith.muli %scan3A_76, %mul3A_90 : i32
        %add3A_92 = arith.addi %mul3A_91, %scan3A_89 : i32
        %mul3A_93 = arith.constant 10240 : i32
        %mul3A_94 = arith.muli %arg1, %mul3A_93 : i32
        %mul3A_95 = arith.constant 128 : i32
        %mul3A_96 = arith.muli %add3A_92, %mul3A_95 : i32
        %add3A_97 = arith.addi %mul3A_94, %mul3A_96 : i32
        %and3A_98 = arith.constant 1 : i32
        %and3A_99 = arith.andi %scan3A_76, %and3A_98 : i32
        %get3A = arith.index_cast %and3A_99 : i32 to index
        %get3A_100 = arith.index_cast %scan3A_89 : i32 to index
        %get3A_101 = arith.constant 0 : index
        %get3A_102 = tpu.vector_load %arg11[%get3A, %get3A_100, %get3A_101] {strides = array<i32>} : memref<2x8x128xi32, #tpu.memory_space<vmem>>, vector<16xi32>,
        %get3A_103 = arith.index_cast %add3A_92 : i32 to index
        %get3A_104 = arith.constant 0 : index
        %get3A_105 = tpu.vector_load %arg12[%get3A_103, %get3A_104] {strides = array<i32>} : memref<128x128xf32, #tpu.memory_space<vmem>>, vector<16xf32>,
        %gather3A = tpu.vector_load_idx %arg9[%get3A_102] : memref<10240xf32, #tpu.memory_space<vmem>>[vector<16xi32>], vector<16xf32>,
        %add3A_106 = arith.addf %get3A_105, %gather3A : vector<16xf32>
        %ge3A = arith.constant 0.000000e+00 : f32
        %ge3A_107 = vector.broadcast %ge3A : f32 to vector<16xf32>
        %ge3A_108 = arith.cmpf oge, %add3A_106, %ge3A_107 : vector<16xf32>
        %mul3A_109 = arith.constant 2.000000e-01 : f32
        %mul3A_110 = vector.broadcast %mul3A_109 : f32 to vector<16xf32>
        %mul3A_111 = arith.mulf %mul3A_110, %add3A_106 : vector<16xf32>
        %select_n3A = arith.select %ge3A_108, %add3A_106, %mul3A_111 : vector<16xi1>, vector<16xf32>
        %exp3A = math.exp %select_n3A : vector<16xf32>
        %add3A_112 = arith.constant 0 : i32
        %add3A_113 = arith.addi %add3A_97, %add3A_112 : i32
        %iota3A = tpu.iota {dimensions = array<i32: 0>} : vector<16xi32>
        %add3A_114 = vector.broadcast %add3A_113 : i32 to vector<16xi32>
        %add3A_115 = arith.addi %add3A_114, %iota3A : vector<16xi32>
        %lt3A = arith.constant 160000 : i32
        %lt3A_116 = vector.broadcast %lt3A : i32 to vector<16xi32>
        %lt3A_117 = arith.cmpi slt, %add3A_115, %lt3A_116 : vector<16xi32>
        %jit3A = arith.constant 0.000000e+00 : f32
        %broadcast_in_dim3A_118 = vector.broadcast %jit3A : f32 to vector<16xf32>
        %select_n3A_119 = arith.select %lt3A_117, %exp3A, %broadcast_in_dim3A_118 : vector<16xi1>, vector<16xf32>
        %swap3A = arith.index_cast %add3A_92 : i32 to index
        %swap3A_120 = arith.constant 0 : index
        %swap3A_121 = tpu.vector_load %arg12[%swap3A, %swap3A_120] {strides = array<i32>} : memref<128x128xf32, #tpu.memory_space<vmem>>, vector<16xf32>,
        tpu.vector_store %arg12[%swap3A, %swap3A_120], %select_n3A_119 {strides = array<i32>} : memref<128x128xf32, #tpu.memory_space<vmem>>, vector<16xf32>,
        %and3A_122 = arith.constant 1 : i32
        %and3A_123 = arith.andi %scan3A_76, %and3A_122 : i32
        %get3A_124 = arith.index_cast %and3A_123 : i32 to index
        %get3A_125 = arith.index_cast %scan3A_89 : i32 to index
        %get3A_126 = arith.constant 16 : index
        %get3A_127 = tpu.vector_load %arg11[%get3A_124, %get3A_125, %get3A_126] {strides = array<i32>} : memref<2x8x128xi32, #tpu.memory_space<vmem>>, vector<16xi32>,
        %get3A_128 = arith.index_cast %add3A_92 : i32 to index
        %get3A_129 = arith.constant 16 : index
        %get3A_130 = tpu.vector_load %arg12[%get3A_128, %get3A_129] {strides = array<i32>} : memref<128x128xf32, #tpu.memory_space<vmem>>, vector<16xf32>,
        %gather3A_131 = tpu.vector_load_idx %arg9[%get3A_127] : memref<10240xf32, #tpu.memory_space<vmem>>[vector<16xi32>], vector<16xf32>,
        %add3A_132 = arith.addf %get3A_130, %gather3A_131 : vector<16xf32>
        %ge3A_133 = arith.constant 0.000000e+00 : f32
        %ge3A_134 = vector.broadcast %ge3A_133 : f32 to vector<16xf32>
        %ge3A_135 = arith.cmpf oge, %add3A_132, %ge3A_134 : vector<16xf32>
        %mul3A_136 = arith.constant 2.000000e-01 : f32
        %mul3A_137 = vector.broadcast %mul3A_136 : f32 to vector<16xf32>
        %mul3A_138 = arith.mulf %mul3A_137, %add3A_132 : vector<16xf32>
        %select_n3A_139 = arith.select %ge3A_135, %add3A_132, %mul3A_138 : vector<16xi1>, vector<16xf32>
        %exp3A_140 = math.exp %select_n3A_139 : vector<16xf32>
        %add3A_141 = arith.constant 16 : i32
        %add3A_142 = arith.addi %add3A_97, %add3A_141 : i32
        %iota3A_143 = tpu.iota {dimensions = array<i32: 0>} : vector<16xi32>
        %add3A_144 = vector.broadcast %add3A_142 : i32 to vector<16xi32>
        %add3A_145 = arith.addi %add3A_144, %iota3A_143 : vector<16xi32>
        %lt3A_146 = arith.constant 160000 : i32
        %lt3A_147 = vector.broadcast %lt3A_146 : i32 to vector<16xi32>
        %lt3A_148 = arith.cmpi slt, %add3A_145, %lt3A_147 : vector<16xi32>
        %jit3A_149 = arith.constant 0.000000e+00 : f32
        %broadcast_in_dim3A_150 = vector.broadcast %jit3A_149 : f32 to vector<16xf32>
        %select_n3A_151 = arith.select %lt3A_148, %exp3A_140, %broadcast_in_dim3A_150 : vector<16xi1>, vector<16xf32>
        %swap3A_152 = arith.index_cast %add3A_92 : i32 to index
        %swap3A_153 = arith.constant 16 : index
        %swap3A_154 = tpu.vector_load %arg12[%swap3A_152, %swap3A_153] {strides = array<i32>} : memref<128x128xf32, #tpu.memory_space<vmem>>, vector<16xf32>,
        tpu.vector_store %arg12[%swap3A_152, %swap3A_153], %select_n3A_151 {strides = array<i32>} : memref<128x128xf32, #tpu.memory_space<vmem>>, vector<16xf32>,
        %and3A_155 = arith.constant 1 : i32
        %and3A_156 = arith.andi %scan3A_76, %and3A_155 : i32
        %get3A_157 = arith.index_cast %and3A_156 : i32 to index
        %get3A_158 = arith.index_cast %scan3A_89 : i32 to index
        %get3A_159 = arith.constant 32 : index
        %get3A_160 = tpu.vector_load %arg11[%get3A_157, %get3A_158, %get3A_159] {strides = array<i32>} : memref<2x8x128xi32, #tpu.memory_space<vmem>>, vector<16xi32>,
        %get3A_161 = arith.index_cast %add3A_92 : i32 to index
        %get3A_162 = arith.constant 32 : index
        %get3A_163 = tpu.vector_load %arg12[%get3A_161, %get3A_162] {strides = array<i32>} : memref<128x128xf32, #tpu.memory_space<vmem>>, vector<16xf32>,
        %gather3A_164 = tpu.vector_load_idx %arg9[%get3A_160] : memref<10240xf32, #tpu.memory_space<vmem>>[vector<16xi32>], vector<16xf32>,
        %add3A_165 = arith.addf %get3A_163, %gather3A_164 : vector<16xf32>
        %ge3A_166 = arith.constant 0.000000e+00 : f32
        %ge3A_167 = vector.broadcast %ge3A_166 : f32 to vector<16xf32>
        %ge3A_168 = arith.cmpf oge, %add3A_165, %ge3A_167 : vector<16xf32>
        %mul3A_169 = arith.constant 2.000000e-01 : f32
        %mul3A_170 = vector.broadcast %mul3A_169 : f32 to vector<16xf32>
        %mul3A_171 = arith.mulf %mul3A_170, %add3A_165 : vector<16xf32>
        %select_n3A_172 = arith.select %ge3A_168, %add3A_165, %mul3A_171 : vector<16xi1>, vector<16xf32>
        %exp3A_173 = math.exp %select_n3A_172 : vector<16xf32>
        %add3A_174 = arith.constant 32 : i32
        %add3A_175 = arith.addi %add3A_97, %add3A_174 : i32
        %iota3A_176 = tpu.iota {dimensions = array<i32: 0>} : vector<16xi32>
        %add3A_177 = vector.broadcast %add3A_175 : i32 to vector<16xi32>
        %add3A_178 = arith.addi %add3A_177, %iota3A_176 : vector<16xi32>
        %lt3A_179 = arith.constant 160000 : i32
        %lt3A_180 = vector.broadcast %lt3A_179 : i32 to vector<16xi32>
        %lt3A_181 = arith.cmpi slt, %add3A_178, %lt3A_180 : vector<16xi32>
        %jit3A_182 = arith.constant 0.000000e+00 : f32
        %broadcast_in_dim3A_183 = vector.broadcast %jit3A_182 : f32 to vector<16xf32>
        %select_n3A_184 = arith.select %lt3A_181, %exp3A_173, %broadcast_in_dim3A_183 : vector<16xi1>, vector<16xf32>
        %swap3A_185 = arith.index_cast %add3A_92 : i32 to index
        %swap3A_186 = arith.constant 32 : index
        %swap3A_187 = tpu.vector_load %arg12[%swap3A_185, %swap3A_186] {strides = array<i32>} : memref<128x128xf32, #tpu.memory_space<vmem>>, vector<16xf32>,
        tpu.vector_store %arg12[%swap3A_185, %swap3A_186], %select_n3A_184 {strides = array<i32>} : memref<128x128xf32, #tpu.memory_space<vmem>>, vector<16xf32>,
        %and3A_188 = arith.constant 1 : i32
        %and3A_189 = arith.andi %scan3A_76, %and3A_188 : i32
        %get3A_190 = arith.index_cast %and3A_189 : i32 to index
        %get3A_191 = arith.index_cast %scan3A_89 : i32 to index
        %get3A_192 = arith.constant 48 : index
        %get3A_193 = tpu.vector_load %arg11[%get3A_190, %get3A_191, %get3A_192] {strides = array<i32>} : memref<2x8x128xi32, #tpu.memory_space<vmem>>, vector<16xi32>,
        %get3A_194 = arith.index_cast %add3A_92 : i32 to index
        %get3A_195 = arith.constant 48 : index
        %get3A_196 = tpu.vector_load %arg12[%get3A_194, %get3A_195] {strides = array<i32>} : memref<128x128xf32, #tpu.memory_space<vmem>>, vector<16xf32>,
        %gather3A_197 = tpu.vector_load_idx %arg9[%get3A_193] : memref<10240xf32, #tpu.memory_space<vmem>>[vector<16xi32>], vector<16xf32>,
        %add3A_198 = arith.addf %get3A_196, %gather3A_197 : vector<16xf32>
        %ge3A_199 = arith.constant 0.000000e+00 : f32
        %ge3A_200 = vector.broadcast %ge3A_199 : f32 to vector<16xf32>
        %ge3A_201 = arith.cmpf oge, %add3A_198, %ge3A_200 : vector<16xf32>
        %mul3A_202 = arith.constant 2.000000e-01 : f32
        %mul3A_203 = vector.broadcast %mul3A_202 : f32 to vector<16xf32>
        %mul3A_204 = arith.mulf %mul3A_203, %add3A_198 : vector<16xf32>
        %select_n3A_205 = arith.select %ge3A_201, %add3A_198, %mul3A_204 : vector<16xi1>, vector<16xf32>
        %exp3A_206 = math.exp %select_n3A_205 : vector<16xf32>
        %add3A_207 = arith.constant 48 : i32
        %add3A_208 = arith.addi %add3A_97, %add3A_207 : i32
        %iota3A_209 = tpu.iota {dimensions = array<i32: 0>} : vector<16xi32>
        %add3A_210 = vector.broadcast %add3A_208 : i32 to vector<16xi32>
        %add3A_211 = arith.addi %add3A_210, %iota3A_209 : vector<16xi32>
        %lt3A_212 = arith.constant 160000 : i32
        %lt3A_213 = vector.broadcast %lt3A_212 : i32 to vector<16xi32>
        %lt3A_214 = arith.cmpi slt, %add3A_211, %lt3A_213 : vector<16xi32>
        %jit3A_215 = arith.constant 0.000000e+00 : f32
        %broadcast_in_dim3A_216 = vector.broadcast %jit3A_215 : f32 to vector<16xf32>
        %select_n3A_217 = arith.select %lt3A_214, %exp3A_206, %broadcast_in_dim3A_216 : vector<16xi1>, vector<16xf32>
        %swap3A_218 = arith.index_cast %add3A_92 : i32 to index
        %swap3A_219 = arith.constant 48 : index
        %swap3A_220 = tpu.vector_load %arg12[%swap3A_218, %swap3A_219] {strides = array<i32>} : memref<128x128xf32, #tpu.memory_space<vmem>>, vector<16xf32>,
        tpu.vector_store %arg12[%swap3A_218, %swap3A_219], %select_n3A_217 {strides = array<i32>} : memref<128x128xf32, #tpu.memory_space<vmem>>, vector<16xf32>,
        %and3A_221 = arith.constant 1 : i32
        %and3A_222 = arith.andi %scan3A_76, %and3A_221 : i32
        %get3A_223 = arith.index_cast %and3A_222 : i32 to index
        %get3A_224 = arith.index_cast %scan3A_89 : i32 to index
        %get3A_225 = arith.constant 64 : index
        %get3A_226 = tpu.vector_load %arg11[%get3A_223, %get3A_224, %get3A_225] {strides = array<i32>} : memref<2x8x128xi32, #tpu.memory_space<vmem>>, vector<16xi32>,
        %get3A_227 = arith.index_cast %add3A_92 : i32 to index
        %get3A_228 = arith.constant 64 : index
        %get3A_229 = tpu.vector_load %arg12[%get3A_227, %get3A_228] {strides = array<i32>} : memref<128x128xf32, #tpu.memory_space<vmem>>, vector<16xf32>,
        %gather3A_230 = tpu.vector_load_idx %arg9[%get3A_226] : memref<10240xf32, #tpu.memory_space<vmem>>[vector<16xi32>], vector<16xf32>,
        %add3A_231 = arith.addf %get3A_229, %gather3A_230 : vector<16xf32>
        %ge3A_232 = arith.constant 0.000000e+00 : f32
        %ge3A_233 = vector.broadcast %ge3A_232 : f32 to vector<16xf32>
        %ge3A_234 = arith.cmpf oge, %add3A_231, %ge3A_233 : vector<16xf32>
        %mul3A_235 = arith.constant 2.000000e-01 : f32
        %mul3A_236 = vector.broadcast %mul3A_235 : f32 to vector<16xf32>
        %mul3A_237 = arith.mulf %mul3A_236, %add3A_231 : vector<16xf32>
        %select_n3A_238 = arith.select %ge3A_234, %add3A_231, %mul3A_237 : vector<16xi1>, vector<16xf32>
        %exp3A_239 = math.exp %select_n3A_238 : vector<16xf32>
        %add3A_240 = arith.constant 64 : i32
        %add3A_241 = arith.addi %add3A_97, %add3A_240 : i32
        %iota3A_242 = tpu.iota {dimensions = array<i32: 0>} : vector<16xi32>
        %add3A_243 = vector.broadcast %add3A_241 : i32 to vector<16xi32>
        %add3A_244 = arith.addi %add3A_243, %iota3A_242 : vector<16xi32>
        %lt3A_245 = arith.constant 160000 : i32
        %lt3A_246 = vector.broadcast %lt3A_245 : i32 to vector<16xi32>
        %lt3A_247 = arith.cmpi slt, %add3A_244, %lt3A_246 : vector<16xi32>
        %jit3A_248 = arith.constant 0.000000e+00 : f32
        %broadcast_in_dim3A_249 = vector.broadcast %jit3A_248 : f32 to vector<16xf32>
        %select_n3A_250 = arith.select %lt3A_247, %exp3A_239, %broadcast_in_dim3A_249 : vector<16xi1>, vector<16xf32>
        %swap3A_251 = arith.index_cast %add3A_92 : i32 to index
        %swap3A_252 = arith.constant 64 : index
        %swap3A_253 = tpu.vector_load %arg12[%swap3A_251, %swap3A_252] {strides = array<i32>} : memref<128x128xf32, #tpu.memory_space<vmem>>, vector<16xf32>,
        tpu.vector_store %arg12[%swap3A_251, %swap3A_252], %select_n3A_250 {strides = array<i32>} : memref<128x128xf32, #tpu.memory_space<vmem>>, vector<16xf32>,
        %and3A_254 = arith.constant 1 : i32
        %and3A_255 = arith.andi %scan3A_76, %and3A_254 : i32
        %get3A_256 = arith.index_cast %and3A_255 : i32 to index
        %get3A_257 = arith.index_cast %scan3A_89 : i32 to index
        %get3A_258 = arith.constant 80 : index
        %get3A_259 = tpu.vector_load %arg11[%get3A_256, %get3A_257, %get3A_258] {strides = array<i32>} : memref<2x8x128xi32, #tpu.memory_space<vmem>>, vector<16xi32>,
        %get3A_260 = arith.index_cast %add3A_92 : i32 to index
        %get3A_261 = arith.constant 80 : index
        %get3A_262 = tpu.vector_load %arg12[%get3A_260, %get3A_261] {strides = array<i32>} : memref<128x128xf32, #tpu.memory_space<vmem>>, vector<16xf32>,
        %gather3A_263 = tpu.vector_load_idx %arg9[%get3A_259] : memref<10240xf32, #tpu.memory_space<vmem>>[vector<16xi32>], vector<16xf32>,
        %add3A_264 = arith.addf %get3A_262, %gather3A_263 : vector<16xf32>
        %ge3A_265 = arith.constant 0.000000e+00 : f32
        %ge3A_266 = vector.broadcast %ge3A_265 : f32 to vector<16xf32>
        %ge3A_267 = arith.cmpf oge, %add3A_264, %ge3A_266 : vector<16xf32>
        %mul3A_268 = arith.constant 2.000000e-01 : f32
        %mul3A_269 = vector.broadcast %mul3A_268 : f32 to vector<16xf32>
        %mul3A_270 = arith.mulf %mul3A_269, %add3A_264 : vector<16xf32>
        %select_n3A_271 = arith.select %ge3A_267, %add3A_264, %mul3A_270 : vector<16xi1>, vector<16xf32>
        %exp3A_272 = math.exp %select_n3A_271 : vector<16xf32>
        %add3A_273 = arith.constant 80 : i32
        %add3A_274 = arith.addi %add3A_97, %add3A_273 : i32
        %iota3A_275 = tpu.iota {dimensions = array<i32: 0>} : vector<16xi32>
        %add3A_276 = vector.broadcast %add3A_274 : i32 to vector<16xi32>
        %add3A_277 = arith.addi %add3A_276, %iota3A_275 : vector<16xi32>
        %lt3A_278 = arith.constant 160000 : i32
        %lt3A_279 = vector.broadcast %lt3A_278 : i32 to vector<16xi32>
        %lt3A_280 = arith.cmpi slt, %add3A_277, %lt3A_279 : vector<16xi32>
        %jit3A_281 = arith.constant 0.000000e+00 : f32
        %broadcast_in_dim3A_282 = vector.broadcast %jit3A_281 : f32 to vector<16xf32>
        %select_n3A_283 = arith.select %lt3A_280, %exp3A_272, %broadcast_in_dim3A_282 : vector<16xi1>, vector<16xf32>
        %swap3A_284 = arith.index_cast %add3A_92 : i32 to index
        %swap3A_285 = arith.constant 80 : index
        %swap3A_286 = tpu.vector_load %arg12[%swap3A_284, %swap3A_285] {strides = array<i32>} : memref<128x128xf32, #tpu.memory_space<vmem>>, vector<16xf32>,
        tpu.vector_store %arg12[%swap3A_284, %swap3A_285], %select_n3A_283 {strides = array<i32>} : memref<128x128xf32, #tpu.memory_space<vmem>>, vector<16xf32>,
        %and3A_287 = arith.constant 1 : i32
        %and3A_288 = arith.andi %scan3A_76, %and3A_287 : i32
        %get3A_289 = arith.index_cast %and3A_288 : i32 to index
        %get3A_290 = arith.index_cast %scan3A_89 : i32 to index
        %get3A_291 = arith.constant 96 : index
        %get3A_292 = tpu.vector_load %arg11[%get3A_289, %get3A_290, %get3A_291] {strides = array<i32>} : memref<2x8x128xi32, #tpu.memory_space<vmem>>, vector<16xi32>,
        %get3A_293 = arith.index_cast %add3A_92 : i32 to index
        %get3A_294 = arith.constant 96 : index
        %get3A_295 = tpu.vector_load %arg12[%get3A_293, %get3A_294] {strides = array<i32>} : memref<128x128xf32, #tpu.memory_space<vmem>>, vector<16xf32>,
        %gather3A_296 = tpu.vector_load_idx %arg9[%get3A_292] : memref<10240xf32, #tpu.memory_space<vmem>>[vector<16xi32>], vector<16xf32>,
        %add3A_297 = arith.addf %get3A_295, %gather3A_296 : vector<16xf32>
        %ge3A_298 = arith.constant 0.000000e+00 : f32
        %ge3A_299 = vector.broadcast %ge3A_298 : f32 to vector<16xf32>
        %ge3A_300 = arith.cmpf oge, %add3A_297, %ge3A_299 : vector<16xf32>
        %mul3A_301 = arith.constant 2.000000e-01 : f32
        %mul3A_302 = vector.broadcast %mul3A_301 : f32 to vector<16xf32>
        %mul3A_303 = arith.mulf %mul3A_302, %add3A_297 : vector<16xf32>
        %select_n3A_304 = arith.select %ge3A_300, %add3A_297, %mul3A_303 : vector<16xi1>, vector<16xf32>
        %exp3A_305 = math.exp %select_n3A_304 : vector<16xf32>
        %add3A_306 = arith.constant 96 : i32
        %add3A_307 = arith.addi %add3A_97, %add3A_306 : i32
        %iota3A_308 = tpu.iota {dimensions = array<i32: 0>} : vector<16xi32>
        %add3A_309 = vector.broadcast %add3A_307 : i32 to vector<16xi32>
        %add3A_310 = arith.addi %add3A_309, %iota3A_308 : vector<16xi32>
        %lt3A_311 = arith.constant 160000 : i32
        %lt3A_312 = vector.broadcast %lt3A_311 : i32 to vector<16xi32>
        %lt3A_313 = arith.cmpi slt, %add3A_310, %lt3A_312 : vector<16xi32>
        %jit3A_314 = arith.constant 0.000000e+00 : f32
        %broadcast_in_dim3A_315 = vector.broadcast %jit3A_314 : f32 to vector<16xf32>
        %select_n3A_316 = arith.select %lt3A_313, %exp3A_305, %broadcast_in_dim3A_315 : vector<16xi1>, vector<16xf32>
        %swap3A_317 = arith.index_cast %add3A_92 : i32 to index
        %swap3A_318 = arith.constant 96 : index
        %swap3A_319 = tpu.vector_load %arg12[%swap3A_317, %swap3A_318] {strides = array<i32>} : memref<128x128xf32, #tpu.memory_space<vmem>>, vector<16xf32>,
        tpu.vector_store %arg12[%swap3A_317, %swap3A_318], %select_n3A_316 {strides = array<i32>} : memref<128x128xf32, #tpu.memory_space<vmem>>, vector<16xf32>,
        %and3A_320 = arith.constant 1 : i32
        %and3A_321 = arith.andi %scan3A_76, %and3A_320 : i32
        %get3A_322 = arith.index_cast %and3A_321 : i32 to index
        %get3A_323 = arith.index_cast %scan3A_89 : i32 to index
        %get3A_324 = arith.constant 112 : index
        %get3A_325 = tpu.vector_load %arg11[%get3A_322, %get3A_323, %get3A_324] {strides = array<i32>} : memref<2x8x128xi32, #tpu.memory_space<vmem>>, vector<16xi32>,
        %get3A_326 = arith.index_cast %add3A_92 : i32 to index
        %get3A_327 = arith.constant 112 : index
        %get3A_328 = tpu.vector_load %arg12[%get3A_326, %get3A_327] {strides = array<i32>} : memref<128x128xf32, #tpu.memory_space<vmem>>, vector<16xf32>,
        %gather3A_329 = tpu.vector_load_idx %arg9[%get3A_325] : memref<10240xf32, #tpu.memory_space<vmem>>[vector<16xi32>], vector<16xf32>,
        %add3A_330 = arith.addf %get3A_328, %gather3A_329 : vector<16xf32>
        %ge3A_331 = arith.constant 0.000000e+00 : f32
        %ge3A_332 = vector.broadcast %ge3A_331 : f32 to vector<16xf32>
        %ge3A_333 = arith.cmpf oge, %add3A_330, %ge3A_332 : vector<16xf32>
        %mul3A_334 = arith.constant 2.000000e-01 : f32
        %mul3A_335 = vector.broadcast %mul3A_334 : f32 to vector<16xf32>
        %mul3A_336 = arith.mulf %mul3A_335, %add3A_330 : vector<16xf32>
        %select_n3A_337 = arith.select %ge3A_333, %add3A_330, %mul3A_336 : vector<16xi1>, vector<16xf32>
        %exp3A_338 = math.exp %select_n3A_337 : vector<16xf32>
        %add3A_339 = arith.constant 112 : i32
        %add3A_340 = arith.addi %add3A_97, %add3A_339 : i32
        %iota3A_341 = tpu.iota {dimensions = array<i32: 0>} : vector<16xi32>
        %add3A_342 = vector.broadcast %add3A_340 : i32 to vector<16xi32>
        %add3A_343 = arith.addi %add3A_342, %iota3A_341 : vector<16xi32>
        %lt3A_344 = arith.constant 160000 : i32
        %lt3A_345 = vector.broadcast %lt3A_344 : i32 to vector<16xi32>
        %lt3A_346 = arith.cmpi slt, %add3A_343, %lt3A_345 : vector<16xi32>
        %jit3A_347 = arith.constant 0.000000e+00 : f32
        %broadcast_in_dim3A_348 = vector.broadcast %jit3A_347 : f32 to vector<16xf32>
        %select_n3A_349 = arith.select %lt3A_346, %exp3A_338, %broadcast_in_dim3A_348 : vector<16xi1>, vector<16xf32>
        %swap3A_350 = arith.index_cast %add3A_92 : i32 to index
        %swap3A_351 = arith.constant 112 : index
        %swap3A_352 = tpu.vector_load %arg12[%swap3A_350, %swap3A_351] {strides = array<i32>} : memref<128x128xf32, #tpu.memory_space<vmem>>, vector<16xf32>,
        tpu.vector_store %arg12[%swap3A_350, %swap3A_351], %select_n3A_349 {strides = array<i32>} : memref<128x128xf32, #tpu.memory_space<vmem>>, vector<16xf32>,
      }
      %scan3A_88 = arith.constant 8 : i32
    }
    %scan3A_11 = arith.constant 10 : i32
    %scan3A_12 = arith.constant 0 : i32
    %scan3A_13 = arith.constant 0 : i32
    %scan3A_14 = arith.constant 640 : i32
    %scan3A_15 = arith.addi %scan3A_13, %scan3A_14 : i32
    %scan3A_16 = arith.constant 1 : i32
    scf.for %scan3A_76 = %scan3A_13 to %scan3A_15 step %scan3A_16  : i32 {
      %shift_right_arithmetic3A = arith.constant 3 : i32
      %shift_right_arithmetic3A_77 = arith.shrsi %scan3A_76, %shift_right_arithmetic3A : i32
      %and3A = arith.constant 7 : i32
      %and3A_78 = arith.andi %scan3A_76, %and3A : i32
      %mul3A_79 = arith.constant 16 : i32
      %mul3A_80 = arith.muli %and3A_78, %mul3A_79 : i32
      %get3A = arith.index_cast %shift_right_arithmetic3A_77 : i32 to index
      %get3A_81 = arith.index_cast %mul3A_80 : i32 to index
      %get3A_82 = tpu.vector_load %arg12[%get3A, %get3A_81] {strides = array<i32>} : memref<128x128xf32, #tpu.memory_space<vmem>>, vector<16xf32>,
      %mul3A_83 = arith.constant 16 : i32
      %mul3A_84 = arith.muli %scan3A_76, %mul3A_83 : i32
      %swap3A = arith.index_cast %mul3A_84 : i32 to index
      %swap3A_85 = tpu.vector_load %arg9[%swap3A] {strides = array<i32>} : memref<10240xf32, #tpu.memory_space<vmem>>, vector<16xf32>,
      tpu.vector_store %arg9[%swap3A], %get3A_82 {strides = array<i32>} : memref<10240xf32, #tpu.memory_space<vmem>>, vector<16xf32>,
    }
    %scan3A_17 = arith.constant 640 : i32
    %scan3A_18 = arith.constant 0 : i32
    %scan3A_19 = arith.constant 0 : i32
    %scan3A_20 = arith.constant 128 : i32
    %scan3A_21 = arith.addi %scan3A_19, %scan3A_20 : i32
    %scan3A_22 = arith.constant 1 : i32
    scf.for %scan3A_76 = %scan3A_19 to %scan3A_21 step %scan3A_22  : i32 {
      %swap3A = arith.index_cast %scan3A_76 : i32 to index
      %swap3A_77 = arith.constant 0 : index
      %swap3A_78 = tpu.vector_load %arg12[%swap3A, %swap3A_77] {strides = array<i32>} : memref<128x128xf32, #tpu.memory_space<vmem>>, vector<16xf32>,
      tpu.vector_store %arg12[%swap3A, %swap3A_77], %broadcast_in_dim3A_0 {strides = array<i32>} : memref<128x128xf32, #tpu.memory_space<vmem>>, vector<16xf32>,
      %swap3A_79 = arith.index_cast %scan3A_76 : i32 to index
      %swap3A_80 = arith.constant 16 : index
      %swap3A_81 = tpu.vector_load %arg12[%swap3A_79, %swap3A_80] {strides = array<i32>} : memref<128x128xf32, #tpu.memory_space<vmem>>, vector<16xf32>,
      tpu.vector_store %arg12[%swap3A_79, %swap3A_80], %broadcast_in_dim3A_0 {strides = array<i32>} : memref<128x128xf32, #tpu.memory_space<vmem>>, vector<16xf32>,
      %swap3A_82 = arith.index_cast %scan3A_76 : i32 to index
      %swap3A_83 = arith.constant 32 : index
      %swap3A_84 = tpu.vector_load %arg12[%swap3A_82, %swap3A_83] {strides = array<i32>} : memref<128x128xf32, #tpu.memory_space<vmem>>, vector<16xf32>,
      tpu.vector_store %arg12[%swap3A_82, %swap3A_83], %broadcast_in_dim3A_0 {strides = array<i32>} : memref<128x128xf32, #tpu.memory_space<vmem>>, vector<16xf32>,
      %swap3A_85 = arith.index_cast %scan3A_76 : i32 to index
      %swap3A_86 = arith.constant 48 : index
      %swap3A_87 = tpu.vector_load %arg12[%swap3A_85, %swap3A_86] {strides = array<i32>} : memref<128x128xf32, #tpu.memory_space<vmem>>, vector<16xf32>,
      tpu.vector_store %arg12[%swap3A_85, %swap3A_86], %broadcast_in_dim3A_0 {strides = array<i32>} : memref<128x128xf32, #tpu.memory_space<vmem>>, vector<16xf32>,
      %swap3A_88 = arith.index_cast %scan3A_76 : i32 to index
      %swap3A_89 = arith.constant 64 : index
      %swap3A_90 = tpu.vector_load %arg12[%swap3A_88, %swap3A_89] {strides = array<i32>} : memref<128x128xf32, #tpu.memory_space<vmem>>, vector<16xf32>,
      tpu.vector_store %arg12[%swap3A_88, %swap3A_89], %broadcast_in_dim3A_0 {strides = array<i32>} : memref<128x128xf32, #tpu.memory_space<vmem>>, vector<16xf32>,
      %swap3A_91 = arith.index_cast %scan3A_76 : i32 to index
      %swap3A_92 = arith.constant 80 : index
      %swap3A_93 = tpu.vector_load %arg12[%swap3A_91, %swap3A_92] {strides = array<i32>} : memref<128x128xf32, #tpu.memory_space<vmem>>, vector<16xf32>,
      tpu.vector_store %arg12[%swap3A_91, %swap3A_92], %broadcast_in_dim3A_0 {strides = array<i32>} : memref<128x128xf32, #tpu.memory_space<vmem>>, vector<16xf32>,
      %swap3A_94 = arith.index_cast %scan3A_76 : i32 to index
      %swap3A_95 = arith.constant 96 : index
      %swap3A_96 = tpu.vector_load %arg12[%swap3A_94, %swap3A_95] {strides = array<i32>} : memref<128x128xf32, #tpu.memory_space<vmem>>, vector<16xf32>,
      tpu.vector_store %arg12[%swap3A_94, %swap3A_95], %broadcast_in_dim3A_0 {strides = array<i32>} : memref<128x128xf32, #tpu.memory_space<vmem>>, vector<16xf32>,
      %swap3A_97 = arith.index_cast %scan3A_76 : i32 to index
      %swap3A_98 = arith.constant 112 : index
      %swap3A_99 = tpu.vector_load %arg12[%swap3A_97, %swap3A_98] {strides = array<i32>} : memref<128x128xf32, #tpu.memory_space<vmem>>, vector<16xf32>,
      tpu.vector_store %arg12[%swap3A_97, %swap3A_98], %broadcast_in_dim3A_0 {strides = array<i32>} : memref<128x128xf32, #tpu.memory_space<vmem>>, vector<16xf32>,
    }
    %scan3A_23 = arith.constant 128 : i32
    %mul3A = arith.constant 640 : i32
    %mul3A_24 = arith.muli %arg1, %mul3A : i32
    %add3A = arith.constant 0 : i32
    %add3A_25 = arith.addi %mul3A_24, %add3A : i32
    "tpu.region"() ({
      %run_scoped3A = tpu.sem_alloc : memref<!tpu.dma_semaphore, #tpu.memory_space<semaphore_mem>>
      %dma_start3A = arith.constant 0 : i32
      %dma_start3A_76 = tpu.memref_slice %arg15[%add3A_25, %dma_start3A] : memref<10240x128xf32, #tpu.memory_space<vmem_shared>> -> memref<128x128xf32, #tpu.memory_space<vmem_shared>>
      %dma_start3A_77 = arith.constant 0 : i32
      %dma_start3A_78 = tpu.memref_slice %arg15[%add3A_25, %dma_start3A_77] : memref<10240x128xf32, #tpu.memory_space<vmem_shared>> -> memref<128x128xf32, #tpu.memory_space<vmem_shared>>
      tpu.enqueue_dma source(%arg12 : memref<128x128xf32, #tpu.memory_space<vmem>>) target(%dma_start3A_78 : memref<128x128xf32, #tpu.memory_space<vmem_shared>>) target_semaphore(%run_scoped3A : memref<!tpu.dma_semaphore, #tpu.memory_space<semaphore_mem>>)
      %dma_wait3A = arith.constant 0 : i32
      %dma_wait3A_79 = tpu.memref_slice %arg15[%add3A_25, %dma_wait3A] : memref<10240x128xf32, #tpu.memory_space<vmem_shared>> -> memref<128x128xf32, #tpu.memory_space<vmem_shared>>
      %dma_wait3A_80 = arith.constant 0 : i32
      %dma_wait3A_81 = tpu.memref_slice %arg15[%add3A_25, %dma_wait3A_80] : memref<10240x128xf32, #tpu.memory_space<vmem_shared>> -> memref<128x128xf32, #tpu.memory_space<vmem_shared>>
      tpu.wait_dma2 semaphore(%run_scoped3A : memref<!tpu.dma_semaphore, #tpu.memory_space<semaphore_mem>>) src(%arg12 : memref<128x128xf32, #tpu.memory_space<vmem>>) dst(%dma_wait3A_81 : memref<128x128xf32, #tpu.memory_space<vmem_shared>>)
      tpu.yield
    }) : () -> ()
    %mul3A_26 = arith.constant 640 : i32
    %mul3A_27 = arith.muli %arg1, %mul3A_26 : i32
    %add3A_28 = arith.constant 128 : i32
    %add3A_29 = arith.addi %mul3A_27, %add3A_28 : i32
    "tpu.region"() ({
      %run_scoped3A = tpu.sem_alloc : memref<!tpu.dma_semaphore, #tpu.memory_space<semaphore_mem>>
      %dma_start3A = arith.constant 0 : i32
      %dma_start3A_76 = tpu.memref_slice %arg15[%add3A_29, %dma_start3A] : memref<10240x128xf32, #tpu.memory_space<vmem_shared>> -> memref<128x128xf32, #tpu.memory_space<vmem_shared>>
      %dma_start3A_77 = arith.constant 0 : i32
      %dma_start3A_78 = tpu.memref_slice %arg15[%add3A_29, %dma_start3A_77] : memref<10240x128xf32, #tpu.memory_space<vmem_shared>> -> memref<128x128xf32, #tpu.memory_space<vmem_shared>>
      tpu.enqueue_dma source(%arg12 : memref<128x128xf32, #tpu.memory_space<vmem>>) target(%dma_start3A_78 : memref<128x128xf32, #tpu.memory_space<vmem_shared>>) target_semaphore(%run_scoped3A : memref<!tpu.dma_semaphore, #tpu.memory_space<semaphore_mem>>)
      %dma_wait3A = arith.constant 0 : i32
      %dma_wait3A_79 = tpu.memref_slice %arg15[%add3A_29, %dma_wait3A] : memref<10240x128xf32, #tpu.memory_space<vmem_shared>> -> memref<128x128xf32, #tpu.memory_space<vmem_shared>>
      %dma_wait3A_80 = arith.constant 0 : i32
      %dma_wait3A_81 = tpu.memref_slice %arg15[%add3A_29, %dma_wait3A_80] : memref<10240x128xf32, #tpu.memory_space<vmem_shared>> -> memref<128x128xf32, #tpu.memory_space<vmem_shared>>
      tpu.wait_dma2 semaphore(%run_scoped3A : memref<!tpu.dma_semaphore, #tpu.memory_space<semaphore_mem>>) src(%arg12 : memref<128x128xf32, #tpu.memory_space<vmem>>) dst(%dma_wait3A_81 : memref<128x128xf32, #tpu.memory_space<vmem_shared>>)
      tpu.yield
    }) : () -> ()
    %mul3A_30 = arith.constant 640 : i32
    %mul3A_31 = arith.muli %arg1, %mul3A_30 : i32
    %add3A_32 = arith.constant 256 : i32
    %add3A_33 = arith.addi %mul3A_31, %add3A_32 : i32
    "tpu.region"() ({
      %run_scoped3A = tpu.sem_alloc : memref<!tpu.dma_semaphore, #tpu.memory_space<semaphore_mem>>
      %dma_start3A = arith.constant 0 : i32
      %dma_start3A_76 = tpu.memref_slice %arg15[%add3A_33, %dma_start3A] : memref<10240x128xf32, #tpu.memory_space<vmem_shared>> -> memref<128x128xf32, #tpu.memory_space<vmem_shared>>
      %dma_start3A_77 = arith.constant 0 : i32
      %dma_start3A_78 = tpu.memref_slice %arg15[%add3A_33, %dma_start3A_77] : memref<10240x128xf32, #tpu.memory_space<vmem_shared>> -> memref<128x128xf32, #tpu.memory_space<vmem_shared>>
      tpu.enqueue_dma source(%arg12 : memref<128x128xf32, #tpu.memory_space<vmem>>) target(%dma_start3A_78 : memref<128x128xf32, #tpu.memory_space<vmem_shared>>) target_semaphore(%run_scoped3A : memref<!tpu.dma_semaphore, #tpu.memory_space<semaphore_mem>>)
      %dma_wait3A = arith.constant 0 : i32
      %dma_wait3A_79 = tpu.memref_slice %arg15[%add3A_33, %dma_wait3A] : memref<10240x128xf32, #tpu.memory_space<vmem_shared>> -> memref<128x128xf32, #tpu.memory_space<vmem_shared>>
      %dma_wait3A_80 = arith.constant 0 : i32
      %dma_wait3A_81 = tpu.memref_slice %arg15[%add3A_33, %dma_wait3A_80] : memref<10240x128xf32, #tpu.memory_space<vmem_shared>> -> memref<128x128xf32, #tpu.memory_space<vmem_shared>>
      tpu.wait_dma2 semaphore(%run_scoped3A : memref<!tpu.dma_semaphore, #tpu.memory_space<semaphore_mem>>) src(%arg12 : memref<128x128xf32, #tpu.memory_space<vmem>>) dst(%dma_wait3A_81 : memref<128x128xf32, #tpu.memory_space<vmem_shared>>)
      tpu.yield
    }) : () -> ()
    %mul3A_34 = arith.constant 640 : i32
    %mul3A_35 = arith.muli %arg1, %mul3A_34 : i32
    %add3A_36 = arith.constant 384 : i32
    %add3A_37 = arith.addi %mul3A_35, %add3A_36 : i32
    "tpu.region"() ({
      %run_scoped3A = tpu.sem_alloc : memref<!tpu.dma_semaphore, #tpu.memory_space<semaphore_mem>>
      %dma_start3A = arith.constant 0 : i32
      %dma_start3A_76 = tpu.memref_slice %arg15[%add3A_37, %dma_start3A] : memref<10240x128xf32, #tpu.memory_space<vmem_shared>> -> memref<128x128xf32, #tpu.memory_space<vmem_shared>>
      %dma_start3A_77 = arith.constant 0 : i32
      %dma_start3A_78 = tpu.memref_slice %arg15[%add3A_37, %dma_start3A_77] : memref<10240x128xf32, #tpu.memory_space<vmem_shared>> -> memref<128x128xf32, #tpu.memory_space<vmem_shared>>
      tpu.enqueue_dma source(%arg12 : memref<128x128xf32, #tpu.memory_space<vmem>>) target(%dma_start3A_78 : memref<128x128xf32, #tpu.memory_space<vmem_shared>>) target_semaphore(%run_scoped3A : memref<!tpu.dma_semaphore, #tpu.memory_space<semaphore_mem>>)
      %dma_wait3A = arith.constant 0 : i32
      %dma_wait3A_79 = tpu.memref_slice %arg15[%add3A_37, %dma_wait3A] : memref<10240x128xf32, #tpu.memory_space<vmem_shared>> -> memref<128x128xf32, #tpu.memory_space<vmem_shared>>
      %dma_wait3A_80 = arith.constant 0 : i32
      %dma_wait3A_81 = tpu.memref_slice %arg15[%add3A_37, %dma_wait3A_80] : memref<10240x128xf32, #tpu.memory_space<vmem_shared>> -> memref<128x128xf32, #tpu.memory_space<vmem_shared>>
      tpu.wait_dma2 semaphore(%run_scoped3A : memref<!tpu.dma_semaphore, #tpu.memory_space<semaphore_mem>>) src(%arg12 : memref<128x128xf32, #tpu.memory_space<vmem>>) dst(%dma_wait3A_81 : memref<128x128xf32, #tpu.memory_space<vmem_shared>>)
      tpu.yield
    }) : () -> ()
    %mul3A_38 = arith.constant 640 : i32
    %mul3A_39 = arith.muli %arg1, %mul3A_38 : i32
    %add3A_40 = arith.constant 512 : i32
    %add3A_41 = arith.addi %mul3A_39, %add3A_40 : i32
    "tpu.region"() ({
      %run_scoped3A = tpu.sem_alloc : memref<!tpu.dma_semaphore, #tpu.memory_space<semaphore_mem>>
      %dma_start3A = arith.constant 0 : i32
      %dma_start3A_76 = tpu.memref_slice %arg15[%add3A_41, %dma_start3A] : memref<10240x128xf32, #tpu.memory_space<vmem_shared>> -> memref<128x128xf32, #tpu.memory_space<vmem_shared>>
      %dma_start3A_77 = arith.constant 0 : i32
      %dma_start3A_78 = tpu.memref_slice %arg15[%add3A_41, %dma_start3A_77] : memref<10240x128xf32, #tpu.memory_space<vmem_shared>> -> memref<128x128xf32, #tpu.memory_space<vmem_shared>>
      tpu.enqueue_dma source(%arg12 : memref<128x128xf32, #tpu.memory_space<vmem>>) target(%dma_start3A_78 : memref<128x128xf32, #tpu.memory_space<vmem_shared>>) target_semaphore(%run_scoped3A : memref<!tpu.dma_semaphore, #tpu.memory_space<semaphore_mem>>)
      %dma_wait3A = arith.constant 0 : i32
      %dma_wait3A_79 = tpu.memref_slice %arg15[%add3A_41, %dma_wait3A] : memref<10240x128xf32, #tpu.memory_space<vmem_shared>> -> memref<128x128xf32, #tpu.memory_space<vmem_shared>>
      %dma_wait3A_80 = arith.constant 0 : i32
      %dma_wait3A_81 = tpu.memref_slice %arg15[%add3A_41, %dma_wait3A_80] : memref<10240x128xf32, #tpu.memory_space<vmem_shared>> -> memref<128x128xf32, #tpu.memory_space<vmem_shared>>
      tpu.wait_dma2 semaphore(%run_scoped3A : memref<!tpu.dma_semaphore, #tpu.memory_space<semaphore_mem>>) src(%arg12 : memref<128x128xf32, #tpu.memory_space<vmem>>) dst(%dma_wait3A_81 : memref<128x128xf32, #tpu.memory_space<vmem_shared>>)
      tpu.yield
    }) : () -> ()
    %scan3A_42 = arith.constant 0 : i32
    %scan3A_43 = arith.constant 0 : i32
    %scan3A_44 = arith.constant 40 : i32
    %scan3A_45 = arith.addi %scan3A_43, %scan3A_44 : i32
    %scan3A_46 = arith.constant 1 : i32
    scf.for %scan3A_76 = %scan3A_43 to %scan3A_45 step %scan3A_46  : i32 {
      %mul3A_77 = arith.constant 16 : i32
      %mul3A_78 = arith.muli %scan3A_76, %mul3A_77 : i32
      %swap3A = arith.index_cast %mul3A_78 : i32 to index
      %swap3A_79 = tpu.vector_load %arg14[%swap3A] {strides = array<i32>} : memref<640xf32, #tpu.memory_space<vmem>>, vector<16xf32>,
      tpu.vector_store %arg14[%swap3A], %broadcast_in_dim3A_0 {strides = array<i32>} : memref<640xf32, #tpu.memory_space<vmem>>, vector<16xf32>,
    }
    %scan3A_47 = arith.constant 40 : i32
    %mul3A_48 = arith.constant 640 : i32
    %mul3A_49 = arith.muli %arg1, %mul3A_48 : i32
    "tpu.region"() ({
      %run_scoped3A = tpu.sem_alloc : memref<!tpu.dma_semaphore, #tpu.memory_space<semaphore_mem>>
      %dma_start3A = tpu.memref_slice %arg16[%mul3A_49] : memref<10240xf32, #tpu.memory_space<vmem_shared>> -> memref<640xf32, #tpu.memory_space<vmem_shared>>
      %dma_start3A_76 = tpu.memref_slice %arg16[%mul3A_49] : memref<10240xf32, #tpu.memory_space<vmem_shared>> -> memref<640xf32, #tpu.memory_space<vmem_shared>>
      tpu.enqueue_dma source(%arg14 : memref<640xf32, #tpu.memory_space<vmem>>) target(%dma_start3A_76 : memref<640xf32, #tpu.memory_space<vmem_shared>>) target_semaphore(%run_scoped3A : memref<!tpu.dma_semaphore, #tpu.memory_space<semaphore_mem>>)
      %dma_wait3A = tpu.memref_slice %arg16[%mul3A_49] : memref<10240xf32, #tpu.memory_space<vmem_shared>> -> memref<640xf32, #tpu.memory_space<vmem_shared>>
      %dma_wait3A_77 = tpu.memref_slice %arg16[%mul3A_49] : memref<10240xf32, #tpu.memory_space<vmem_shared>> -> memref<640xf32, #tpu.memory_space<vmem_shared>>
      tpu.wait_dma2 semaphore(%run_scoped3A : memref<!tpu.dma_semaphore, #tpu.memory_space<semaphore_mem>>) src(%arg14 : memref<640xf32, #tpu.memory_space<vmem>>) dst(%dma_wait3A_77 : memref<640xf32, #tpu.memory_space<vmem_shared>>)
      tpu.yield
    }) : () -> ()
    %barrier3A = arith.constant 0 : index
    tpu.barrier barrier_id(%barrier3A)
    %eq3A = arith.constant 0 : i32
    %eq3A_50 = arith.cmpi eq, %arg0, %eq3A : i32
    %convert_element_type3A = arith.extui %eq3A_50 : i1 to i32
    %cond3A = arith.constant 0 : i32
    %cond3A_51 = arith.cmpi ne, %convert_element_type3A, %cond3A : i32
    scf.if %cond3A_51 {
      %mul3A_76 = arith.constant 80 : i32
      %mul3A_77 = arith.muli %arg1, %mul3A_76 : i32
      %add3A_78 = arith.constant 0 : i32
      %add3A_79 = arith.addi %mul3A_77, %add3A_78 : i32
      %run_scoped3A = arith.constant 0 : i32
      "tpu.region"() ({
        %run_scoped3A_119 = tpu.sem_alloc : memref<!tpu.dma_semaphore, #tpu.memory_space<semaphore_mem>>
        %dma_start3A_120 = arith.constant 0 : i32
        %dma_start3A_121 = arith.constant 0 : i32
        %dma_start3A_122 = tpu.memref_slice %arg10[%run_scoped3A, %dma_start3A_120, %dma_start3A_121] : memref<2x8x128xi32, #tpu.memory_space<vmem>> -> memref<1x8x128xi32, #tpu.memory_space<vmem>>
        %dma_start3A_123 = tpu.memref_squeeze %dma_start3A_122 : memref<1x8x128xi32, #tpu.memory_space<vmem>> -> memref<8x128xi32, #tpu.memory_space<vmem>>
        %dma_start3A_124 = arith.constant 0 : i32
        %dma_start3A_125 = tpu.memref_slice %arg6[%add3A_79, %dma_start3A_124] : memref<1280x128xi32, #tpu.memory_space<hbm>> -> memref<8x128xi32, #tpu.memory_space<hbm>>
        %dma_start3A_126 = arith.constant 0 : i32
        %dma_start3A_127 = arith.constant 0 : i32
        %dma_start3A_128 = tpu.memref_slice %arg10[%run_scoped3A, %dma_start3A_126, %dma_start3A_127] : memref<2x8x128xi32, #tpu.memory_space<vmem>> -> memref<1x8x128xi32, #tpu.memory_space<vmem>>
        %dma_start3A_129 = tpu.memref_squeeze %dma_start3A_128 : memref<1x8x128xi32, #tpu.memory_space<vmem>> -> memref<8x128xi32, #tpu.memory_space<vmem>>
        %dma_start3A_130 = arith.constant 0 : i32
        %dma_start3A_131 = tpu.memref_slice %arg6[%add3A_79, %dma_start3A_130] : memref<1280x128xi32, #tpu.memory_space<hbm>> -> memref<8x128xi32, #tpu.memory_space<hbm>>
        tpu.enqueue_dma source(%dma_start3A_131 : memref<8x128xi32, #tpu.memory_space<hbm>>) target(%dma_start3A_129 : memref<8x128xi32, #tpu.memory_space<vmem>>) target_semaphore(%run_scoped3A_119 : memref<!tpu.dma_semaphore, #tpu.memory_space<semaphore_mem>>)
        %dma_wait3A_132 = arith.constant 0 : i32
        %dma_wait3A_133 = arith.constant 0 : i32
        %dma_wait3A_134 = tpu.memref_slice %arg10[%run_scoped3A, %dma_wait3A_132, %dma_wait3A_133] : memref<2x8x128xi32, #tpu.memory_space<vmem>> -> memref<1x8x128xi32, #tpu.memory_space<vmem>>
        %dma_wait3A_135 = tpu.memref_squeeze %dma_wait3A_134 : memref<1x8x128xi32, #tpu.memory_space<vmem>> -> memref<8x128xi32, #tpu.memory_space<vmem>>
        %dma_wait3A_136 = arith.constant 0 : i32
        %dma_wait3A_137 = tpu.memref_slice %arg6[%add3A_79, %dma_wait3A_136] : memref<1280x128xi32, #tpu.memory_space<hbm>> -> memref<8x128xi32, #tpu.memory_space<hbm>>
        %dma_wait3A_138 = arith.constant 0 : i32
        %dma_wait3A_139 = arith.constant 0 : i32
        %dma_wait3A_140 = tpu.memref_slice %arg10[%run_scoped3A, %dma_wait3A_138, %dma_wait3A_139] : memref<2x8x128xi32, #tpu.memory_space<vmem>> -> memref<1x8x128xi32, #tpu.memory_space<vmem>>
        %dma_wait3A_141 = tpu.memref_squeeze %dma_wait3A_140 : memref<1x8x128xi32, #tpu.memory_space<vmem>> -> memref<8x128xi32, #tpu.memory_space<vmem>>
        %dma_wait3A_142 = arith.constant 0 : i32
        %dma_wait3A_143 = tpu.memref_slice %arg6[%add3A_79, %dma_wait3A_142] : memref<1280x128xi32, #tpu.memory_space<hbm>> -> memref<8x128xi32, #tpu.memory_space<hbm>>
        tpu.wait_dma2 semaphore(%run_scoped3A_119 : memref<!tpu.dma_semaphore, #tpu.memory_space<semaphore_mem>>) src(%dma_wait3A_143 : memref<8x128xi32, #tpu.memory_space<hbm>>) dst(%dma_wait3A_141 : memref<8x128xi32, #tpu.memory_space<vmem>>)
        tpu.yield
      }) : () -> ()
      %run_scoped3A_80 = arith.constant 0 : i32
      "tpu.region"() ({
        %run_scoped3A_119 = tpu.sem_alloc : memref<!tpu.dma_semaphore, #tpu.memory_space<semaphore_mem>>
        %dma_start3A_120 = arith.constant 0 : i32
        %dma_start3A_121 = arith.constant 0 : i32
        %dma_start3A_122 = tpu.memref_slice %arg11[%run_scoped3A_80, %dma_start3A_120, %dma_start3A_121] : memref<2x8x128xi32, #tpu.memory_space<vmem>> -> memref<1x8x128xi32, #tpu.memory_space<vmem>>
        %dma_start3A_123 = tpu.memref_squeeze %dma_start3A_122 : memref<1x8x128xi32, #tpu.memory_space<vmem>> -> memref<8x128xi32, #tpu.memory_space<vmem>>
        %dma_start3A_124 = arith.constant 0 : i32
        %dma_start3A_125 = tpu.memref_slice %arg7[%add3A_79, %dma_start3A_124] : memref<1280x128xi32, #tpu.memory_space<hbm>> -> memref<8x128xi32, #tpu.memory_space<hbm>>
        %dma_start3A_126 = arith.constant 0 : i32
        %dma_start3A_127 = arith.constant 0 : i32
        %dma_start3A_128 = tpu.memref_slice %arg11[%run_scoped3A_80, %dma_start3A_126, %dma_start3A_127] : memref<2x8x128xi32, #tpu.memory_space<vmem>> -> memref<1x8x128xi32, #tpu.memory_space<vmem>>
        %dma_start3A_129 = tpu.memref_squeeze %dma_start3A_128 : memref<1x8x128xi32, #tpu.memory_space<vmem>> -> memref<8x128xi32, #tpu.memory_space<vmem>>
        %dma_start3A_130 = arith.constant 0 : i32
        %dma_start3A_131 = tpu.memref_slice %arg7[%add3A_79, %dma_start3A_130] : memref<1280x128xi32, #tpu.memory_space<hbm>> -> memref<8x128xi32, #tpu.memory_space<hbm>>
        tpu.enqueue_dma source(%dma_start3A_131 : memref<8x128xi32, #tpu.memory_space<hbm>>) target(%dma_start3A_129 : memref<8x128xi32, #tpu.memory_space<vmem>>) target_semaphore(%run_scoped3A_119 : memref<!tpu.dma_semaphore, #tpu.memory_space<semaphore_mem>>)
        %dma_wait3A_132 = arith.constant 0 : i32
        %dma_wait3A_133 = arith.constant 0 : i32
        %dma_wait3A_134 = tpu.memref_slice %arg11[%run_scoped3A_80, %dma_wait3A_132, %dma_wait3A_133] : memref<2x8x128xi32, #tpu.memory_space<vmem>> -> memref<1x8x128xi32, #tpu.memory_space<vmem>>
        %dma_wait3A_135 = tpu.memref_squeeze %dma_wait3A_134 : memref<1x8x128xi32, #tpu.memory_space<vmem>> -> memref<8x128xi32, #tpu.memory_space<vmem>>
        %dma_wait3A_136 = arith.constant 0 : i32
        %dma_wait3A_137 = tpu.memref_slice %arg7[%add3A_79, %dma_wait3A_136] : memref<1280x128xi32, #tpu.memory_space<hbm>> -> memref<8x128xi32, #tpu.memory_space<hbm>>
        %dma_wait3A_138 = arith.constant 0 : i32
        %dma_wait3A_139 = arith.constant 0 : i32
        %dma_wait3A_140 = tpu.memref_slice %arg11[%run_scoped3A_80, %dma_wait3A_138, %dma_wait3A_139] : memref<2x8x128xi32, #tpu.memory_space<vmem>> -> memref<1x8x128xi32, #tpu.memory_space<vmem>>
        %dma_wait3A_141 = tpu.memref_squeeze %dma_wait3A_140 : memref<1x8x128xi32, #tpu.memory_space<vmem>> -> memref<8x128xi32, #tpu.memory_space<vmem>>
        %dma_wait3A_142 = arith.constant 0 : i32
        %dma_wait3A_143 = tpu.memref_slice %arg7[%add3A_79, %dma_wait3A_142] : memref<1280x128xi32, #tpu.memory_space<hbm>> -> memref<8x128xi32, #tpu.memory_space<hbm>>
        tpu.wait_dma2 semaphore(%run_scoped3A_119 : memref<!tpu.dma_semaphore, #tpu.memory_space<semaphore_mem>>) src(%dma_wait3A_143 : memref<8x128xi32, #tpu.memory_space<hbm>>) dst(%dma_wait3A_141 : memref<8x128xi32, #tpu.memory_space<vmem>>)
        tpu.yield
      }) : () -> ()
      %dma_start3A = arith.constant 0 : i32
      %dma_start3A_81 = arith.constant 0 : i32
      %dma_start3A_82 = arith.constant 0 : i32
      %dma_start3A_83 = tpu.memref_slice %arg10[%dma_start3A, %dma_start3A_81, %dma_start3A_82] : memref<2x8x128xi32, #tpu.memory_space<vmem>> -> memref<1x1x128xi32, #tpu.memory_space<vmem>>
      %dma_start3A_84 = tpu.memref_squeeze %dma_start3A_83 : memref<1x1x128xi32, #tpu.memory_space<vmem>> -> memref<128xi32, #tpu.memory_space<vmem>>
      %dma_start3A_85 = arith.constant 0 : i32
      %dma_start3A_86 = arith.constant 0 : i32
      %dma_start3A_87 = tpu.memref_slice %arg2[%dma_start3A_85, %dma_start3A_86] : memref<10240x128xf32, #tpu.memory_space<hbm>> -> memref<10240x128xf32, #tpu.memory_space<hbm>>
      tpu.enqueue_indirect_dma source(%dma_start3A_87 : memref<10240x128xf32, #tpu.memory_space<hbm>>) target(%arg12 : memref<128x128xf32, #tpu.memory_space<vmem>>) offsets(%dma_start3A_84 : memref<128xi32, #tpu.memory_space<vmem>>) semaphore(%arg17 : memref<!tpu.dma_semaphore, #tpu.memory_space<semaphore_mem>>)
      %scan3A_88 = arith.constant 0 : i32
      %scan3A_89 = arith.constant 0 : i32
      %scan3A_90 = arith.constant 40 : i32
      %scan3A_91 = arith.addi %scan3A_89, %scan3A_90 : i32
      %scan3A_92 = arith.constant 1 : i32
      scf.for %scan3A_119 = %scan3A_89 to %scan3A_91 step %scan3A_92  : i32 {
        %shift_right_arithmetic3A = arith.constant 2 : i32
        %shift_right_arithmetic3A_120 = arith.shrsi %scan3A_119, %shift_right_arithmetic3A : i32
        %and3A = arith.constant 3 : i32
        %and3A_121 = arith.andi %scan3A_119, %and3A : i32
        %eq3A_122 = arith.constant 3 : i32
        %eq3A_123 = arith.cmpi eq, %and3A_121, %eq3A_122 : i32
        %lt3A = arith.constant 9 : i32
        %lt3A_124 = arith.cmpi slt, %shift_right_arithmetic3A_120, %lt3A : i32
        %and3A_125 = arith.andi %eq3A_123, %lt3A_124 : i1
        %convert_element_type3A_126 = arith.extui %and3A_125 : i1 to i32
        %cond3A_127 = arith.constant 0 : i32
        %cond3A_128 = arith.cmpi ne, %convert_element_type3A_126, %cond3A_127 : i32
        scf.if %cond3A_128 {
          %add3A_279 = arith.constant 1 : i32
          %add3A_280 = arith.addi %shift_right_arithmetic3A_120, %add3A_279 : i32
          %mul3A_281 = arith.constant 80 : i32
          %mul3A_282 = arith.muli %arg1, %mul3A_281 : i32
          %mul3A_283 = arith.constant 8 : i32
          %mul3A_284 = arith.muli %add3A_280, %mul3A_283 : i32
          %add3A_285 = arith.addi %mul3A_282, %mul3A_284 : i32
          %and3A_286 = arith.constant 1 : i32
          %and3A_287 = arith.andi %add3A_280, %and3A_286 : i32
          "tpu.region"() ({
            %run_scoped3A_288 = tpu.sem_alloc : memref<!tpu.dma_semaphore, #tpu.memory_space<semaphore_mem>>
            %dma_start3A_289 = arith.constant 0 : i32
            %dma_start3A_290 = arith.constant 0 : i32
            %dma_start3A_291 = tpu.memref_slice %arg10[%and3A_287, %dma_start3A_289, %dma_start3A_290] : memref<2x8x128xi32, #tpu.memory_space<vmem>> -> memref<1x8x128xi32, #tpu.memory_space<vmem>>
            %dma_start3A_292 = tpu.memref_squeeze %dma_start3A_291 : memref<1x8x128xi32, #tpu.memory_space<vmem>> -> memref<8x128xi32, #tpu.memory_space<vmem>>
            %dma_start3A_293 = arith.constant 0 : i32
            %dma_start3A_294 = tpu.memref_slice %arg6[%add3A_285, %dma_start3A_293] : memref<1280x128xi32, #tpu.memory_space<hbm>> -> memref<8x128xi32, #tpu.memory_space<hbm>>
            %dma_start3A_295 = arith.constant 0 : i32
            %dma_start3A_296 = arith.constant 0 : i32
            %dma_start3A_297 = tpu.memref_slice %arg10[%and3A_287, %dma_start3A_295, %dma_start3A_296] : memref<2x8x128xi32, #tpu.memory_space<vmem>> -> memref<1x8x128xi32, #tpu.memory_space<vmem>>
            %dma_start3A_298 = tpu.memref_squeeze %dma_start3A_297 : memref<1x8x128xi32, #tpu.memory_space<vmem>> -> memref<8x128xi32, #tpu.memory_space<vmem>>
            %dma_start3A_299 = arith.constant 0 : i32
            %dma_start3A_300 = tpu.memref_slice %arg6[%add3A_285, %dma_start3A_299] : memref<1280x128xi32, #tpu.memory_space<hbm>> -> memref<8x128xi32, #tpu.memory_space<hbm>>
            tpu.enqueue_dma source(%dma_start3A_300 : memref<8x128xi32, #tpu.memory_space<hbm>>) target(%dma_start3A_298 : memref<8x128xi32, #tpu.memory_space<vmem>>) target_semaphore(%run_scoped3A_288 : memref<!tpu.dma_semaphore, #tpu.memory_space<semaphore_mem>>)
            %dma_wait3A_301 = arith.constant 0 : i32
            %dma_wait3A_302 = arith.constant 0 : i32
            %dma_wait3A_303 = tpu.memref_slice %arg10[%and3A_287, %dma_wait3A_301, %dma_wait3A_302] : memref<2x8x128xi32, #tpu.memory_space<vmem>> -> memref<1x8x128xi32, #tpu.memory_space<vmem>>
            %dma_wait3A_304 = tpu.memref_squeeze %dma_wait3A_303 : memref<1x8x128xi32, #tpu.memory_space<vmem>> -> memref<8x128xi32, #tpu.memory_space<vmem>>
            %dma_wait3A_305 = arith.constant 0 : i32
            %dma_wait3A_306 = tpu.memref_slice %arg6[%add3A_285, %dma_wait3A_305] : memref<1280x128xi32, #tpu.memory_space<hbm>> -> memref<8x128xi32, #tpu.memory_space<hbm>>
            %dma_wait3A_307 = arith.constant 0 : i32
            %dma_wait3A_308 = arith.constant 0 : i32
            %dma_wait3A_309 = tpu.memref_slice %arg10[%and3A_287, %dma_wait3A_307, %dma_wait3A_308] : memref<2x8x128xi32, #tpu.memory_space<vmem>> -> memref<1x8x128xi32, #tpu.memory_space<vmem>>
            %dma_wait3A_310 = tpu.memref_squeeze %dma_wait3A_309 : memref<1x8x128xi32, #tpu.memory_space<vmem>> -> memref<8x128xi32, #tpu.memory_space<vmem>>
            %dma_wait3A_311 = arith.constant 0 : i32
            %dma_wait3A_312 = tpu.memref_slice %arg6[%add3A_285, %dma_wait3A_311] : memref<1280x128xi32, #tpu.memory_space<hbm>> -> memref<8x128xi32, #tpu.memory_space<hbm>>
            tpu.wait_dma2 semaphore(%run_scoped3A_288 : memref<!tpu.dma_semaphore, #tpu.memory_space<semaphore_mem>>) src(%dma_wait3A_312 : memref<8x128xi32, #tpu.memory_space<hbm>>) dst(%dma_wait3A_310 : memref<8x128xi32, #tpu.memory_space<vmem>>)
            tpu.yield
          }) : () -> ()
          "tpu.region"() ({
            %run_scoped3A_288 = tpu.sem_alloc : memref<!tpu.dma_semaphore, #tpu.memory_space<semaphore_mem>>
            %dma_start3A_289 = arith.constant 0 : i32
            %dma_start3A_290 = arith.constant 0 : i32
            %dma_start3A_291 = tpu.memref_slice %arg11[%and3A_287, %dma_start3A_289, %dma_start3A_290] : memref<2x8x128xi32, #tpu.memory_space<vmem>> -> memref<1x8x128xi32, #tpu.memory_space<vmem>>
            %dma_start3A_292 = tpu.memref_squeeze %dma_start3A_291 : memref<1x8x128xi32, #tpu.memory_space<vmem>> -> memref<8x128xi32, #tpu.memory_space<vmem>>
            %dma_start3A_293 = arith.constant 0 : i32
            %dma_start3A_294 = tpu.memref_slice %arg7[%add3A_285, %dma_start3A_293] : memref<1280x128xi32, #tpu.memory_space<hbm>> -> memref<8x128xi32, #tpu.memory_space<hbm>>
            %dma_start3A_295 = arith.constant 0 : i32
            %dma_start3A_296 = arith.constant 0 : i32
            %dma_start3A_297 = tpu.memref_slice %arg11[%and3A_287, %dma_start3A_295, %dma_start3A_296] : memref<2x8x128xi32, #tpu.memory_space<vmem>> -> memref<1x8x128xi32, #tpu.memory_space<vmem>>
            %dma_start3A_298 = tpu.memref_squeeze %dma_start3A_297 : memref<1x8x128xi32, #tpu.memory_space<vmem>> -> memref<8x128xi32, #tpu.memory_space<vmem>>
            %dma_start3A_299 = arith.constant 0 : i32
            %dma_start3A_300 = tpu.memref_slice %arg7[%add3A_285, %dma_start3A_299] : memref<1280x128xi32, #tpu.memory_space<hbm>> -> memref<8x128xi32, #tpu.memory_space<hbm>>
            tpu.enqueue_dma source(%dma_start3A_300 : memref<8x128xi32, #tpu.memory_space<hbm>>) target(%dma_start3A_298 : memref<8x128xi32, #tpu.memory_space<vmem>>) target_semaphore(%run_scoped3A_288 : memref<!tpu.dma_semaphore, #tpu.memory_space<semaphore_mem>>)
            %dma_wait3A_301 = arith.constant 0 : i32
            %dma_wait3A_302 = arith.constant 0 : i32
            %dma_wait3A_303 = tpu.memref_slice %arg11[%and3A_287, %dma_wait3A_301, %dma_wait3A_302] : memref<2x8x128xi32, #tpu.memory_space<vmem>> -> memref<1x8x128xi32, #tpu.memory_space<vmem>>
            %dma_wait3A_304 = tpu.memref_squeeze %dma_wait3A_303 : memref<1x8x128xi32, #tpu.memory_space<vmem>> -> memref<8x128xi32, #tpu.memory_space<vmem>>
            %dma_wait3A_305 = arith.constant 0 : i32
            %dma_wait3A_306 = tpu.memref_slice %arg7[%add3A_285, %dma_wait3A_305] : memref<1280x128xi32, #tpu.memory_space<hbm>> -> memref<8x128xi32, #tpu.memory_space<hbm>>
            %dma_wait3A_307 = arith.constant 0 : i32
            %dma_wait3A_308 = arith.constant 0 : i32
            %dma_wait3A_309 = tpu.memref_slice %arg11[%and3A_287, %dma_wait3A_307, %dma_wait3A_308] : memref<2x8x128xi32, #tpu.memory_space<vmem>> -> memref<1x8x128xi32, #tpu.memory_space<vmem>>
            %dma_wait3A_310 = tpu.memref_squeeze %dma_wait3A_309 : memref<1x8x128xi32, #tpu.memory_space<vmem>> -> memref<8x128xi32, #tpu.memory_space<vmem>>
            %dma_wait3A_311 = arith.constant 0 : i32
            %dma_wait3A_312 = tpu.memref_slice %arg7[%add3A_285, %dma_wait3A_311] : memref<1280x128xi32, #tpu.memory_space<hbm>> -> memref<8x128xi32, #tpu.memory_space<hbm>>
            tpu.wait_dma2 semaphore(%run_scoped3A_288 : memref<!tpu.dma_semaphore, #tpu.memory_space<semaphore_mem>>) src(%dma_wait3A_312 : memref<8x128xi32, #tpu.memory_space<hbm>>) dst(%dma_wait3A_310 : memref<8x128xi32, #tpu.memory_space<vmem>>)
            tpu.yield
          }) : () -> ()
        } else {
        }
        %mul3A_129 = arith.constant 2 : i32
        %mul3A_130 = arith.muli %mul3A_129, %scan3A_119 : i32
        %gt3A = arith.constant 0 : i32
        %gt3A_131 = arith.cmpi sgt, %scan3A_119, %gt3A : i32
        %convert_element_type3A_132 = arith.extui %gt3A_131 : i1 to i32
        %cond3A_133 = arith.constant 0 : i32
        %cond3A_134 = arith.cmpi ne, %convert_element_type3A_132, %cond3A_133 : i32
        scf.if %cond3A_134 {
          %sub3A = arith.constant 2 : i32
          %sub3A_279 = arith.subi %mul3A_130, %sub3A : i32
          %shift_right_arithmetic3A_280 = arith.constant 3 : i32
          %shift_right_arithmetic3A_281 = arith.shrsi %sub3A_279, %shift_right_arithmetic3A_280 : i32
          %and3A_282 = arith.constant 1 : i32
          %and3A_283 = arith.andi %shift_right_arithmetic3A_281, %and3A_282 : i32
          %and3A_284 = arith.constant 7 : i32
          %and3A_285 = arith.andi %sub3A_279, %and3A_284 : i32
          %mul3A_286 = arith.constant 128 : i32
          %mul3A_287 = arith.muli %sub3A_279, %mul3A_286 : i32
          %dma_wait3A_288 = tpu.memref_slice %arg9[%mul3A_287] : memref<10240xf32, #tpu.memory_space<vmem>> -> memref<128xf32, #tpu.memory_space<vmem>>
          %dma_wait3A_289 = arith.constant 0 : i32
          %dma_wait3A_290 = tpu.memref_slice %arg11[%and3A_283, %and3A_285, %dma_wait3A_289] : memref<2x8x128xi32, #tpu.memory_space<vmem>> -> memref<1x1x128xi32, #tpu.memory_space<vmem>>
          %dma_wait3A_291 = tpu.memref_squeeze %dma_wait3A_290 : memref<1x1x128xi32, #tpu.memory_space<vmem>> -> memref<128xi32, #tpu.memory_space<vmem>>
          %dma_wait3A_292 = arith.constant 0 : i32
          %dma_wait3A_293 = tpu.memref_slice %arg16[%dma_wait3A_292] : memref<10240xf32, #tpu.memory_space<vmem_shared>> -> memref<10240xf32, #tpu.memory_space<vmem_shared>>
          tpu.wait_indirect_dma semaphore(%arg19 : memref<!tpu.dma_semaphore, #tpu.memory_space<semaphore_mem>>) src(%dma_wait3A_288 : memref<128xf32, #tpu.memory_space<vmem>>) dst(%dma_wait3A_293 : memref<10240xf32, #tpu.memory_space<vmem_shared>>)
          %sub3A_294 = arith.constant 1 : i32
          %sub3A_295 = arith.subi %mul3A_130, %sub3A_294 : i32
          %shift_right_arithmetic3A_296 = arith.constant 3 : i32
          %shift_right_arithmetic3A_297 = arith.shrsi %sub3A_295, %shift_right_arithmetic3A_296 : i32
          %and3A_298 = arith.constant 1 : i32
          %and3A_299 = arith.andi %shift_right_arithmetic3A_297, %and3A_298 : i32
          %and3A_300 = arith.constant 7 : i32
          %and3A_301 = arith.andi %sub3A_295, %and3A_300 : i32
          %mul3A_302 = arith.constant 128 : i32
          %mul3A_303 = arith.muli %sub3A_295, %mul3A_302 : i32
          %dma_wait3A_304 = tpu.memref_slice %arg9[%mul3A_303] : memref<10240xf32, #tpu.memory_space<vmem>> -> memref<128xf32, #tpu.memory_space<vmem>>
          %dma_wait3A_305 = arith.constant 0 : i32
          %dma_wait3A_306 = tpu.memref_slice %arg11[%and3A_299, %and3A_301, %dma_wait3A_305] : memref<2x8x128xi32, #tpu.memory_space<vmem>> -> memref<1x1x128xi32, #tpu.memory_space<vmem>>
          %dma_wait3A_307 = tpu.memref_squeeze %dma_wait3A_306 : memref<1x1x128xi32, #tpu.memory_space<vmem>> -> memref<128xi32, #tpu.memory_space<vmem>>
          %dma_wait3A_308 = arith.constant 0 : i32
          %dma_wait3A_309 = tpu.memref_slice %arg16[%dma_wait3A_308] : memref<10240xf32, #tpu.memory_space<vmem_shared>> -> memref<10240xf32, #tpu.memory_space<vmem_shared>>
          tpu.wait_indirect_dma semaphore(%arg20 : memref<!tpu.dma_semaphore, #tpu.memory_space<semaphore_mem>>) src(%dma_wait3A_304 : memref<128xf32, #tpu.memory_space<vmem>>) dst(%dma_wait3A_309 : memref<10240xf32, #tpu.memory_space<vmem_shared>>)
        } else {
        }
        %shift_right_arithmetic3A_135 = arith.constant 3 : i32
        %shift_right_arithmetic3A_136 = arith.shrsi %mul3A_130, %shift_right_arithmetic3A_135 : i32
        %and3A_137 = arith.constant 1 : i32
        %and3A_138 = arith.andi %shift_right_arithmetic3A_136, %and3A_137 : i32
        %and3A_139 = arith.constant 7 : i32
        %and3A_140 = arith.andi %mul3A_130, %and3A_139 : i32
        %mul3A_141 = arith.constant 128 : i32
        %mul3A_142 = arith.muli %mul3A_130, %mul3A_141 : i32
        %dma_start3A_143 = tpu.memref_slice %arg9[%mul3A_142] : memref<10240xf32, #tpu.memory_space<vmem>> -> memref<128xf32, #tpu.memory_space<vmem>>
        %dma_start3A_144 = arith.constant 0 : i32
        %dma_start3A_145 = tpu.memref_slice %arg11[%and3A_138, %and3A_140, %dma_start3A_144] : memref<2x8x128xi32, #tpu.memory_space<vmem>> -> memref<1x1x128xi32, #tpu.memory_space<vmem>>
        %dma_start3A_146 = tpu.memref_squeeze %dma_start3A_145 : memref<1x1x128xi32, #tpu.memory_space<vmem>> -> memref<128xi32, #tpu.memory_space<vmem>>
        %dma_start3A_147 = arith.constant 0 : i32
        %dma_start3A_148 = tpu.memref_slice %arg16[%dma_start3A_147] : memref<10240xf32, #tpu.memory_space<vmem_shared>> -> memref<10240xf32, #tpu.memory_space<vmem_shared>>
        tpu.enqueue_indirect_dma source(%dma_start3A_143 : memref<128xf32, #tpu.memory_space<vmem>>) target(%dma_start3A_148 : memref<10240xf32, #tpu.memory_space<vmem_shared>>) offsets(%dma_start3A_146 : memref<128xi32, #tpu.memory_space<vmem>>) semaphore(%arg19 : memref<!tpu.dma_semaphore, #tpu.memory_space<semaphore_mem>>) {add = true}
        %add3A_149 = arith.constant 1 : i32
        %add3A_150 = arith.addi %mul3A_130, %add3A_149 : i32
        %shift_right_arithmetic3A_151 = arith.constant 3 : i32
        %shift_right_arithmetic3A_152 = arith.shrsi %add3A_150, %shift_right_arithmetic3A_151 : i32
        %and3A_153 = arith.constant 1 : i32
        %and3A_154 = arith.andi %shift_right_arithmetic3A_152, %and3A_153 : i32
        %and3A_155 = arith.constant 7 : i32
        %and3A_156 = arith.andi %add3A_150, %and3A_155 : i32
        %mul3A_157 = arith.constant 128 : i32
        %mul3A_158 = arith.muli %add3A_150, %mul3A_157 : i32
        %dma_start3A_159 = tpu.memref_slice %arg9[%mul3A_158] : memref<10240xf32, #tpu.memory_space<vmem>> -> memref<128xf32, #tpu.memory_space<vmem>>
        %dma_start3A_160 = arith.constant 0 : i32
        %dma_start3A_161 = tpu.memref_slice %arg11[%and3A_154, %and3A_156, %dma_start3A_160] : memref<2x8x128xi32, #tpu.memory_space<vmem>> -> memref<1x1x128xi32, #tpu.memory_space<vmem>>
        %dma_start3A_162 = tpu.memref_squeeze %dma_start3A_161 : memref<1x1x128xi32, #tpu.memory_space<vmem>> -> memref<128xi32, #tpu.memory_space<vmem>>
        %dma_start3A_163 = arith.constant 0 : i32
        %dma_start3A_164 = tpu.memref_slice %arg16[%dma_start3A_163] : memref<10240xf32, #tpu.memory_space<vmem_shared>> -> memref<10240xf32, #tpu.memory_space<vmem_shared>>
        tpu.enqueue_indirect_dma source(%dma_start3A_159 : memref<128xf32, #tpu.memory_space<vmem>>) target(%dma_start3A_164 : memref<10240xf32, #tpu.memory_space<vmem_shared>>) offsets(%dma_start3A_162 : memref<128xi32, #tpu.memory_space<vmem>>) semaphore(%arg20 : memref<!tpu.dma_semaphore, #tpu.memory_space<semaphore_mem>>) {add = true}
        %shift_right_arithmetic3A_165 = arith.constant 3 : i32
        %shift_right_arithmetic3A_166 = arith.shrsi %mul3A_130, %shift_right_arithmetic3A_165 : i32
        %and3A_167 = arith.constant 1 : i32
        %and3A_168 = arith.andi %shift_right_arithmetic3A_166, %and3A_167 : i32
        %and3A_169 = arith.constant 7 : i32
        %and3A_170 = arith.andi %mul3A_130, %and3A_169 : i32
        %dma_wait3A_171 = arith.constant 0 : i32
        %dma_wait3A_172 = tpu.memref_slice %arg10[%and3A_168, %and3A_170, %dma_wait3A_171] : memref<2x8x128xi32, #tpu.memory_space<vmem>> -> memref<1x1x128xi32, #tpu.memory_space<vmem>>
        %dma_wait3A_173 = tpu.memref_squeeze %dma_wait3A_172 : memref<1x1x128xi32, #tpu.memory_space<vmem>> -> memref<128xi32, #tpu.memory_space<vmem>>
        %dma_wait3A_174 = arith.constant 0 : i32
        %dma_wait3A_175 = arith.constant 0 : i32
        %dma_wait3A_176 = tpu.memref_slice %arg2[%dma_wait3A_174, %dma_wait3A_175] : memref<10240x128xf32, #tpu.memory_space<hbm>> -> memref<10240x128xf32, #tpu.memory_space<hbm>>
        tpu.wait_indirect_dma semaphore(%arg17 : memref<!tpu.dma_semaphore, #tpu.memory_space<semaphore_mem>>) src(%dma_wait3A_176 : memref<10240x128xf32, #tpu.memory_space<hbm>>) dst(%arg12 : memref<128x128xf32, #tpu.memory_space<vmem>>)
        %gt3A_177 = arith.constant 0 : i32
        %gt3A_178 = arith.cmpi sgt, %scan3A_119, %gt3A_177 : i32
        %convert_element_type3A_179 = arith.extui %gt3A_178 : i1 to i32
        %cond3A_180 = arith.constant 0 : i32
        %cond3A_181 = arith.cmpi ne, %convert_element_type3A_179, %cond3A_180 : i32
        scf.if %cond3A_181 {
          %sub3A = arith.constant 1 : i32
          %sub3A_279 = arith.subi %mul3A_130, %sub3A : i32
          %shift_right_arithmetic3A_280 = arith.constant 3 : i32
          %shift_right_arithmetic3A_281 = arith.shrsi %sub3A_279, %shift_right_arithmetic3A_280 : i32
          %and3A_282 = arith.constant 1 : i32
          %and3A_283 = arith.andi %shift_right_arithmetic3A_281, %and3A_282 : i32
          %and3A_284 = arith.constant 7 : i32
          %and3A_285 = arith.andi %sub3A_279, %and3A_284 : i32
          %dma_wait3A_286 = arith.constant 0 : i32
          %dma_wait3A_287 = tpu.memref_slice %arg11[%and3A_283, %and3A_285, %dma_wait3A_286] : memref<2x8x128xi32, #tpu.memory_space<vmem>> -> memref<1x1x128xi32, #tpu.memory_space<vmem>>
          %dma_wait3A_288 = tpu.memref_squeeze %dma_wait3A_287 : memref<1x1x128xi32, #tpu.memory_space<vmem>> -> memref<128xi32, #tpu.memory_space<vmem>>
          %dma_wait3A_289 = arith.constant 0 : i32
          %dma_wait3A_290 = arith.constant 0 : i32
          %dma_wait3A_291 = tpu.memref_slice %arg15[%dma_wait3A_289, %dma_wait3A_290] : memref<10240x128xf32, #tpu.memory_space<vmem_shared>> -> memref<10240x128xf32, #tpu.memory_space<vmem_shared>>
          tpu.wait_indirect_dma semaphore(%arg22 : memref<!tpu.dma_semaphore, #tpu.memory_space<semaphore_mem>>) src(%arg13 : memref<128x128xf32, #tpu.memory_space<vmem>>) dst(%dma_wait3A_291 : memref<10240x128xf32, #tpu.memory_space<vmem_shared>>)
        } else {
        }
        %add3A_182 = arith.constant 1 : i32
        %add3A_183 = arith.addi %mul3A_130, %add3A_182 : i32
        %shift_right_arithmetic3A_184 = arith.constant 3 : i32
        %shift_right_arithmetic3A_185 = arith.shrsi %add3A_183, %shift_right_arithmetic3A_184 : i32
        %and3A_186 = arith.constant 1 : i32
        %and3A_187 = arith.andi %shift_right_arithmetic3A_185, %and3A_186 : i32
        %and3A_188 = arith.constant 7 : i32
        %and3A_189 = arith.andi %add3A_183, %and3A_188 : i32
        %dma_start3A_190 = arith.constant 0 : i32
        %dma_start3A_191 = tpu.memref_slice %arg10[%and3A_187, %and3A_189, %dma_start3A_190] : memref<2x8x128xi32, #tpu.memory_space<vmem>> -> memref<1x1x128xi32, #tpu.memory_space<vmem>>
        %dma_start3A_192 = tpu.memref_squeeze %dma_start3A_191 : memref<1x1x128xi32, #tpu.memory_space<vmem>> -> memref<128xi32, #tpu.memory_space<vmem>>
        %dma_start3A_193 = arith.constant 0 : i32
        %dma_start3A_194 = arith.constant 0 : i32
        %dma_start3A_195 = tpu.memref_slice %arg2[%dma_start3A_193, %dma_start3A_194] : memref<10240x128xf32, #tpu.memory_space<hbm>> -> memref<10240x128xf32, #tpu.memory_space<hbm>>
        tpu.enqueue_indirect_dma source(%dma_start3A_195 : memref<10240x128xf32, #tpu.memory_space<hbm>>) target(%arg13 : memref<128x128xf32, #tpu.memory_space<vmem>>) offsets(%dma_start3A_192 : memref<128xi32, #tpu.memory_space<vmem>>) semaphore(%arg18 : memref<!tpu.dma_semaphore, #tpu.memory_space<semaphore_mem>>)
        %shift_right_arithmetic3A_196 = arith.constant 3 : i32
        %shift_right_arithmetic3A_197 = arith.shrsi %mul3A_130, %shift_right_arithmetic3A_196 : i32
        %and3A_198 = arith.constant 1 : i32
        %and3A_199 = arith.andi %shift_right_arithmetic3A_197, %and3A_198 : i32
        %and3A_200 = arith.constant 7 : i32
        %and3A_201 = arith.andi %mul3A_130, %and3A_200 : i32
        %scan3A_202 = arith.constant 0 : i32
        %scan3A_203 = arith.constant 0 : i32
        %scan3A_204 = arith.constant 32 : i32
        %scan3A_205 = arith.addi %scan3A_203, %scan3A_204 : i32
        %scan3A_206 = arith.constant 1 : i32
        scf.for %scan3A_279 = %scan3A_203 to %scan3A_205 step %scan3A_206  : i32 {
          %mul3A_280 = arith.constant 4 : i32
          %mul3A_281 = arith.muli %scan3A_279, %mul3A_280 : i32
          %add3A_282 = arith.constant 0 : i32
          %add3A_283 = arith.addi %mul3A_281, %add3A_282 : i32
          %mul3A_284 = arith.constant 128 : i32
          %mul3A_285 = arith.muli %mul3A_130, %mul3A_284 : i32
          %add3A_286 = arith.addi %mul3A_285, %add3A_283 : i32
          %broadcast_in_dim3A_287 = vector.broadcast %add3A_286 : i32 to vector<16xi32>
          %gather3A = tpu.vector_load_idx %arg9[%broadcast_in_dim3A_287] : memref<10240xf32, #tpu.memory_space<vmem>>[vector<16xi32>], vector<16xf32>,
          %get3A = arith.index_cast %add3A_283 : i32 to index
          %get3A_288 = arith.constant 0 : index
          %get3A_289 = tpu.vector_load %arg12[%get3A, %get3A_288] {strides = array<i32>} : memref<128x128xf32, #tpu.memory_space<vmem>>, vector<16xf32>,
          %mul3A_290 = arith.mulf %get3A_289, %gather3A : vector<16xf32>
          %swap3A = arith.index_cast %add3A_283 : i32 to index
          %swap3A_291 = arith.constant 0 : index
          %swap3A_292 = tpu.vector_load %arg12[%swap3A, %swap3A_291] {strides = array<i32>} : memref<128x128xf32, #tpu.memory_space<vmem>>, vector<16xf32>,
          tpu.vector_store %arg12[%swap3A, %swap3A_291], %mul3A_290 {strides = array<i32>} : memref<128x128xf32, #tpu.memory_space<vmem>>, vector<16xf32>,
          %get3A_293 = arith.index_cast %add3A_283 : i32 to index
          %get3A_294 = arith.constant 16 : index
          %get3A_295 = tpu.vector_load %arg12[%get3A_293, %get3A_294] {strides = array<i32>} : memref<128x128xf32, #tpu.memory_space<vmem>>, vector<16xf32>,
          %mul3A_296 = arith.mulf %get3A_295, %gather3A : vector<16xf32>
          %swap3A_297 = arith.index_cast %add3A_283 : i32 to index
          %swap3A_298 = arith.constant 16 : index
          %swap3A_299 = tpu.vector_load %arg12[%swap3A_297, %swap3A_298] {strides = array<i32>} : memref<128x128xf32, #tpu.memory_space<vmem>>, vector<16xf32>,
          tpu.vector_store %arg12[%swap3A_297, %swap3A_298], %mul3A_296 {strides = array<i32>} : memref<128x128xf32, #tpu.memory_space<vmem>>, vector<16xf32>,
          %get3A_300 = arith.index_cast %add3A_283 : i32 to index
          %get3A_301 = arith.constant 32 : index
          %get3A_302 = tpu.vector_load %arg12[%get3A_300, %get3A_301] {strides = array<i32>} : memref<128x128xf32, #tpu.memory_space<vmem>>, vector<16xf32>,
          %mul3A_303 = arith.mulf %get3A_302, %gather3A : vector<16xf32>
          %swap3A_304 = arith.index_cast %add3A_283 : i32 to index
          %swap3A_305 = arith.constant 32 : index
          %swap3A_306 = tpu.vector_load %arg12[%swap3A_304, %swap3A_305] {strides = array<i32>} : memref<128x128xf32, #tpu.memory_space<vmem>>, vector<16xf32>,
          tpu.vector_store %arg12[%swap3A_304, %swap3A_305], %mul3A_303 {strides = array<i32>} : memref<128x128xf32, #tpu.memory_space<vmem>>, vector<16xf32>,
          %get3A_307 = arith.index_cast %add3A_283 : i32 to index
          %get3A_308 = arith.constant 48 : index
          %get3A_309 = tpu.vector_load %arg12[%get3A_307, %get3A_308] {strides = array<i32>} : memref<128x128xf32, #tpu.memory_space<vmem>>, vector<16xf32>,
          %mul3A_310 = arith.mulf %get3A_309, %gather3A : vector<16xf32>
          %swap3A_311 = arith.index_cast %add3A_283 : i32 to index
          %swap3A_312 = arith.constant 48 : index
          %swap3A_313 = tpu.vector_load %arg12[%swap3A_311, %swap3A_312] {strides = array<i32>} : memref<128x128xf32, #tpu.memory_space<vmem>>, vector<16xf32>,
          tpu.vector_store %arg12[%swap3A_311, %swap3A_312], %mul3A_310 {strides = array<i32>} : memref<128x128xf32, #tpu.memory_space<vmem>>, vector<16xf32>,
          %get3A_314 = arith.index_cast %add3A_283 : i32 to index
          %get3A_315 = arith.constant 64 : index
          %get3A_316 = tpu.vector_load %arg12[%get3A_314, %get3A_315] {strides = array<i32>} : memref<128x128xf32, #tpu.memory_space<vmem>>, vector<16xf32>,
          %mul3A_317 = arith.mulf %get3A_316, %gather3A : vector<16xf32>
          %swap3A_318 = arith.index_cast %add3A_283 : i32 to index
          %swap3A_319 = arith.constant 64 : index
          %swap3A_320 = tpu.vector_load %arg12[%swap3A_318, %swap3A_319] {strides = array<i32>} : memref<128x128xf32, #tpu.memory_space<vmem>>, vector<16xf32>,
          tpu.vector_store %arg12[%swap3A_318, %swap3A_319], %mul3A_317 {strides = array<i32>} : memref<128x128xf32, #tpu.memory_space<vmem>>, vector<16xf32>,
          %get3A_321 = arith.index_cast %add3A_283 : i32 to index
          %get3A_322 = arith.constant 80 : index
          %get3A_323 = tpu.vector_load %arg12[%get3A_321, %get3A_322] {strides = array<i32>} : memref<128x128xf32, #tpu.memory_space<vmem>>, vector<16xf32>,
          %mul3A_324 = arith.mulf %get3A_323, %gather3A : vector<16xf32>
          %swap3A_325 = arith.index_cast %add3A_283 : i32 to index
          %swap3A_326 = arith.constant 80 : index
          %swap3A_327 = tpu.vector_load %arg12[%swap3A_325, %swap3A_326] {strides = array<i32>} : memref<128x128xf32, #tpu.memory_space<vmem>>, vector<16xf32>,
          tpu.vector_store %arg12[%swap3A_325, %swap3A_326], %mul3A_324 {strides = array<i32>} : memref<128x128xf32, #tpu.memory_space<vmem>>, vector<16xf32>,
          %get3A_328 = arith.index_cast %add3A_283 : i32 to index
          %get3A_329 = arith.constant 96 : index
          %get3A_330 = tpu.vector_load %arg12[%get3A_328, %get3A_329] {strides = array<i32>} : memref<128x128xf32, #tpu.memory_space<vmem>>, vector<16xf32>,
          %mul3A_331 = arith.mulf %get3A_330, %gather3A : vector<16xf32>
          %swap3A_332 = arith.index_cast %add3A_283 : i32 to index
          %swap3A_333 = arith.constant 96 : index
          %swap3A_334 = tpu.vector_load %arg12[%swap3A_332, %swap3A_333] {strides = array<i32>} : memref<128x128xf32, #tpu.memory_space<vmem>>, vector<16xf32>,
          tpu.vector_store %arg12[%swap3A_332, %swap3A_333], %mul3A_331 {strides = array<i32>} : memref<128x128xf32, #tpu.memory_space<vmem>>, vector<16xf32>,
          %get3A_335 = arith.index_cast %add3A_283 : i32 to index
          %get3A_336 = arith.constant 112 : index
          %get3A_337 = tpu.vector_load %arg12[%get3A_335, %get3A_336] {strides = array<i32>} : memref<128x128xf32, #tpu.memory_space<vmem>>, vector<16xf32>,
          %mul3A_338 = arith.mulf %get3A_337, %gather3A : vector<16xf32>
          %swap3A_339 = arith.index_cast %add3A_283 : i32 to index
          %swap3A_340 = arith.constant 112 : index
          %swap3A_341 = tpu.vector_load %arg12[%swap3A_339, %swap3A_340] {strides = array<i32>} : memref<128x128xf32, #tpu.memory_space<vmem>>, vector<16xf32>,
          tpu.vector_store %arg12[%swap3A_339, %swap3A_340], %mul3A_338 {strides = array<i32>} : memref<128x128xf32, #tpu.memory_space<vmem>>, vector<16xf32>,
          %mul3A_342 = arith.constant 4 : i32
          %mul3A_343 = arith.muli %scan3A_279, %mul3A_342 : i32
          %add3A_344 = arith.constant 1 : i32
          %add3A_345 = arith.addi %mul3A_343, %add3A_344 : i32
          %mul3A_346 = arith.constant 128 : i32
          %mul3A_347 = arith.muli %mul3A_130, %mul3A_346 : i32
          %add3A_348 = arith.addi %mul3A_347, %add3A_345 : i32
          %broadcast_in_dim3A_349 = vector.broadcast %add3A_348 : i32 to vector<16xi32>
          %gather3A_350 = tpu.vector_load_idx %arg9[%broadcast_in_dim3A_349] : memref<10240xf32, #tpu.memory_space<vmem>>[vector<16xi32>], vector<16xf32>,
          %get3A_351 = arith.index_cast %add3A_345 : i32 to index
          %get3A_352 = arith.constant 0 : index
          %get3A_353 = tpu.vector_load %arg12[%get3A_351, %get3A_352] {strides = array<i32>} : memref<128x128xf32, #tpu.memory_space<vmem>>, vector<16xf32>,
          %mul3A_354 = arith.mulf %get3A_353, %gather3A_350 : vector<16xf32>
          %swap3A_355 = arith.index_cast %add3A_345 : i32 to index
          %swap3A_356 = arith.constant 0 : index
          %swap3A_357 = tpu.vector_load %arg12[%swap3A_355, %swap3A_356] {strides = array<i32>} : memref<128x128xf32, #tpu.memory_space<vmem>>, vector<16xf32>,
          tpu.vector_store %arg12[%swap3A_355, %swap3A_356], %mul3A_354 {strides = array<i32>} : memref<128x128xf32, #tpu.memory_space<vmem>>, vector<16xf32>,
          %get3A_358 = arith.index_cast %add3A_345 : i32 to index
          %get3A_359 = arith.constant 16 : index
          %get3A_360 = tpu.vector_load %arg12[%get3A_358, %get3A_359] {strides = array<i32>} : memref<128x128xf32, #tpu.memory_space<vmem>>, vector<16xf32>,
          %mul3A_361 = arith.mulf %get3A_360, %gather3A_350 : vector<16xf32>
          %swap3A_362 = arith.index_cast %add3A_345 : i32 to index
          %swap3A_363 = arith.constant 16 : index
          %swap3A_364 = tpu.vector_load %arg12[%swap3A_362, %swap3A_363] {strides = array<i32>} : memref<128x128xf32, #tpu.memory_space<vmem>>, vector<16xf32>,
          tpu.vector_store %arg12[%swap3A_362, %swap3A_363], %mul3A_361 {strides = array<i32>} : memref<128x128xf32, #tpu.memory_space<vmem>>, vector<16xf32>,
          %get3A_365 = arith.index_cast %add3A_345 : i32 to index
          %get3A_366 = arith.constant 32 : index
          %get3A_367 = tpu.vector_load %arg12[%get3A_365, %get3A_366] {strides = array<i32>} : memref<128x128xf32, #tpu.memory_space<vmem>>, vector<16xf32>,
          %mul3A_368 = arith.mulf %get3A_367, %gather3A_350 : vector<16xf32>
          %swap3A_369 = arith.index_cast %add3A_345 : i32 to index
          %swap3A_370 = arith.constant 32 : index
          %swap3A_371 = tpu.vector_load %arg12[%swap3A_369, %swap3A_370] {strides = array<i32>} : memref<128x128xf32, #tpu.memory_space<vmem>>, vector<16xf32>,
          tpu.vector_store %arg12[%swap3A_369, %swap3A_370], %mul3A_368 {strides = array<i32>} : memref<128x128xf32, #tpu.memory_space<vmem>>, vector<16xf32>,
          %get3A_372 = arith.index_cast %add3A_345 : i32 to index
          %get3A_373 = arith.constant 48 : index
          %get3A_374 = tpu.vector_load %arg12[%get3A_372, %get3A_373] {strides = array<i32>} : memref<128x128xf32, #tpu.memory_space<vmem>>, vector<16xf32>,
          %mul3A_375 = arith.mulf %get3A_374, %gather3A_350 : vector<16xf32>
          %swap3A_376 = arith.index_cast %add3A_345 : i32 to index
          %swap3A_377 = arith.constant 48 : index
          %swap3A_378 = tpu.vector_load %arg12[%swap3A_376, %swap3A_377] {strides = array<i32>} : memref<128x128xf32, #tpu.memory_space<vmem>>, vector<16xf32>,
          tpu.vector_store %arg12[%swap3A_376, %swap3A_377], %mul3A_375 {strides = array<i32>} : memref<128x128xf32, #tpu.memory_space<vmem>>, vector<16xf32>,
          %get3A_379 = arith.index_cast %add3A_345 : i32 to index
          %get3A_380 = arith.constant 64 : index
          %get3A_381 = tpu.vector_load %arg12[%get3A_379, %get3A_380] {strides = array<i32>} : memref<128x128xf32, #tpu.memory_space<vmem>>, vector<16xf32>,
          %mul3A_382 = arith.mulf %get3A_381, %gather3A_350 : vector<16xf32>
          %swap3A_383 = arith.index_cast %add3A_345 : i32 to index
          %swap3A_384 = arith.constant 64 : index
          %swap3A_385 = tpu.vector_load %arg12[%swap3A_383, %swap3A_384] {strides = array<i32>} : memref<128x128xf32, #tpu.memory_space<vmem>>, vector<16xf32>,
          tpu.vector_store %arg12[%swap3A_383, %swap3A_384], %mul3A_382 {strides = array<i32>} : memref<128x128xf32, #tpu.memory_space<vmem>>, vector<16xf32>,
          %get3A_386 = arith.index_cast %add3A_345 : i32 to index
          %get3A_387 = arith.constant 80 : index
          %get3A_388 = tpu.vector_load %arg12[%get3A_386, %get3A_387] {strides = array<i32>} : memref<128x128xf32, #tpu.memory_space<vmem>>, vector<16xf32>,
          %mul3A_389 = arith.mulf %get3A_388, %gather3A_350 : vector<16xf32>
          %swap3A_390 = arith.index_cast %add3A_345 : i32 to index
          %swap3A_391 = arith.constant 80 : index
          %swap3A_392 = tpu.vector_load %arg12[%swap3A_390, %swap3A_391] {strides = array<i32>} : memref<128x128xf32, #tpu.memory_space<vmem>>, vector<16xf32>,
          tpu.vector_store %arg12[%swap3A_390, %swap3A_391], %mul3A_389 {strides = array<i32>} : memref<128x128xf32, #tpu.memory_space<vmem>>, vector<16xf32>,
          %get3A_393 = arith.index_cast %add3A_345 : i32 to index
          %get3A_394 = arith.constant 96 : index
          %get3A_395 = tpu.vector_load %arg12[%get3A_393, %get3A_394] {strides = array<i32>} : memref<128x128xf32, #tpu.memory_space<vmem>>, vector<16xf32>,
          %mul3A_396 = arith.mulf %get3A_395, %gather3A_350 : vector<16xf32>
          %swap3A_397 = arith.index_cast %add3A_345 : i32 to index
          %swap3A_398 = arith.constant 96 : index
          %swap3A_399 = tpu.vector_load %arg12[%swap3A_397, %swap3A_398] {strides = array<i32>} : memref<128x128xf32, #tpu.memory_space<vmem>>, vector<16xf32>,
          tpu.vector_store %arg12[%swap3A_397, %swap3A_398], %mul3A_396 {strides = array<i32>} : memref<128x128xf32, #tpu.memory_space<vmem>>, vector<16xf32>,
          %get3A_400 = arith.index_cast %add3A_345 : i32 to index
          %get3A_401 = arith.constant 112 : index
          %get3A_402 = tpu.vector_load %arg12[%get3A_400, %get3A_401] {strides = array<i32>} : memref<128x128xf32, #tpu.memory_space<vmem>>, vector<16xf32>,
          %mul3A_403 = arith.mulf %get3A_402, %gather3A_350 : vector<16xf32>
          %swap3A_404 = arith.index_cast %add3A_345 : i32 to index
          %swap3A_405 = arith.constant 112 : index
          %swap3A_406 = tpu.vector_load %arg12[%swap3A_404, %swap3A_405] {strides = array<i32>} : memref<128x128xf32, #tpu.memory_space<vmem>>, vector<16xf32>,
          tpu.vector_store %arg12[%swap3A_404, %swap3A_405], %mul3A_403 {strides = array<i32>} : memref<128x128xf32, #tpu.memory_space<vmem>>, vector<16xf32>,
          %mul3A_407 = arith.constant 4 : i32
          %mul3A_408 = arith.muli %scan3A_279, %mul3A_407 : i32
          %add3A_409 = arith.constant 2 : i32
          %add3A_410 = arith.addi %mul3A_408, %add3A_409 : i32
          %mul3A_411 = arith.constant 128 : i32
          %mul3A_412 = arith.muli %mul3A_130, %mul3A_411 : i32
          %add3A_413 = arith.addi %mul3A_412, %add3A_410 : i32
          %broadcast_in_dim3A_414 = vector.broadcast %add3A_413 : i32 to vector<16xi32>
          %gather3A_415 = tpu.vector_load_idx %arg9[%broadcast_in_dim3A_414] : memref<10240xf32, #tpu.memory_space<vmem>>[vector<16xi32>], vector<16xf32>,
          %get3A_416 = arith.index_cast %add3A_410 : i32 to index
          %get3A_417 = arith.constant 0 : index
          %get3A_418 = tpu.vector_load %arg12[%get3A_416, %get3A_417] {strides = array<i32>} : memref<128x128xf32, #tpu.memory_space<vmem>>, vector<16xf32>,
          %mul3A_419 = arith.mulf %get3A_418, %gather3A_415 : vector<16xf32>
          %swap3A_420 = arith.index_cast %add3A_410 : i32 to index
          %swap3A_421 = arith.constant 0 : index
          %swap3A_422 = tpu.vector_load %arg12[%swap3A_420, %swap3A_421] {strides = array<i32>} : memref<128x128xf32, #tpu.memory_space<vmem>>, vector<16xf32>,
          tpu.vector_store %arg12[%swap3A_420, %swap3A_421], %mul3A_419 {strides = array<i32>} : memref<128x128xf32, #tpu.memory_space<vmem>>, vector<16xf32>,
          %get3A_423 = arith.index_cast %add3A_410 : i32 to index
          %get3A_424 = arith.constant 16 : index
          %get3A_425 = tpu.vector_load %arg12[%get3A_423, %get3A_424] {strides = array<i32>} : memref<128x128xf32, #tpu.memory_space<vmem>>, vector<16xf32>,
          %mul3A_426 = arith.mulf %get3A_425, %gather3A_415 : vector<16xf32>
          %swap3A_427 = arith.index_cast %add3A_410 : i32 to index
          %swap3A_428 = arith.constant 16 : index
          %swap3A_429 = tpu.vector_load %arg12[%swap3A_427, %swap3A_428] {strides = array<i32>} : memref<128x128xf32, #tpu.memory_space<vmem>>, vector<16xf32>,
          tpu.vector_store %arg12[%swap3A_427, %swap3A_428], %mul3A_426 {strides = array<i32>} : memref<128x128xf32, #tpu.memory_space<vmem>>, vector<16xf32>,
          %get3A_430 = arith.index_cast %add3A_410 : i32 to index
          %get3A_431 = arith.constant 32 : index
          %get3A_432 = tpu.vector_load %arg12[%get3A_430, %get3A_431] {strides = array<i32>} : memref<128x128xf32, #tpu.memory_space<vmem>>, vector<16xf32>,
          %mul3A_433 = arith.mulf %get3A_432, %gather3A_415 : vector<16xf32>
          %swap3A_434 = arith.index_cast %add3A_410 : i32 to index
          %swap3A_435 = arith.constant 32 : index
          %swap3A_436 = tpu.vector_load %arg12[%swap3A_434, %swap3A_435] {strides = array<i32>} : memref<128x128xf32, #tpu.memory_space<vmem>>, vector<16xf32>,
          tpu.vector_store %arg12[%swap3A_434, %swap3A_435], %mul3A_433 {strides = array<i32>} : memref<128x128xf32, #tpu.memory_space<vmem>>, vector<16xf32>,
          %get3A_437 = arith.index_cast %add3A_410 : i32 to index
          %get3A_438 = arith.constant 48 : index
          %get3A_439 = tpu.vector_load %arg12[%get3A_437, %get3A_438] {strides = array<i32>} : memref<128x128xf32, #tpu.memory_space<vmem>>, vector<16xf32>,
          %mul3A_440 = arith.mulf %get3A_439, %gather3A_415 : vector<16xf32>
          %swap3A_441 = arith.index_cast %add3A_410 : i32 to index
          %swap3A_442 = arith.constant 48 : index
          %swap3A_443 = tpu.vector_load %arg12[%swap3A_441, %swap3A_442] {strides = array<i32>} : memref<128x128xf32, #tpu.memory_space<vmem>>, vector<16xf32>,
          tpu.vector_store %arg12[%swap3A_441, %swap3A_442], %mul3A_440 {strides = array<i32>} : memref<128x128xf32, #tpu.memory_space<vmem>>, vector<16xf32>,
          %get3A_444 = arith.index_cast %add3A_410 : i32 to index
          %get3A_445 = arith.constant 64 : index
          %get3A_446 = tpu.vector_load %arg12[%get3A_444, %get3A_445] {strides = array<i32>} : memref<128x128xf32, #tpu.memory_space<vmem>>, vector<16xf32>,
          %mul3A_447 = arith.mulf %get3A_446, %gather3A_415 : vector<16xf32>
          %swap3A_448 = arith.index_cast %add3A_410 : i32 to index
          %swap3A_449 = arith.constant 64 : index
          %swap3A_450 = tpu.vector_load %arg12[%swap3A_448, %swap3A_449] {strides = array<i32>} : memref<128x128xf32, #tpu.memory_space<vmem>>, vector<16xf32>,
          tpu.vector_store %arg12[%swap3A_448, %swap3A_449], %mul3A_447 {strides = array<i32>} : memref<128x128xf32, #tpu.memory_space<vmem>>, vector<16xf32>,
          %get3A_451 = arith.index_cast %add3A_410 : i32 to index
          %get3A_452 = arith.constant 80 : index
          %get3A_453 = tpu.vector_load %arg12[%get3A_451, %get3A_452] {strides = array<i32>} : memref<128x128xf32, #tpu.memory_space<vmem>>, vector<16xf32>,
          %mul3A_454 = arith.mulf %get3A_453, %gather3A_415 : vector<16xf32>
          %swap3A_455 = arith.index_cast %add3A_410 : i32 to index
          %swap3A_456 = arith.constant 80 : index
          %swap3A_457 = tpu.vector_load %arg12[%swap3A_455, %swap3A_456] {strides = array<i32>} : memref<128x128xf32, #tpu.memory_space<vmem>>, vector<16xf32>,
          tpu.vector_store %arg12[%swap3A_455, %swap3A_456], %mul3A_454 {strides = array<i32>} : memref<128x128xf32, #tpu.memory_space<vmem>>, vector<16xf32>,
          %get3A_458 = arith.index_cast %add3A_410 : i32 to index
          %get3A_459 = arith.constant 96 : index
          %get3A_460 = tpu.vector_load %arg12[%get3A_458, %get3A_459] {strides = array<i32>} : memref<128x128xf32, #tpu.memory_space<vmem>>, vector<16xf32>,
          %mul3A_461 = arith.mulf %get3A_460, %gather3A_415 : vector<16xf32>
          %swap3A_462 = arith.index_cast %add3A_410 : i32 to index
          %swap3A_463 = arith.constant 96 : index
          %swap3A_464 = tpu.vector_load %arg12[%swap3A_462, %swap3A_463] {strides = array<i32>} : memref<128x128xf32, #tpu.memory_space<vmem>>, vector<16xf32>,
          tpu.vector_store %arg12[%swap3A_462, %swap3A_463], %mul3A_461 {strides = array<i32>} : memref<128x128xf32, #tpu.memory_space<vmem>>, vector<16xf32>,
          %get3A_465 = arith.index_cast %add3A_410 : i32 to index
          %get3A_466 = arith.constant 112 : index
          %get3A_467 = tpu.vector_load %arg12[%get3A_465, %get3A_466] {strides = array<i32>} : memref<128x128xf32, #tpu.memory_space<vmem>>, vector<16xf32>,
          %mul3A_468 = arith.mulf %get3A_467, %gather3A_415 : vector<16xf32>
          %swap3A_469 = arith.index_cast %add3A_410 : i32 to index
          %swap3A_470 = arith.constant 112 : index
          %swap3A_471 = tpu.vector_load %arg12[%swap3A_469, %swap3A_470] {strides = array<i32>} : memref<128x128xf32, #tpu.memory_space<vmem>>, vector<16xf32>,
          tpu.vector_store %arg12[%swap3A_469, %swap3A_470], %mul3A_468 {strides = array<i32>} : memref<128x128xf32, #tpu.memory_space<vmem>>, vector<16xf32>,
          %mul3A_472 = arith.constant 4 : i32
          %mul3A_473 = arith.muli %scan3A_279, %mul3A_472 : i32
          %add3A_474 = arith.constant 3 : i32
          %add3A_475 = arith.addi %mul3A_473, %add3A_474 : i32
          %mul3A_476 = arith.constant 128 : i32
          %mul3A_477 = arith.muli %mul3A_130, %mul3A_476 : i32
          %add3A_478 = arith.addi %mul3A_477, %add3A_475 : i32
          %broadcast_in_dim3A_479 = vector.broadcast %add3A_478 : i32 to vector<16xi32>
          %gather3A_480 = tpu.vector_load_idx %arg9[%broadcast_in_dim3A_479] : memref<10240xf32, #tpu.memory_space<vmem>>[vector<16xi32>], vector<16xf32>,
          %get3A_481 = arith.index_cast %add3A_475 : i32 to index
          %get3A_482 = arith.constant 0 : index
          %get3A_483 = tpu.vector_load %arg12[%get3A_481, %get3A_482] {strides = array<i32>} : memref<128x128xf32, #tpu.memory_space<vmem>>, vector<16xf32>,
          %mul3A_484 = arith.mulf %get3A_483, %gather3A_480 : vector<16xf32>
          %swap3A_485 = arith.index_cast %add3A_475 : i32 to index
          %swap3A_486 = arith.constant 0 : index
          %swap3A_487 = tpu.vector_load %arg12[%swap3A_485, %swap3A_486] {strides = array<i32>} : memref<128x128xf32, #tpu.memory_space<vmem>>, vector<16xf32>,
          tpu.vector_store %arg12[%swap3A_485, %swap3A_486], %mul3A_484 {strides = array<i32>} : memref<128x128xf32, #tpu.memory_space<vmem>>, vector<16xf32>,
          %get3A_488 = arith.index_cast %add3A_475 : i32 to index
          %get3A_489 = arith.constant 16 : index
          %get3A_490 = tpu.vector_load %arg12[%get3A_488, %get3A_489] {strides = array<i32>} : memref<128x128xf32, #tpu.memory_space<vmem>>, vector<16xf32>,
          %mul3A_491 = arith.mulf %get3A_490, %gather3A_480 : vector<16xf32>
          %swap3A_492 = arith.index_cast %add3A_475 : i32 to index
          %swap3A_493 = arith.constant 16 : index
          %swap3A_494 = tpu.vector_load %arg12[%swap3A_492, %swap3A_493] {strides = array<i32>} : memref<128x128xf32, #tpu.memory_space<vmem>>, vector<16xf32>,
          tpu.vector_store %arg12[%swap3A_492, %swap3A_493], %mul3A_491 {strides = array<i32>} : memref<128x128xf32, #tpu.memory_space<vmem>>, vector<16xf32>,
          %get3A_495 = arith.index_cast %add3A_475 : i32 to index
          %get3A_496 = arith.constant 32 : index
          %get3A_497 = tpu.vector_load %arg12[%get3A_495, %get3A_496] {strides = array<i32>} : memref<128x128xf32, #tpu.memory_space<vmem>>, vector<16xf32>,
          %mul3A_498 = arith.mulf %get3A_497, %gather3A_480 : vector<16xf32>
          %swap3A_499 = arith.index_cast %add3A_475 : i32 to index
          %swap3A_500 = arith.constant 32 : index
          %swap3A_501 = tpu.vector_load %arg12[%swap3A_499, %swap3A_500] {strides = array<i32>} : memref<128x128xf32, #tpu.memory_space<vmem>>, vector<16xf32>,
          tpu.vector_store %arg12[%swap3A_499, %swap3A_500], %mul3A_498 {strides = array<i32>} : memref<128x128xf32, #tpu.memory_space<vmem>>, vector<16xf32>,
          %get3A_502 = arith.index_cast %add3A_475 : i32 to index
          %get3A_503 = arith.constant 48 : index
          %get3A_504 = tpu.vector_load %arg12[%get3A_502, %get3A_503] {strides = array<i32>} : memref<128x128xf32, #tpu.memory_space<vmem>>, vector<16xf32>,
          %mul3A_505 = arith.mulf %get3A_504, %gather3A_480 : vector<16xf32>
          %swap3A_506 = arith.index_cast %add3A_475 : i32 to index
          %swap3A_507 = arith.constant 48 : index
          %swap3A_508 = tpu.vector_load %arg12[%swap3A_506, %swap3A_507] {strides = array<i32>} : memref<128x128xf32, #tpu.memory_space<vmem>>, vector<16xf32>,
          tpu.vector_store %arg12[%swap3A_506, %swap3A_507], %mul3A_505 {strides = array<i32>} : memref<128x128xf32, #tpu.memory_space<vmem>>, vector<16xf32>,
          %get3A_509 = arith.index_cast %add3A_475 : i32 to index
          %get3A_510 = arith.constant 64 : index
          %get3A_511 = tpu.vector_load %arg12[%get3A_509, %get3A_510] {strides = array<i32>} : memref<128x128xf32, #tpu.memory_space<vmem>>, vector<16xf32>,
          %mul3A_512 = arith.mulf %get3A_511, %gather3A_480 : vector<16xf32>
          %swap3A_513 = arith.index_cast %add3A_475 : i32 to index
          %swap3A_514 = arith.constant 64 : index
          %swap3A_515 = tpu.vector_load %arg12[%swap3A_513, %swap3A_514] {strides = array<i32>} : memref<128x128xf32, #tpu.memory_space<vmem>>, vector<16xf32>,
          tpu.vector_store %arg12[%swap3A_513, %swap3A_514], %mul3A_512 {strides = array<i32>} : memref<128x128xf32, #tpu.memory_space<vmem>>, vector<16xf32>,
          %get3A_516 = arith.index_cast %add3A_475 : i32 to index
          %get3A_517 = arith.constant 80 : index
          %get3A_518 = tpu.vector_load %arg12[%get3A_516, %get3A_517] {strides = array<i32>} : memref<128x128xf32, #tpu.memory_space<vmem>>, vector<16xf32>,
          %mul3A_519 = arith.mulf %get3A_518, %gather3A_480 : vector<16xf32>
          %swap3A_520 = arith.index_cast %add3A_475 : i32 to index
          %swap3A_521 = arith.constant 80 : index
          %swap3A_522 = tpu.vector_load %arg12[%swap3A_520, %swap3A_521] {strides = array<i32>} : memref<128x128xf32, #tpu.memory_space<vmem>>, vector<16xf32>,
          tpu.vector_store %arg12[%swap3A_520, %swap3A_521], %mul3A_519 {strides = array<i32>} : memref<128x128xf32, #tpu.memory_space<vmem>>, vector<16xf32>,
          %get3A_523 = arith.index_cast %add3A_475 : i32 to index
          %get3A_524 = arith.constant 96 : index
          %get3A_525 = tpu.vector_load %arg12[%get3A_523, %get3A_524] {strides = array<i32>} : memref<128x128xf32, #tpu.memory_space<vmem>>, vector<16xf32>,
          %mul3A_526 = arith.mulf %get3A_525, %gather3A_480 : vector<16xf32>
          %swap3A_527 = arith.index_cast %add3A_475 : i32 to index
          %swap3A_528 = arith.constant 96 : index
          %swap3A_529 = tpu.vector_load %arg12[%swap3A_527, %swap3A_528] {strides = array<i32>} : memref<128x128xf32, #tpu.memory_space<vmem>>, vector<16xf32>,
          tpu.vector_store %arg12[%swap3A_527, %swap3A_528], %mul3A_526 {strides = array<i32>} : memref<128x128xf32, #tpu.memory_space<vmem>>, vector<16xf32>,
          %get3A_530 = arith.index_cast %add3A_475 : i32 to index
          %get3A_531 = arith.constant 112 : index
          %get3A_532 = tpu.vector_load %arg12[%get3A_530, %get3A_531] {strides = array<i32>} : memref<128x128xf32, #tpu.memory_space<vmem>>, vector<16xf32>,
          %mul3A_533 = arith.mulf %get3A_532, %gather3A_480 : vector<16xf32>
          %swap3A_534 = arith.index_cast %add3A_475 : i32 to index
          %swap3A_535 = arith.constant 112 : index
          %swap3A_536 = tpu.vector_load %arg12[%swap3A_534, %swap3A_535] {strides = array<i32>} : memref<128x128xf32, #tpu.memory_space<vmem>>, vector<16xf32>,
          tpu.vector_store %arg12[%swap3A_534, %swap3A_535], %mul3A_533 {strides = array<i32>} : memref<128x128xf32, #tpu.memory_space<vmem>>, vector<16xf32>,
        }
        %scan3A_207 = arith.constant 32 : i32
        %shift_right_arithmetic3A_208 = arith.constant 3 : i32
        %shift_right_arithmetic3A_209 = arith.shrsi %mul3A_130, %shift_right_arithmetic3A_208 : i32
        %and3A_210 = arith.constant 1 : i32
        %and3A_211 = arith.andi %shift_right_arithmetic3A_209, %and3A_210 : i32
        %and3A_212 = arith.constant 7 : i32
        %and3A_213 = arith.andi %mul3A_130, %and3A_212 : i32
        %dma_start3A_214 = arith.constant 0 : i32
        %dma_start3A_215 = tpu.memref_slice %arg11[%and3A_211, %and3A_213, %dma_start3A_214] : memref<2x8x128xi32, #tpu.memory_space<vmem>> -> memref<1x1x128xi32, #tpu.memory_space<vmem>>
        %dma_start3A_216 = tpu.memref_squeeze %dma_start3A_215 : memref<1x1x128xi32, #tpu.memory_space<vmem>> -> memref<128xi32, #tpu.memory_space<vmem>>
        %dma_start3A_217 = arith.constant 0 : i32
        %dma_start3A_218 = arith.constant 0 : i32
        %dma_start3A_219 = tpu.memref_slice %arg15[%dma_start3A_217, %dma_start3A_218] : memref<10240x128xf32, #tpu.memory_space<vmem_shared>> -> memref<10240x128xf32, #tpu.memory_space<vmem_shared>>
        tpu.enqueue_indirect_dma source(%arg12 : memref<128x128xf32, #tpu.memory_space<vmem>>) target(%dma_start3A_219 : memref<10240x128xf32, #tpu.memory_space<vmem_shared>>) offsets(%dma_start3A_216 : memref<128xi32, #tpu.memory_space<vmem>>) semaphore(%arg21 : memref<!tpu.dma_semaphore, #tpu.memory_space<semaphore_mem>>) {add = true}
        %add3A_220 = arith.constant 1 : i32
        %add3A_221 = arith.addi %mul3A_130, %add3A_220 : i32
        %shift_right_arithmetic3A_222 = arith.constant 3 : i32
        %shift_right_arithmetic3A_223 = arith.shrsi %add3A_221, %shift_right_arithmetic3A_222 : i32
        %and3A_224 = arith.constant 1 : i32
        %and3A_225 = arith.andi %shift_right_arithmetic3A_223, %and3A_224 : i32
        %and3A_226 = arith.constant 7 : i32
        %and3A_227 = arith.andi %add3A_221, %and3A_226 : i32
        %dma_wait3A_228 = arith.constant 0 : i32
        %dma_wait3A_229 = tpu.memref_slice %arg10[%and3A_225, %and3A_227, %dma_wait3A_228] : memref<2x8x128xi32, #tpu.memory_space<vmem>> -> memref<1x1x128xi32, #tpu.memory_space<vmem>>
        %dma_wait3A_230 = tpu.memref_squeeze %dma_wait3A_229 : memref<1x1x128xi32, #tpu.memory_space<vmem>> -> memref<128xi32, #tpu.memory_space<vmem>>
        %dma_wait3A_231 = arith.constant 0 : i32
        %dma_wait3A_232 = arith.constant 0 : i32
        %dma_wait3A_233 = tpu.memref_slice %arg2[%dma_wait3A_231, %dma_wait3A_232] : memref<10240x128xf32, #tpu.memory_space<hbm>> -> memref<10240x128xf32, #tpu.memory_space<hbm>>
        tpu.wait_indirect_dma semaphore(%arg18 : memref<!tpu.dma_semaphore, #tpu.memory_space<semaphore_mem>>) src(%dma_wait3A_233 : memref<10240x128xf32, #tpu.memory_space<hbm>>) dst(%arg13 : memref<128x128xf32, #tpu.memory_space<vmem>>)
        %shift_right_arithmetic3A_234 = arith.constant 3 : i32
        %shift_right_arithmetic3A_235 = arith.shrsi %mul3A_130, %shift_right_arithmetic3A_234 : i32
        %and3A_236 = arith.constant 1 : i32
        %and3A_237 = arith.andi %shift_right_arithmetic3A_235, %and3A_236 : i32
        %and3A_238 = arith.constant 7 : i32
        %and3A_239 = arith.andi %mul3A_130, %and3A_238 : i32
        %dma_wait3A_240 = arith.constant 0 : i32
        %dma_wait3A_241 = tpu.memref_slice %arg11[%and3A_237, %and3A_239, %dma_wait3A_240] : memref<2x8x128xi32, #tpu.memory_space<vmem>> -> memref<1x1x128xi32, #tpu.memory_space<vmem>>
        %dma_wait3A_242 = tpu.memref_squeeze %dma_wait3A_241 : memref<1x1x128xi32, #tpu.memory_space<vmem>> -> memref<128xi32, #tpu.memory_space<vmem>>
        %dma_wait3A_243 = arith.constant 0 : i32
        %dma_wait3A_244 = arith.constant 0 : i32
        %dma_wait3A_245 = tpu.memref_slice %arg15[%dma_wait3A_243, %dma_wait3A_244] : memref<10240x128xf32, #tpu.memory_space<vmem_shared>> -> memref<10240x128xf32, #tpu.memory_space<vmem_shared>>
        tpu.wait_indirect_dma semaphore(%arg21 : memref<!tpu.dma_semaphore, #tpu.memory_space<semaphore_mem>>) src(%arg12 : memref<128x128xf32, #tpu.memory_space<vmem>>) dst(%dma_wait3A_245 : memref<10240x128xf32, #tpu.memory_space<vmem_shared>>)
        %lt3A_246 = arith.constant 39 : i32
        %lt3A_247 = arith.cmpi slt, %scan3A_119, %lt3A_246 : i32
        %convert_element_type3A_248 = arith.extui %lt3A_247 : i1 to i32
        %cond3A_249 = arith.constant 0 : i32
        %cond3A_250 = arith.cmpi ne, %convert_element_type3A_248, %cond3A_249 : i32
        scf.if %cond3A_250 {
          %add3A_279 = arith.constant 2 : i32
          %add3A_280 = arith.addi %mul3A_130, %add3A_279 : i32
          %shift_right_arithmetic3A_281 = arith.constant 3 : i32
          %shift_right_arithmetic3A_282 = arith.shrsi %add3A_280, %shift_right_arithmetic3A_281 : i32
          %and3A_283 = arith.constant 1 : i32
          %and3A_284 = arith.andi %shift_right_arithmetic3A_282, %and3A_283 : i32
          %and3A_285 = arith.constant 7 : i32
          %and3A_286 = arith.andi %add3A_280, %and3A_285 : i32
          %dma_start3A_287 = arith.constant 0 : i32
          %dma_start3A_288 = tpu.memref_slice %arg10[%and3A_284, %and3A_286, %dma_start3A_287] : memref<2x8x128xi32, #tpu.memory_space<vmem>> -> memref<1x1x128xi32, #tpu.memory_space<vmem>>
          %dma_start3A_289 = tpu.memref_squeeze %dma_start3A_288 : memref<1x1x128xi32, #tpu.memory_space<vmem>> -> memref<128xi32, #tpu.memory_space<vmem>>
          %dma_start3A_290 = arith.constant 0 : i32
          %dma_start3A_291 = arith.constant 0 : i32
          %dma_start3A_292 = tpu.memref_slice %arg2[%dma_start3A_290, %dma_start3A_291] : memref<10240x128xf32, #tpu.memory_space<hbm>> -> memref<10240x128xf32, #tpu.memory_space<hbm>>
          tpu.enqueue_indirect_dma source(%dma_start3A_292 : memref<10240x128xf32, #tpu.memory_space<hbm>>) target(%arg12 : memref<128x128xf32, #tpu.memory_space<vmem>>) offsets(%dma_start3A_289 : memref<128xi32, #tpu.memory_space<vmem>>) semaphore(%arg17 : memref<!tpu.dma_semaphore, #tpu.memory_space<semaphore_mem>>)
        } else {
        }
        %add3A_251 = arith.constant 1 : i32
        %add3A_252 = arith.addi %mul3A_130, %add3A_251 : i32
        %shift_right_arithmetic3A_253 = arith.constant 3 : i32
        %shift_right_arithmetic3A_254 = arith.shrsi %add3A_252, %shift_right_arithmetic3A_253 : i32
        %and3A_255 = arith.constant 1 : i32
        %and3A_256 = arith.andi %shift_right_arithmetic3A_254, %and3A_255 : i32
        %and3A_257 = arith.constant 7 : i32
        %and3A_258 = arith.andi %add3A_252, %and3A_257 : i32
        %scan3A_259 = arith.constant 0 : i32
        %scan3A_260 = arith.constant 0 : i32
        %scan3A_261 = arith.constant 32 : i32
        %scan3A_262 = arith.addi %scan3A_260, %scan3A_261 : i32
        %scan3A_263 = arith.constant 1 : i32
        scf.for %scan3A_279 = %scan3A_260 to %scan3A_262 step %scan3A_263  : i32 {
          %mul3A_280 = arith.constant 4 : i32
          %mul3A_281 = arith.muli %scan3A_279, %mul3A_280 : i32
          %add3A_282 = arith.constant 0 : i32
          %add3A_283 = arith.addi %mul3A_281, %add3A_282 : i32
          %mul3A_284 = arith.constant 128 : i32
          %mul3A_285 = arith.muli %add3A_252, %mul3A_284 : i32
          %add3A_286 = arith.addi %mul3A_285, %add3A_283 : i32
          %broadcast_in_dim3A_287 = vector.broadcast %add3A_286 : i32 to vector<16xi32>
          %gather3A = tpu.vector_load_idx %arg9[%broadcast_in_dim3A_287] : memref<10240xf32, #tpu.memory_space<vmem>>[vector<16xi32>], vector<16xf32>,
          %get3A = arith.index_cast %add3A_283 : i32 to index
          %get3A_288 = arith.constant 0 : index
          %get3A_289 = tpu.vector_load %arg13[%get3A, %get3A_288] {strides = array<i32>} : memref<128x128xf32, #tpu.memory_space<vmem>>, vector<16xf32>,
          %mul3A_290 = arith.mulf %get3A_289, %gather3A : vector<16xf32>
          %swap3A = arith.index_cast %add3A_283 : i32 to index
          %swap3A_291 = arith.constant 0 : index
          %swap3A_292 = tpu.vector_load %arg13[%swap3A, %swap3A_291] {strides = array<i32>} : memref<128x128xf32, #tpu.memory_space<vmem>>, vector<16xf32>,
          tpu.vector_store %arg13[%swap3A, %swap3A_291], %mul3A_290 {strides = array<i32>} : memref<128x128xf32, #tpu.memory_space<vmem>>, vector<16xf32>,
          %get3A_293 = arith.index_cast %add3A_283 : i32 to index
          %get3A_294 = arith.constant 16 : index
          %get3A_295 = tpu.vector_load %arg13[%get3A_293, %get3A_294] {strides = array<i32>} : memref<128x128xf32, #tpu.memory_space<vmem>>, vector<16xf32>,
          %mul3A_296 = arith.mulf %get3A_295, %gather3A : vector<16xf32>
          %swap3A_297 = arith.index_cast %add3A_283 : i32 to index
          %swap3A_298 = arith.constant 16 : index
          %swap3A_299 = tpu.vector_load %arg13[%swap3A_297, %swap3A_298] {strides = array<i32>} : memref<128x128xf32, #tpu.memory_space<vmem>>, vector<16xf32>,
          tpu.vector_store %arg13[%swap3A_297, %swap3A_298], %mul3A_296 {strides = array<i32>} : memref<128x128xf32, #tpu.memory_space<vmem>>, vector<16xf32>,
          %get3A_300 = arith.index_cast %add3A_283 : i32 to index
          %get3A_301 = arith.constant 32 : index
          %get3A_302 = tpu.vector_load %arg13[%get3A_300, %get3A_301] {strides = array<i32>} : memref<128x128xf32, #tpu.memory_space<vmem>>, vector<16xf32>,
          %mul3A_303 = arith.mulf %get3A_302, %gather3A : vector<16xf32>
          %swap3A_304 = arith.index_cast %add3A_283 : i32 to index
          %swap3A_305 = arith.constant 32 : index
          %swap3A_306 = tpu.vector_load %arg13[%swap3A_304, %swap3A_305] {strides = array<i32>} : memref<128x128xf32, #tpu.memory_space<vmem>>, vector<16xf32>,
          tpu.vector_store %arg13[%swap3A_304, %swap3A_305], %mul3A_303 {strides = array<i32>} : memref<128x128xf32, #tpu.memory_space<vmem>>, vector<16xf32>,
          %get3A_307 = arith.index_cast %add3A_283 : i32 to index
          %get3A_308 = arith.constant 48 : index
          %get3A_309 = tpu.vector_load %arg13[%get3A_307, %get3A_308] {strides = array<i32>} : memref<128x128xf32, #tpu.memory_space<vmem>>, vector<16xf32>,
          %mul3A_310 = arith.mulf %get3A_309, %gather3A : vector<16xf32>
          %swap3A_311 = arith.index_cast %add3A_283 : i32 to index
          %swap3A_312 = arith.constant 48 : index
          %swap3A_313 = tpu.vector_load %arg13[%swap3A_311, %swap3A_312] {strides = array<i32>} : memref<128x128xf32, #tpu.memory_space<vmem>>, vector<16xf32>,
          tpu.vector_store %arg13[%swap3A_311, %swap3A_312], %mul3A_310 {strides = array<i32>} : memref<128x128xf32, #tpu.memory_space<vmem>>, vector<16xf32>,
          %get3A_314 = arith.index_cast %add3A_283 : i32 to index
          %get3A_315 = arith.constant 64 : index
          %get3A_316 = tpu.vector_load %arg13[%get3A_314, %get3A_315] {strides = array<i32>} : memref<128x128xf32, #tpu.memory_space<vmem>>, vector<16xf32>,
          %mul3A_317 = arith.mulf %get3A_316, %gather3A : vector<16xf32>
          %swap3A_318 = arith.index_cast %add3A_283 : i32 to index
          %swap3A_319 = arith.constant 64 : index
          %swap3A_320 = tpu.vector_load %arg13[%swap3A_318, %swap3A_319] {strides = array<i32>} : memref<128x128xf32, #tpu.memory_space<vmem>>, vector<16xf32>,
          tpu.vector_store %arg13[%swap3A_318, %swap3A_319], %mul3A_317 {strides = array<i32>} : memref<128x128xf32, #tpu.memory_space<vmem>>, vector<16xf32>,
          %get3A_321 = arith.index_cast %add3A_283 : i32 to index
          %get3A_322 = arith.constant 80 : index
          %get3A_323 = tpu.vector_load %arg13[%get3A_321, %get3A_322] {strides = array<i32>} : memref<128x128xf32, #tpu.memory_space<vmem>>, vector<16xf32>,
          %mul3A_324 = arith.mulf %get3A_323, %gather3A : vector<16xf32>
          %swap3A_325 = arith.index_cast %add3A_283 : i32 to index
          %swap3A_326 = arith.constant 80 : index
          %swap3A_327 = tpu.vector_load %arg13[%swap3A_325, %swap3A_326] {strides = array<i32>} : memref<128x128xf32, #tpu.memory_space<vmem>>, vector<16xf32>,
          tpu.vector_store %arg13[%swap3A_325, %swap3A_326], %mul3A_324 {strides = array<i32>} : memref<128x128xf32, #tpu.memory_space<vmem>>, vector<16xf32>,
          %get3A_328 = arith.index_cast %add3A_283 : i32 to index
          %get3A_329 = arith.constant 96 : index
          %get3A_330 = tpu.vector_load %arg13[%get3A_328, %get3A_329] {strides = array<i32>} : memref<128x128xf32, #tpu.memory_space<vmem>>, vector<16xf32>,
          %mul3A_331 = arith.mulf %get3A_330, %gather3A : vector<16xf32>
          %swap3A_332 = arith.index_cast %add3A_283 : i32 to index
          %swap3A_333 = arith.constant 96 : index
          %swap3A_334 = tpu.vector_load %arg13[%swap3A_332, %swap3A_333] {strides = array<i32>} : memref<128x128xf32, #tpu.memory_space<vmem>>, vector<16xf32>,
          tpu.vector_store %arg13[%swap3A_332, %swap3A_333], %mul3A_331 {strides = array<i32>} : memref<128x128xf32, #tpu.memory_space<vmem>>, vector<16xf32>,
          %get3A_335 = arith.index_cast %add3A_283 : i32 to index
          %get3A_336 = arith.constant 112 : index
          %get3A_337 = tpu.vector_load %arg13[%get3A_335, %get3A_336] {strides = array<i32>} : memref<128x128xf32, #tpu.memory_space<vmem>>, vector<16xf32>,
          %mul3A_338 = arith.mulf %get3A_337, %gather3A : vector<16xf32>
          %swap3A_339 = arith.index_cast %add3A_283 : i32 to index
          %swap3A_340 = arith.constant 112 : index
          %swap3A_341 = tpu.vector_load %arg13[%swap3A_339, %swap3A_340] {strides = array<i32>} : memref<128x128xf32, #tpu.memory_space<vmem>>, vector<16xf32>,
          tpu.vector_store %arg13[%swap3A_339, %swap3A_340], %mul3A_338 {strides = array<i32>} : memref<128x128xf32, #tpu.memory_space<vmem>>, vector<16xf32>,
          %mul3A_342 = arith.constant 4 : i32
          %mul3A_343 = arith.muli %scan3A_279, %mul3A_342 : i32
          %add3A_344 = arith.constant 1 : i32
          %add3A_345 = arith.addi %mul3A_343, %add3A_344 : i32
          %mul3A_346 = arith.constant 128 : i32
          %mul3A_347 = arith.muli %add3A_252, %mul3A_346 : i32
          %add3A_348 = arith.addi %mul3A_347, %add3A_345 : i32
          %broadcast_in_dim3A_349 = vector.broadcast %add3A_348 : i32 to vector<16xi32>
          %gather3A_350 = tpu.vector_load_idx %arg9[%broadcast_in_dim3A_349] : memref<10240xf32, #tpu.memory_space<vmem>>[vector<16xi32>], vector<16xf32>,
          %get3A_351 = arith.index_cast %add3A_345 : i32 to index
          %get3A_352 = arith.constant 0 : index
          %get3A_353 = tpu.vector_load %arg13[%get3A_351, %get3A_352] {strides = array<i32>} : memref<128x128xf32, #tpu.memory_space<vmem>>, vector<16xf32>,
          %mul3A_354 = arith.mulf %get3A_353, %gather3A_350 : vector<16xf32>
          %swap3A_355 = arith.index_cast %add3A_345 : i32 to index
          %swap3A_356 = arith.constant 0 : index
          %swap3A_357 = tpu.vector_load %arg13[%swap3A_355, %swap3A_356] {strides = array<i32>} : memref<128x128xf32, #tpu.memory_space<vmem>>, vector<16xf32>,
          tpu.vector_store %arg13[%swap3A_355, %swap3A_356], %mul3A_354 {strides = array<i32>} : memref<128x128xf32, #tpu.memory_space<vmem>>, vector<16xf32>,
          %get3A_358 = arith.index_cast %add3A_345 : i32 to index
          %get3A_359 = arith.constant 16 : index
          %get3A_360 = tpu.vector_load %arg13[%get3A_358, %get3A_359] {strides = array<i32>} : memref<128x128xf32, #tpu.memory_space<vmem>>, vector<16xf32>,
          %mul3A_361 = arith.mulf %get3A_360, %gather3A_350 : vector<16xf32>
          %swap3A_362 = arith.index_cast %add3A_345 : i32 to index
          %swap3A_363 = arith.constant 16 : index
          %swap3A_364 = tpu.vector_load %arg13[%swap3A_362, %swap3A_363] {strides = array<i32>} : memref<128x128xf32, #tpu.memory_space<vmem>>, vector<16xf32>,
          tpu.vector_store %arg13[%swap3A_362, %swap3A_363], %mul3A_361 {strides = array<i32>} : memref<128x128xf32, #tpu.memory_space<vmem>>, vector<16xf32>,
          %get3A_365 = arith.index_cast %add3A_345 : i32 to index
          %get3A_366 = arith.constant 32 : index
          %get3A_367 = tpu.vector_load %arg13[%get3A_365, %get3A_366] {strides = array<i32>} : memref<128x128xf32, #tpu.memory_space<vmem>>, vector<16xf32>,
          %mul3A_368 = arith.mulf %get3A_367, %gather3A_350 : vector<16xf32>
          %swap3A_369 = arith.index_cast %add3A_345 : i32 to index
          %swap3A_370 = arith.constant 32 : index
          %swap3A_371 = tpu.vector_load %arg13[%swap3A_369, %swap3A_370] {strides = array<i32>} : memref<128x128xf32, #tpu.memory_space<vmem>>, vector<16xf32>,
          tpu.vector_store %arg13[%swap3A_369, %swap3A_370], %mul3A_368 {strides = array<i32>} : memref<128x128xf32, #tpu.memory_space<vmem>>, vector<16xf32>,
          %get3A_372 = arith.index_cast %add3A_345 : i32 to index
          %get3A_373 = arith.constant 48 : index
          %get3A_374 = tpu.vector_load %arg13[%get3A_372, %get3A_373] {strides = array<i32>} : memref<128x128xf32, #tpu.memory_space<vmem>>, vector<16xf32>,
          %mul3A_375 = arith.mulf %get3A_374, %gather3A_350 : vector<16xf32>
          %swap3A_376 = arith.index_cast %add3A_345 : i32 to index
          %swap3A_377 = arith.constant 48 : index
          %swap3A_378 = tpu.vector_load %arg13[%swap3A_376, %swap3A_377] {strides = array<i32>} : memref<128x128xf32, #tpu.memory_space<vmem>>, vector<16xf32>,
          tpu.vector_store %arg13[%swap3A_376, %swap3A_377], %mul3A_375 {strides = array<i32>} : memref<128x128xf32, #tpu.memory_space<vmem>>, vector<16xf32>,
          %get3A_379 = arith.index_cast %add3A_345 : i32 to index
          %get3A_380 = arith.constant 64 : index
          %get3A_381 = tpu.vector_load %arg13[%get3A_379, %get3A_380] {strides = array<i32>} : memref<128x128xf32, #tpu.memory_space<vmem>>, vector<16xf32>,
          %mul3A_382 = arith.mulf %get3A_381, %gather3A_350 : vector<16xf32>
          %swap3A_383 = arith.index_cast %add3A_345 : i32 to index
          %swap3A_384 = arith.constant 64 : index
          %swap3A_385 = tpu.vector_load %arg13[%swap3A_383, %swap3A_384] {strides = array<i32>} : memref<128x128xf32, #tpu.memory_space<vmem>>, vector<16xf32>,
          tpu.vector_store %arg13[%swap3A_383, %swap3A_384], %mul3A_382 {strides = array<i32>} : memref<128x128xf32, #tpu.memory_space<vmem>>, vector<16xf32>,
          %get3A_386 = arith.index_cast %add3A_345 : i32 to index
          %get3A_387 = arith.constant 80 : index
          %get3A_388 = tpu.vector_load %arg13[%get3A_386, %get3A_387] {strides = array<i32>} : memref<128x128xf32, #tpu.memory_space<vmem>>, vector<16xf32>,
          %mul3A_389 = arith.mulf %get3A_388, %gather3A_350 : vector<16xf32>
          %swap3A_390 = arith.index_cast %add3A_345 : i32 to index
          %swap3A_391 = arith.constant 80 : index
          %swap3A_392 = tpu.vector_load %arg13[%swap3A_390, %swap3A_391] {strides = array<i32>} : memref<128x128xf32, #tpu.memory_space<vmem>>, vector<16xf32>,
          tpu.vector_store %arg13[%swap3A_390, %swap3A_391], %mul3A_389 {strides = array<i32>} : memref<128x128xf32, #tpu.memory_space<vmem>>, vector<16xf32>,
          %get3A_393 = arith.index_cast %add3A_345 : i32 to index
          %get3A_394 = arith.constant 96 : index
          %get3A_395 = tpu.vector_load %arg13[%get3A_393, %get3A_394] {strides = array<i32>} : memref<128x128xf32, #tpu.memory_space<vmem>>, vector<16xf32>,
          %mul3A_396 = arith.mulf %get3A_395, %gather3A_350 : vector<16xf32>
          %swap3A_397 = arith.index_cast %add3A_345 : i32 to index
          %swap3A_398 = arith.constant 96 : index
          %swap3A_399 = tpu.vector_load %arg13[%swap3A_397, %swap3A_398] {strides = array<i32>} : memref<128x128xf32, #tpu.memory_space<vmem>>, vector<16xf32>,
          tpu.vector_store %arg13[%swap3A_397, %swap3A_398], %mul3A_396 {strides = array<i32>} : memref<128x128xf32, #tpu.memory_space<vmem>>, vector<16xf32>,
          %get3A_400 = arith.index_cast %add3A_345 : i32 to index
          %get3A_401 = arith.constant 112 : index
          %get3A_402 = tpu.vector_load %arg13[%get3A_400, %get3A_401] {strides = array<i32>} : memref<128x128xf32, #tpu.memory_space<vmem>>, vector<16xf32>,
          %mul3A_403 = arith.mulf %get3A_402, %gather3A_350 : vector<16xf32>
          %swap3A_404 = arith.index_cast %add3A_345 : i32 to index
          %swap3A_405 = arith.constant 112 : index
          %swap3A_406 = tpu.vector_load %arg13[%swap3A_404, %swap3A_405] {strides = array<i32>} : memref<128x128xf32, #tpu.memory_space<vmem>>, vector<16xf32>,
          tpu.vector_store %arg13[%swap3A_404, %swap3A_405], %mul3A_403 {strides = array<i32>} : memref<128x128xf32, #tpu.memory_space<vmem>>, vector<16xf32>,
          %mul3A_407 = arith.constant 4 : i32
          %mul3A_408 = arith.muli %scan3A_279, %mul3A_407 : i32
          %add3A_409 = arith.constant 2 : i32
          %add3A_410 = arith.addi %mul3A_408, %add3A_409 : i32
          %mul3A_411 = arith.constant 128 : i32
          %mul3A_412 = arith.muli %add3A_252, %mul3A_411 : i32
          %add3A_413 = arith.addi %mul3A_412, %add3A_410 : i32
          %broadcast_in_dim3A_414 = vector.broadcast %add3A_413 : i32 to vector<16xi32>
          %gather3A_415 = tpu.vector_load_idx %arg9[%broadcast_in_dim3A_414] : memref<10240xf32, #tpu.memory_space<vmem>>[vector<16xi32>], vector<16xf32>,
          %get3A_416 = arith.index_cast %add3A_410 : i32 to index
          %get3A_417 = arith.constant 0 : index
          %get3A_418 = tpu.vector_load %arg13[%get3A_416, %get3A_417] {strides = array<i32>} : memref<128x128xf32, #tpu.memory_space<vmem>>, vector<16xf32>,
          %mul3A_419 = arith.mulf %get3A_418, %gather3A_415 : vector<16xf32>
          %swap3A_420 = arith.index_cast %add3A_410 : i32 to index
          %swap3A_421 = arith.constant 0 : index
          %swap3A_422 = tpu.vector_load %arg13[%swap3A_420, %swap3A_421] {strides = array<i32>} : memref<128x128xf32, #tpu.memory_space<vmem>>, vector<16xf32>,
          tpu.vector_store %arg13[%swap3A_420, %swap3A_421], %mul3A_419 {strides = array<i32>} : memref<128x128xf32, #tpu.memory_space<vmem>>, vector<16xf32>,
          %get3A_423 = arith.index_cast %add3A_410 : i32 to index
          %get3A_424 = arith.constant 16 : index
          %get3A_425 = tpu.vector_load %arg13[%get3A_423, %get3A_424] {strides = array<i32>} : memref<128x128xf32, #tpu.memory_space<vmem>>, vector<16xf32>,
          %mul3A_426 = arith.mulf %get3A_425, %gather3A_415 : vector<16xf32>
          %swap3A_427 = arith.index_cast %add3A_410 : i32 to index
          %swap3A_428 = arith.constant 16 : index
          %swap3A_429 = tpu.vector_load %arg13[%swap3A_427, %swap3A_428] {strides = array<i32>} : memref<128x128xf32, #tpu.memory_space<vmem>>, vector<16xf32>,
          tpu.vector_store %arg13[%swap3A_427, %swap3A_428], %mul3A_426 {strides = array<i32>} : memref<128x128xf32, #tpu.memory_space<vmem>>, vector<16xf32>,
          %get3A_430 = arith.index_cast %add3A_410 : i32 to index
          %get3A_431 = arith.constant 32 : index
          %get3A_432 = tpu.vector_load %arg13[%get3A_430, %get3A_431] {strides = array<i32>} : memref<128x128xf32, #tpu.memory_space<vmem>>, vector<16xf32>,
          %mul3A_433 = arith.mulf %get3A_432, %gather3A_415 : vector<16xf32>
          %swap3A_434 = arith.index_cast %add3A_410 : i32 to index
          %swap3A_435 = arith.constant 32 : index
          %swap3A_436 = tpu.vector_load %arg13[%swap3A_434, %swap3A_435] {strides = array<i32>} : memref<128x128xf32, #tpu.memory_space<vmem>>, vector<16xf32>,
          tpu.vector_store %arg13[%swap3A_434, %swap3A_435], %mul3A_433 {strides = array<i32>} : memref<128x128xf32, #tpu.memory_space<vmem>>, vector<16xf32>,
          %get3A_437 = arith.index_cast %add3A_410 : i32 to index
          %get3A_438 = arith.constant 48 : index
          %get3A_439 = tpu.vector_load %arg13[%get3A_437, %get3A_438] {strides = array<i32>} : memref<128x128xf32, #tpu.memory_space<vmem>>, vector<16xf32>,
          %mul3A_440 = arith.mulf %get3A_439, %gather3A_415 : vector<16xf32>
          %swap3A_441 = arith.index_cast %add3A_410 : i32 to index
          %swap3A_442 = arith.constant 48 : index
          %swap3A_443 = tpu.vector_load %arg13[%swap3A_441, %swap3A_442] {strides = array<i32>} : memref<128x128xf32, #tpu.memory_space<vmem>>, vector<16xf32>,
          tpu.vector_store %arg13[%swap3A_441, %swap3A_442], %mul3A_440 {strides = array<i32>} : memref<128x128xf32, #tpu.memory_space<vmem>>, vector<16xf32>,
          %get3A_444 = arith.index_cast %add3A_410 : i32 to index
          %get3A_445 = arith.constant 64 : index
          %get3A_446 = tpu.vector_load %arg13[%get3A_444, %get3A_445] {strides = array<i32>} : memref<128x128xf32, #tpu.memory_space<vmem>>, vector<16xf32>,
          %mul3A_447 = arith.mulf %get3A_446, %gather3A_415 : vector<16xf32>
          %swap3A_448 = arith.index_cast %add3A_410 : i32 to index
          %swap3A_449 = arith.constant 64 : index
          %swap3A_450 = tpu.vector_load %arg13[%swap3A_448, %swap3A_449] {strides = array<i32>} : memref<128x128xf32, #tpu.memory_space<vmem>>, vector<16xf32>,
          tpu.vector_store %arg13[%swap3A_448, %swap3A_449], %mul3A_447 {strides = array<i32>} : memref<128x128xf32, #tpu.memory_space<vmem>>, vector<16xf32>,
          %get3A_451 = arith.index_cast %add3A_410 : i32 to index
          %get3A_452 = arith.constant 80 : index
          %get3A_453 = tpu.vector_load %arg13[%get3A_451, %get3A_452] {strides = array<i32>} : memref<128x128xf32, #tpu.memory_space<vmem>>, vector<16xf32>,
          %mul3A_454 = arith.mulf %get3A_453, %gather3A_415 : vector<16xf32>
          %swap3A_455 = arith.index_cast %add3A_410 : i32 to index
          %swap3A_456 = arith.constant 80 : index
          %swap3A_457 = tpu.vector_load %arg13[%swap3A_455, %swap3A_456] {strides = array<i32>} : memref<128x128xf32, #tpu.memory_space<vmem>>, vector<16xf32>,
          tpu.vector_store %arg13[%swap3A_455, %swap3A_456], %mul3A_454 {strides = array<i32>} : memref<128x128xf32, #tpu.memory_space<vmem>>, vector<16xf32>,
          %get3A_458 = arith.index_cast %add3A_410 : i32 to index
          %get3A_459 = arith.constant 96 : index
          %get3A_460 = tpu.vector_load %arg13[%get3A_458, %get3A_459] {strides = array<i32>} : memref<128x128xf32, #tpu.memory_space<vmem>>, vector<16xf32>,
          %mul3A_461 = arith.mulf %get3A_460, %gather3A_415 : vector<16xf32>
          %swap3A_462 = arith.index_cast %add3A_410 : i32 to index
          %swap3A_463 = arith.constant 96 : index
          %swap3A_464 = tpu.vector_load %arg13[%swap3A_462, %swap3A_463] {strides = array<i32>} : memref<128x128xf32, #tpu.memory_space<vmem>>, vector<16xf32>,
          tpu.vector_store %arg13[%swap3A_462, %swap3A_463], %mul3A_461 {strides = array<i32>} : memref<128x128xf32, #tpu.memory_space<vmem>>, vector<16xf32>,
          %get3A_465 = arith.index_cast %add3A_410 : i32 to index
          %get3A_466 = arith.constant 112 : index
          %get3A_467 = tpu.vector_load %arg13[%get3A_465, %get3A_466] {strides = array<i32>} : memref<128x128xf32, #tpu.memory_space<vmem>>, vector<16xf32>,
          %mul3A_468 = arith.mulf %get3A_467, %gather3A_415 : vector<16xf32>
          %swap3A_469 = arith.index_cast %add3A_410 : i32 to index
          %swap3A_470 = arith.constant 112 : index
          %swap3A_471 = tpu.vector_load %arg13[%swap3A_469, %swap3A_470] {strides = array<i32>} : memref<128x128xf32, #tpu.memory_space<vmem>>, vector<16xf32>,
          tpu.vector_store %arg13[%swap3A_469, %swap3A_470], %mul3A_468 {strides = array<i32>} : memref<128x128xf32, #tpu.memory_space<vmem>>, vector<16xf32>,
          %mul3A_472 = arith.constant 4 : i32
          %mul3A_473 = arith.muli %scan3A_279, %mul3A_472 : i32
          %add3A_474 = arith.constant 3 : i32
          %add3A_475 = arith.addi %mul3A_473, %add3A_474 : i32
          %mul3A_476 = arith.constant 128 : i32
          %mul3A_477 = arith.muli %add3A_252, %mul3A_476 : i32
          %add3A_478 = arith.addi %mul3A_477, %add3A_475 : i32
          %broadcast_in_dim3A_479 = vector.broadcast %add3A_478 : i32 to vector<16xi32>
          %gather3A_480 = tpu.vector_load_idx %arg9[%broadcast_in_dim3A_479] : memref<10240xf32, #tpu.memory_space<vmem>>[vector<16xi32>], vector<16xf32>,
          %get3A_481 = arith.index_cast %add3A_475 : i32 to index
          %get3A_482 = arith.constant 0 : index
          %get3A_483 = tpu.vector_load %arg13[%get3A_481, %get3A_482] {strides = array<i32>} : memref<128x128xf32, #tpu.memory_space<vmem>>, vector<16xf32>,
          %mul3A_484 = arith.mulf %get3A_483, %gather3A_480 : vector<16xf32>
          %swap3A_485 = arith.index_cast %add3A_475 : i32 to index
          %swap3A_486 = arith.constant 0 : index
          %swap3A_487 = tpu.vector_load %arg13[%swap3A_485, %swap3A_486] {strides = array<i32>} : memref<128x128xf32, #tpu.memory_space<vmem>>, vector<16xf32>,
          tpu.vector_store %arg13[%swap3A_485, %swap3A_486], %mul3A_484 {strides = array<i32>} : memref<128x128xf32, #tpu.memory_space<vmem>>, vector<16xf32>,
          %get3A_488 = arith.index_cast %add3A_475 : i32 to index
          %get3A_489 = arith.constant 16 : index
          %get3A_490 = tpu.vector_load %arg13[%get3A_488, %get3A_489] {strides = array<i32>} : memref<128x128xf32, #tpu.memory_space<vmem>>, vector<16xf32>,
          %mul3A_491 = arith.mulf %get3A_490, %gather3A_480 : vector<16xf32>
          %swap3A_492 = arith.index_cast %add3A_475 : i32 to index
          %swap3A_493 = arith.constant 16 : index
          %swap3A_494 = tpu.vector_load %arg13[%swap3A_492, %swap3A_493] {strides = array<i32>} : memref<128x128xf32, #tpu.memory_space<vmem>>, vector<16xf32>,
          tpu.vector_store %arg13[%swap3A_492, %swap3A_493], %mul3A_491 {strides = array<i32>} : memref<128x128xf32, #tpu.memory_space<vmem>>, vector<16xf32>,
          %get3A_495 = arith.index_cast %add3A_475 : i32 to index
          %get3A_496 = arith.constant 32 : index
          %get3A_497 = tpu.vector_load %arg13[%get3A_495, %get3A_496] {strides = array<i32>} : memref<128x128xf32, #tpu.memory_space<vmem>>, vector<16xf32>,
          %mul3A_498 = arith.mulf %get3A_497, %gather3A_480 : vector<16xf32>
          %swap3A_499 = arith.index_cast %add3A_475 : i32 to index
          %swap3A_500 = arith.constant 32 : index
          %swap3A_501 = tpu.vector_load %arg13[%swap3A_499, %swap3A_500] {strides = array<i32>} : memref<128x128xf32, #tpu.memory_space<vmem>>, vector<16xf32>,
          tpu.vector_store %arg13[%swap3A_499, %swap3A_500], %mul3A_498 {strides = array<i32>} : memref<128x128xf32, #tpu.memory_space<vmem>>, vector<16xf32>,
          %get3A_502 = arith.index_cast %add3A_475 : i32 to index
          %get3A_503 = arith.constant 48 : index
          %get3A_504 = tpu.vector_load %arg13[%get3A_502, %get3A_503] {strides = array<i32>} : memref<128x128xf32, #tpu.memory_space<vmem>>, vector<16xf32>,
          %mul3A_505 = arith.mulf %get3A_504, %gather3A_480 : vector<16xf32>
          %swap3A_506 = arith.index_cast %add3A_475 : i32 to index
          %swap3A_507 = arith.constant 48 : index
          %swap3A_508 = tpu.vector_load %arg13[%swap3A_506, %swap3A_507] {strides = array<i32>} : memref<128x128xf32, #tpu.memory_space<vmem>>, vector<16xf32>,
          tpu.vector_store %arg13[%swap3A_506, %swap3A_507], %mul3A_505 {strides = array<i32>} : memref<128x128xf32, #tpu.memory_space<vmem>>, vector<16xf32>,
          %get3A_509 = arith.index_cast %add3A_475 : i32 to index
          %get3A_510 = arith.constant 64 : index
          %get3A_511 = tpu.vector_load %arg13[%get3A_509, %get3A_510] {strides = array<i32>} : memref<128x128xf32, #tpu.memory_space<vmem>>, vector<16xf32>,
          %mul3A_512 = arith.mulf %get3A_511, %gather3A_480 : vector<16xf32>
          %swap3A_513 = arith.index_cast %add3A_475 : i32 to index
          %swap3A_514 = arith.constant 64 : index
          %swap3A_515 = tpu.vector_load %arg13[%swap3A_513, %swap3A_514] {strides = array<i32>} : memref<128x128xf32, #tpu.memory_space<vmem>>, vector<16xf32>,
          tpu.vector_store %arg13[%swap3A_513, %swap3A_514], %mul3A_512 {strides = array<i32>} : memref<128x128xf32, #tpu.memory_space<vmem>>, vector<16xf32>,
          %get3A_516 = arith.index_cast %add3A_475 : i32 to index
          %get3A_517 = arith.constant 80 : index
          %get3A_518 = tpu.vector_load %arg13[%get3A_516, %get3A_517] {strides = array<i32>} : memref<128x128xf32, #tpu.memory_space<vmem>>, vector<16xf32>,
          %mul3A_519 = arith.mulf %get3A_518, %gather3A_480 : vector<16xf32>
          %swap3A_520 = arith.index_cast %add3A_475 : i32 to index
          %swap3A_521 = arith.constant 80 : index
          %swap3A_522 = tpu.vector_load %arg13[%swap3A_520, %swap3A_521] {strides = array<i32>} : memref<128x128xf32, #tpu.memory_space<vmem>>, vector<16xf32>,
          tpu.vector_store %arg13[%swap3A_520, %swap3A_521], %mul3A_519 {strides = array<i32>} : memref<128x128xf32, #tpu.memory_space<vmem>>, vector<16xf32>,
          %get3A_523 = arith.index_cast %add3A_475 : i32 to index
          %get3A_524 = arith.constant 96 : index
          %get3A_525 = tpu.vector_load %arg13[%get3A_523, %get3A_524] {strides = array<i32>} : memref<128x128xf32, #tpu.memory_space<vmem>>, vector<16xf32>,
          %mul3A_526 = arith.mulf %get3A_525, %gather3A_480 : vector<16xf32>
          %swap3A_527 = arith.index_cast %add3A_475 : i32 to index
          %swap3A_528 = arith.constant 96 : index
          %swap3A_529 = tpu.vector_load %arg13[%swap3A_527, %swap3A_528] {strides = array<i32>} : memref<128x128xf32, #tpu.memory_space<vmem>>, vector<16xf32>,
          tpu.vector_store %arg13[%swap3A_527, %swap3A_528], %mul3A_526 {strides = array<i32>} : memref<128x128xf32, #tpu.memory_space<vmem>>, vector<16xf32>,
          %get3A_530 = arith.index_cast %add3A_475 : i32 to index
          %get3A_531 = arith.constant 112 : index
          %get3A_532 = tpu.vector_load %arg13[%get3A_530, %get3A_531] {strides = array<i32>} : memref<128x128xf32, #tpu.memory_space<vmem>>, vector<16xf32>,
          %mul3A_533 = arith.mulf %get3A_532, %gather3A_480 : vector<16xf32>
          %swap3A_534 = arith.index_cast %add3A_475 : i32 to index
          %swap3A_535 = arith.constant 112 : index
          %swap3A_536 = tpu.vector_load %arg13[%swap3A_534, %swap3A_535] {strides = array<i32>} : memref<128x128xf32, #tpu.memory_space<vmem>>, vector<16xf32>,
          tpu.vector_store %arg13[%swap3A_534, %swap3A_535], %mul3A_533 {strides = array<i32>} : memref<128x128xf32, #tpu.memory_space<vmem>>, vector<16xf32>,
        }
        %scan3A_264 = arith.constant 32 : i32
        %add3A_265 = arith.constant 1 : i32
        %add3A_266 = arith.addi %mul3A_130, %add3A_265 : i32
        %shift_right_arithmetic3A_267 = arith.constant 3 : i32
        %shift_right_arithmetic3A_268 = arith.shrsi %add3A_266, %shift_right_arithmetic3A_267 : i32
        %and3A_269 = arith.constant 1 : i32
        %and3A_270 = arith.andi %shift_right_arithmetic3A_268, %and3A_269 : i32
        %and3A_271 = arith.constant 7 : i32
        %and3A_272 = arith.andi %add3A_266, %and3A_271 : i32
        %dma_start3A_273 = arith.constant 0 : i32
        %dma_start3A_274 = tpu.memref_slice %arg11[%and3A_270, %and3A_272, %dma_start3A_273] : memref<2x8x128xi32, #tpu.memory_space<vmem>> -> memref<1x1x128xi32, #tpu.memory_space<vmem>>
        %dma_start3A_275 = tpu.memref_squeeze %dma_start3A_274 : memref<1x1x128xi32, #tpu.memory_space<vmem>> -> memref<128xi32, #tpu.memory_space<vmem>>
        %dma_start3A_276 = arith.constant 0 : i32
        %dma_start3A_277 = arith.constant 0 : i32
        %dma_start3A_278 = tpu.memref_slice %arg15[%dma_start3A_276, %dma_start3A_277] : memref<10240x128xf32, #tpu.memory_space<vmem_shared>> -> memref<10240x128xf32, #tpu.memory_space<vmem_shared>>
        tpu.enqueue_indirect_dma source(%arg13 : memref<128x128xf32, #tpu.memory_space<vmem>>) target(%dma_start3A_278 : memref<10240x128xf32, #tpu.memory_space<vmem_shared>>) offsets(%dma_start3A_275 : memref<128xi32, #tpu.memory_space<vmem>>) semaphore(%arg22 : memref<!tpu.dma_semaphore, #tpu.memory_space<semaphore_mem>>) {add = true}
      }
      %scan3A_93 = arith.constant 40 : i32
      %dma_wait3A = arith.constant 1 : i32
      %dma_wait3A_94 = arith.constant 6 : i32
      %dma_wait3A_95 = arith.constant 9984 : i32
      %dma_wait3A_96 = tpu.memref_slice %arg9[%dma_wait3A_95] : memref<10240xf32, #tpu.memory_space<vmem>> -> memref<128xf32, #tpu.memory_space<vmem>>
      %dma_wait3A_97 = arith.constant 0 : i32
      %dma_wait3A_98 = tpu.memref_slice %arg11[%dma_wait3A, %dma_wait3A_94, %dma_wait3A_97] : memref<2x8x128xi32, #tpu.memory_space<vmem>> -> memref<1x1x128xi32, #tpu.memory_space<vmem>>
      %dma_wait3A_99 = tpu.memref_squeeze %dma_wait3A_98 : memref<1x1x128xi32, #tpu.memory_space<vmem>> -> memref<128xi32, #tpu.memory_space<vmem>>
      %dma_wait3A_100 = arith.constant 0 : i32
      %dma_wait3A_101 = tpu.memref_slice %arg16[%dma_wait3A_100] : memref<10240xf32, #tpu.memory_space<vmem_shared>> -> memref<10240xf32, #tpu.memory_space<vmem_shared>>
      tpu.wait_indirect_dma semaphore(%arg19 : memref<!tpu.dma_semaphore, #tpu.memory_space<semaphore_mem>>) src(%dma_wait3A_96 : memref<128xf32, #tpu.memory_space<vmem>>) dst(%dma_wait3A_101 : memref<10240xf32, #tpu.memory_space<vmem_shared>>)
      %dma_wait3A_102 = arith.constant 1 : i32
      %dma_wait3A_103 = arith.constant 7 : i32
      %dma_wait3A_104 = arith.constant 10112 : i32
      %dma_wait3A_105 = tpu.memref_slice %arg9[%dma_wait3A_104] : memref<10240xf32, #tpu.memory_space<vmem>> -> memref<128xf32, #tpu.memory_space<vmem>>
      %dma_wait3A_106 = arith.constant 0 : i32
      %dma_wait3A_107 = tpu.memref_slice %arg11[%dma_wait3A_102, %dma_wait3A_103, %dma_wait3A_106] : memref<2x8x128xi32, #tpu.memory_space<vmem>> -> memref<1x1x128xi32, #tpu.memory_space<vmem>>
      %dma_wait3A_108 = tpu.memref_squeeze %dma_wait3A_107 : memref<1x1x128xi32, #tpu.memory_space<vmem>> -> memref<128xi32, #tpu.memory_space<vmem>>
      %dma_wait3A_109 = arith.constant 0 : i32
      %dma_wait3A_110 = tpu.memref_slice %arg16[%dma_wait3A_109] : memref<10240xf32, #tpu.memory_space<vmem_shared>> -> memref<10240xf32, #tpu.memory_space<vmem_shared>>
      tpu.wait_indirect_dma semaphore(%arg20 : memref<!tpu.dma_semaphore, #tpu.memory_space<semaphore_mem>>) src(%dma_wait3A_105 : memref<128xf32, #tpu.memory_space<vmem>>) dst(%dma_wait3A_110 : memref<10240xf32, #tpu.memory_space<vmem_shared>>)
      %dma_wait3A_111 = arith.constant 1 : i32
      %dma_wait3A_112 = arith.constant 7 : i32
      %dma_wait3A_113 = arith.constant 0 : i32
      %dma_wait3A_114 = tpu.memref_slice %arg11[%dma_wait3A_111, %dma_wait3A_112, %dma_wait3A_113] : memref<2x8x128xi32, #tpu.memory_space<vmem>> -> memref<1x1x128xi32, #tpu.memory_space<vmem>>
      %dma_wait3A_115 = tpu.memref_squeeze %dma_wait3A_114 : memref<1x1x128xi32, #tpu.memory_space<vmem>> -> memref<128xi32, #tpu.memory_space<vmem>>
      %dma_wait3A_116 = arith.constant 0 : i32
      %dma_wait3A_117 = arith.constant 0 : i32
      %dma_wait3A_118 = tpu.memref_slice %arg15[%dma_wait3A_116, %dma_wait3A_117] : memref<10240x128xf32, #tpu.memory_space<vmem_shared>> -> memref<10240x128xf32, #tpu.memory_space<vmem_shared>>
      tpu.wait_indirect_dma semaphore(%arg22 : memref<!tpu.dma_semaphore, #tpu.memory_space<semaphore_mem>>) src(%arg13 : memref<128x128xf32, #tpu.memory_space<vmem>>) dst(%dma_wait3A_118 : memref<10240x128xf32, #tpu.memory_space<vmem_shared>>)
    } else {
    }
    %eq3A_52 = arith.constant 1 : i32
    %eq3A_53 = arith.cmpi eq, %arg0, %eq3A_52 : i32
    %convert_element_type3A_54 = arith.extui %eq3A_53 : i1 to i32
    %cond3A_55 = arith.constant 0 : i32
    %cond3A_56 = arith.cmpi ne, %convert_element_type3A_54, %cond3A_55 : i32
    scf.if %cond3A_56 {
      %mul3A_76 = arith.constant 80 : i32
      %mul3A_77 = arith.muli %arg1, %mul3A_76 : i32
      %add3A_78 = arith.constant 0 : i32
      %add3A_79 = arith.addi %mul3A_77, %add3A_78 : i32
      %run_scoped3A = arith.constant 0 : i32
      "tpu.region"() ({
        %run_scoped3A_119 = tpu.sem_alloc : memref<!tpu.dma_semaphore, #tpu.memory_space<semaphore_mem>>
        %dma_start3A_120 = arith.constant 0 : i32
        %dma_start3A_121 = arith.constant 0 : i32
        %dma_start3A_122 = tpu.memref_slice %arg10[%run_scoped3A, %dma_start3A_120, %dma_start3A_121] : memref<2x8x128xi32, #tpu.memory_space<vmem>> -> memref<1x8x128xi32, #tpu.memory_space<vmem>>
        %dma_start3A_123 = tpu.memref_squeeze %dma_start3A_122 : memref<1x8x128xi32, #tpu.memory_space<vmem>> -> memref<8x128xi32, #tpu.memory_space<vmem>>
        %dma_start3A_124 = arith.constant 0 : i32
        %dma_start3A_125 = tpu.memref_slice %arg6[%add3A_79, %dma_start3A_124] : memref<1280x128xi32, #tpu.memory_space<hbm>> -> memref<8x128xi32, #tpu.memory_space<hbm>>
        %dma_start3A_126 = arith.constant 0 : i32
        %dma_start3A_127 = arith.constant 0 : i32
        %dma_start3A_128 = tpu.memref_slice %arg10[%run_scoped3A, %dma_start3A_126, %dma_start3A_127] : memref<2x8x128xi32, #tpu.memory_space<vmem>> -> memref<1x8x128xi32, #tpu.memory_space<vmem>>
        %dma_start3A_129 = tpu.memref_squeeze %dma_start3A_128 : memref<1x8x128xi32, #tpu.memory_space<vmem>> -> memref<8x128xi32, #tpu.memory_space<vmem>>
        %dma_start3A_130 = arith.constant 0 : i32
        %dma_start3A_131 = tpu.memref_slice %arg6[%add3A_79, %dma_start3A_130] : memref<1280x128xi32, #tpu.memory_space<hbm>> -> memref<8x128xi32, #tpu.memory_space<hbm>>
        tpu.enqueue_dma source(%dma_start3A_131 : memref<8x128xi32, #tpu.memory_space<hbm>>) target(%dma_start3A_129 : memref<8x128xi32, #tpu.memory_space<vmem>>) target_semaphore(%run_scoped3A_119 : memref<!tpu.dma_semaphore, #tpu.memory_space<semaphore_mem>>)
        %dma_wait3A_132 = arith.constant 0 : i32
        %dma_wait3A_133 = arith.constant 0 : i32
        %dma_wait3A_134 = tpu.memref_slice %arg10[%run_scoped3A, %dma_wait3A_132, %dma_wait3A_133] : memref<2x8x128xi32, #tpu.memory_space<vmem>> -> memref<1x8x128xi32, #tpu.memory_space<vmem>>
        %dma_wait3A_135 = tpu.memref_squeeze %dma_wait3A_134 : memref<1x8x128xi32, #tpu.memory_space<vmem>> -> memref<8x128xi32, #tpu.memory_space<vmem>>
        %dma_wait3A_136 = arith.constant 0 : i32
        %dma_wait3A_137 = tpu.memref_slice %arg6[%add3A_79, %dma_wait3A_136] : memref<1280x128xi32, #tpu.memory_space<hbm>> -> memref<8x128xi32, #tpu.memory_space<hbm>>
        %dma_wait3A_138 = arith.constant 0 : i32
        %dma_wait3A_139 = arith.constant 0 : i32
        %dma_wait3A_140 = tpu.memref_slice %arg10[%run_scoped3A, %dma_wait3A_138, %dma_wait3A_139] : memref<2x8x128xi32, #tpu.memory_space<vmem>> -> memref<1x8x128xi32, #tpu.memory_space<vmem>>
        %dma_wait3A_141 = tpu.memref_squeeze %dma_wait3A_140 : memref<1x8x128xi32, #tpu.memory_space<vmem>> -> memref<8x128xi32, #tpu.memory_space<vmem>>
        %dma_wait3A_142 = arith.constant 0 : i32
        %dma_wait3A_143 = tpu.memref_slice %arg6[%add3A_79, %dma_wait3A_142] : memref<1280x128xi32, #tpu.memory_space<hbm>> -> memref<8x128xi32, #tpu.memory_space<hbm>>
        tpu.wait_dma2 semaphore(%run_scoped3A_119 : memref<!tpu.dma_semaphore, #tpu.memory_space<semaphore_mem>>) src(%dma_wait3A_143 : memref<8x128xi32, #tpu.memory_space<hbm>>) dst(%dma_wait3A_141 : memref<8x128xi32, #tpu.memory_space<vmem>>)
        tpu.yield
      }) : () -> ()
      %run_scoped3A_80 = arith.constant 0 : i32
      "tpu.region"() ({
        %run_scoped3A_119 = tpu.sem_alloc : memref<!tpu.dma_semaphore, #tpu.memory_space<semaphore_mem>>
        %dma_start3A_120 = arith.constant 0 : i32
        %dma_start3A_121 = arith.constant 0 : i32
        %dma_start3A_122 = tpu.memref_slice %arg11[%run_scoped3A_80, %dma_start3A_120, %dma_start3A_121] : memref<2x8x128xi32, #tpu.memory_space<vmem>> -> memref<1x8x128xi32, #tpu.memory_space<vmem>>
        %dma_start3A_123 = tpu.memref_squeeze %dma_start3A_122 : memref<1x8x128xi32, #tpu.memory_space<vmem>> -> memref<8x128xi32, #tpu.memory_space<vmem>>
        %dma_start3A_124 = arith.constant 0 : i32
        %dma_start3A_125 = tpu.memref_slice %arg7[%add3A_79, %dma_start3A_124] : memref<1280x128xi32, #tpu.memory_space<hbm>> -> memref<8x128xi32, #tpu.memory_space<hbm>>
        %dma_start3A_126 = arith.constant 0 : i32
        %dma_start3A_127 = arith.constant 0 : i32
        %dma_start3A_128 = tpu.memref_slice %arg11[%run_scoped3A_80, %dma_start3A_126, %dma_start3A_127] : memref<2x8x128xi32, #tpu.memory_space<vmem>> -> memref<1x8x128xi32, #tpu.memory_space<vmem>>
        %dma_start3A_129 = tpu.memref_squeeze %dma_start3A_128 : memref<1x8x128xi32, #tpu.memory_space<vmem>> -> memref<8x128xi32, #tpu.memory_space<vmem>>
        %dma_start3A_130 = arith.constant 0 : i32
        %dma_start3A_131 = tpu.memref_slice %arg7[%add3A_79, %dma_start3A_130] : memref<1280x128xi32, #tpu.memory_space<hbm>> -> memref<8x128xi32, #tpu.memory_space<hbm>>
        tpu.enqueue_dma source(%dma_start3A_131 : memref<8x128xi32, #tpu.memory_space<hbm>>) target(%dma_start3A_129 : memref<8x128xi32, #tpu.memory_space<vmem>>) target_semaphore(%run_scoped3A_119 : memref<!tpu.dma_semaphore, #tpu.memory_space<semaphore_mem>>)
        %dma_wait3A_132 = arith.constant 0 : i32
        %dma_wait3A_133 = arith.constant 0 : i32
        %dma_wait3A_134 = tpu.memref_slice %arg11[%run_scoped3A_80, %dma_wait3A_132, %dma_wait3A_133] : memref<2x8x128xi32, #tpu.memory_space<vmem>> -> memref<1x8x128xi32, #tpu.memory_space<vmem>>
        %dma_wait3A_135 = tpu.memref_squeeze %dma_wait3A_134 : memref<1x8x128xi32, #tpu.memory_space<vmem>> -> memref<8x128xi32, #tpu.memory_space<vmem>>
        %dma_wait3A_136 = arith.constant 0 : i32
        %dma_wait3A_137 = tpu.memref_slice %arg7[%add3A_79, %dma_wait3A_136] : memref<1280x128xi32, #tpu.memory_space<hbm>> -> memref<8x128xi32, #tpu.memory_space<hbm>>
        %dma_wait3A_138 = arith.constant 0 : i32
        %dma_wait3A_139 = arith.constant 0 : i32
        %dma_wait3A_140 = tpu.memref_slice %arg11[%run_scoped3A_80, %dma_wait3A_138, %dma_wait3A_139] : memref<2x8x128xi32, #tpu.memory_space<vmem>> -> memref<1x8x128xi32, #tpu.memory_space<vmem>>
        %dma_wait3A_141 = tpu.memref_squeeze %dma_wait3A_140 : memref<1x8x128xi32, #tpu.memory_space<vmem>> -> memref<8x128xi32, #tpu.memory_space<vmem>>
        %dma_wait3A_142 = arith.constant 0 : i32
        %dma_wait3A_143 = tpu.memref_slice %arg7[%add3A_79, %dma_wait3A_142] : memref<1280x128xi32, #tpu.memory_space<hbm>> -> memref<8x128xi32, #tpu.memory_space<hbm>>
        tpu.wait_dma2 semaphore(%run_scoped3A_119 : memref<!tpu.dma_semaphore, #tpu.memory_space<semaphore_mem>>) src(%dma_wait3A_143 : memref<8x128xi32, #tpu.memory_space<hbm>>) dst(%dma_wait3A_141 : memref<8x128xi32, #tpu.memory_space<vmem>>)
        tpu.yield
      }) : () -> ()
      %dma_start3A = arith.constant 0 : i32
      %dma_start3A_81 = arith.constant 0 : i32
      %dma_start3A_82 = arith.constant 0 : i32
      %dma_start3A_83 = tpu.memref_slice %arg10[%dma_start3A, %dma_start3A_81, %dma_start3A_82] : memref<2x8x128xi32, #tpu.memory_space<vmem>> -> memref<1x1x128xi32, #tpu.memory_space<vmem>>
      %dma_start3A_84 = tpu.memref_squeeze %dma_start3A_83 : memref<1x1x128xi32, #tpu.memory_space<vmem>> -> memref<128xi32, #tpu.memory_space<vmem>>
      %dma_start3A_85 = arith.constant 0 : i32
      %dma_start3A_86 = arith.constant 0 : i32
      %dma_start3A_87 = tpu.memref_slice %arg3[%dma_start3A_85, %dma_start3A_86] : memref<10240x128xf32, #tpu.memory_space<hbm>> -> memref<10240x128xf32, #tpu.memory_space<hbm>>
      tpu.enqueue_indirect_dma source(%dma_start3A_87 : memref<10240x128xf32, #tpu.memory_space<hbm>>) target(%arg12 : memref<128x128xf32, #tpu.memory_space<vmem>>) offsets(%dma_start3A_84 : memref<128xi32, #tpu.memory_space<vmem>>) semaphore(%arg17 : memref<!tpu.dma_semaphore, #tpu.memory_space<semaphore_mem>>)
      %scan3A_88 = arith.constant 0 : i32
      %scan3A_89 = arith.constant 0 : i32
      %scan3A_90 = arith.constant 40 : i32
      %scan3A_91 = arith.addi %scan3A_89, %scan3A_90 : i32
      %scan3A_92 = arith.constant 1 : i32
      scf.for %scan3A_119 = %scan3A_89 to %scan3A_91 step %scan3A_92  : i32 {
        %shift_right_arithmetic3A = arith.constant 2 : i32
        %shift_right_arithmetic3A_120 = arith.shrsi %scan3A_119, %shift_right_arithmetic3A : i32
        %and3A = arith.constant 3 : i32
        %and3A_121 = arith.andi %scan3A_119, %and3A : i32
        %eq3A_122 = arith.constant 3 : i32
        %eq3A_123 = arith.cmpi eq, %and3A_121, %eq3A_122 : i32
        %lt3A = arith.constant 9 : i32
        %lt3A_124 = arith.cmpi slt, %shift_right_arithmetic3A_120, %lt3A : i32
        %and3A_125 = arith.andi %eq3A_123, %lt3A_124 : i1
        %convert_element_type3A_126 = arith.extui %and3A_125 : i1 to i32
        %cond3A_127 = arith.constant 0 : i32
        %cond3A_128 = arith.cmpi ne, %convert_element_type3A_126, %cond3A_127 : i32
        scf.if %cond3A_128 {
          %add3A_279 = arith.constant 1 : i32
          %add3A_280 = arith.addi %shift_right_arithmetic3A_120, %add3A_279 : i32
          %mul3A_281 = arith.constant 80 : i32
          %mul3A_282 = arith.muli %arg1, %mul3A_281 : i32
          %mul3A_283 = arith.constant 8 : i32
          %mul3A_284 = arith.muli %add3A_280, %mul3A_283 : i32
          %add3A_285 = arith.addi %mul3A_282, %mul3A_284 : i32
          %and3A_286 = arith.constant 1 : i32
          %and3A_287 = arith.andi %add3A_280, %and3A_286 : i32
          "tpu.region"() ({
            %run_scoped3A_288 = tpu.sem_alloc : memref<!tpu.dma_semaphore, #tpu.memory_space<semaphore_mem>>
            %dma_start3A_289 = arith.constant 0 : i32
            %dma_start3A_290 = arith.constant 0 : i32
            %dma_start3A_291 = tpu.memref_slice %arg10[%and3A_287, %dma_start3A_289, %dma_start3A_290] : memref<2x8x128xi32, #tpu.memory_space<vmem>> -> memref<1x8x128xi32, #tpu.memory_space<vmem>>
            %dma_start3A_292 = tpu.memref_squeeze %dma_start3A_291 : memref<1x8x128xi32, #tpu.memory_space<vmem>> -> memref<8x128xi32, #tpu.memory_space<vmem>>
            %dma_start3A_293 = arith.constant 0 : i32
            %dma_start3A_294 = tpu.memref_slice %arg6[%add3A_285, %dma_start3A_293] : memref<1280x128xi32, #tpu.memory_space<hbm>> -> memref<8x128xi32, #tpu.memory_space<hbm>>
            %dma_start3A_295 = arith.constant 0 : i32
            %dma_start3A_296 = arith.constant 0 : i32
            %dma_start3A_297 = tpu.memref_slice %arg10[%and3A_287, %dma_start3A_295, %dma_start3A_296] : memref<2x8x128xi32, #tpu.memory_space<vmem>> -> memref<1x8x128xi32, #tpu.memory_space<vmem>>
            %dma_start3A_298 = tpu.memref_squeeze %dma_start3A_297 : memref<1x8x128xi32, #tpu.memory_space<vmem>> -> memref<8x128xi32, #tpu.memory_space<vmem>>
            %dma_start3A_299 = arith.constant 0 : i32
            %dma_start3A_300 = tpu.memref_slice %arg6[%add3A_285, %dma_start3A_299] : memref<1280x128xi32, #tpu.memory_space<hbm>> -> memref<8x128xi32, #tpu.memory_space<hbm>>
            tpu.enqueue_dma source(%dma_start3A_300 : memref<8x128xi32, #tpu.memory_space<hbm>>) target(%dma_start3A_298 : memref<8x128xi32, #tpu.memory_space<vmem>>) target_semaphore(%run_scoped3A_288 : memref<!tpu.dma_semaphore, #tpu.memory_space<semaphore_mem>>)
            %dma_wait3A_301 = arith.constant 0 : i32
            %dma_wait3A_302 = arith.constant 0 : i32
            %dma_wait3A_303 = tpu.memref_slice %arg10[%and3A_287, %dma_wait3A_301, %dma_wait3A_302] : memref<2x8x128xi32, #tpu.memory_space<vmem>> -> memref<1x8x128xi32, #tpu.memory_space<vmem>>
            %dma_wait3A_304 = tpu.memref_squeeze %dma_wait3A_303 : memref<1x8x128xi32, #tpu.memory_space<vmem>> -> memref<8x128xi32, #tpu.memory_space<vmem>>
            %dma_wait3A_305 = arith.constant 0 : i32
            %dma_wait3A_306 = tpu.memref_slice %arg6[%add3A_285, %dma_wait3A_305] : memref<1280x128xi32, #tpu.memory_space<hbm>> -> memref<8x128xi32, #tpu.memory_space<hbm>>
            %dma_wait3A_307 = arith.constant 0 : i32
            %dma_wait3A_308 = arith.constant 0 : i32
            %dma_wait3A_309 = tpu.memref_slice %arg10[%and3A_287, %dma_wait3A_307, %dma_wait3A_308] : memref<2x8x128xi32, #tpu.memory_space<vmem>> -> memref<1x8x128xi32, #tpu.memory_space<vmem>>
            %dma_wait3A_310 = tpu.memref_squeeze %dma_wait3A_309 : memref<1x8x128xi32, #tpu.memory_space<vmem>> -> memref<8x128xi32, #tpu.memory_space<vmem>>
            %dma_wait3A_311 = arith.constant 0 : i32
            %dma_wait3A_312 = tpu.memref_slice %arg6[%add3A_285, %dma_wait3A_311] : memref<1280x128xi32, #tpu.memory_space<hbm>> -> memref<8x128xi32, #tpu.memory_space<hbm>>
            tpu.wait_dma2 semaphore(%run_scoped3A_288 : memref<!tpu.dma_semaphore, #tpu.memory_space<semaphore_mem>>) src(%dma_wait3A_312 : memref<8x128xi32, #tpu.memory_space<hbm>>) dst(%dma_wait3A_310 : memref<8x128xi32, #tpu.memory_space<vmem>>)
            tpu.yield
          }) : () -> ()
          "tpu.region"() ({
            %run_scoped3A_288 = tpu.sem_alloc : memref<!tpu.dma_semaphore, #tpu.memory_space<semaphore_mem>>
            %dma_start3A_289 = arith.constant 0 : i32
            %dma_start3A_290 = arith.constant 0 : i32
            %dma_start3A_291 = tpu.memref_slice %arg11[%and3A_287, %dma_start3A_289, %dma_start3A_290] : memref<2x8x128xi32, #tpu.memory_space<vmem>> -> memref<1x8x128xi32, #tpu.memory_space<vmem>>
            %dma_start3A_292 = tpu.memref_squeeze %dma_start3A_291 : memref<1x8x128xi32, #tpu.memory_space<vmem>> -> memref<8x128xi32, #tpu.memory_space<vmem>>
            %dma_start3A_293 = arith.constant 0 : i32
            %dma_start3A_294 = tpu.memref_slice %arg7[%add3A_285, %dma_start3A_293] : memref<1280x128xi32, #tpu.memory_space<hbm>> -> memref<8x128xi32, #tpu.memory_space<hbm>>
            %dma_start3A_295 = arith.constant 0 : i32
            %dma_start3A_296 = arith.constant 0 : i32
            %dma_start3A_297 = tpu.memref_slice %arg11[%and3A_287, %dma_start3A_295, %dma_start3A_296] : memref<2x8x128xi32, #tpu.memory_space<vmem>> -> memref<1x8x128xi32, #tpu.memory_space<vmem>>
            %dma_start3A_298 = tpu.memref_squeeze %dma_start3A_297 : memref<1x8x128xi32, #tpu.memory_space<vmem>> -> memref<8x128xi32, #tpu.memory_space<vmem>>
            %dma_start3A_299 = arith.constant 0 : i32
            %dma_start3A_300 = tpu.memref_slice %arg7[%add3A_285, %dma_start3A_299] : memref<1280x128xi32, #tpu.memory_space<hbm>> -> memref<8x128xi32, #tpu.memory_space<hbm>>
            tpu.enqueue_dma source(%dma_start3A_300 : memref<8x128xi32, #tpu.memory_space<hbm>>) target(%dma_start3A_298 : memref<8x128xi32, #tpu.memory_space<vmem>>) target_semaphore(%run_scoped3A_288 : memref<!tpu.dma_semaphore, #tpu.memory_space<semaphore_mem>>)
            %dma_wait3A_301 = arith.constant 0 : i32
            %dma_wait3A_302 = arith.constant 0 : i32
            %dma_wait3A_303 = tpu.memref_slice %arg11[%and3A_287, %dma_wait3A_301, %dma_wait3A_302] : memref<2x8x128xi32, #tpu.memory_space<vmem>> -> memref<1x8x128xi32, #tpu.memory_space<vmem>>
            %dma_wait3A_304 = tpu.memref_squeeze %dma_wait3A_303 : memref<1x8x128xi32, #tpu.memory_space<vmem>> -> memref<8x128xi32, #tpu.memory_space<vmem>>
            %dma_wait3A_305 = arith.constant 0 : i32
            %dma_wait3A_306 = tpu.memref_slice %arg7[%add3A_285, %dma_wait3A_305] : memref<1280x128xi32, #tpu.memory_space<hbm>> -> memref<8x128xi32, #tpu.memory_space<hbm>>
            %dma_wait3A_307 = arith.constant 0 : i32
            %dma_wait3A_308 = arith.constant 0 : i32
            %dma_wait3A_309 = tpu.memref_slice %arg11[%and3A_287, %dma_wait3A_307, %dma_wait3A_308] : memref<2x8x128xi32, #tpu.memory_space<vmem>> -> memref<1x8x128xi32, #tpu.memory_space<vmem>>
            %dma_wait3A_310 = tpu.memref_squeeze %dma_wait3A_309 : memref<1x8x128xi32, #tpu.memory_space<vmem>> -> memref<8x128xi32, #tpu.memory_space<vmem>>
            %dma_wait3A_311 = arith.constant 0 : i32
            %dma_wait3A_312 = tpu.memref_slice %arg7[%add3A_285, %dma_wait3A_311] : memref<1280x128xi32, #tpu.memory_space<hbm>> -> memref<8x128xi32, #tpu.memory_space<hbm>>
            tpu.wait_dma2 semaphore(%run_scoped3A_288 : memref<!tpu.dma_semaphore, #tpu.memory_space<semaphore_mem>>) src(%dma_wait3A_312 : memref<8x128xi32, #tpu.memory_space<hbm>>) dst(%dma_wait3A_310 : memref<8x128xi32, #tpu.memory_space<vmem>>)
            tpu.yield
          }) : () -> ()
        } else {
        }
        %mul3A_129 = arith.constant 2 : i32
        %mul3A_130 = arith.muli %mul3A_129, %scan3A_119 : i32
        %gt3A = arith.constant 0 : i32
        %gt3A_131 = arith.cmpi sgt, %scan3A_119, %gt3A : i32
        %convert_element_type3A_132 = arith.extui %gt3A_131 : i1 to i32
        %cond3A_133 = arith.constant 0 : i32
        %cond3A_134 = arith.cmpi ne, %convert_element_type3A_132, %cond3A_133 : i32
        scf.if %cond3A_134 {
          %sub3A = arith.constant 2 : i32
          %sub3A_279 = arith.subi %mul3A_130, %sub3A : i32
          %shift_right_arithmetic3A_280 = arith.constant 3 : i32
          %shift_right_arithmetic3A_281 = arith.shrsi %sub3A_279, %shift_right_arithmetic3A_280 : i32
          %and3A_282 = arith.constant 1 : i32
          %and3A_283 = arith.andi %shift_right_arithmetic3A_281, %and3A_282 : i32
          %and3A_284 = arith.constant 7 : i32
          %and3A_285 = arith.andi %sub3A_279, %and3A_284 : i32
          %mul3A_286 = arith.constant 128 : i32
          %mul3A_287 = arith.muli %sub3A_279, %mul3A_286 : i32
          %dma_wait3A_288 = tpu.memref_slice %arg9[%mul3A_287] : memref<10240xf32, #tpu.memory_space<vmem>> -> memref<128xf32, #tpu.memory_space<vmem>>
          %dma_wait3A_289 = arith.constant 0 : i32
          %dma_wait3A_290 = tpu.memref_slice %arg11[%and3A_283, %and3A_285, %dma_wait3A_289] : memref<2x8x128xi32, #tpu.memory_space<vmem>> -> memref<1x1x128xi32, #tpu.memory_space<vmem>>
          %dma_wait3A_291 = tpu.memref_squeeze %dma_wait3A_290 : memref<1x1x128xi32, #tpu.memory_space<vmem>> -> memref<128xi32, #tpu.memory_space<vmem>>
          %dma_wait3A_292 = arith.constant 0 : i32
          %dma_wait3A_293 = tpu.memref_slice %arg16[%dma_wait3A_292] : memref<10240xf32, #tpu.memory_space<vmem_shared>> -> memref<10240xf32, #tpu.memory_space<vmem_shared>>
          tpu.wait_indirect_dma semaphore(%arg19 : memref<!tpu.dma_semaphore, #tpu.memory_space<semaphore_mem>>) src(%dma_wait3A_288 : memref<128xf32, #tpu.memory_space<vmem>>) dst(%dma_wait3A_293 : memref<10240xf32, #tpu.memory_space<vmem_shared>>)
          %sub3A_294 = arith.constant 1 : i32
          %sub3A_295 = arith.subi %mul3A_130, %sub3A_294 : i32
          %shift_right_arithmetic3A_296 = arith.constant 3 : i32
          %shift_right_arithmetic3A_297 = arith.shrsi %sub3A_295, %shift_right_arithmetic3A_296 : i32
          %and3A_298 = arith.constant 1 : i32
          %and3A_299 = arith.andi %shift_right_arithmetic3A_297, %and3A_298 : i32
          %and3A_300 = arith.constant 7 : i32
          %and3A_301 = arith.andi %sub3A_295, %and3A_300 : i32
          %mul3A_302 = arith.constant 128 : i32
          %mul3A_303 = arith.muli %sub3A_295, %mul3A_302 : i32
          %dma_wait3A_304 = tpu.memref_slice %arg9[%mul3A_303] : memref<10240xf32, #tpu.memory_space<vmem>> -> memref<128xf32, #tpu.memory_space<vmem>>
          %dma_wait3A_305 = arith.constant 0 : i32
          %dma_wait3A_306 = tpu.memref_slice %arg11[%and3A_299, %and3A_301, %dma_wait3A_305] : memref<2x8x128xi32, #tpu.memory_space<vmem>> -> memref<1x1x128xi32, #tpu.memory_space<vmem>>
          %dma_wait3A_307 = tpu.memref_squeeze %dma_wait3A_306 : memref<1x1x128xi32, #tpu.memory_space<vmem>> -> memref<128xi32, #tpu.memory_space<vmem>>
          %dma_wait3A_308 = arith.constant 0 : i32
          %dma_wait3A_309 = tpu.memref_slice %arg16[%dma_wait3A_308] : memref<10240xf32, #tpu.memory_space<vmem_shared>> -> memref<10240xf32, #tpu.memory_space<vmem_shared>>
          tpu.wait_indirect_dma semaphore(%arg20 : memref<!tpu.dma_semaphore, #tpu.memory_space<semaphore_mem>>) src(%dma_wait3A_304 : memref<128xf32, #tpu.memory_space<vmem>>) dst(%dma_wait3A_309 : memref<10240xf32, #tpu.memory_space<vmem_shared>>)
        } else {
        }
        %shift_right_arithmetic3A_135 = arith.constant 3 : i32
        %shift_right_arithmetic3A_136 = arith.shrsi %mul3A_130, %shift_right_arithmetic3A_135 : i32
        %and3A_137 = arith.constant 1 : i32
        %and3A_138 = arith.andi %shift_right_arithmetic3A_136, %and3A_137 : i32
        %and3A_139 = arith.constant 7 : i32
        %and3A_140 = arith.andi %mul3A_130, %and3A_139 : i32
        %mul3A_141 = arith.constant 128 : i32
        %mul3A_142 = arith.muli %mul3A_130, %mul3A_141 : i32
        %dma_start3A_143 = tpu.memref_slice %arg9[%mul3A_142] : memref<10240xf32, #tpu.memory_space<vmem>> -> memref<128xf32, #tpu.memory_space<vmem>>
        %dma_start3A_144 = arith.constant 0 : i32
        %dma_start3A_145 = tpu.memref_slice %arg11[%and3A_138, %and3A_140, %dma_start3A_144] : memref<2x8x128xi32, #tpu.memory_space<vmem>> -> memref<1x1x128xi32, #tpu.memory_space<vmem>>
        %dma_start3A_146 = tpu.memref_squeeze %dma_start3A_145 : memref<1x1x128xi32, #tpu.memory_space<vmem>> -> memref<128xi32, #tpu.memory_space<vmem>>
        %dma_start3A_147 = arith.constant 0 : i32
        %dma_start3A_148 = tpu.memref_slice %arg16[%dma_start3A_147] : memref<10240xf32, #tpu.memory_space<vmem_shared>> -> memref<10240xf32, #tpu.memory_space<vmem_shared>>
        tpu.enqueue_indirect_dma source(%dma_start3A_143 : memref<128xf32, #tpu.memory_space<vmem>>) target(%dma_start3A_148 : memref<10240xf32, #tpu.memory_space<vmem_shared>>) offsets(%dma_start3A_146 : memref<128xi32, #tpu.memory_space<vmem>>) semaphore(%arg19 : memref<!tpu.dma_semaphore, #tpu.memory_space<semaphore_mem>>) {add = true}
        %add3A_149 = arith.constant 1 : i32
        %add3A_150 = arith.addi %mul3A_130, %add3A_149 : i32
        %shift_right_arithmetic3A_151 = arith.constant 3 : i32
        %shift_right_arithmetic3A_152 = arith.shrsi %add3A_150, %shift_right_arithmetic3A_151 : i32
        %and3A_153 = arith.constant 1 : i32
        %and3A_154 = arith.andi %shift_right_arithmetic3A_152, %and3A_153 : i32
        %and3A_155 = arith.constant 7 : i32
        %and3A_156 = arith.andi %add3A_150, %and3A_155 : i32
        %mul3A_157 = arith.constant 128 : i32
        %mul3A_158 = arith.muli %add3A_150, %mul3A_157 : i32
        %dma_start3A_159 = tpu.memref_slice %arg9[%mul3A_158] : memref<10240xf32, #tpu.memory_space<vmem>> -> memref<128xf32, #tpu.memory_space<vmem>>
        %dma_start3A_160 = arith.constant 0 : i32
        %dma_start3A_161 = tpu.memref_slice %arg11[%and3A_154, %and3A_156, %dma_start3A_160] : memref<2x8x128xi32, #tpu.memory_space<vmem>> -> memref<1x1x128xi32, #tpu.memory_space<vmem>>
        %dma_start3A_162 = tpu.memref_squeeze %dma_start3A_161 : memref<1x1x128xi32, #tpu.memory_space<vmem>> -> memref<128xi32, #tpu.memory_space<vmem>>
        %dma_start3A_163 = arith.constant 0 : i32
        %dma_start3A_164 = tpu.memref_slice %arg16[%dma_start3A_163] : memref<10240xf32, #tpu.memory_space<vmem_shared>> -> memref<10240xf32, #tpu.memory_space<vmem_shared>>
        tpu.enqueue_indirect_dma source(%dma_start3A_159 : memref<128xf32, #tpu.memory_space<vmem>>) target(%dma_start3A_164 : memref<10240xf32, #tpu.memory_space<vmem_shared>>) offsets(%dma_start3A_162 : memref<128xi32, #tpu.memory_space<vmem>>) semaphore(%arg20 : memref<!tpu.dma_semaphore, #tpu.memory_space<semaphore_mem>>) {add = true}
        %shift_right_arithmetic3A_165 = arith.constant 3 : i32
        %shift_right_arithmetic3A_166 = arith.shrsi %mul3A_130, %shift_right_arithmetic3A_165 : i32
        %and3A_167 = arith.constant 1 : i32
        %and3A_168 = arith.andi %shift_right_arithmetic3A_166, %and3A_167 : i32
        %and3A_169 = arith.constant 7 : i32
        %and3A_170 = arith.andi %mul3A_130, %and3A_169 : i32
        %dma_wait3A_171 = arith.constant 0 : i32
        %dma_wait3A_172 = tpu.memref_slice %arg10[%and3A_168, %and3A_170, %dma_wait3A_171] : memref<2x8x128xi32, #tpu.memory_space<vmem>> -> memref<1x1x128xi32, #tpu.memory_space<vmem>>
        %dma_wait3A_173 = tpu.memref_squeeze %dma_wait3A_172 : memref<1x1x128xi32, #tpu.memory_space<vmem>> -> memref<128xi32, #tpu.memory_space<vmem>>
        %dma_wait3A_174 = arith.constant 0 : i32
        %dma_wait3A_175 = arith.constant 0 : i32
        %dma_wait3A_176 = tpu.memref_slice %arg3[%dma_wait3A_174, %dma_wait3A_175] : memref<10240x128xf32, #tpu.memory_space<hbm>> -> memref<10240x128xf32, #tpu.memory_space<hbm>>
        tpu.wait_indirect_dma semaphore(%arg17 : memref<!tpu.dma_semaphore, #tpu.memory_space<semaphore_mem>>) src(%dma_wait3A_176 : memref<10240x128xf32, #tpu.memory_space<hbm>>) dst(%arg12 : memref<128x128xf32, #tpu.memory_space<vmem>>)
        %gt3A_177 = arith.constant 0 : i32
        %gt3A_178 = arith.cmpi sgt, %scan3A_119, %gt3A_177 : i32
        %convert_element_type3A_179 = arith.extui %gt3A_178 : i1 to i32
        %cond3A_180 = arith.constant 0 : i32
        %cond3A_181 = arith.cmpi ne, %convert_element_type3A_179, %cond3A_180 : i32
        scf.if %cond3A_181 {
          %sub3A = arith.constant 1 : i32
          %sub3A_279 = arith.subi %mul3A_130, %sub3A : i32
          %shift_right_arithmetic3A_280 = arith.constant 3 : i32
          %shift_right_arithmetic3A_281 = arith.shrsi %sub3A_279, %shift_right_arithmetic3A_280 : i32
          %and3A_282 = arith.constant 1 : i32
          %and3A_283 = arith.andi %shift_right_arithmetic3A_281, %and3A_282 : i32
          %and3A_284 = arith.constant 7 : i32
          %and3A_285 = arith.andi %sub3A_279, %and3A_284 : i32
          %dma_wait3A_286 = arith.constant 0 : i32
          %dma_wait3A_287 = tpu.memref_slice %arg11[%and3A_283, %and3A_285, %dma_wait3A_286] : memref<2x8x128xi32, #tpu.memory_space<vmem>> -> memref<1x1x128xi32, #tpu.memory_space<vmem>>
          %dma_wait3A_288 = tpu.memref_squeeze %dma_wait3A_287 : memref<1x1x128xi32, #tpu.memory_space<vmem>> -> memref<128xi32, #tpu.memory_space<vmem>>
          %dma_wait3A_289 = arith.constant 0 : i32
          %dma_wait3A_290 = arith.constant 0 : i32
          %dma_wait3A_291 = tpu.memref_slice %arg15[%dma_wait3A_289, %dma_wait3A_290] : memref<10240x128xf32, #tpu.memory_space<vmem_shared>> -> memref<10240x128xf32, #tpu.memory_space<vmem_shared>>
          tpu.wait_indirect_dma semaphore(%arg22 : memref<!tpu.dma_semaphore, #tpu.memory_space<semaphore_mem>>) src(%arg13 : memref<128x128xf32, #tpu.memory_space<vmem>>) dst(%dma_wait3A_291 : memref<10240x128xf32, #tpu.memory_space<vmem_shared>>)
        } else {
        }
        %add3A_182 = arith.constant 1 : i32
        %add3A_183 = arith.addi %mul3A_130, %add3A_182 : i32
        %shift_right_arithmetic3A_184 = arith.constant 3 : i32
        %shift_right_arithmetic3A_185 = arith.shrsi %add3A_183, %shift_right_arithmetic3A_184 : i32
        %and3A_186 = arith.constant 1 : i32
        %and3A_187 = arith.andi %shift_right_arithmetic3A_185, %and3A_186 : i32
        %and3A_188 = arith.constant 7 : i32
        %and3A_189 = arith.andi %add3A_183, %and3A_188 : i32
        %dma_start3A_190 = arith.constant 0 : i32
        %dma_start3A_191 = tpu.memref_slice %arg10[%and3A_187, %and3A_189, %dma_start3A_190] : memref<2x8x128xi32, #tpu.memory_space<vmem>> -> memref<1x1x128xi32, #tpu.memory_space<vmem>>
        %dma_start3A_192 = tpu.memref_squeeze %dma_start3A_191 : memref<1x1x128xi32, #tpu.memory_space<vmem>> -> memref<128xi32, #tpu.memory_space<vmem>>
        %dma_start3A_193 = arith.constant 0 : i32
        %dma_start3A_194 = arith.constant 0 : i32
        %dma_start3A_195 = tpu.memref_slice %arg3[%dma_start3A_193, %dma_start3A_194] : memref<10240x128xf32, #tpu.memory_space<hbm>> -> memref<10240x128xf32, #tpu.memory_space<hbm>>
        tpu.enqueue_indirect_dma source(%dma_start3A_195 : memref<10240x128xf32, #tpu.memory_space<hbm>>) target(%arg13 : memref<128x128xf32, #tpu.memory_space<vmem>>) offsets(%dma_start3A_192 : memref<128xi32, #tpu.memory_space<vmem>>) semaphore(%arg18 : memref<!tpu.dma_semaphore, #tpu.memory_space<semaphore_mem>>)
        %shift_right_arithmetic3A_196 = arith.constant 3 : i32
        %shift_right_arithmetic3A_197 = arith.shrsi %mul3A_130, %shift_right_arithmetic3A_196 : i32
        %and3A_198 = arith.constant 1 : i32
        %and3A_199 = arith.andi %shift_right_arithmetic3A_197, %and3A_198 : i32
        %and3A_200 = arith.constant 7 : i32
        %and3A_201 = arith.andi %mul3A_130, %and3A_200 : i32
        %scan3A_202 = arith.constant 0 : i32
        %scan3A_203 = arith.constant 0 : i32
        %scan3A_204 = arith.constant 32 : i32
        %scan3A_205 = arith.addi %scan3A_203, %scan3A_204 : i32
        %scan3A_206 = arith.constant 1 : i32
        scf.for %scan3A_279 = %scan3A_203 to %scan3A_205 step %scan3A_206  : i32 {
          %mul3A_280 = arith.constant 4 : i32
          %mul3A_281 = arith.muli %scan3A_279, %mul3A_280 : i32
          %add3A_282 = arith.constant 0 : i32
          %add3A_283 = arith.addi %mul3A_281, %add3A_282 : i32
          %mul3A_284 = arith.constant 128 : i32
          %mul3A_285 = arith.muli %mul3A_130, %mul3A_284 : i32
          %add3A_286 = arith.addi %mul3A_285, %add3A_283 : i32
          %broadcast_in_dim3A_287 = vector.broadcast %add3A_286 : i32 to vector<16xi32>
          %gather3A = tpu.vector_load_idx %arg9[%broadcast_in_dim3A_287] : memref<10240xf32, #tpu.memory_space<vmem>>[vector<16xi32>], vector<16xf32>,
          %get3A = arith.index_cast %add3A_283 : i32 to index
          %get3A_288 = arith.constant 0 : index
          %get3A_289 = tpu.vector_load %arg12[%get3A, %get3A_288] {strides = array<i32>} : memref<128x128xf32, #tpu.memory_space<vmem>>, vector<16xf32>,
          %mul3A_290 = arith.mulf %get3A_289, %gather3A : vector<16xf32>
          %swap3A = arith.index_cast %add3A_283 : i32 to index
          %swap3A_291 = arith.constant 0 : index
          %swap3A_292 = tpu.vector_load %arg12[%swap3A, %swap3A_291] {strides = array<i32>} : memref<128x128xf32, #tpu.memory_space<vmem>>, vector<16xf32>,
          tpu.vector_store %arg12[%swap3A, %swap3A_291], %mul3A_290 {strides = array<i32>} : memref<128x128xf32, #tpu.memory_space<vmem>>, vector<16xf32>,
          %get3A_293 = arith.index_cast %add3A_283 : i32 to index
          %get3A_294 = arith.constant 16 : index
          %get3A_295 = tpu.vector_load %arg12[%get3A_293, %get3A_294] {strides = array<i32>} : memref<128x128xf32, #tpu.memory_space<vmem>>, vector<16xf32>,
          %mul3A_296 = arith.mulf %get3A_295, %gather3A : vector<16xf32>
          %swap3A_297 = arith.index_cast %add3A_283 : i32 to index
          %swap3A_298 = arith.constant 16 : index
          %swap3A_299 = tpu.vector_load %arg12[%swap3A_297, %swap3A_298] {strides = array<i32>} : memref<128x128xf32, #tpu.memory_space<vmem>>, vector<16xf32>,
          tpu.vector_store %arg12[%swap3A_297, %swap3A_298], %mul3A_296 {strides = array<i32>} : memref<128x128xf32, #tpu.memory_space<vmem>>, vector<16xf32>,
          %get3A_300 = arith.index_cast %add3A_283 : i32 to index
          %get3A_301 = arith.constant 32 : index
          %get3A_302 = tpu.vector_load %arg12[%get3A_300, %get3A_301] {strides = array<i32>} : memref<128x128xf32, #tpu.memory_space<vmem>>, vector<16xf32>,
          %mul3A_303 = arith.mulf %get3A_302, %gather3A : vector<16xf32>
          %swap3A_304 = arith.index_cast %add3A_283 : i32 to index
          %swap3A_305 = arith.constant 32 : index
          %swap3A_306 = tpu.vector_load %arg12[%swap3A_304, %swap3A_305] {strides = array<i32>} : memref<128x128xf32, #tpu.memory_space<vmem>>, vector<16xf32>,
          tpu.vector_store %arg12[%swap3A_304, %swap3A_305], %mul3A_303 {strides = array<i32>} : memref<128x128xf32, #tpu.memory_space<vmem>>, vector<16xf32>,
          %get3A_307 = arith.index_cast %add3A_283 : i32 to index
          %get3A_308 = arith.constant 48 : index
          %get3A_309 = tpu.vector_load %arg12[%get3A_307, %get3A_308] {strides = array<i32>} : memref<128x128xf32, #tpu.memory_space<vmem>>, vector<16xf32>,
          %mul3A_310 = arith.mulf %get3A_309, %gather3A : vector<16xf32>
          %swap3A_311 = arith.index_cast %add3A_283 : i32 to index
          %swap3A_312 = arith.constant 48 : index
          %swap3A_313 = tpu.vector_load %arg12[%swap3A_311, %swap3A_312] {strides = array<i32>} : memref<128x128xf32, #tpu.memory_space<vmem>>, vector<16xf32>,
          tpu.vector_store %arg12[%swap3A_311, %swap3A_312], %mul3A_310 {strides = array<i32>} : memref<128x128xf32, #tpu.memory_space<vmem>>, vector<16xf32>,
          %get3A_314 = arith.index_cast %add3A_283 : i32 to index
          %get3A_315 = arith.constant 64 : index
          %get3A_316 = tpu.vector_load %arg12[%get3A_314, %get3A_315] {strides = array<i32>} : memref<128x128xf32, #tpu.memory_space<vmem>>, vector<16xf32>,
          %mul3A_317 = arith.mulf %get3A_316, %gather3A : vector<16xf32>
          %swap3A_318 = arith.index_cast %add3A_283 : i32 to index
          %swap3A_319 = arith.constant 64 : index
          %swap3A_320 = tpu.vector_load %arg12[%swap3A_318, %swap3A_319] {strides = array<i32>} : memref<128x128xf32, #tpu.memory_space<vmem>>, vector<16xf32>,
          tpu.vector_store %arg12[%swap3A_318, %swap3A_319], %mul3A_317 {strides = array<i32>} : memref<128x128xf32, #tpu.memory_space<vmem>>, vector<16xf32>,
          %get3A_321 = arith.index_cast %add3A_283 : i32 to index
          %get3A_322 = arith.constant 80 : index
          %get3A_323 = tpu.vector_load %arg12[%get3A_321, %get3A_322] {strides = array<i32>} : memref<128x128xf32, #tpu.memory_space<vmem>>, vector<16xf32>,
          %mul3A_324 = arith.mulf %get3A_323, %gather3A : vector<16xf32>
          %swap3A_325 = arith.index_cast %add3A_283 : i32 to index
          %swap3A_326 = arith.constant 80 : index
          %swap3A_327 = tpu.vector_load %arg12[%swap3A_325, %swap3A_326] {strides = array<i32>} : memref<128x128xf32, #tpu.memory_space<vmem>>, vector<16xf32>,
          tpu.vector_store %arg12[%swap3A_325, %swap3A_326], %mul3A_324 {strides = array<i32>} : memref<128x128xf32, #tpu.memory_space<vmem>>, vector<16xf32>,
          %get3A_328 = arith.index_cast %add3A_283 : i32 to index
          %get3A_329 = arith.constant 96 : index
          %get3A_330 = tpu.vector_load %arg12[%get3A_328, %get3A_329] {strides = array<i32>} : memref<128x128xf32, #tpu.memory_space<vmem>>, vector<16xf32>,
          %mul3A_331 = arith.mulf %get3A_330, %gather3A : vector<16xf32>
          %swap3A_332 = arith.index_cast %add3A_283 : i32 to index
          %swap3A_333 = arith.constant 96 : index
          %swap3A_334 = tpu.vector_load %arg12[%swap3A_332, %swap3A_333] {strides = array<i32>} : memref<128x128xf32, #tpu.memory_space<vmem>>, vector<16xf32>,
          tpu.vector_store %arg12[%swap3A_332, %swap3A_333], %mul3A_331 {strides = array<i32>} : memref<128x128xf32, #tpu.memory_space<vmem>>, vector<16xf32>,
          %get3A_335 = arith.index_cast %add3A_283 : i32 to index
          %get3A_336 = arith.constant 112 : index
          %get3A_337 = tpu.vector_load %arg12[%get3A_335, %get3A_336] {strides = array<i32>} : memref<128x128xf32, #tpu.memory_space<vmem>>, vector<16xf32>,
          %mul3A_338 = arith.mulf %get3A_337, %gather3A : vector<16xf32>
          %swap3A_339 = arith.index_cast %add3A_283 : i32 to index
          %swap3A_340 = arith.constant 112 : index
          %swap3A_341 = tpu.vector_load %arg12[%swap3A_339, %swap3A_340] {strides = array<i32>} : memref<128x128xf32, #tpu.memory_space<vmem>>, vector<16xf32>,
          tpu.vector_store %arg12[%swap3A_339, %swap3A_340], %mul3A_338 {strides = array<i32>} : memref<128x128xf32, #tpu.memory_space<vmem>>, vector<16xf32>,
          %mul3A_342 = arith.constant 4 : i32
          %mul3A_343 = arith.muli %scan3A_279, %mul3A_342 : i32
          %add3A_344 = arith.constant 1 : i32
          %add3A_345 = arith.addi %mul3A_343, %add3A_344 : i32
          %mul3A_346 = arith.constant 128 : i32
          %mul3A_347 = arith.muli %mul3A_130, %mul3A_346 : i32
          %add3A_348 = arith.addi %mul3A_347, %add3A_345 : i32
          %broadcast_in_dim3A_349 = vector.broadcast %add3A_348 : i32 to vector<16xi32>
          %gather3A_350 = tpu.vector_load_idx %arg9[%broadcast_in_dim3A_349] : memref<10240xf32, #tpu.memory_space<vmem>>[vector<16xi32>], vector<16xf32>,
          %get3A_351 = arith.index_cast %add3A_345 : i32 to index
          %get3A_352 = arith.constant 0 : index
          %get3A_353 = tpu.vector_load %arg12[%get3A_351, %get3A_352] {strides = array<i32>} : memref<128x128xf32, #tpu.memory_space<vmem>>, vector<16xf32>,
          %mul3A_354 = arith.mulf %get3A_353, %gather3A_350 : vector<16xf32>
          %swap3A_355 = arith.index_cast %add3A_345 : i32 to index
          %swap3A_356 = arith.constant 0 : index
          %swap3A_357 = tpu.vector_load %arg12[%swap3A_355, %swap3A_356] {strides = array<i32>} : memref<128x128xf32, #tpu.memory_space<vmem>>, vector<16xf32>,
          tpu.vector_store %arg12[%swap3A_355, %swap3A_356], %mul3A_354 {strides = array<i32>} : memref<128x128xf32, #tpu.memory_space<vmem>>, vector<16xf32>,
          %get3A_358 = arith.index_cast %add3A_345 : i32 to index
          %get3A_359 = arith.constant 16 : index
          %get3A_360 = tpu.vector_load %arg12[%get3A_358, %get3A_359] {strides = array<i32>} : memref<128x128xf32, #tpu.memory_space<vmem>>, vector<16xf32>,
          %mul3A_361 = arith.mulf %get3A_360, %gather3A_350 : vector<16xf32>
          %swap3A_362 = arith.index_cast %add3A_345 : i32 to index
          %swap3A_363 = arith.constant 16 : index
          %swap3A_364 = tpu.vector_load %arg12[%swap3A_362, %swap3A_363] {strides = array<i32>} : memref<128x128xf32, #tpu.memory_space<vmem>>, vector<16xf32>,
          tpu.vector_store %arg12[%swap3A_362, %swap3A_363], %mul3A_361 {strides = array<i32>} : memref<128x128xf32, #tpu.memory_space<vmem>>, vector<16xf32>,
          %get3A_365 = arith.index_cast %add3A_345 : i32 to index
          %get3A_366 = arith.constant 32 : index
          %get3A_367 = tpu.vector_load %arg12[%get3A_365, %get3A_366] {strides = array<i32>} : memref<128x128xf32, #tpu.memory_space<vmem>>, vector<16xf32>,
          %mul3A_368 = arith.mulf %get3A_367, %gather3A_350 : vector<16xf32>
          %swap3A_369 = arith.index_cast %add3A_345 : i32 to index
          %swap3A_370 = arith.constant 32 : index
          %swap3A_371 = tpu.vector_load %arg12[%swap3A_369, %swap3A_370] {strides = array<i32>} : memref<128x128xf32, #tpu.memory_space<vmem>>, vector<16xf32>,
          tpu.vector_store %arg12[%swap3A_369, %swap3A_370], %mul3A_368 {strides = array<i32>} : memref<128x128xf32, #tpu.memory_space<vmem>>, vector<16xf32>,
          %get3A_372 = arith.index_cast %add3A_345 : i32 to index
          %get3A_373 = arith.constant 48 : index
          %get3A_374 = tpu.vector_load %arg12[%get3A_372, %get3A_373] {strides = array<i32>} : memref<128x128xf32, #tpu.memory_space<vmem>>, vector<16xf32>,
          %mul3A_375 = arith.mulf %get3A_374, %gather3A_350 : vector<16xf32>
          %swap3A_376 = arith.index_cast %add3A_345 : i32 to index
          %swap3A_377 = arith.constant 48 : index
          %swap3A_378 = tpu.vector_load %arg12[%swap3A_376, %swap3A_377] {strides = array<i32>} : memref<128x128xf32, #tpu.memory_space<vmem>>, vector<16xf32>,
          tpu.vector_store %arg12[%swap3A_376, %swap3A_377], %mul3A_375 {strides = array<i32>} : memref<128x128xf32, #tpu.memory_space<vmem>>, vector<16xf32>,
          %get3A_379 = arith.index_cast %add3A_345 : i32 to index
          %get3A_380 = arith.constant 64 : index
          %get3A_381 = tpu.vector_load %arg12[%get3A_379, %get3A_380] {strides = array<i32>} : memref<128x128xf32, #tpu.memory_space<vmem>>, vector<16xf32>,
          %mul3A_382 = arith.mulf %get3A_381, %gather3A_350 : vector<16xf32>
          %swap3A_383 = arith.index_cast %add3A_345 : i32 to index
          %swap3A_384 = arith.constant 64 : index
          %swap3A_385 = tpu.vector_load %arg12[%swap3A_383, %swap3A_384] {strides = array<i32>} : memref<128x128xf32, #tpu.memory_space<vmem>>, vector<16xf32>,
          tpu.vector_store %arg12[%swap3A_383, %swap3A_384], %mul3A_382 {strides = array<i32>} : memref<128x128xf32, #tpu.memory_space<vmem>>, vector<16xf32>,
          %get3A_386 = arith.index_cast %add3A_345 : i32 to index
          %get3A_387 = arith.constant 80 : index
          %get3A_388 = tpu.vector_load %arg12[%get3A_386, %get3A_387] {strides = array<i32>} : memref<128x128xf32, #tpu.memory_space<vmem>>, vector<16xf32>,
          %mul3A_389 = arith.mulf %get3A_388, %gather3A_350 : vector<16xf32>
          %swap3A_390 = arith.index_cast %add3A_345 : i32 to index
          %swap3A_391 = arith.constant 80 : index
          %swap3A_392 = tpu.vector_load %arg12[%swap3A_390, %swap3A_391] {strides = array<i32>} : memref<128x128xf32, #tpu.memory_space<vmem>>, vector<16xf32>,
          tpu.vector_store %arg12[%swap3A_390, %swap3A_391], %mul3A_389 {strides = array<i32>} : memref<128x128xf32, #tpu.memory_space<vmem>>, vector<16xf32>,
          %get3A_393 = arith.index_cast %add3A_345 : i32 to index
          %get3A_394 = arith.constant 96 : index
          %get3A_395 = tpu.vector_load %arg12[%get3A_393, %get3A_394] {strides = array<i32>} : memref<128x128xf32, #tpu.memory_space<vmem>>, vector<16xf32>,
          %mul3A_396 = arith.mulf %get3A_395, %gather3A_350 : vector<16xf32>
          %swap3A_397 = arith.index_cast %add3A_345 : i32 to index
          %swap3A_398 = arith.constant 96 : index
          %swap3A_399 = tpu.vector_load %arg12[%swap3A_397, %swap3A_398] {strides = array<i32>} : memref<128x128xf32, #tpu.memory_space<vmem>>, vector<16xf32>,
          tpu.vector_store %arg12[%swap3A_397, %swap3A_398], %mul3A_396 {strides = array<i32>} : memref<128x128xf32, #tpu.memory_space<vmem>>, vector<16xf32>,
          %get3A_400 = arith.index_cast %add3A_345 : i32 to index
          %get3A_401 = arith.constant 112 : index
          %get3A_402 = tpu.vector_load %arg12[%get3A_400, %get3A_401] {strides = array<i32>} : memref<128x128xf32, #tpu.memory_space<vmem>>, vector<16xf32>,
          %mul3A_403 = arith.mulf %get3A_402, %gather3A_350 : vector<16xf32>
          %swap3A_404 = arith.index_cast %add3A_345 : i32 to index
          %swap3A_405 = arith.constant 112 : index
          %swap3A_406 = tpu.vector_load %arg12[%swap3A_404, %swap3A_405] {strides = array<i32>} : memref<128x128xf32, #tpu.memory_space<vmem>>, vector<16xf32>,
          tpu.vector_store %arg12[%swap3A_404, %swap3A_405], %mul3A_403 {strides = array<i32>} : memref<128x128xf32, #tpu.memory_space<vmem>>, vector<16xf32>,
          %mul3A_407 = arith.constant 4 : i32
          %mul3A_408 = arith.muli %scan3A_279, %mul3A_407 : i32
          %add3A_409 = arith.constant 2 : i32
          %add3A_410 = arith.addi %mul3A_408, %add3A_409 : i32
          %mul3A_411 = arith.constant 128 : i32
          %mul3A_412 = arith.muli %mul3A_130, %mul3A_411 : i32
          %add3A_413 = arith.addi %mul3A_412, %add3A_410 : i32
          %broadcast_in_dim3A_414 = vector.broadcast %add3A_413 : i32 to vector<16xi32>
          %gather3A_415 = tpu.vector_load_idx %arg9[%broadcast_in_dim3A_414] : memref<10240xf32, #tpu.memory_space<vmem>>[vector<16xi32>], vector<16xf32>,
          %get3A_416 = arith.index_cast %add3A_410 : i32 to index
          %get3A_417 = arith.constant 0 : index
          %get3A_418 = tpu.vector_load %arg12[%get3A_416, %get3A_417] {strides = array<i32>} : memref<128x128xf32, #tpu.memory_space<vmem>>, vector<16xf32>,
          %mul3A_419 = arith.mulf %get3A_418, %gather3A_415 : vector<16xf32>
          %swap3A_420 = arith.index_cast %add3A_410 : i32 to index
          %swap3A_421 = arith.constant 0 : index
          %swap3A_422 = tpu.vector_load %arg12[%swap3A_420, %swap3A_421] {strides = array<i32>} : memref<128x128xf32, #tpu.memory_space<vmem>>, vector<16xf32>,
          tpu.vector_store %arg12[%swap3A_420, %swap3A_421], %mul3A_419 {strides = array<i32>} : memref<128x128xf32, #tpu.memory_space<vmem>>, vector<16xf32>,
          %get3A_423 = arith.index_cast %add3A_410 : i32 to index
          %get3A_424 = arith.constant 16 : index
          %get3A_425 = tpu.vector_load %arg12[%get3A_423, %get3A_424] {strides = array<i32>} : memref<128x128xf32, #tpu.memory_space<vmem>>, vector<16xf32>,
          %mul3A_426 = arith.mulf %get3A_425, %gather3A_415 : vector<16xf32>
          %swap3A_427 = arith.index_cast %add3A_410 : i32 to index
          %swap3A_428 = arith.constant 16 : index
          %swap3A_429 = tpu.vector_load %arg12[%swap3A_427, %swap3A_428] {strides = array<i32>} : memref<128x128xf32, #tpu.memory_space<vmem>>, vector<16xf32>,
          tpu.vector_store %arg12[%swap3A_427, %swap3A_428], %mul3A_426 {strides = array<i32>} : memref<128x128xf32, #tpu.memory_space<vmem>>, vector<16xf32>,
          %get3A_430 = arith.index_cast %add3A_410 : i32 to index
          %get3A_431 = arith.constant 32 : index
          %get3A_432 = tpu.vector_load %arg12[%get3A_430, %get3A_431] {strides = array<i32>} : memref<128x128xf32, #tpu.memory_space<vmem>>, vector<16xf32>,
          %mul3A_433 = arith.mulf %get3A_432, %gather3A_415 : vector<16xf32>
          %swap3A_434 = arith.index_cast %add3A_410 : i32 to index
          %swap3A_435 = arith.constant 32 : index
          %swap3A_436 = tpu.vector_load %arg12[%swap3A_434, %swap3A_435] {strides = array<i32>} : memref<128x128xf32, #tpu.memory_space<vmem>>, vector<16xf32>,
          tpu.vector_store %arg12[%swap3A_434, %swap3A_435], %mul3A_433 {strides = array<i32>} : memref<128x128xf32, #tpu.memory_space<vmem>>, vector<16xf32>,
          %get3A_437 = arith.index_cast %add3A_410 : i32 to index
          %get3A_438 = arith.constant 48 : index
          %get3A_439 = tpu.vector_load %arg12[%get3A_437, %get3A_438] {strides = array<i32>} : memref<128x128xf32, #tpu.memory_space<vmem>>, vector<16xf32>,
          %mul3A_440 = arith.mulf %get3A_439, %gather3A_415 : vector<16xf32>
          %swap3A_441 = arith.index_cast %add3A_410 : i32 to index
          %swap3A_442 = arith.constant 48 : index
          %swap3A_443 = tpu.vector_load %arg12[%swap3A_441, %swap3A_442] {strides = array<i32>} : memref<128x128xf32, #tpu.memory_space<vmem>>, vector<16xf32>,
          tpu.vector_store %arg12[%swap3A_441, %swap3A_442], %mul3A_440 {strides = array<i32>} : memref<128x128xf32, #tpu.memory_space<vmem>>, vector<16xf32>,
          %get3A_444 = arith.index_cast %add3A_410 : i32 to index
          %get3A_445 = arith.constant 64 : index
          %get3A_446 = tpu.vector_load %arg12[%get3A_444, %get3A_445] {strides = array<i32>} : memref<128x128xf32, #tpu.memory_space<vmem>>, vector<16xf32>,
          %mul3A_447 = arith.mulf %get3A_446, %gather3A_415 : vector<16xf32>
          %swap3A_448 = arith.index_cast %add3A_410 : i32 to index
          %swap3A_449 = arith.constant 64 : index
          %swap3A_450 = tpu.vector_load %arg12[%swap3A_448, %swap3A_449] {strides = array<i32>} : memref<128x128xf32, #tpu.memory_space<vmem>>, vector<16xf32>,
          tpu.vector_store %arg12[%swap3A_448, %swap3A_449], %mul3A_447 {strides = array<i32>} : memref<128x128xf32, #tpu.memory_space<vmem>>, vector<16xf32>,
          %get3A_451 = arith.index_cast %add3A_410 : i32 to index
          %get3A_452 = arith.constant 80 : index
          %get3A_453 = tpu.vector_load %arg12[%get3A_451, %get3A_452] {strides = array<i32>} : memref<128x128xf32, #tpu.memory_space<vmem>>, vector<16xf32>,
          %mul3A_454 = arith.mulf %get3A_453, %gather3A_415 : vector<16xf32>
          %swap3A_455 = arith.index_cast %add3A_410 : i32 to index
          %swap3A_456 = arith.constant 80 : index
          %swap3A_457 = tpu.vector_load %arg12[%swap3A_455, %swap3A_456] {strides = array<i32>} : memref<128x128xf32, #tpu.memory_space<vmem>>, vector<16xf32>,
          tpu.vector_store %arg12[%swap3A_455, %swap3A_456], %mul3A_454 {strides = array<i32>} : memref<128x128xf32, #tpu.memory_space<vmem>>, vector<16xf32>,
          %get3A_458 = arith.index_cast %add3A_410 : i32 to index
          %get3A_459 = arith.constant 96 : index
          %get3A_460 = tpu.vector_load %arg12[%get3A_458, %get3A_459] {strides = array<i32>} : memref<128x128xf32, #tpu.memory_space<vmem>>, vector<16xf32>,
          %mul3A_461 = arith.mulf %get3A_460, %gather3A_415 : vector<16xf32>
          %swap3A_462 = arith.index_cast %add3A_410 : i32 to index
          %swap3A_463 = arith.constant 96 : index
          %swap3A_464 = tpu.vector_load %arg12[%swap3A_462, %swap3A_463] {strides = array<i32>} : memref<128x128xf32, #tpu.memory_space<vmem>>, vector<16xf32>,
          tpu.vector_store %arg12[%swap3A_462, %swap3A_463], %mul3A_461 {strides = array<i32>} : memref<128x128xf32, #tpu.memory_space<vmem>>, vector<16xf32>,
          %get3A_465 = arith.index_cast %add3A_410 : i32 to index
          %get3A_466 = arith.constant 112 : index
          %get3A_467 = tpu.vector_load %arg12[%get3A_465, %get3A_466] {strides = array<i32>} : memref<128x128xf32, #tpu.memory_space<vmem>>, vector<16xf32>,
          %mul3A_468 = arith.mulf %get3A_467, %gather3A_415 : vector<16xf32>
          %swap3A_469 = arith.index_cast %add3A_410 : i32 to index
          %swap3A_470 = arith.constant 112 : index
          %swap3A_471 = tpu.vector_load %arg12[%swap3A_469, %swap3A_470] {strides = array<i32>} : memref<128x128xf32, #tpu.memory_space<vmem>>, vector<16xf32>,
          tpu.vector_store %arg12[%swap3A_469, %swap3A_470], %mul3A_468 {strides = array<i32>} : memref<128x128xf32, #tpu.memory_space<vmem>>, vector<16xf32>,
          %mul3A_472 = arith.constant 4 : i32
          %mul3A_473 = arith.muli %scan3A_279, %mul3A_472 : i32
          %add3A_474 = arith.constant 3 : i32
          %add3A_475 = arith.addi %mul3A_473, %add3A_474 : i32
          %mul3A_476 = arith.constant 128 : i32
          %mul3A_477 = arith.muli %mul3A_130, %mul3A_476 : i32
          %add3A_478 = arith.addi %mul3A_477, %add3A_475 : i32
          %broadcast_in_dim3A_479 = vector.broadcast %add3A_478 : i32 to vector<16xi32>
          %gather3A_480 = tpu.vector_load_idx %arg9[%broadcast_in_dim3A_479] : memref<10240xf32, #tpu.memory_space<vmem>>[vector<16xi32>], vector<16xf32>,
          %get3A_481 = arith.index_cast %add3A_475 : i32 to index
          %get3A_482 = arith.constant 0 : index
          %get3A_483 = tpu.vector_load %arg12[%get3A_481, %get3A_482] {strides = array<i32>} : memref<128x128xf32, #tpu.memory_space<vmem>>, vector<16xf32>,
          %mul3A_484 = arith.mulf %get3A_483, %gather3A_480 : vector<16xf32>
          %swap3A_485 = arith.index_cast %add3A_475 : i32 to index
          %swap3A_486 = arith.constant 0 : index
          %swap3A_487 = tpu.vector_load %arg12[%swap3A_485, %swap3A_486] {strides = array<i32>} : memref<128x128xf32, #tpu.memory_space<vmem>>, vector<16xf32>,
          tpu.vector_store %arg12[%swap3A_485, %swap3A_486], %mul3A_484 {strides = array<i32>} : memref<128x128xf32, #tpu.memory_space<vmem>>, vector<16xf32>,
          %get3A_488 = arith.index_cast %add3A_475 : i32 to index
          %get3A_489 = arith.constant 16 : index
          %get3A_490 = tpu.vector_load %arg12[%get3A_488, %get3A_489] {strides = array<i32>} : memref<128x128xf32, #tpu.memory_space<vmem>>, vector<16xf32>,
          %mul3A_491 = arith.mulf %get3A_490, %gather3A_480 : vector<16xf32>
          %swap3A_492 = arith.index_cast %add3A_475 : i32 to index
          %swap3A_493 = arith.constant 16 : index
          %swap3A_494 = tpu.vector_load %arg12[%swap3A_492, %swap3A_493] {strides = array<i32>} : memref<128x128xf32, #tpu.memory_space<vmem>>, vector<16xf32>,
          tpu.vector_store %arg12[%swap3A_492, %swap3A_493], %mul3A_491 {strides = array<i32>} : memref<128x128xf32, #tpu.memory_space<vmem>>, vector<16xf32>,
          %get3A_495 = arith.index_cast %add3A_475 : i32 to index
          %get3A_496 = arith.constant 32 : index
          %get3A_497 = tpu.vector_load %arg12[%get3A_495, %get3A_496] {strides = array<i32>} : memref<128x128xf32, #tpu.memory_space<vmem>>, vector<16xf32>,
          %mul3A_498 = arith.mulf %get3A_497, %gather3A_480 : vector<16xf32>
          %swap3A_499 = arith.index_cast %add3A_475 : i32 to index
          %swap3A_500 = arith.constant 32 : index
          %swap3A_501 = tpu.vector_load %arg12[%swap3A_499, %swap3A_500] {strides = array<i32>} : memref<128x128xf32, #tpu.memory_space<vmem>>, vector<16xf32>,
          tpu.vector_store %arg12[%swap3A_499, %swap3A_500], %mul3A_498 {strides = array<i32>} : memref<128x128xf32, #tpu.memory_space<vmem>>, vector<16xf32>,
          %get3A_502 = arith.index_cast %add3A_475 : i32 to index
          %get3A_503 = arith.constant 48 : index
          %get3A_504 = tpu.vector_load %arg12[%get3A_502, %get3A_503] {strides = array<i32>} : memref<128x128xf32, #tpu.memory_space<vmem>>, vector<16xf32>,
          %mul3A_505 = arith.mulf %get3A_504, %gather3A_480 : vector<16xf32>
          %swap3A_506 = arith.index_cast %add3A_475 : i32 to index
          %swap3A_507 = arith.constant 48 : index
          %swap3A_508 = tpu.vector_load %arg12[%swap3A_506, %swap3A_507] {strides = array<i32>} : memref<128x128xf32, #tpu.memory_space<vmem>>, vector<16xf32>,
          tpu.vector_store %arg12[%swap3A_506, %swap3A_507], %mul3A_505 {strides = array<i32>} : memref<128x128xf32, #tpu.memory_space<vmem>>, vector<16xf32>,
          %get3A_509 = arith.index_cast %add3A_475 : i32 to index
          %get3A_510 = arith.constant 64 : index
          %get3A_511 = tpu.vector_load %arg12[%get3A_509, %get3A_510] {strides = array<i32>} : memref<128x128xf32, #tpu.memory_space<vmem>>, vector<16xf32>,
          %mul3A_512 = arith.mulf %get3A_511, %gather3A_480 : vector<16xf32>
          %swap3A_513 = arith.index_cast %add3A_475 : i32 to index
          %swap3A_514 = arith.constant 64 : index
          %swap3A_515 = tpu.vector_load %arg12[%swap3A_513, %swap3A_514] {strides = array<i32>} : memref<128x128xf32, #tpu.memory_space<vmem>>, vector<16xf32>,
          tpu.vector_store %arg12[%swap3A_513, %swap3A_514], %mul3A_512 {strides = array<i32>} : memref<128x128xf32, #tpu.memory_space<vmem>>, vector<16xf32>,
          %get3A_516 = arith.index_cast %add3A_475 : i32 to index
          %get3A_517 = arith.constant 80 : index
          %get3A_518 = tpu.vector_load %arg12[%get3A_516, %get3A_517] {strides = array<i32>} : memref<128x128xf32, #tpu.memory_space<vmem>>, vector<16xf32>,
          %mul3A_519 = arith.mulf %get3A_518, %gather3A_480 : vector<16xf32>
          %swap3A_520 = arith.index_cast %add3A_475 : i32 to index
          %swap3A_521 = arith.constant 80 : index
          %swap3A_522 = tpu.vector_load %arg12[%swap3A_520, %swap3A_521] {strides = array<i32>} : memref<128x128xf32, #tpu.memory_space<vmem>>, vector<16xf32>,
          tpu.vector_store %arg12[%swap3A_520, %swap3A_521], %mul3A_519 {strides = array<i32>} : memref<128x128xf32, #tpu.memory_space<vmem>>, vector<16xf32>,
          %get3A_523 = arith.index_cast %add3A_475 : i32 to index
          %get3A_524 = arith.constant 96 : index
          %get3A_525 = tpu.vector_load %arg12[%get3A_523, %get3A_524] {strides = array<i32>} : memref<128x128xf32, #tpu.memory_space<vmem>>, vector<16xf32>,
          %mul3A_526 = arith.mulf %get3A_525, %gather3A_480 : vector<16xf32>
          %swap3A_527 = arith.index_cast %add3A_475 : i32 to index
          %swap3A_528 = arith.constant 96 : index
          %swap3A_529 = tpu.vector_load %arg12[%swap3A_527, %swap3A_528] {strides = array<i32>} : memref<128x128xf32, #tpu.memory_space<vmem>>, vector<16xf32>,
          tpu.vector_store %arg12[%swap3A_527, %swap3A_528], %mul3A_526 {strides = array<i32>} : memref<128x128xf32, #tpu.memory_space<vmem>>, vector<16xf32>,
          %get3A_530 = arith.index_cast %add3A_475 : i32 to index
          %get3A_531 = arith.constant 112 : index
          %get3A_532 = tpu.vector_load %arg12[%get3A_530, %get3A_531] {strides = array<i32>} : memref<128x128xf32, #tpu.memory_space<vmem>>, vector<16xf32>,
          %mul3A_533 = arith.mulf %get3A_532, %gather3A_480 : vector<16xf32>
          %swap3A_534 = arith.index_cast %add3A_475 : i32 to index
          %swap3A_535 = arith.constant 112 : index
          %swap3A_536 = tpu.vector_load %arg12[%swap3A_534, %swap3A_535] {strides = array<i32>} : memref<128x128xf32, #tpu.memory_space<vmem>>, vector<16xf32>,
          tpu.vector_store %arg12[%swap3A_534, %swap3A_535], %mul3A_533 {strides = array<i32>} : memref<128x128xf32, #tpu.memory_space<vmem>>, vector<16xf32>,
        }
        %scan3A_207 = arith.constant 32 : i32
        %shift_right_arithmetic3A_208 = arith.constant 3 : i32
        %shift_right_arithmetic3A_209 = arith.shrsi %mul3A_130, %shift_right_arithmetic3A_208 : i32
        %and3A_210 = arith.constant 1 : i32
        %and3A_211 = arith.andi %shift_right_arithmetic3A_209, %and3A_210 : i32
        %and3A_212 = arith.constant 7 : i32
        %and3A_213 = arith.andi %mul3A_130, %and3A_212 : i32
        %dma_start3A_214 = arith.constant 0 : i32
        %dma_start3A_215 = tpu.memref_slice %arg11[%and3A_211, %and3A_213, %dma_start3A_214] : memref<2x8x128xi32, #tpu.memory_space<vmem>> -> memref<1x1x128xi32, #tpu.memory_space<vmem>>
        %dma_start3A_216 = tpu.memref_squeeze %dma_start3A_215 : memref<1x1x128xi32, #tpu.memory_space<vmem>> -> memref<128xi32, #tpu.memory_space<vmem>>
        %dma_start3A_217 = arith.constant 0 : i32
        %dma_start3A_218 = arith.constant 0 : i32
        %dma_start3A_219 = tpu.memref_slice %arg15[%dma_start3A_217, %dma_start3A_218] : memref<10240x128xf32, #tpu.memory_space<vmem_shared>> -> memref<10240x128xf32, #tpu.memory_space<vmem_shared>>
        tpu.enqueue_indirect_dma source(%arg12 : memref<128x128xf32, #tpu.memory_space<vmem>>) target(%dma_start3A_219 : memref<10240x128xf32, #tpu.memory_space<vmem_shared>>) offsets(%dma_start3A_216 : memref<128xi32, #tpu.memory_space<vmem>>) semaphore(%arg21 : memref<!tpu.dma_semaphore, #tpu.memory_space<semaphore_mem>>) {add = true}
        %add3A_220 = arith.constant 1 : i32
        %add3A_221 = arith.addi %mul3A_130, %add3A_220 : i32
        %shift_right_arithmetic3A_222 = arith.constant 3 : i32
        %shift_right_arithmetic3A_223 = arith.shrsi %add3A_221, %shift_right_arithmetic3A_222 : i32
        %and3A_224 = arith.constant 1 : i32
        %and3A_225 = arith.andi %shift_right_arithmetic3A_223, %and3A_224 : i32
        %and3A_226 = arith.constant 7 : i32
        %and3A_227 = arith.andi %add3A_221, %and3A_226 : i32
        %dma_wait3A_228 = arith.constant 0 : i32
        %dma_wait3A_229 = tpu.memref_slice %arg10[%and3A_225, %and3A_227, %dma_wait3A_228] : memref<2x8x128xi32, #tpu.memory_space<vmem>> -> memref<1x1x128xi32, #tpu.memory_space<vmem>>
        %dma_wait3A_230 = tpu.memref_squeeze %dma_wait3A_229 : memref<1x1x128xi32, #tpu.memory_space<vmem>> -> memref<128xi32, #tpu.memory_space<vmem>>
        %dma_wait3A_231 = arith.constant 0 : i32
        %dma_wait3A_232 = arith.constant 0 : i32
        %dma_wait3A_233 = tpu.memref_slice %arg3[%dma_wait3A_231, %dma_wait3A_232] : memref<10240x128xf32, #tpu.memory_space<hbm>> -> memref<10240x128xf32, #tpu.memory_space<hbm>>
        tpu.wait_indirect_dma semaphore(%arg18 : memref<!tpu.dma_semaphore, #tpu.memory_space<semaphore_mem>>) src(%dma_wait3A_233 : memref<10240x128xf32, #tpu.memory_space<hbm>>) dst(%arg13 : memref<128x128xf32, #tpu.memory_space<vmem>>)
        %shift_right_arithmetic3A_234 = arith.constant 3 : i32
        %shift_right_arithmetic3A_235 = arith.shrsi %mul3A_130, %shift_right_arithmetic3A_234 : i32
        %and3A_236 = arith.constant 1 : i32
        %and3A_237 = arith.andi %shift_right_arithmetic3A_235, %and3A_236 : i32
        %and3A_238 = arith.constant 7 : i32
        %and3A_239 = arith.andi %mul3A_130, %and3A_238 : i32
        %dma_wait3A_240 = arith.constant 0 : i32
        %dma_wait3A_241 = tpu.memref_slice %arg11[%and3A_237, %and3A_239, %dma_wait3A_240] : memref<2x8x128xi32, #tpu.memory_space<vmem>> -> memref<1x1x128xi32, #tpu.memory_space<vmem>>
        %dma_wait3A_242 = tpu.memref_squeeze %dma_wait3A_241 : memref<1x1x128xi32, #tpu.memory_space<vmem>> -> memref<128xi32, #tpu.memory_space<vmem>>
        %dma_wait3A_243 = arith.constant 0 : i32
        %dma_wait3A_244 = arith.constant 0 : i32
        %dma_wait3A_245 = tpu.memref_slice %arg15[%dma_wait3A_243, %dma_wait3A_244] : memref<10240x128xf32, #tpu.memory_space<vmem_shared>> -> memref<10240x128xf32, #tpu.memory_space<vmem_shared>>
        tpu.wait_indirect_dma semaphore(%arg21 : memref<!tpu.dma_semaphore, #tpu.memory_space<semaphore_mem>>) src(%arg12 : memref<128x128xf32, #tpu.memory_space<vmem>>) dst(%dma_wait3A_245 : memref<10240x128xf32, #tpu.memory_space<vmem_shared>>)
        %lt3A_246 = arith.constant 39 : i32
        %lt3A_247 = arith.cmpi slt, %scan3A_119, %lt3A_246 : i32
        %convert_element_type3A_248 = arith.extui %lt3A_247 : i1 to i32
        %cond3A_249 = arith.constant 0 : i32
        %cond3A_250 = arith.cmpi ne, %convert_element_type3A_248, %cond3A_249 : i32
        scf.if %cond3A_250 {
          %add3A_279 = arith.constant 2 : i32
          %add3A_280 = arith.addi %mul3A_130, %add3A_279 : i32
          %shift_right_arithmetic3A_281 = arith.constant 3 : i32
          %shift_right_arithmetic3A_282 = arith.shrsi %add3A_280, %shift_right_arithmetic3A_281 : i32
          %and3A_283 = arith.constant 1 : i32
          %and3A_284 = arith.andi %shift_right_arithmetic3A_282, %and3A_283 : i32
          %and3A_285 = arith.constant 7 : i32
          %and3A_286 = arith.andi %add3A_280, %and3A_285 : i32
          %dma_start3A_287 = arith.constant 0 : i32
          %dma_start3A_288 = tpu.memref_slice %arg10[%and3A_284, %and3A_286, %dma_start3A_287] : memref<2x8x128xi32, #tpu.memory_space<vmem>> -> memref<1x1x128xi32, #tpu.memory_space<vmem>>
          %dma_start3A_289 = tpu.memref_squeeze %dma_start3A_288 : memref<1x1x128xi32, #tpu.memory_space<vmem>> -> memref<128xi32, #tpu.memory_space<vmem>>
          %dma_start3A_290 = arith.constant 0 : i32
          %dma_start3A_291 = arith.constant 0 : i32
          %dma_start3A_292 = tpu.memref_slice %arg3[%dma_start3A_290, %dma_start3A_291] : memref<10240x128xf32, #tpu.memory_space<hbm>> -> memref<10240x128xf32, #tpu.memory_space<hbm>>
          tpu.enqueue_indirect_dma source(%dma_start3A_292 : memref<10240x128xf32, #tpu.memory_space<hbm>>) target(%arg12 : memref<128x128xf32, #tpu.memory_space<vmem>>) offsets(%dma_start3A_289 : memref<128xi32, #tpu.memory_space<vmem>>) semaphore(%arg17 : memref<!tpu.dma_semaphore, #tpu.memory_space<semaphore_mem>>)
        } else {
        }
        %add3A_251 = arith.constant 1 : i32
        %add3A_252 = arith.addi %mul3A_130, %add3A_251 : i32
        %shift_right_arithmetic3A_253 = arith.constant 3 : i32
        %shift_right_arithmetic3A_254 = arith.shrsi %add3A_252, %shift_right_arithmetic3A_253 : i32
        %and3A_255 = arith.constant 1 : i32
        %and3A_256 = arith.andi %shift_right_arithmetic3A_254, %and3A_255 : i32
        %and3A_257 = arith.constant 7 : i32
        %and3A_258 = arith.andi %add3A_252, %and3A_257 : i32
        %scan3A_259 = arith.constant 0 : i32
        %scan3A_260 = arith.constant 0 : i32
        %scan3A_261 = arith.constant 32 : i32
        %scan3A_262 = arith.addi %scan3A_260, %scan3A_261 : i32
        %scan3A_263 = arith.constant 1 : i32
        scf.for %scan3A_279 = %scan3A_260 to %scan3A_262 step %scan3A_263  : i32 {
          %mul3A_280 = arith.constant 4 : i32
          %mul3A_281 = arith.muli %scan3A_279, %mul3A_280 : i32
          %add3A_282 = arith.constant 0 : i32
          %add3A_283 = arith.addi %mul3A_281, %add3A_282 : i32
          %mul3A_284 = arith.constant 128 : i32
          %mul3A_285 = arith.muli %add3A_252, %mul3A_284 : i32
          %add3A_286 = arith.addi %mul3A_285, %add3A_283 : i32
          %broadcast_in_dim3A_287 = vector.broadcast %add3A_286 : i32 to vector<16xi32>
          %gather3A = tpu.vector_load_idx %arg9[%broadcast_in_dim3A_287] : memref<10240xf32, #tpu.memory_space<vmem>>[vector<16xi32>], vector<16xf32>,
          %get3A = arith.index_cast %add3A_283 : i32 to index
          %get3A_288 = arith.constant 0 : index
          %get3A_289 = tpu.vector_load %arg13[%get3A, %get3A_288] {strides = array<i32>} : memref<128x128xf32, #tpu.memory_space<vmem>>, vector<16xf32>,
          %mul3A_290 = arith.mulf %get3A_289, %gather3A : vector<16xf32>
          %swap3A = arith.index_cast %add3A_283 : i32 to index
          %swap3A_291 = arith.constant 0 : index
          %swap3A_292 = tpu.vector_load %arg13[%swap3A, %swap3A_291] {strides = array<i32>} : memref<128x128xf32, #tpu.memory_space<vmem>>, vector<16xf32>,
          tpu.vector_store %arg13[%swap3A, %swap3A_291], %mul3A_290 {strides = array<i32>} : memref<128x128xf32, #tpu.memory_space<vmem>>, vector<16xf32>,
          %get3A_293 = arith.index_cast %add3A_283 : i32 to index
          %get3A_294 = arith.constant 16 : index
          %get3A_295 = tpu.vector_load %arg13[%get3A_293, %get3A_294] {strides = array<i32>} : memref<128x128xf32, #tpu.memory_space<vmem>>, vector<16xf32>,
          %mul3A_296 = arith.mulf %get3A_295, %gather3A : vector<16xf32>
          %swap3A_297 = arith.index_cast %add3A_283 : i32 to index
          %swap3A_298 = arith.constant 16 : index
          %swap3A_299 = tpu.vector_load %arg13[%swap3A_297, %swap3A_298] {strides = array<i32>} : memref<128x128xf32, #tpu.memory_space<vmem>>, vector<16xf32>,
          tpu.vector_store %arg13[%swap3A_297, %swap3A_298], %mul3A_296 {strides = array<i32>} : memref<128x128xf32, #tpu.memory_space<vmem>>, vector<16xf32>,
          %get3A_300 = arith.index_cast %add3A_283 : i32 to index
          %get3A_301 = arith.constant 32 : index
          %get3A_302 = tpu.vector_load %arg13[%get3A_300, %get3A_301] {strides = array<i32>} : memref<128x128xf32, #tpu.memory_space<vmem>>, vector<16xf32>,
          %mul3A_303 = arith.mulf %get3A_302, %gather3A : vector<16xf32>
          %swap3A_304 = arith.index_cast %add3A_283 : i32 to index
          %swap3A_305 = arith.constant 32 : index
          %swap3A_306 = tpu.vector_load %arg13[%swap3A_304, %swap3A_305] {strides = array<i32>} : memref<128x128xf32, #tpu.memory_space<vmem>>, vector<16xf32>,
          tpu.vector_store %arg13[%swap3A_304, %swap3A_305], %mul3A_303 {strides = array<i32>} : memref<128x128xf32, #tpu.memory_space<vmem>>, vector<16xf32>,
          %get3A_307 = arith.index_cast %add3A_283 : i32 to index
          %get3A_308 = arith.constant 48 : index
          %get3A_309 = tpu.vector_load %arg13[%get3A_307, %get3A_308] {strides = array<i32>} : memref<128x128xf32, #tpu.memory_space<vmem>>, vector<16xf32>,
          %mul3A_310 = arith.mulf %get3A_309, %gather3A : vector<16xf32>
          %swap3A_311 = arith.index_cast %add3A_283 : i32 to index
          %swap3A_312 = arith.constant 48 : index
          %swap3A_313 = tpu.vector_load %arg13[%swap3A_311, %swap3A_312] {strides = array<i32>} : memref<128x128xf32, #tpu.memory_space<vmem>>, vector<16xf32>,
          tpu.vector_store %arg13[%swap3A_311, %swap3A_312], %mul3A_310 {strides = array<i32>} : memref<128x128xf32, #tpu.memory_space<vmem>>, vector<16xf32>,
          %get3A_314 = arith.index_cast %add3A_283 : i32 to index
          %get3A_315 = arith.constant 64 : index
          %get3A_316 = tpu.vector_load %arg13[%get3A_314, %get3A_315] {strides = array<i32>} : memref<128x128xf32, #tpu.memory_space<vmem>>, vector<16xf32>,
          %mul3A_317 = arith.mulf %get3A_316, %gather3A : vector<16xf32>
          %swap3A_318 = arith.index_cast %add3A_283 : i32 to index
          %swap3A_319 = arith.constant 64 : index
          %swap3A_320 = tpu.vector_load %arg13[%swap3A_318, %swap3A_319] {strides = array<i32>} : memref<128x128xf32, #tpu.memory_space<vmem>>, vector<16xf32>,
          tpu.vector_store %arg13[%swap3A_318, %swap3A_319], %mul3A_317 {strides = array<i32>} : memref<128x128xf32, #tpu.memory_space<vmem>>, vector<16xf32>,
          %get3A_321 = arith.index_cast %add3A_283 : i32 to index
          %get3A_322 = arith.constant 80 : index
          %get3A_323 = tpu.vector_load %arg13[%get3A_321, %get3A_322] {strides = array<i32>} : memref<128x128xf32, #tpu.memory_space<vmem>>, vector<16xf32>,
          %mul3A_324 = arith.mulf %get3A_323, %gather3A : vector<16xf32>
          %swap3A_325 = arith.index_cast %add3A_283 : i32 to index
          %swap3A_326 = arith.constant 80 : index
          %swap3A_327 = tpu.vector_load %arg13[%swap3A_325, %swap3A_326] {strides = array<i32>} : memref<128x128xf32, #tpu.memory_space<vmem>>, vector<16xf32>,
          tpu.vector_store %arg13[%swap3A_325, %swap3A_326], %mul3A_324 {strides = array<i32>} : memref<128x128xf32, #tpu.memory_space<vmem>>, vector<16xf32>,
          %get3A_328 = arith.index_cast %add3A_283 : i32 to index
          %get3A_329 = arith.constant 96 : index
          %get3A_330 = tpu.vector_load %arg13[%get3A_328, %get3A_329] {strides = array<i32>} : memref<128x128xf32, #tpu.memory_space<vmem>>, vector<16xf32>,
          %mul3A_331 = arith.mulf %get3A_330, %gather3A : vector<16xf32>
          %swap3A_332 = arith.index_cast %add3A_283 : i32 to index
          %swap3A_333 = arith.constant 96 : index
          %swap3A_334 = tpu.vector_load %arg13[%swap3A_332, %swap3A_333] {strides = array<i32>} : memref<128x128xf32, #tpu.memory_space<vmem>>, vector<16xf32>,
          tpu.vector_store %arg13[%swap3A_332, %swap3A_333], %mul3A_331 {strides = array<i32>} : memref<128x128xf32, #tpu.memory_space<vmem>>, vector<16xf32>,
          %get3A_335 = arith.index_cast %add3A_283 : i32 to index
          %get3A_336 = arith.constant 112 : index
          %get3A_337 = tpu.vector_load %arg13[%get3A_335, %get3A_336] {strides = array<i32>} : memref<128x128xf32, #tpu.memory_space<vmem>>, vector<16xf32>,
          %mul3A_338 = arith.mulf %get3A_337, %gather3A : vector<16xf32>
          %swap3A_339 = arith.index_cast %add3A_283 : i32 to index
          %swap3A_340 = arith.constant 112 : index
          %swap3A_341 = tpu.vector_load %arg13[%swap3A_339, %swap3A_340] {strides = array<i32>} : memref<128x128xf32, #tpu.memory_space<vmem>>, vector<16xf32>,
          tpu.vector_store %arg13[%swap3A_339, %swap3A_340], %mul3A_338 {strides = array<i32>} : memref<128x128xf32, #tpu.memory_space<vmem>>, vector<16xf32>,
          %mul3A_342 = arith.constant 4 : i32
          %mul3A_343 = arith.muli %scan3A_279, %mul3A_342 : i32
          %add3A_344 = arith.constant 1 : i32
          %add3A_345 = arith.addi %mul3A_343, %add3A_344 : i32
          %mul3A_346 = arith.constant 128 : i32
          %mul3A_347 = arith.muli %add3A_252, %mul3A_346 : i32
          %add3A_348 = arith.addi %mul3A_347, %add3A_345 : i32
          %broadcast_in_dim3A_349 = vector.broadcast %add3A_348 : i32 to vector<16xi32>
          %gather3A_350 = tpu.vector_load_idx %arg9[%broadcast_in_dim3A_349] : memref<10240xf32, #tpu.memory_space<vmem>>[vector<16xi32>], vector<16xf32>,
          %get3A_351 = arith.index_cast %add3A_345 : i32 to index
          %get3A_352 = arith.constant 0 : index
          %get3A_353 = tpu.vector_load %arg13[%get3A_351, %get3A_352] {strides = array<i32>} : memref<128x128xf32, #tpu.memory_space<vmem>>, vector<16xf32>,
          %mul3A_354 = arith.mulf %get3A_353, %gather3A_350 : vector<16xf32>
          %swap3A_355 = arith.index_cast %add3A_345 : i32 to index
          %swap3A_356 = arith.constant 0 : index
          %swap3A_357 = tpu.vector_load %arg13[%swap3A_355, %swap3A_356] {strides = array<i32>} : memref<128x128xf32, #tpu.memory_space<vmem>>, vector<16xf32>,
          tpu.vector_store %arg13[%swap3A_355, %swap3A_356], %mul3A_354 {strides = array<i32>} : memref<128x128xf32, #tpu.memory_space<vmem>>, vector<16xf32>,
          %get3A_358 = arith.index_cast %add3A_345 : i32 to index
          %get3A_359 = arith.constant 16 : index
          %get3A_360 = tpu.vector_load %arg13[%get3A_358, %get3A_359] {strides = array<i32>} : memref<128x128xf32, #tpu.memory_space<vmem>>, vector<16xf32>,
          %mul3A_361 = arith.mulf %get3A_360, %gather3A_350 : vector<16xf32>
          %swap3A_362 = arith.index_cast %add3A_345 : i32 to index
          %swap3A_363 = arith.constant 16 : index
          %swap3A_364 = tpu.vector_load %arg13[%swap3A_362, %swap3A_363] {strides = array<i32>} : memref<128x128xf32, #tpu.memory_space<vmem>>, vector<16xf32>,
          tpu.vector_store %arg13[%swap3A_362, %swap3A_363], %mul3A_361 {strides = array<i32>} : memref<128x128xf32, #tpu.memory_space<vmem>>, vector<16xf32>,
          %get3A_365 = arith.index_cast %add3A_345 : i32 to index
          %get3A_366 = arith.constant 32 : index
          %get3A_367 = tpu.vector_load %arg13[%get3A_365, %get3A_366] {strides = array<i32>} : memref<128x128xf32, #tpu.memory_space<vmem>>, vector<16xf32>,
          %mul3A_368 = arith.mulf %get3A_367, %gather3A_350 : vector<16xf32>
          %swap3A_369 = arith.index_cast %add3A_345 : i32 to index
          %swap3A_370 = arith.constant 32 : index
          %swap3A_371 = tpu.vector_load %arg13[%swap3A_369, %swap3A_370] {strides = array<i32>} : memref<128x128xf32, #tpu.memory_space<vmem>>, vector<16xf32>,
          tpu.vector_store %arg13[%swap3A_369, %swap3A_370], %mul3A_368 {strides = array<i32>} : memref<128x128xf32, #tpu.memory_space<vmem>>, vector<16xf32>,
          %get3A_372 = arith.index_cast %add3A_345 : i32 to index
          %get3A_373 = arith.constant 48 : index
          %get3A_374 = tpu.vector_load %arg13[%get3A_372, %get3A_373] {strides = array<i32>} : memref<128x128xf32, #tpu.memory_space<vmem>>, vector<16xf32>,
          %mul3A_375 = arith.mulf %get3A_374, %gather3A_350 : vector<16xf32>
          %swap3A_376 = arith.index_cast %add3A_345 : i32 to index
          %swap3A_377 = arith.constant 48 : index
          %swap3A_378 = tpu.vector_load %arg13[%swap3A_376, %swap3A_377] {strides = array<i32>} : memref<128x128xf32, #tpu.memory_space<vmem>>, vector<16xf32>,
          tpu.vector_store %arg13[%swap3A_376, %swap3A_377], %mul3A_375 {strides = array<i32>} : memref<128x128xf32, #tpu.memory_space<vmem>>, vector<16xf32>,
          %get3A_379 = arith.index_cast %add3A_345 : i32 to index
          %get3A_380 = arith.constant 64 : index
          %get3A_381 = tpu.vector_load %arg13[%get3A_379, %get3A_380] {strides = array<i32>} : memref<128x128xf32, #tpu.memory_space<vmem>>, vector<16xf32>,
          %mul3A_382 = arith.mulf %get3A_381, %gather3A_350 : vector<16xf32>
          %swap3A_383 = arith.index_cast %add3A_345 : i32 to index
          %swap3A_384 = arith.constant 64 : index
          %swap3A_385 = tpu.vector_load %arg13[%swap3A_383, %swap3A_384] {strides = array<i32>} : memref<128x128xf32, #tpu.memory_space<vmem>>, vector<16xf32>,
          tpu.vector_store %arg13[%swap3A_383, %swap3A_384], %mul3A_382 {strides = array<i32>} : memref<128x128xf32, #tpu.memory_space<vmem>>, vector<16xf32>,
          %get3A_386 = arith.index_cast %add3A_345 : i32 to index
          %get3A_387 = arith.constant 80 : index
          %get3A_388 = tpu.vector_load %arg13[%get3A_386, %get3A_387] {strides = array<i32>} : memref<128x128xf32, #tpu.memory_space<vmem>>, vector<16xf32>,
          %mul3A_389 = arith.mulf %get3A_388, %gather3A_350 : vector<16xf32>
          %swap3A_390 = arith.index_cast %add3A_345 : i32 to index
          %swap3A_391 = arith.constant 80 : index
          %swap3A_392 = tpu.vector_load %arg13[%swap3A_390, %swap3A_391] {strides = array<i32>} : memref<128x128xf32, #tpu.memory_space<vmem>>, vector<16xf32>,
          tpu.vector_store %arg13[%swap3A_390, %swap3A_391], %mul3A_389 {strides = array<i32>} : memref<128x128xf32, #tpu.memory_space<vmem>>, vector<16xf32>,
          %get3A_393 = arith.index_cast %add3A_345 : i32 to index
          %get3A_394 = arith.constant 96 : index
          %get3A_395 = tpu.vector_load %arg13[%get3A_393, %get3A_394] {strides = array<i32>} : memref<128x128xf32, #tpu.memory_space<vmem>>, vector<16xf32>,
          %mul3A_396 = arith.mulf %get3A_395, %gather3A_350 : vector<16xf32>
          %swap3A_397 = arith.index_cast %add3A_345 : i32 to index
          %swap3A_398 = arith.constant 96 : index
          %swap3A_399 = tpu.vector_load %arg13[%swap3A_397, %swap3A_398] {strides = array<i32>} : memref<128x128xf32, #tpu.memory_space<vmem>>, vector<16xf32>,
          tpu.vector_store %arg13[%swap3A_397, %swap3A_398], %mul3A_396 {strides = array<i32>} : memref<128x128xf32, #tpu.memory_space<vmem>>, vector<16xf32>,
          %get3A_400 = arith.index_cast %add3A_345 : i32 to index
          %get3A_401 = arith.constant 112 : index
          %get3A_402 = tpu.vector_load %arg13[%get3A_400, %get3A_401] {strides = array<i32>} : memref<128x128xf32, #tpu.memory_space<vmem>>, vector<16xf32>,
          %mul3A_403 = arith.mulf %get3A_402, %gather3A_350 : vector<16xf32>
          %swap3A_404 = arith.index_cast %add3A_345 : i32 to index
          %swap3A_405 = arith.constant 112 : index
          %swap3A_406 = tpu.vector_load %arg13[%swap3A_404, %swap3A_405] {strides = array<i32>} : memref<128x128xf32, #tpu.memory_space<vmem>>, vector<16xf32>,
          tpu.vector_store %arg13[%swap3A_404, %swap3A_405], %mul3A_403 {strides = array<i32>} : memref<128x128xf32, #tpu.memory_space<vmem>>, vector<16xf32>,
          %mul3A_407 = arith.constant 4 : i32
          %mul3A_408 = arith.muli %scan3A_279, %mul3A_407 : i32
          %add3A_409 = arith.constant 2 : i32
          %add3A_410 = arith.addi %mul3A_408, %add3A_409 : i32
          %mul3A_411 = arith.constant 128 : i32
          %mul3A_412 = arith.muli %add3A_252, %mul3A_411 : i32
          %add3A_413 = arith.addi %mul3A_412, %add3A_410 : i32
          %broadcast_in_dim3A_414 = vector.broadcast %add3A_413 : i32 to vector<16xi32>
          %gather3A_415 = tpu.vector_load_idx %arg9[%broadcast_in_dim3A_414] : memref<10240xf32, #tpu.memory_space<vmem>>[vector<16xi32>], vector<16xf32>,
          %get3A_416 = arith.index_cast %add3A_410 : i32 to index
          %get3A_417 = arith.constant 0 : index
          %get3A_418 = tpu.vector_load %arg13[%get3A_416, %get3A_417] {strides = array<i32>} : memref<128x128xf32, #tpu.memory_space<vmem>>, vector<16xf32>,
          %mul3A_419 = arith.mulf %get3A_418, %gather3A_415 : vector<16xf32>
          %swap3A_420 = arith.index_cast %add3A_410 : i32 to index
          %swap3A_421 = arith.constant 0 : index
          %swap3A_422 = tpu.vector_load %arg13[%swap3A_420, %swap3A_421] {strides = array<i32>} : memref<128x128xf32, #tpu.memory_space<vmem>>, vector<16xf32>,
          tpu.vector_store %arg13[%swap3A_420, %swap3A_421], %mul3A_419 {strides = array<i32>} : memref<128x128xf32, #tpu.memory_space<vmem>>, vector<16xf32>,
          %get3A_423 = arith.index_cast %add3A_410 : i32 to index
          %get3A_424 = arith.constant 16 : index
          %get3A_425 = tpu.vector_load %arg13[%get3A_423, %get3A_424] {strides = array<i32>} : memref<128x128xf32, #tpu.memory_space<vmem>>, vector<16xf32>,
          %mul3A_426 = arith.mulf %get3A_425, %gather3A_415 : vector<16xf32>
          %swap3A_427 = arith.index_cast %add3A_410 : i32 to index
          %swap3A_428 = arith.constant 16 : index
          %swap3A_429 = tpu.vector_load %arg13[%swap3A_427, %swap3A_428] {strides = array<i32>} : memref<128x128xf32, #tpu.memory_space<vmem>>, vector<16xf32>,
          tpu.vector_store %arg13[%swap3A_427, %swap3A_428], %mul3A_426 {strides = array<i32>} : memref<128x128xf32, #tpu.memory_space<vmem>>, vector<16xf32>,
          %get3A_430 = arith.index_cast %add3A_410 : i32 to index
          %get3A_431 = arith.constant 32 : index
          %get3A_432 = tpu.vector_load %arg13[%get3A_430, %get3A_431] {strides = array<i32>} : memref<128x128xf32, #tpu.memory_space<vmem>>, vector<16xf32>,
          %mul3A_433 = arith.mulf %get3A_432, %gather3A_415 : vector<16xf32>
          %swap3A_434 = arith.index_cast %add3A_410 : i32 to index
          %swap3A_435 = arith.constant 32 : index
          %swap3A_436 = tpu.vector_load %arg13[%swap3A_434, %swap3A_435] {strides = array<i32>} : memref<128x128xf32, #tpu.memory_space<vmem>>, vector<16xf32>,
          tpu.vector_store %arg13[%swap3A_434, %swap3A_435], %mul3A_433 {strides = array<i32>} : memref<128x128xf32, #tpu.memory_space<vmem>>, vector<16xf32>,
          %get3A_437 = arith.index_cast %add3A_410 : i32 to index
          %get3A_438 = arith.constant 48 : index
          %get3A_439 = tpu.vector_load %arg13[%get3A_437, %get3A_438] {strides = array<i32>} : memref<128x128xf32, #tpu.memory_space<vmem>>, vector<16xf32>,
          %mul3A_440 = arith.mulf %get3A_439, %gather3A_415 : vector<16xf32>
          %swap3A_441 = arith.index_cast %add3A_410 : i32 to index
          %swap3A_442 = arith.constant 48 : index
          %swap3A_443 = tpu.vector_load %arg13[%swap3A_441, %swap3A_442] {strides = array<i32>} : memref<128x128xf32, #tpu.memory_space<vmem>>, vector<16xf32>,
          tpu.vector_store %arg13[%swap3A_441, %swap3A_442], %mul3A_440 {strides = array<i32>} : memref<128x128xf32, #tpu.memory_space<vmem>>, vector<16xf32>,
          %get3A_444 = arith.index_cast %add3A_410 : i32 to index
          %get3A_445 = arith.constant 64 : index
          %get3A_446 = tpu.vector_load %arg13[%get3A_444, %get3A_445] {strides = array<i32>} : memref<128x128xf32, #tpu.memory_space<vmem>>, vector<16xf32>,
          %mul3A_447 = arith.mulf %get3A_446, %gather3A_415 : vector<16xf32>
          %swap3A_448 = arith.index_cast %add3A_410 : i32 to index
          %swap3A_449 = arith.constant 64 : index
          %swap3A_450 = tpu.vector_load %arg13[%swap3A_448, %swap3A_449] {strides = array<i32>} : memref<128x128xf32, #tpu.memory_space<vmem>>, vector<16xf32>,
          tpu.vector_store %arg13[%swap3A_448, %swap3A_449], %mul3A_447 {strides = array<i32>} : memref<128x128xf32, #tpu.memory_space<vmem>>, vector<16xf32>,
          %get3A_451 = arith.index_cast %add3A_410 : i32 to index
          %get3A_452 = arith.constant 80 : index
          %get3A_453 = tpu.vector_load %arg13[%get3A_451, %get3A_452] {strides = array<i32>} : memref<128x128xf32, #tpu.memory_space<vmem>>, vector<16xf32>,
          %mul3A_454 = arith.mulf %get3A_453, %gather3A_415 : vector<16xf32>
          %swap3A_455 = arith.index_cast %add3A_410 : i32 to index
          %swap3A_456 = arith.constant 80 : index
          %swap3A_457 = tpu.vector_load %arg13[%swap3A_455, %swap3A_456] {strides = array<i32>} : memref<128x128xf32, #tpu.memory_space<vmem>>, vector<16xf32>,
          tpu.vector_store %arg13[%swap3A_455, %swap3A_456], %mul3A_454 {strides = array<i32>} : memref<128x128xf32, #tpu.memory_space<vmem>>, vector<16xf32>,
          %get3A_458 = arith.index_cast %add3A_410 : i32 to index
          %get3A_459 = arith.constant 96 : index
          %get3A_460 = tpu.vector_load %arg13[%get3A_458, %get3A_459] {strides = array<i32>} : memref<128x128xf32, #tpu.memory_space<vmem>>, vector<16xf32>,
          %mul3A_461 = arith.mulf %get3A_460, %gather3A_415 : vector<16xf32>
          %swap3A_462 = arith.index_cast %add3A_410 : i32 to index
          %swap3A_463 = arith.constant 96 : index
          %swap3A_464 = tpu.vector_load %arg13[%swap3A_462, %swap3A_463] {strides = array<i32>} : memref<128x128xf32, #tpu.memory_space<vmem>>, vector<16xf32>,
          tpu.vector_store %arg13[%swap3A_462, %swap3A_463], %mul3A_461 {strides = array<i32>} : memref<128x128xf32, #tpu.memory_space<vmem>>, vector<16xf32>,
          %get3A_465 = arith.index_cast %add3A_410 : i32 to index
          %get3A_466 = arith.constant 112 : index
          %get3A_467 = tpu.vector_load %arg13[%get3A_465, %get3A_466] {strides = array<i32>} : memref<128x128xf32, #tpu.memory_space<vmem>>, vector<16xf32>,
          %mul3A_468 = arith.mulf %get3A_467, %gather3A_415 : vector<16xf32>
          %swap3A_469 = arith.index_cast %add3A_410 : i32 to index
          %swap3A_470 = arith.constant 112 : index
          %swap3A_471 = tpu.vector_load %arg13[%swap3A_469, %swap3A_470] {strides = array<i32>} : memref<128x128xf32, #tpu.memory_space<vmem>>, vector<16xf32>,
          tpu.vector_store %arg13[%swap3A_469, %swap3A_470], %mul3A_468 {strides = array<i32>} : memref<128x128xf32, #tpu.memory_space<vmem>>, vector<16xf32>,
          %mul3A_472 = arith.constant 4 : i32
          %mul3A_473 = arith.muli %scan3A_279, %mul3A_472 : i32
          %add3A_474 = arith.constant 3 : i32
          %add3A_475 = arith.addi %mul3A_473, %add3A_474 : i32
          %mul3A_476 = arith.constant 128 : i32
          %mul3A_477 = arith.muli %add3A_252, %mul3A_476 : i32
          %add3A_478 = arith.addi %mul3A_477, %add3A_475 : i32
          %broadcast_in_dim3A_479 = vector.broadcast %add3A_478 : i32 to vector<16xi32>
          %gather3A_480 = tpu.vector_load_idx %arg9[%broadcast_in_dim3A_479] : memref<10240xf32, #tpu.memory_space<vmem>>[vector<16xi32>], vector<16xf32>,
          %get3A_481 = arith.index_cast %add3A_475 : i32 to index
          %get3A_482 = arith.constant 0 : index
          %get3A_483 = tpu.vector_load %arg13[%get3A_481, %get3A_482] {strides = array<i32>} : memref<128x128xf32, #tpu.memory_space<vmem>>, vector<16xf32>,
          %mul3A_484 = arith.mulf %get3A_483, %gather3A_480 : vector<16xf32>
          %swap3A_485 = arith.index_cast %add3A_475 : i32 to index
          %swap3A_486 = arith.constant 0 : index
          %swap3A_487 = tpu.vector_load %arg13[%swap3A_485, %swap3A_486] {strides = array<i32>} : memref<128x128xf32, #tpu.memory_space<vmem>>, vector<16xf32>,
          tpu.vector_store %arg13[%swap3A_485, %swap3A_486], %mul3A_484 {strides = array<i32>} : memref<128x128xf32, #tpu.memory_space<vmem>>, vector<16xf32>,
          %get3A_488 = arith.index_cast %add3A_475 : i32 to index
          %get3A_489 = arith.constant 16 : index
          %get3A_490 = tpu.vector_load %arg13[%get3A_488, %get3A_489] {strides = array<i32>} : memref<128x128xf32, #tpu.memory_space<vmem>>, vector<16xf32>,
          %mul3A_491 = arith.mulf %get3A_490, %gather3A_480 : vector<16xf32>
          %swap3A_492 = arith.index_cast %add3A_475 : i32 to index
          %swap3A_493 = arith.constant 16 : index
          %swap3A_494 = tpu.vector_load %arg13[%swap3A_492, %swap3A_493] {strides = array<i32>} : memref<128x128xf32, #tpu.memory_space<vmem>>, vector<16xf32>,
          tpu.vector_store %arg13[%swap3A_492, %swap3A_493], %mul3A_491 {strides = array<i32>} : memref<128x128xf32, #tpu.memory_space<vmem>>, vector<16xf32>,
          %get3A_495 = arith.index_cast %add3A_475 : i32 to index
          %get3A_496 = arith.constant 32 : index
          %get3A_497 = tpu.vector_load %arg13[%get3A_495, %get3A_496] {strides = array<i32>} : memref<128x128xf32, #tpu.memory_space<vmem>>, vector<16xf32>,
          %mul3A_498 = arith.mulf %get3A_497, %gather3A_480 : vector<16xf32>
          %swap3A_499 = arith.index_cast %add3A_475 : i32 to index
          %swap3A_500 = arith.constant 32 : index
          %swap3A_501 = tpu.vector_load %arg13[%swap3A_499, %swap3A_500] {strides = array<i32>} : memref<128x128xf32, #tpu.memory_space<vmem>>, vector<16xf32>,
          tpu.vector_store %arg13[%swap3A_499, %swap3A_500], %mul3A_498 {strides = array<i32>} : memref<128x128xf32, #tpu.memory_space<vmem>>, vector<16xf32>,
          %get3A_502 = arith.index_cast %add3A_475 : i32 to index
          %get3A_503 = arith.constant 48 : index
          %get3A_504 = tpu.vector_load %arg13[%get3A_502, %get3A_503] {strides = array<i32>} : memref<128x128xf32, #tpu.memory_space<vmem>>, vector<16xf32>,
          %mul3A_505 = arith.mulf %get3A_504, %gather3A_480 : vector<16xf32>
          %swap3A_506 = arith.index_cast %add3A_475 : i32 to index
          %swap3A_507 = arith.constant 48 : index
          %swap3A_508 = tpu.vector_load %arg13[%swap3A_506, %swap3A_507] {strides = array<i32>} : memref<128x128xf32, #tpu.memory_space<vmem>>, vector<16xf32>,
          tpu.vector_store %arg13[%swap3A_506, %swap3A_507], %mul3A_505 {strides = array<i32>} : memref<128x128xf32, #tpu.memory_space<vmem>>, vector<16xf32>,
          %get3A_509 = arith.index_cast %add3A_475 : i32 to index
          %get3A_510 = arith.constant 64 : index
          %get3A_511 = tpu.vector_load %arg13[%get3A_509, %get3A_510] {strides = array<i32>} : memref<128x128xf32, #tpu.memory_space<vmem>>, vector<16xf32>,
          %mul3A_512 = arith.mulf %get3A_511, %gather3A_480 : vector<16xf32>
          %swap3A_513 = arith.index_cast %add3A_475 : i32 to index
          %swap3A_514 = arith.constant 64 : index
          %swap3A_515 = tpu.vector_load %arg13[%swap3A_513, %swap3A_514] {strides = array<i32>} : memref<128x128xf32, #tpu.memory_space<vmem>>, vector<16xf32>,
          tpu.vector_store %arg13[%swap3A_513, %swap3A_514], %mul3A_512 {strides = array<i32>} : memref<128x128xf32, #tpu.memory_space<vmem>>, vector<16xf32>,
          %get3A_516 = arith.index_cast %add3A_475 : i32 to index
          %get3A_517 = arith.constant 80 : index
          %get3A_518 = tpu.vector_load %arg13[%get3A_516, %get3A_517] {strides = array<i32>} : memref<128x128xf32, #tpu.memory_space<vmem>>, vector<16xf32>,
          %mul3A_519 = arith.mulf %get3A_518, %gather3A_480 : vector<16xf32>
          %swap3A_520 = arith.index_cast %add3A_475 : i32 to index
          %swap3A_521 = arith.constant 80 : index
          %swap3A_522 = tpu.vector_load %arg13[%swap3A_520, %swap3A_521] {strides = array<i32>} : memref<128x128xf32, #tpu.memory_space<vmem>>, vector<16xf32>,
          tpu.vector_store %arg13[%swap3A_520, %swap3A_521], %mul3A_519 {strides = array<i32>} : memref<128x128xf32, #tpu.memory_space<vmem>>, vector<16xf32>,
          %get3A_523 = arith.index_cast %add3A_475 : i32 to index
          %get3A_524 = arith.constant 96 : index
          %get3A_525 = tpu.vector_load %arg13[%get3A_523, %get3A_524] {strides = array<i32>} : memref<128x128xf32, #tpu.memory_space<vmem>>, vector<16xf32>,
          %mul3A_526 = arith.mulf %get3A_525, %gather3A_480 : vector<16xf32>
          %swap3A_527 = arith.index_cast %add3A_475 : i32 to index
          %swap3A_528 = arith.constant 96 : index
          %swap3A_529 = tpu.vector_load %arg13[%swap3A_527, %swap3A_528] {strides = array<i32>} : memref<128x128xf32, #tpu.memory_space<vmem>>, vector<16xf32>,
          tpu.vector_store %arg13[%swap3A_527, %swap3A_528], %mul3A_526 {strides = array<i32>} : memref<128x128xf32, #tpu.memory_space<vmem>>, vector<16xf32>,
          %get3A_530 = arith.index_cast %add3A_475 : i32 to index
          %get3A_531 = arith.constant 112 : index
          %get3A_532 = tpu.vector_load %arg13[%get3A_530, %get3A_531] {strides = array<i32>} : memref<128x128xf32, #tpu.memory_space<vmem>>, vector<16xf32>,
          %mul3A_533 = arith.mulf %get3A_532, %gather3A_480 : vector<16xf32>
          %swap3A_534 = arith.index_cast %add3A_475 : i32 to index
          %swap3A_535 = arith.constant 112 : index
          %swap3A_536 = tpu.vector_load %arg13[%swap3A_534, %swap3A_535] {strides = array<i32>} : memref<128x128xf32, #tpu.memory_space<vmem>>, vector<16xf32>,
          tpu.vector_store %arg13[%swap3A_534, %swap3A_535], %mul3A_533 {strides = array<i32>} : memref<128x128xf32, #tpu.memory_space<vmem>>, vector<16xf32>,
        }
        %scan3A_264 = arith.constant 32 : i32
        %add3A_265 = arith.constant 1 : i32
        %add3A_266 = arith.addi %mul3A_130, %add3A_265 : i32
        %shift_right_arithmetic3A_267 = arith.constant 3 : i32
        %shift_right_arithmetic3A_268 = arith.shrsi %add3A_266, %shift_right_arithmetic3A_267 : i32
        %and3A_269 = arith.constant 1 : i32
        %and3A_270 = arith.andi %shift_right_arithmetic3A_268, %and3A_269 : i32
        %and3A_271 = arith.constant 7 : i32
        %and3A_272 = arith.andi %add3A_266, %and3A_271 : i32
        %dma_start3A_273 = arith.constant 0 : i32
        %dma_start3A_274 = tpu.memref_slice %arg11[%and3A_270, %and3A_272, %dma_start3A_273] : memref<2x8x128xi32, #tpu.memory_space<vmem>> -> memref<1x1x128xi32, #tpu.memory_space<vmem>>
        %dma_start3A_275 = tpu.memref_squeeze %dma_start3A_274 : memref<1x1x128xi32, #tpu.memory_space<vmem>> -> memref<128xi32, #tpu.memory_space<vmem>>
        %dma_start3A_276 = arith.constant 0 : i32
        %dma_start3A_277 = arith.constant 0 : i32
        %dma_start3A_278 = tpu.memref_slice %arg15[%dma_start3A_276, %dma_start3A_277] : memref<10240x128xf32, #tpu.memory_space<vmem_shared>> -> memref<10240x128xf32, #tpu.memory_space<vmem_shared>>
        tpu.enqueue_indirect_dma source(%arg13 : memref<128x128xf32, #tpu.memory_space<vmem>>) target(%dma_start3A_278 : memref<10240x128xf32, #tpu.memory_space<vmem_shared>>) offsets(%dma_start3A_275 : memref<128xi32, #tpu.memory_space<vmem>>) semaphore(%arg22 : memref<!tpu.dma_semaphore, #tpu.memory_space<semaphore_mem>>) {add = true}
      }
      %scan3A_93 = arith.constant 40 : i32
      %dma_wait3A = arith.constant 1 : i32
      %dma_wait3A_94 = arith.constant 6 : i32
      %dma_wait3A_95 = arith.constant 9984 : i32
      %dma_wait3A_96 = tpu.memref_slice %arg9[%dma_wait3A_95] : memref<10240xf32, #tpu.memory_space<vmem>> -> memref<128xf32, #tpu.memory_space<vmem>>
      %dma_wait3A_97 = arith.constant 0 : i32
      %dma_wait3A_98 = tpu.memref_slice %arg11[%dma_wait3A, %dma_wait3A_94, %dma_wait3A_97] : memref<2x8x128xi32, #tpu.memory_space<vmem>> -> memref<1x1x128xi32, #tpu.memory_space<vmem>>
      %dma_wait3A_99 = tpu.memref_squeeze %dma_wait3A_98 : memref<1x1x128xi32, #tpu.memory_space<vmem>> -> memref<128xi32, #tpu.memory_space<vmem>>
      %dma_wait3A_100 = arith.constant 0 : i32
      %dma_wait3A_101 = tpu.memref_slice %arg16[%dma_wait3A_100] : memref<10240xf32, #tpu.memory_space<vmem_shared>> -> memref<10240xf32, #tpu.memory_space<vmem_shared>>
      tpu.wait_indirect_dma semaphore(%arg19 : memref<!tpu.dma_semaphore, #tpu.memory_space<semaphore_mem>>) src(%dma_wait3A_96 : memref<128xf32, #tpu.memory_space<vmem>>) dst(%dma_wait3A_101 : memref<10240xf32, #tpu.memory_space<vmem_shared>>)
      %dma_wait3A_102 = arith.constant 1 : i32
      %dma_wait3A_103 = arith.constant 7 : i32
      %dma_wait3A_104 = arith.constant 10112 : i32
      %dma_wait3A_105 = tpu.memref_slice %arg9[%dma_wait3A_104] : memref<10240xf32, #tpu.memory_space<vmem>> -> memref<128xf32, #tpu.memory_space<vmem>>
      %dma_wait3A_106 = arith.constant 0 : i32
      %dma_wait3A_107 = tpu.memref_slice %arg11[%dma_wait3A_102, %dma_wait3A_103, %dma_wait3A_106] : memref<2x8x128xi32, #tpu.memory_space<vmem>> -> memref<1x1x128xi32, #tpu.memory_space<vmem>>
      %dma_wait3A_108 = tpu.memref_squeeze %dma_wait3A_107 : memref<1x1x128xi32, #tpu.memory_space<vmem>> -> memref<128xi32, #tpu.memory_space<vmem>>
      %dma_wait3A_109 = arith.constant 0 : i32
      %dma_wait3A_110 = tpu.memref_slice %arg16[%dma_wait3A_109] : memref<10240xf32, #tpu.memory_space<vmem_shared>> -> memref<10240xf32, #tpu.memory_space<vmem_shared>>
      tpu.wait_indirect_dma semaphore(%arg20 : memref<!tpu.dma_semaphore, #tpu.memory_space<semaphore_mem>>) src(%dma_wait3A_105 : memref<128xf32, #tpu.memory_space<vmem>>) dst(%dma_wait3A_110 : memref<10240xf32, #tpu.memory_space<vmem_shared>>)
      %dma_wait3A_111 = arith.constant 1 : i32
      %dma_wait3A_112 = arith.constant 7 : i32
      %dma_wait3A_113 = arith.constant 0 : i32
      %dma_wait3A_114 = tpu.memref_slice %arg11[%dma_wait3A_111, %dma_wait3A_112, %dma_wait3A_113] : memref<2x8x128xi32, #tpu.memory_space<vmem>> -> memref<1x1x128xi32, #tpu.memory_space<vmem>>
      %dma_wait3A_115 = tpu.memref_squeeze %dma_wait3A_114 : memref<1x1x128xi32, #tpu.memory_space<vmem>> -> memref<128xi32, #tpu.memory_space<vmem>>
      %dma_wait3A_116 = arith.constant 0 : i32
      %dma_wait3A_117 = arith.constant 0 : i32
      %dma_wait3A_118 = tpu.memref_slice %arg15[%dma_wait3A_116, %dma_wait3A_117] : memref<10240x128xf32, #tpu.memory_space<vmem_shared>> -> memref<10240x128xf32, #tpu.memory_space<vmem_shared>>
      tpu.wait_indirect_dma semaphore(%arg22 : memref<!tpu.dma_semaphore, #tpu.memory_space<semaphore_mem>>) src(%arg13 : memref<128x128xf32, #tpu.memory_space<vmem>>) dst(%dma_wait3A_118 : memref<10240x128xf32, #tpu.memory_space<vmem_shared>>)
    } else {
    }
    %barrier3A_57 = arith.constant 0 : index
    tpu.barrier barrier_id(%barrier3A_57)
    %mul3A_58 = arith.constant 640 : i32
    %mul3A_59 = arith.muli %arg1, %mul3A_58 : i32
    "tpu.region"() ({
      %run_scoped3A = tpu.sem_alloc : memref<!tpu.dma_semaphore, #tpu.memory_space<semaphore_mem>>
      %dma_start3A = tpu.memref_slice %arg16[%mul3A_59] : memref<10240xf32, #tpu.memory_space<vmem_shared>> -> memref<640xf32, #tpu.memory_space<vmem_shared>>
      %dma_start3A_76 = tpu.memref_slice %arg16[%mul3A_59] : memref<10240xf32, #tpu.memory_space<vmem_shared>> -> memref<640xf32, #tpu.memory_space<vmem_shared>>
      tpu.enqueue_dma source(%dma_start3A_76 : memref<640xf32, #tpu.memory_space<vmem_shared>>) target(%arg14 : memref<640xf32, #tpu.memory_space<vmem>>) target_semaphore(%run_scoped3A : memref<!tpu.dma_semaphore, #tpu.memory_space<semaphore_mem>>)
      %dma_wait3A = tpu.memref_slice %arg16[%mul3A_59] : memref<10240xf32, #tpu.memory_space<vmem_shared>> -> memref<640xf32, #tpu.memory_space<vmem_shared>>
      %dma_wait3A_77 = tpu.memref_slice %arg16[%mul3A_59] : memref<10240xf32, #tpu.memory_space<vmem_shared>> -> memref<640xf32, #tpu.memory_space<vmem_shared>>
      tpu.wait_dma2 semaphore(%run_scoped3A : memref<!tpu.dma_semaphore, #tpu.memory_space<semaphore_mem>>) src(%dma_wait3A_77 : memref<640xf32, #tpu.memory_space<vmem_shared>>) dst(%arg14 : memref<640xf32, #tpu.memory_space<vmem>>)
      tpu.yield
    }) : () -> ()
    %scan3A_60 = arith.constant 0 : i32
    %scan3A_61 = arith.constant 0 : i32
    %scan3A_62 = arith.constant 40 : i32
    %scan3A_63 = arith.addi %scan3A_61, %scan3A_62 : i32
    %scan3A_64 = arith.constant 1 : i32
    scf.for %scan3A_76 = %scan3A_61 to %scan3A_63 step %scan3A_64  : i32 {
      %mul3A_77 = arith.constant 16 : i32
      %mul3A_78 = arith.muli %scan3A_76, %mul3A_77 : i32
      %get3A = arith.index_cast %mul3A_78 : i32 to index
      %get3A_79 = tpu.vector_load %arg14[%get3A] {strides = array<i32>} : memref<640xf32, #tpu.memory_space<vmem>>, vector<16xf32>,
      %gt3A = arith.constant 0.000000e+00 : f32
      %gt3A_80 = vector.broadcast %gt3A : f32 to vector<16xf32>
      %gt3A_81 = arith.cmpf ogt, %get3A_79, %gt3A_80 : vector<16xf32>
      %jit3A = arith.constant 1.000000e+00 : f32
      %broadcast_in_dim3A_82 = vector.broadcast %jit3A : f32 to vector<16xf32>
      %select_n3A = arith.select %gt3A_81, %get3A_79, %broadcast_in_dim3A_82 : vector<16xi1>, vector<16xf32>
      %gt3A_83 = arith.constant 0.000000e+00 : f32
      %gt3A_84 = vector.broadcast %gt3A_83 : f32 to vector<16xf32>
      %gt3A_85 = arith.cmpf ogt, %get3A_79, %gt3A_84 : vector<16xf32>
      %div3A = arith.constant 1.000000e+00 : f32
      %div3A_86 = vector.broadcast %div3A : f32 to vector<16xf32>
      %div3A_87 = arith.divf %div3A_86, %select_n3A : vector<16xf32>
      %jit3A_88 = arith.constant 0.000000e+00 : f32
      %broadcast_in_dim3A_89 = vector.broadcast %jit3A_88 : f32 to vector<16xf32>
      %select_n3A_90 = arith.select %gt3A_85, %div3A_87, %broadcast_in_dim3A_89 : vector<16xi1>, vector<16xf32>
      %mul3A_91 = arith.constant 16 : i32
      %mul3A_92 = arith.muli %scan3A_76, %mul3A_91 : i32
      %swap3A = arith.index_cast %mul3A_92 : i32 to index
      %swap3A_93 = tpu.vector_load %arg14[%swap3A] {strides = array<i32>} : memref<640xf32, #tpu.memory_space<vmem>>, vector<16xf32>,
      tpu.vector_store %arg14[%swap3A], %select_n3A_90 {strides = array<i32>} : memref<640xf32, #tpu.memory_space<vmem>>, vector<16xf32>,
    }
    %scan3A_65 = arith.constant 40 : i32
    %eq3A_66 = arith.constant 0 : i32
    %eq3A_67 = arith.cmpi eq, %arg0, %eq3A_66 : i32
    %convert_element_type3A_68 = arith.extui %eq3A_67 : i1 to i32
    %cond3A_69 = arith.constant 0 : i32
    %cond3A_70 = arith.cmpi ne, %convert_element_type3A_68, %cond3A_69 : i32
    scf.if %cond3A_70 {
      %scan3A_76 = arith.constant 0 : i32
      %scan3A_77 = arith.constant 0 : i32
      %scan3A_78 = arith.constant 5 : i32
      %scan3A_79 = arith.addi %scan3A_77, %scan3A_78 : i32
      %scan3A_80 = arith.constant 1 : i32
      scf.for %scan3A_82 = %scan3A_77 to %scan3A_79 step %scan3A_80  : i32 {
        %mul3A_83 = arith.constant 128 : i32
        %mul3A_84 = arith.muli %scan3A_82, %mul3A_83 : i32
        %add3A_85 = arith.addi %mul3A_59, %mul3A_84 : i32
        "tpu.region"() ({
          %run_scoped3A = tpu.sem_alloc : memref<!tpu.dma_semaphore, #tpu.memory_space<semaphore_mem>>
          %dma_start3A = arith.constant 0 : i32
          %dma_start3A_147 = tpu.memref_slice %arg15[%add3A_85, %dma_start3A] : memref<10240x128xf32, #tpu.memory_space<vmem_shared>> -> memref<128x128xf32, #tpu.memory_space<vmem_shared>>
          %dma_start3A_148 = arith.constant 0 : i32
          %dma_start3A_149 = tpu.memref_slice %arg15[%add3A_85, %dma_start3A_148] : memref<10240x128xf32, #tpu.memory_space<vmem_shared>> -> memref<128x128xf32, #tpu.memory_space<vmem_shared>>
          tpu.enqueue_dma source(%dma_start3A_149 : memref<128x128xf32, #tpu.memory_space<vmem_shared>>) target(%arg12 : memref<128x128xf32, #tpu.memory_space<vmem>>) target_semaphore(%run_scoped3A : memref<!tpu.dma_semaphore, #tpu.memory_space<semaphore_mem>>)
          %dma_wait3A = arith.constant 0 : i32
          %dma_wait3A_150 = tpu.memref_slice %arg15[%add3A_85, %dma_wait3A] : memref<10240x128xf32, #tpu.memory_space<vmem_shared>> -> memref<128x128xf32, #tpu.memory_space<vmem_shared>>
          %dma_wait3A_151 = arith.constant 0 : i32
          %dma_wait3A_152 = tpu.memref_slice %arg15[%add3A_85, %dma_wait3A_151] : memref<10240x128xf32, #tpu.memory_space<vmem_shared>> -> memref<128x128xf32, #tpu.memory_space<vmem_shared>>
          tpu.wait_dma2 semaphore(%run_scoped3A : memref<!tpu.dma_semaphore, #tpu.memory_space<semaphore_mem>>) src(%dma_wait3A_152 : memref<128x128xf32, #tpu.memory_space<vmem_shared>>) dst(%arg12 : memref<128x128xf32, #tpu.memory_space<vmem>>)
          tpu.yield
        }) : () -> ()
        %scan3A_86 = arith.constant 0 : i32
        %scan3A_87 = arith.constant 0 : i32
        %scan3A_88 = arith.constant 128 : i32
        %scan3A_89 = arith.addi %scan3A_87, %scan3A_88 : i32
        %scan3A_90 = arith.constant 1 : i32
        scf.for %scan3A_147 = %scan3A_87 to %scan3A_89 step %scan3A_90  : i32 {
          %mul3A_148 = arith.constant 128 : i32
          %mul3A_149 = arith.muli %scan3A_82, %mul3A_148 : i32
          %add3A_150 = arith.addi %mul3A_149, %scan3A_147 : i32
          %broadcast_in_dim3A_151 = vector.broadcast %add3A_150 : i32 to vector<16xi32>
          %gather3A = tpu.vector_load_idx %arg14[%broadcast_in_dim3A_151] : memref<640xf32, #tpu.memory_space<vmem>>[vector<16xi32>], vector<16xf32>,
          %get3A = arith.index_cast %scan3A_147 : i32 to index
          %get3A_152 = arith.constant 0 : index
          %get3A_153 = tpu.vector_load %arg12[%get3A, %get3A_152] {strides = array<i32>} : memref<128x128xf32, #tpu.memory_space<vmem>>, vector<16xf32>,
          %mul3A_154 = arith.mulf %get3A_153, %gather3A : vector<16xf32>
          %gt3A = arith.constant 0.000000e+00 : f32
          %gt3A_155 = vector.broadcast %gt3A : f32 to vector<16xf32>
          %gt3A_156 = arith.cmpf ogt, %mul3A_154, %gt3A_155 : vector<16xf32>
          %exp3A = math.exp %mul3A_154 : vector<16xf32>
          %sub3A = arith.constant 1.000000e+00 : f32
          %sub3A_157 = vector.broadcast %sub3A : f32 to vector<16xf32>
          %sub3A_158 = arith.subf %exp3A, %sub3A_157 : vector<16xf32>
          %select_n3A = arith.select %gt3A_156, %mul3A_154, %sub3A_158 : vector<16xi1>, vector<16xf32>
          %swap3A = arith.index_cast %scan3A_147 : i32 to index
          %swap3A_159 = arith.constant 0 : index
          %swap3A_160 = tpu.vector_load %arg12[%swap3A, %swap3A_159] {strides = array<i32>} : memref<128x128xf32, #tpu.memory_space<vmem>>, vector<16xf32>,
          tpu.vector_store %arg12[%swap3A, %swap3A_159], %select_n3A {strides = array<i32>} : memref<128x128xf32, #tpu.memory_space<vmem>>, vector<16xf32>,
          %get3A_161 = arith.index_cast %scan3A_147 : i32 to index
          %get3A_162 = arith.constant 16 : index
          %get3A_163 = tpu.vector_load %arg12[%get3A_161, %get3A_162] {strides = array<i32>} : memref<128x128xf32, #tpu.memory_space<vmem>>, vector<16xf32>,
          %mul3A_164 = arith.mulf %get3A_163, %gather3A : vector<16xf32>
          %gt3A_165 = arith.constant 0.000000e+00 : f32
          %gt3A_166 = vector.broadcast %gt3A_165 : f32 to vector<16xf32>
          %gt3A_167 = arith.cmpf ogt, %mul3A_164, %gt3A_166 : vector<16xf32>
          %exp3A_168 = math.exp %mul3A_164 : vector<16xf32>
          %sub3A_169 = arith.constant 1.000000e+00 : f32
          %sub3A_170 = vector.broadcast %sub3A_169 : f32 to vector<16xf32>
          %sub3A_171 = arith.subf %exp3A_168, %sub3A_170 : vector<16xf32>
          %select_n3A_172 = arith.select %gt3A_167, %mul3A_164, %sub3A_171 : vector<16xi1>, vector<16xf32>
          %swap3A_173 = arith.index_cast %scan3A_147 : i32 to index
          %swap3A_174 = arith.constant 16 : index
          %swap3A_175 = tpu.vector_load %arg12[%swap3A_173, %swap3A_174] {strides = array<i32>} : memref<128x128xf32, #tpu.memory_space<vmem>>, vector<16xf32>,
          tpu.vector_store %arg12[%swap3A_173, %swap3A_174], %select_n3A_172 {strides = array<i32>} : memref<128x128xf32, #tpu.memory_space<vmem>>, vector<16xf32>,
          %get3A_176 = arith.index_cast %scan3A_147 : i32 to index
          %get3A_177 = arith.constant 32 : index
          %get3A_178 = tpu.vector_load %arg12[%get3A_176, %get3A_177] {strides = array<i32>} : memref<128x128xf32, #tpu.memory_space<vmem>>, vector<16xf32>,
          %mul3A_179 = arith.mulf %get3A_178, %gather3A : vector<16xf32>
          %gt3A_180 = arith.constant 0.000000e+00 : f32
          %gt3A_181 = vector.broadcast %gt3A_180 : f32 to vector<16xf32>
          %gt3A_182 = arith.cmpf ogt, %mul3A_179, %gt3A_181 : vector<16xf32>
          %exp3A_183 = math.exp %mul3A_179 : vector<16xf32>
          %sub3A_184 = arith.constant 1.000000e+00 : f32
          %sub3A_185 = vector.broadcast %sub3A_184 : f32 to vector<16xf32>
          %sub3A_186 = arith.subf %exp3A_183, %sub3A_185 : vector<16xf32>
          %select_n3A_187 = arith.select %gt3A_182, %mul3A_179, %sub3A_186 : vector<16xi1>, vector<16xf32>
          %swap3A_188 = arith.index_cast %scan3A_147 : i32 to index
          %swap3A_189 = arith.constant 32 : index
          %swap3A_190 = tpu.vector_load %arg12[%swap3A_188, %swap3A_189] {strides = array<i32>} : memref<128x128xf32, #tpu.memory_space<vmem>>, vector<16xf32>,
          tpu.vector_store %arg12[%swap3A_188, %swap3A_189], %select_n3A_187 {strides = array<i32>} : memref<128x128xf32, #tpu.memory_space<vmem>>, vector<16xf32>,
          %get3A_191 = arith.index_cast %scan3A_147 : i32 to index
          %get3A_192 = arith.constant 48 : index
          %get3A_193 = tpu.vector_load %arg12[%get3A_191, %get3A_192] {strides = array<i32>} : memref<128x128xf32, #tpu.memory_space<vmem>>, vector<16xf32>,
          %mul3A_194 = arith.mulf %get3A_193, %gather3A : vector<16xf32>
          %gt3A_195 = arith.constant 0.000000e+00 : f32
          %gt3A_196 = vector.broadcast %gt3A_195 : f32 to vector<16xf32>
          %gt3A_197 = arith.cmpf ogt, %mul3A_194, %gt3A_196 : vector<16xf32>
          %exp3A_198 = math.exp %mul3A_194 : vector<16xf32>
          %sub3A_199 = arith.constant 1.000000e+00 : f32
          %sub3A_200 = vector.broadcast %sub3A_199 : f32 to vector<16xf32>
          %sub3A_201 = arith.subf %exp3A_198, %sub3A_200 : vector<16xf32>
          %select_n3A_202 = arith.select %gt3A_197, %mul3A_194, %sub3A_201 : vector<16xi1>, vector<16xf32>
          %swap3A_203 = arith.index_cast %scan3A_147 : i32 to index
          %swap3A_204 = arith.constant 48 : index
          %swap3A_205 = tpu.vector_load %arg12[%swap3A_203, %swap3A_204] {strides = array<i32>} : memref<128x128xf32, #tpu.memory_space<vmem>>, vector<16xf32>,
          tpu.vector_store %arg12[%swap3A_203, %swap3A_204], %select_n3A_202 {strides = array<i32>} : memref<128x128xf32, #tpu.memory_space<vmem>>, vector<16xf32>,
          %get3A_206 = arith.index_cast %scan3A_147 : i32 to index
          %get3A_207 = arith.constant 64 : index
          %get3A_208 = tpu.vector_load %arg12[%get3A_206, %get3A_207] {strides = array<i32>} : memref<128x128xf32, #tpu.memory_space<vmem>>, vector<16xf32>,
          %mul3A_209 = arith.mulf %get3A_208, %gather3A : vector<16xf32>
          %gt3A_210 = arith.constant 0.000000e+00 : f32
          %gt3A_211 = vector.broadcast %gt3A_210 : f32 to vector<16xf32>
          %gt3A_212 = arith.cmpf ogt, %mul3A_209, %gt3A_211 : vector<16xf32>
          %exp3A_213 = math.exp %mul3A_209 : vector<16xf32>
          %sub3A_214 = arith.constant 1.000000e+00 : f32
          %sub3A_215 = vector.broadcast %sub3A_214 : f32 to vector<16xf32>
          %sub3A_216 = arith.subf %exp3A_213, %sub3A_215 : vector<16xf32>
          %select_n3A_217 = arith.select %gt3A_212, %mul3A_209, %sub3A_216 : vector<16xi1>, vector<16xf32>
          %swap3A_218 = arith.index_cast %scan3A_147 : i32 to index
          %swap3A_219 = arith.constant 64 : index
          %swap3A_220 = tpu.vector_load %arg12[%swap3A_218, %swap3A_219] {strides = array<i32>} : memref<128x128xf32, #tpu.memory_space<vmem>>, vector<16xf32>,
          tpu.vector_store %arg12[%swap3A_218, %swap3A_219], %select_n3A_217 {strides = array<i32>} : memref<128x128xf32, #tpu.memory_space<vmem>>, vector<16xf32>,
          %get3A_221 = arith.index_cast %scan3A_147 : i32 to index
          %get3A_222 = arith.constant 80 : index
          %get3A_223 = tpu.vector_load %arg12[%get3A_221, %get3A_222] {strides = array<i32>} : memref<128x128xf32, #tpu.memory_space<vmem>>, vector<16xf32>,
          %mul3A_224 = arith.mulf %get3A_223, %gather3A : vector<16xf32>
          %gt3A_225 = arith.constant 0.000000e+00 : f32
          %gt3A_226 = vector.broadcast %gt3A_225 : f32 to vector<16xf32>
          %gt3A_227 = arith.cmpf ogt, %mul3A_224, %gt3A_226 : vector<16xf32>
          %exp3A_228 = math.exp %mul3A_224 : vector<16xf32>
          %sub3A_229 = arith.constant 1.000000e+00 : f32
          %sub3A_230 = vector.broadcast %sub3A_229 : f32 to vector<16xf32>
          %sub3A_231 = arith.subf %exp3A_228, %sub3A_230 : vector<16xf32>
          %select_n3A_232 = arith.select %gt3A_227, %mul3A_224, %sub3A_231 : vector<16xi1>, vector<16xf32>
          %swap3A_233 = arith.index_cast %scan3A_147 : i32 to index
          %swap3A_234 = arith.constant 80 : index
          %swap3A_235 = tpu.vector_load %arg12[%swap3A_233, %swap3A_234] {strides = array<i32>} : memref<128x128xf32, #tpu.memory_space<vmem>>, vector<16xf32>,
          tpu.vector_store %arg12[%swap3A_233, %swap3A_234], %select_n3A_232 {strides = array<i32>} : memref<128x128xf32, #tpu.memory_space<vmem>>, vector<16xf32>,
          %get3A_236 = arith.index_cast %scan3A_147 : i32 to index
          %get3A_237 = arith.constant 96 : index
          %get3A_238 = tpu.vector_load %arg12[%get3A_236, %get3A_237] {strides = array<i32>} : memref<128x128xf32, #tpu.memory_space<vmem>>, vector<16xf32>,
          %mul3A_239 = arith.mulf %get3A_238, %gather3A : vector<16xf32>
          %gt3A_240 = arith.constant 0.000000e+00 : f32
          %gt3A_241 = vector.broadcast %gt3A_240 : f32 to vector<16xf32>
          %gt3A_242 = arith.cmpf ogt, %mul3A_239, %gt3A_241 : vector<16xf32>
          %exp3A_243 = math.exp %mul3A_239 : vector<16xf32>
          %sub3A_244 = arith.constant 1.000000e+00 : f32
          %sub3A_245 = vector.broadcast %sub3A_244 : f32 to vector<16xf32>
          %sub3A_246 = arith.subf %exp3A_243, %sub3A_245 : vector<16xf32>
          %select_n3A_247 = arith.select %gt3A_242, %mul3A_239, %sub3A_246 : vector<16xi1>, vector<16xf32>
          %swap3A_248 = arith.index_cast %scan3A_147 : i32 to index
          %swap3A_249 = arith.constant 96 : index
          %swap3A_250 = tpu.vector_load %arg12[%swap3A_248, %swap3A_249] {strides = array<i32>} : memref<128x128xf32, #tpu.memory_space<vmem>>, vector<16xf32>,
          tpu.vector_store %arg12[%swap3A_248, %swap3A_249], %select_n3A_247 {strides = array<i32>} : memref<128x128xf32, #tpu.memory_space<vmem>>, vector<16xf32>,
          %get3A_251 = arith.index_cast %scan3A_147 : i32 to index
          %get3A_252 = arith.constant 112 : index
          %get3A_253 = tpu.vector_load %arg12[%get3A_251, %get3A_252] {strides = array<i32>} : memref<128x128xf32, #tpu.memory_space<vmem>>, vector<16xf32>,
          %mul3A_254 = arith.mulf %get3A_253, %gather3A : vector<16xf32>
          %gt3A_255 = arith.constant 0.000000e+00 : f32
          %gt3A_256 = vector.broadcast %gt3A_255 : f32 to vector<16xf32>
          %gt3A_257 = arith.cmpf ogt, %mul3A_254, %gt3A_256 : vector<16xf32>
          %exp3A_258 = math.exp %mul3A_254 : vector<16xf32>
          %sub3A_259 = arith.constant 1.000000e+00 : f32
          %sub3A_260 = vector.broadcast %sub3A_259 : f32 to vector<16xf32>
          %sub3A_261 = arith.subf %exp3A_258, %sub3A_260 : vector<16xf32>
          %select_n3A_262 = arith.select %gt3A_257, %mul3A_254, %sub3A_261 : vector<16xi1>, vector<16xf32>
          %swap3A_263 = arith.index_cast %scan3A_147 : i32 to index
          %swap3A_264 = arith.constant 112 : index
          %swap3A_265 = tpu.vector_load %arg12[%swap3A_263, %swap3A_264] {strides = array<i32>} : memref<128x128xf32, #tpu.memory_space<vmem>>, vector<16xf32>,
          tpu.vector_store %arg12[%swap3A_263, %swap3A_264], %select_n3A_262 {strides = array<i32>} : memref<128x128xf32, #tpu.memory_space<vmem>>, vector<16xf32>,
        }
        %scan3A_91 = arith.constant 128 : i32
        %add3A_92 = arith.constant 0 : i32
        %add3A_93 = arith.addi %add3A_85, %add3A_92 : i32
        %lt3A = arith.constant 10000 : i32
        %lt3A_94 = arith.cmpi slt, %add3A_93, %lt3A : i32
        %convert_element_type3A_95 = arith.extui %lt3A_94 : i1 to i32
        %cond3A_96 = arith.constant 0 : i32
        %cond3A_97 = arith.cmpi ne, %convert_element_type3A_95, %cond3A_96 : i32
        scf.if %cond3A_97 {
          "tpu.region"() ({
            %run_scoped3A = tpu.sem_alloc : memref<!tpu.dma_semaphore, #tpu.memory_space<semaphore_mem>>
            %dma_start3A = arith.constant 0 : i32
            %dma_start3A_147 = arith.constant 0 : i32
            %dma_start3A_148 = tpu.memref_slice %arg12[%dma_start3A, %dma_start3A_147] : memref<128x128xf32, #tpu.memory_space<vmem>> -> memref<16x128xf32, #tpu.memory_space<vmem>>
            %dma_start3A_149 = arith.constant 0 : i32
            %dma_start3A_150 = tpu.memref_slice %arg8[%add3A_93, %dma_start3A_149] : memref<10000x256xf32, #tpu.memory_space<hbm>> -> memref<16x128xf32, #tpu.memory_space<hbm>>
            %dma_start3A_151 = arith.constant 0 : i32
            %dma_start3A_152 = tpu.memref_slice %arg8[%add3A_93, %dma_start3A_151] : memref<10000x256xf32, #tpu.memory_space<hbm>> -> memref<16x128xf32, #tpu.memory_space<hbm>>
            %dma_start3A_153 = arith.constant 0 : i32
            %dma_start3A_154 = arith.constant 0 : i32
            %dma_start3A_155 = tpu.memref_slice %arg12[%dma_start3A_153, %dma_start3A_154] : memref<128x128xf32, #tpu.memory_space<vmem>> -> memref<16x128xf32, #tpu.memory_space<vmem>>
            tpu.enqueue_dma source(%dma_start3A_155 : memref<16x128xf32, #tpu.memory_space<vmem>>) target(%dma_start3A_152 : memref<16x128xf32, #tpu.memory_space<hbm>>) target_semaphore(%run_scoped3A : memref<!tpu.dma_semaphore, #tpu.memory_space<semaphore_mem>>)
            %dma_wait3A = arith.constant 0 : i32
            %dma_wait3A_156 = arith.constant 0 : i32
            %dma_wait3A_157 = tpu.memref_slice %arg12[%dma_wait3A, %dma_wait3A_156] : memref<128x128xf32, #tpu.memory_space<vmem>> -> memref<16x128xf32, #tpu.memory_space<vmem>>
            %dma_wait3A_158 = arith.constant 0 : i32
            %dma_wait3A_159 = tpu.memref_slice %arg8[%add3A_93, %dma_wait3A_158] : memref<10000x256xf32, #tpu.memory_space<hbm>> -> memref<16x128xf32, #tpu.memory_space<hbm>>
            %dma_wait3A_160 = arith.constant 0 : i32
            %dma_wait3A_161 = tpu.memref_slice %arg8[%add3A_93, %dma_wait3A_160] : memref<10000x256xf32, #tpu.memory_space<hbm>> -> memref<16x128xf32, #tpu.memory_space<hbm>>
            %dma_wait3A_162 = arith.constant 0 : i32
            %dma_wait3A_163 = arith.constant 0 : i32
            %dma_wait3A_164 = tpu.memref_slice %arg12[%dma_wait3A_162, %dma_wait3A_163] : memref<128x128xf32, #tpu.memory_space<vmem>> -> memref<16x128xf32, #tpu.memory_space<vmem>>
            tpu.wait_dma2 semaphore(%run_scoped3A : memref<!tpu.dma_semaphore, #tpu.memory_space<semaphore_mem>>) src(%dma_wait3A_164 : memref<16x128xf32, #tpu.memory_space<vmem>>) dst(%dma_wait3A_161 : memref<16x128xf32, #tpu.memory_space<hbm>>)
            tpu.yield
          }) : () -> ()
        } else {
        }
        %add3A_98 = arith.constant 16 : i32
        %add3A_99 = arith.addi %add3A_85, %add3A_98 : i32
        %lt3A_100 = arith.constant 10000 : i32
        %lt3A_101 = arith.cmpi slt, %add3A_99, %lt3A_100 : i32
        %convert_element_type3A_102 = arith.extui %lt3A_101 : i1 to i32
        %cond3A_103 = arith.constant 0 : i32
        %cond3A_104 = arith.cmpi ne, %convert_element_type3A_102, %cond3A_103 : i32
        scf.if %cond3A_104 {
          "tpu.region"() ({
            %run_scoped3A = tpu.sem_alloc : memref<!tpu.dma_semaphore, #tpu.memory_space<semaphore_mem>>
            %dma_start3A = arith.constant 16 : i32
            %dma_start3A_147 = arith.constant 0 : i32
            %dma_start3A_148 = tpu.memref_slice %arg12[%dma_start3A, %dma_start3A_147] : memref<128x128xf32, #tpu.memory_space<vmem>> -> memref<16x128xf32, #tpu.memory_space<vmem>>
            %dma_start3A_149 = arith.constant 0 : i32
            %dma_start3A_150 = tpu.memref_slice %arg8[%add3A_99, %dma_start3A_149] : memref<10000x256xf32, #tpu.memory_space<hbm>> -> memref<16x128xf32, #tpu.memory_space<hbm>>
            %dma_start3A_151 = arith.constant 0 : i32
            %dma_start3A_152 = tpu.memref_slice %arg8[%add3A_99, %dma_start3A_151] : memref<10000x256xf32, #tpu.memory_space<hbm>> -> memref<16x128xf32, #tpu.memory_space<hbm>>
            %dma_start3A_153 = arith.constant 16 : i32
            %dma_start3A_154 = arith.constant 0 : i32
            %dma_start3A_155 = tpu.memref_slice %arg12[%dma_start3A_153, %dma_start3A_154] : memref<128x128xf32, #tpu.memory_space<vmem>> -> memref<16x128xf32, #tpu.memory_space<vmem>>
            tpu.enqueue_dma source(%dma_start3A_155 : memref<16x128xf32, #tpu.memory_space<vmem>>) target(%dma_start3A_152 : memref<16x128xf32, #tpu.memory_space<hbm>>) target_semaphore(%run_scoped3A : memref<!tpu.dma_semaphore, #tpu.memory_space<semaphore_mem>>)
            %dma_wait3A = arith.constant 16 : i32
            %dma_wait3A_156 = arith.constant 0 : i32
            %dma_wait3A_157 = tpu.memref_slice %arg12[%dma_wait3A, %dma_wait3A_156] : memref<128x128xf32, #tpu.memory_space<vmem>> -> memref<16x128xf32, #tpu.memory_space<vmem>>
            %dma_wait3A_158 = arith.constant 0 : i32
            %dma_wait3A_159 = tpu.memref_slice %arg8[%add3A_99, %dma_wait3A_158] : memref<10000x256xf32, #tpu.memory_space<hbm>> -> memref<16x128xf32, #tpu.memory_space<hbm>>
            %dma_wait3A_160 = arith.constant 0 : i32
            %dma_wait3A_161 = tpu.memref_slice %arg8[%add3A_99, %dma_wait3A_160] : memref<10000x256xf32, #tpu.memory_space<hbm>> -> memref<16x128xf32, #tpu.memory_space<hbm>>
            %dma_wait3A_162 = arith.constant 16 : i32
            %dma_wait3A_163 = arith.constant 0 : i32
            %dma_wait3A_164 = tpu.memref_slice %arg12[%dma_wait3A_162, %dma_wait3A_163] : memref<128x128xf32, #tpu.memory_space<vmem>> -> memref<16x128xf32, #tpu.memory_space<vmem>>
            tpu.wait_dma2 semaphore(%run_scoped3A : memref<!tpu.dma_semaphore, #tpu.memory_space<semaphore_mem>>) src(%dma_wait3A_164 : memref<16x128xf32, #tpu.memory_space<vmem>>) dst(%dma_wait3A_161 : memref<16x128xf32, #tpu.memory_space<hbm>>)
            tpu.yield
          }) : () -> ()
        } else {
        }
        %add3A_105 = arith.constant 32 : i32
        %add3A_106 = arith.addi %add3A_85, %add3A_105 : i32
        %lt3A_107 = arith.constant 10000 : i32
        %lt3A_108 = arith.cmpi slt, %add3A_106, %lt3A_107 : i32
        %convert_element_type3A_109 = arith.extui %lt3A_108 : i1 to i32
        %cond3A_110 = arith.constant 0 : i32
        %cond3A_111 = arith.cmpi ne, %convert_element_type3A_109, %cond3A_110 : i32
        scf.if %cond3A_111 {
          "tpu.region"() ({
            %run_scoped3A = tpu.sem_alloc : memref<!tpu.dma_semaphore, #tpu.memory_space<semaphore_mem>>
            %dma_start3A = arith.constant 32 : i32
            %dma_start3A_147 = arith.constant 0 : i32
            %dma_start3A_148 = tpu.memref_slice %arg12[%dma_start3A, %dma_start3A_147] : memref<128x128xf32, #tpu.memory_space<vmem>> -> memref<16x128xf32, #tpu.memory_space<vmem>>
            %dma_start3A_149 = arith.constant 0 : i32
            %dma_start3A_150 = tpu.memref_slice %arg8[%add3A_106, %dma_start3A_149] : memref<10000x256xf32, #tpu.memory_space<hbm>> -> memref<16x128xf32, #tpu.memory_space<hbm>>
            %dma_start3A_151 = arith.constant 0 : i32
            %dma_start3A_152 = tpu.memref_slice %arg8[%add3A_106, %dma_start3A_151] : memref<10000x256xf32, #tpu.memory_space<hbm>> -> memref<16x128xf32, #tpu.memory_space<hbm>>
            %dma_start3A_153 = arith.constant 32 : i32
            %dma_start3A_154 = arith.constant 0 : i32
            %dma_start3A_155 = tpu.memref_slice %arg12[%dma_start3A_153, %dma_start3A_154] : memref<128x128xf32, #tpu.memory_space<vmem>> -> memref<16x128xf32, #tpu.memory_space<vmem>>
            tpu.enqueue_dma source(%dma_start3A_155 : memref<16x128xf32, #tpu.memory_space<vmem>>) target(%dma_start3A_152 : memref<16x128xf32, #tpu.memory_space<hbm>>) target_semaphore(%run_scoped3A : memref<!tpu.dma_semaphore, #tpu.memory_space<semaphore_mem>>)
            %dma_wait3A = arith.constant 32 : i32
            %dma_wait3A_156 = arith.constant 0 : i32
            %dma_wait3A_157 = tpu.memref_slice %arg12[%dma_wait3A, %dma_wait3A_156] : memref<128x128xf32, #tpu.memory_space<vmem>> -> memref<16x128xf32, #tpu.memory_space<vmem>>
            %dma_wait3A_158 = arith.constant 0 : i32
            %dma_wait3A_159 = tpu.memref_slice %arg8[%add3A_106, %dma_wait3A_158] : memref<10000x256xf32, #tpu.memory_space<hbm>> -> memref<16x128xf32, #tpu.memory_space<hbm>>
            %dma_wait3A_160 = arith.constant 0 : i32
            %dma_wait3A_161 = tpu.memref_slice %arg8[%add3A_106, %dma_wait3A_160] : memref<10000x256xf32, #tpu.memory_space<hbm>> -> memref<16x128xf32, #tpu.memory_space<hbm>>
            %dma_wait3A_162 = arith.constant 32 : i32
            %dma_wait3A_163 = arith.constant 0 : i32
            %dma_wait3A_164 = tpu.memref_slice %arg12[%dma_wait3A_162, %dma_wait3A_163] : memref<128x128xf32, #tpu.memory_space<vmem>> -> memref<16x128xf32, #tpu.memory_space<vmem>>
            tpu.wait_dma2 semaphore(%run_scoped3A : memref<!tpu.dma_semaphore, #tpu.memory_space<semaphore_mem>>) src(%dma_wait3A_164 : memref<16x128xf32, #tpu.memory_space<vmem>>) dst(%dma_wait3A_161 : memref<16x128xf32, #tpu.memory_space<hbm>>)
            tpu.yield
          }) : () -> ()
        } else {
        }
        %add3A_112 = arith.constant 48 : i32
        %add3A_113 = arith.addi %add3A_85, %add3A_112 : i32
        %lt3A_114 = arith.constant 10000 : i32
        %lt3A_115 = arith.cmpi slt, %add3A_113, %lt3A_114 : i32
        %convert_element_type3A_116 = arith.extui %lt3A_115 : i1 to i32
        %cond3A_117 = arith.constant 0 : i32
        %cond3A_118 = arith.cmpi ne, %convert_element_type3A_116, %cond3A_117 : i32
        scf.if %cond3A_118 {
          "tpu.region"() ({
            %run_scoped3A = tpu.sem_alloc : memref<!tpu.dma_semaphore, #tpu.memory_space<semaphore_mem>>
            %dma_start3A = arith.constant 48 : i32
            %dma_start3A_147 = arith.constant 0 : i32
            %dma_start3A_148 = tpu.memref_slice %arg12[%dma_start3A, %dma_start3A_147] : memref<128x128xf32, #tpu.memory_space<vmem>> -> memref<16x128xf32, #tpu.memory_space<vmem>>
            %dma_start3A_149 = arith.constant 0 : i32
            %dma_start3A_150 = tpu.memref_slice %arg8[%add3A_113, %dma_start3A_149] : memref<10000x256xf32, #tpu.memory_space<hbm>> -> memref<16x128xf32, #tpu.memory_space<hbm>>
            %dma_start3A_151 = arith.constant 0 : i32
            %dma_start3A_152 = tpu.memref_slice %arg8[%add3A_113, %dma_start3A_151] : memref<10000x256xf32, #tpu.memory_space<hbm>> -> memref<16x128xf32, #tpu.memory_space<hbm>>
            %dma_start3A_153 = arith.constant 48 : i32
            %dma_start3A_154 = arith.constant 0 : i32
            %dma_start3A_155 = tpu.memref_slice %arg12[%dma_start3A_153, %dma_start3A_154] : memref<128x128xf32, #tpu.memory_space<vmem>> -> memref<16x128xf32, #tpu.memory_space<vmem>>
            tpu.enqueue_dma source(%dma_start3A_155 : memref<16x128xf32, #tpu.memory_space<vmem>>) target(%dma_start3A_152 : memref<16x128xf32, #tpu.memory_space<hbm>>) target_semaphore(%run_scoped3A : memref<!tpu.dma_semaphore, #tpu.memory_space<semaphore_mem>>)
            %dma_wait3A = arith.constant 48 : i32
            %dma_wait3A_156 = arith.constant 0 : i32
            %dma_wait3A_157 = tpu.memref_slice %arg12[%dma_wait3A, %dma_wait3A_156] : memref<128x128xf32, #tpu.memory_space<vmem>> -> memref<16x128xf32, #tpu.memory_space<vmem>>
            %dma_wait3A_158 = arith.constant 0 : i32
            %dma_wait3A_159 = tpu.memref_slice %arg8[%add3A_113, %dma_wait3A_158] : memref<10000x256xf32, #tpu.memory_space<hbm>> -> memref<16x128xf32, #tpu.memory_space<hbm>>
            %dma_wait3A_160 = arith.constant 0 : i32
            %dma_wait3A_161 = tpu.memref_slice %arg8[%add3A_113, %dma_wait3A_160] : memref<10000x256xf32, #tpu.memory_space<hbm>> -> memref<16x128xf32, #tpu.memory_space<hbm>>
            %dma_wait3A_162 = arith.constant 48 : i32
            %dma_wait3A_163 = arith.constant 0 : i32
            %dma_wait3A_164 = tpu.memref_slice %arg12[%dma_wait3A_162, %dma_wait3A_163] : memref<128x128xf32, #tpu.memory_space<vmem>> -> memref<16x128xf32, #tpu.memory_space<vmem>>
            tpu.wait_dma2 semaphore(%run_scoped3A : memref<!tpu.dma_semaphore, #tpu.memory_space<semaphore_mem>>) src(%dma_wait3A_164 : memref<16x128xf32, #tpu.memory_space<vmem>>) dst(%dma_wait3A_161 : memref<16x128xf32, #tpu.memory_space<hbm>>)
            tpu.yield
          }) : () -> ()
        } else {
        }
        %add3A_119 = arith.constant 64 : i32
        %add3A_120 = arith.addi %add3A_85, %add3A_119 : i32
        %lt3A_121 = arith.constant 10000 : i32
        %lt3A_122 = arith.cmpi slt, %add3A_120, %lt3A_121 : i32
        %convert_element_type3A_123 = arith.extui %lt3A_122 : i1 to i32
        %cond3A_124 = arith.constant 0 : i32
        %cond3A_125 = arith.cmpi ne, %convert_element_type3A_123, %cond3A_124 : i32
        scf.if %cond3A_125 {
          "tpu.region"() ({
            %run_scoped3A = tpu.sem_alloc : memref<!tpu.dma_semaphore, #tpu.memory_space<semaphore_mem>>
            %dma_start3A = arith.constant 64 : i32
            %dma_start3A_147 = arith.constant 0 : i32
            %dma_start3A_148 = tpu.memref_slice %arg12[%dma_start3A, %dma_start3A_147] : memref<128x128xf32, #tpu.memory_space<vmem>> -> memref<16x128xf32, #tpu.memory_space<vmem>>
            %dma_start3A_149 = arith.constant 0 : i32
            %dma_start3A_150 = tpu.memref_slice %arg8[%add3A_120, %dma_start3A_149] : memref<10000x256xf32, #tpu.memory_space<hbm>> -> memref<16x128xf32, #tpu.memory_space<hbm>>
            %dma_start3A_151 = arith.constant 0 : i32
            %dma_start3A_152 = tpu.memref_slice %arg8[%add3A_120, %dma_start3A_151] : memref<10000x256xf32, #tpu.memory_space<hbm>> -> memref<16x128xf32, #tpu.memory_space<hbm>>
            %dma_start3A_153 = arith.constant 64 : i32
            %dma_start3A_154 = arith.constant 0 : i32
            %dma_start3A_155 = tpu.memref_slice %arg12[%dma_start3A_153, %dma_start3A_154] : memref<128x128xf32, #tpu.memory_space<vmem>> -> memref<16x128xf32, #tpu.memory_space<vmem>>
            tpu.enqueue_dma source(%dma_start3A_155 : memref<16x128xf32, #tpu.memory_space<vmem>>) target(%dma_start3A_152 : memref<16x128xf32, #tpu.memory_space<hbm>>) target_semaphore(%run_scoped3A : memref<!tpu.dma_semaphore, #tpu.memory_space<semaphore_mem>>)
            %dma_wait3A = arith.constant 64 : i32
            %dma_wait3A_156 = arith.constant 0 : i32
            %dma_wait3A_157 = tpu.memref_slice %arg12[%dma_wait3A, %dma_wait3A_156] : memref<128x128xf32, #tpu.memory_space<vmem>> -> memref<16x128xf32, #tpu.memory_space<vmem>>
            %dma_wait3A_158 = arith.constant 0 : i32
            %dma_wait3A_159 = tpu.memref_slice %arg8[%add3A_120, %dma_wait3A_158] : memref<10000x256xf32, #tpu.memory_space<hbm>> -> memref<16x128xf32, #tpu.memory_space<hbm>>
            %dma_wait3A_160 = arith.constant 0 : i32
            %dma_wait3A_161 = tpu.memref_slice %arg8[%add3A_120, %dma_wait3A_160] : memref<10000x256xf32, #tpu.memory_space<hbm>> -> memref<16x128xf32, #tpu.memory_space<hbm>>
            %dma_wait3A_162 = arith.constant 64 : i32
            %dma_wait3A_163 = arith.constant 0 : i32
            %dma_wait3A_164 = tpu.memref_slice %arg12[%dma_wait3A_162, %dma_wait3A_163] : memref<128x128xf32, #tpu.memory_space<vmem>> -> memref<16x128xf32, #tpu.memory_space<vmem>>
            tpu.wait_dma2 semaphore(%run_scoped3A : memref<!tpu.dma_semaphore, #tpu.memory_space<semaphore_mem>>) src(%dma_wait3A_164 : memref<16x128xf32, #tpu.memory_space<vmem>>) dst(%dma_wait3A_161 : memref<16x128xf32, #tpu.memory_space<hbm>>)
            tpu.yield
          }) : () -> ()
        } else {
        }
        %add3A_126 = arith.constant 80 : i32
        %add3A_127 = arith.addi %add3A_85, %add3A_126 : i32
        %lt3A_128 = arith.constant 10000 : i32
        %lt3A_129 = arith.cmpi slt, %add3A_127, %lt3A_128 : i32
        %convert_element_type3A_130 = arith.extui %lt3A_129 : i1 to i32
        %cond3A_131 = arith.constant 0 : i32
        %cond3A_132 = arith.cmpi ne, %convert_element_type3A_130, %cond3A_131 : i32
        scf.if %cond3A_132 {
          "tpu.region"() ({
            %run_scoped3A = tpu.sem_alloc : memref<!tpu.dma_semaphore, #tpu.memory_space<semaphore_mem>>
            %dma_start3A = arith.constant 80 : i32
            %dma_start3A_147 = arith.constant 0 : i32
            %dma_start3A_148 = tpu.memref_slice %arg12[%dma_start3A, %dma_start3A_147] : memref<128x128xf32, #tpu.memory_space<vmem>> -> memref<16x128xf32, #tpu.memory_space<vmem>>
            %dma_start3A_149 = arith.constant 0 : i32
            %dma_start3A_150 = tpu.memref_slice %arg8[%add3A_127, %dma_start3A_149] : memref<10000x256xf32, #tpu.memory_space<hbm>> -> memref<16x128xf32, #tpu.memory_space<hbm>>
            %dma_start3A_151 = arith.constant 0 : i32
            %dma_start3A_152 = tpu.memref_slice %arg8[%add3A_127, %dma_start3A_151] : memref<10000x256xf32, #tpu.memory_space<hbm>> -> memref<16x128xf32, #tpu.memory_space<hbm>>
            %dma_start3A_153 = arith.constant 80 : i32
            %dma_start3A_154 = arith.constant 0 : i32
            %dma_start3A_155 = tpu.memref_slice %arg12[%dma_start3A_153, %dma_start3A_154] : memref<128x128xf32, #tpu.memory_space<vmem>> -> memref<16x128xf32, #tpu.memory_space<vmem>>
            tpu.enqueue_dma source(%dma_start3A_155 : memref<16x128xf32, #tpu.memory_space<vmem>>) target(%dma_start3A_152 : memref<16x128xf32, #tpu.memory_space<hbm>>) target_semaphore(%run_scoped3A : memref<!tpu.dma_semaphore, #tpu.memory_space<semaphore_mem>>)
            %dma_wait3A = arith.constant 80 : i32
            %dma_wait3A_156 = arith.constant 0 : i32
            %dma_wait3A_157 = tpu.memref_slice %arg12[%dma_wait3A, %dma_wait3A_156] : memref<128x128xf32, #tpu.memory_space<vmem>> -> memref<16x128xf32, #tpu.memory_space<vmem>>
            %dma_wait3A_158 = arith.constant 0 : i32
            %dma_wait3A_159 = tpu.memref_slice %arg8[%add3A_127, %dma_wait3A_158] : memref<10000x256xf32, #tpu.memory_space<hbm>> -> memref<16x128xf32, #tpu.memory_space<hbm>>
            %dma_wait3A_160 = arith.constant 0 : i32
            %dma_wait3A_161 = tpu.memref_slice %arg8[%add3A_127, %dma_wait3A_160] : memref<10000x256xf32, #tpu.memory_space<hbm>> -> memref<16x128xf32, #tpu.memory_space<hbm>>
            %dma_wait3A_162 = arith.constant 80 : i32
            %dma_wait3A_163 = arith.constant 0 : i32
            %dma_wait3A_164 = tpu.memref_slice %arg12[%dma_wait3A_162, %dma_wait3A_163] : memref<128x128xf32, #tpu.memory_space<vmem>> -> memref<16x128xf32, #tpu.memory_space<vmem>>
            tpu.wait_dma2 semaphore(%run_scoped3A : memref<!tpu.dma_semaphore, #tpu.memory_space<semaphore_mem>>) src(%dma_wait3A_164 : memref<16x128xf32, #tpu.memory_space<vmem>>) dst(%dma_wait3A_161 : memref<16x128xf32, #tpu.memory_space<hbm>>)
            tpu.yield
          }) : () -> ()
        } else {
        }
        %add3A_133 = arith.constant 96 : i32
        %add3A_134 = arith.addi %add3A_85, %add3A_133 : i32
        %lt3A_135 = arith.constant 10000 : i32
        %lt3A_136 = arith.cmpi slt, %add3A_134, %lt3A_135 : i32
        %convert_element_type3A_137 = arith.extui %lt3A_136 : i1 to i32
        %cond3A_138 = arith.constant 0 : i32
        %cond3A_139 = arith.cmpi ne, %convert_element_type3A_137, %cond3A_138 : i32
        scf.if %cond3A_139 {
          "tpu.region"() ({
            %run_scoped3A = tpu.sem_alloc : memref<!tpu.dma_semaphore, #tpu.memory_space<semaphore_mem>>
            %dma_start3A = arith.constant 96 : i32
            %dma_start3A_147 = arith.constant 0 : i32
            %dma_start3A_148 = tpu.memref_slice %arg12[%dma_start3A, %dma_start3A_147] : memref<128x128xf32, #tpu.memory_space<vmem>> -> memref<16x128xf32, #tpu.memory_space<vmem>>
            %dma_start3A_149 = arith.constant 0 : i32
            %dma_start3A_150 = tpu.memref_slice %arg8[%add3A_134, %dma_start3A_149] : memref<10000x256xf32, #tpu.memory_space<hbm>> -> memref<16x128xf32, #tpu.memory_space<hbm>>
            %dma_start3A_151 = arith.constant 0 : i32
            %dma_start3A_152 = tpu.memref_slice %arg8[%add3A_134, %dma_start3A_151] : memref<10000x256xf32, #tpu.memory_space<hbm>> -> memref<16x128xf32, #tpu.memory_space<hbm>>
            %dma_start3A_153 = arith.constant 96 : i32
            %dma_start3A_154 = arith.constant 0 : i32
            %dma_start3A_155 = tpu.memref_slice %arg12[%dma_start3A_153, %dma_start3A_154] : memref<128x128xf32, #tpu.memory_space<vmem>> -> memref<16x128xf32, #tpu.memory_space<vmem>>
            tpu.enqueue_dma source(%dma_start3A_155 : memref<16x128xf32, #tpu.memory_space<vmem>>) target(%dma_start3A_152 : memref<16x128xf32, #tpu.memory_space<hbm>>) target_semaphore(%run_scoped3A : memref<!tpu.dma_semaphore, #tpu.memory_space<semaphore_mem>>)
            %dma_wait3A = arith.constant 96 : i32
            %dma_wait3A_156 = arith.constant 0 : i32
            %dma_wait3A_157 = tpu.memref_slice %arg12[%dma_wait3A, %dma_wait3A_156] : memref<128x128xf32, #tpu.memory_space<vmem>> -> memref<16x128xf32, #tpu.memory_space<vmem>>
            %dma_wait3A_158 = arith.constant 0 : i32
            %dma_wait3A_159 = tpu.memref_slice %arg8[%add3A_134, %dma_wait3A_158] : memref<10000x256xf32, #tpu.memory_space<hbm>> -> memref<16x128xf32, #tpu.memory_space<hbm>>
            %dma_wait3A_160 = arith.constant 0 : i32
            %dma_wait3A_161 = tpu.memref_slice %arg8[%add3A_134, %dma_wait3A_160] : memref<10000x256xf32, #tpu.memory_space<hbm>> -> memref<16x128xf32, #tpu.memory_space<hbm>>
            %dma_wait3A_162 = arith.constant 96 : i32
            %dma_wait3A_163 = arith.constant 0 : i32
            %dma_wait3A_164 = tpu.memref_slice %arg12[%dma_wait3A_162, %dma_wait3A_163] : memref<128x128xf32, #tpu.memory_space<vmem>> -> memref<16x128xf32, #tpu.memory_space<vmem>>
            tpu.wait_dma2 semaphore(%run_scoped3A : memref<!tpu.dma_semaphore, #tpu.memory_space<semaphore_mem>>) src(%dma_wait3A_164 : memref<16x128xf32, #tpu.memory_space<vmem>>) dst(%dma_wait3A_161 : memref<16x128xf32, #tpu.memory_space<hbm>>)
            tpu.yield
          }) : () -> ()
        } else {
        }
        %add3A_140 = arith.constant 112 : i32
        %add3A_141 = arith.addi %add3A_85, %add3A_140 : i32
        %lt3A_142 = arith.constant 10000 : i32
        %lt3A_143 = arith.cmpi slt, %add3A_141, %lt3A_142 : i32
        %convert_element_type3A_144 = arith.extui %lt3A_143 : i1 to i32
        %cond3A_145 = arith.constant 0 : i32
        %cond3A_146 = arith.cmpi ne, %convert_element_type3A_144, %cond3A_145 : i32
        scf.if %cond3A_146 {
          "tpu.region"() ({
            %run_scoped3A = tpu.sem_alloc : memref<!tpu.dma_semaphore, #tpu.memory_space<semaphore_mem>>
            %dma_start3A = arith.constant 112 : i32
            %dma_start3A_147 = arith.constant 0 : i32
            %dma_start3A_148 = tpu.memref_slice %arg12[%dma_start3A, %dma_start3A_147] : memref<128x128xf32, #tpu.memory_space<vmem>> -> memref<16x128xf32, #tpu.memory_space<vmem>>
            %dma_start3A_149 = arith.constant 0 : i32
            %dma_start3A_150 = tpu.memref_slice %arg8[%add3A_141, %dma_start3A_149] : memref<10000x256xf32, #tpu.memory_space<hbm>> -> memref<16x128xf32, #tpu.memory_space<hbm>>
            %dma_start3A_151 = arith.constant 0 : i32
            %dma_start3A_152 = tpu.memref_slice %arg8[%add3A_141, %dma_start3A_151] : memref<10000x256xf32, #tpu.memory_space<hbm>> -> memref<16x128xf32, #tpu.memory_space<hbm>>
            %dma_start3A_153 = arith.constant 112 : i32
            %dma_start3A_154 = arith.constant 0 : i32
            %dma_start3A_155 = tpu.memref_slice %arg12[%dma_start3A_153, %dma_start3A_154] : memref<128x128xf32, #tpu.memory_space<vmem>> -> memref<16x128xf32, #tpu.memory_space<vmem>>
            tpu.enqueue_dma source(%dma_start3A_155 : memref<16x128xf32, #tpu.memory_space<vmem>>) target(%dma_start3A_152 : memref<16x128xf32, #tpu.memory_space<hbm>>) target_semaphore(%run_scoped3A : memref<!tpu.dma_semaphore, #tpu.memory_space<semaphore_mem>>)
            %dma_wait3A = arith.constant 112 : i32
            %dma_wait3A_156 = arith.constant 0 : i32
            %dma_wait3A_157 = tpu.memref_slice %arg12[%dma_wait3A, %dma_wait3A_156] : memref<128x128xf32, #tpu.memory_space<vmem>> -> memref<16x128xf32, #tpu.memory_space<vmem>>
            %dma_wait3A_158 = arith.constant 0 : i32
            %dma_wait3A_159 = tpu.memref_slice %arg8[%add3A_141, %dma_wait3A_158] : memref<10000x256xf32, #tpu.memory_space<hbm>> -> memref<16x128xf32, #tpu.memory_space<hbm>>
            %dma_wait3A_160 = arith.constant 0 : i32
            %dma_wait3A_161 = tpu.memref_slice %arg8[%add3A_141, %dma_wait3A_160] : memref<10000x256xf32, #tpu.memory_space<hbm>> -> memref<16x128xf32, #tpu.memory_space<hbm>>
            %dma_wait3A_162 = arith.constant 112 : i32
            %dma_wait3A_163 = arith.constant 0 : i32
            %dma_wait3A_164 = tpu.memref_slice %arg12[%dma_wait3A_162, %dma_wait3A_163] : memref<128x128xf32, #tpu.memory_space<vmem>> -> memref<16x128xf32, #tpu.memory_space<vmem>>
            tpu.wait_dma2 semaphore(%run_scoped3A : memref<!tpu.dma_semaphore, #tpu.memory_space<semaphore_mem>>) src(%dma_wait3A_164 : memref<16x128xf32, #tpu.memory_space<vmem>>) dst(%dma_wait3A_161 : memref<16x128xf32, #tpu.memory_space<hbm>>)
            tpu.yield
          }) : () -> ()
        } else {
        }
      }
      %scan3A_81 = arith.constant 5 : i32
    } else {
    }
    %eq3A_71 = arith.constant 1 : i32
    %eq3A_72 = arith.cmpi eq, %arg0, %eq3A_71 : i32
    %convert_element_type3A_73 = arith.extui %eq3A_72 : i1 to i32
    %cond3A_74 = arith.constant 0 : i32
    %cond3A_75 = arith.cmpi ne, %convert_element_type3A_73, %cond3A_74 : i32
    scf.if %cond3A_75 {
      %scan3A_76 = arith.constant 0 : i32
      %scan3A_77 = arith.constant 0 : i32
      %scan3A_78 = arith.constant 5 : i32
      %scan3A_79 = arith.addi %scan3A_77, %scan3A_78 : i32
      %scan3A_80 = arith.constant 1 : i32
      scf.for %scan3A_82 = %scan3A_77 to %scan3A_79 step %scan3A_80  : i32 {
        %mul3A_83 = arith.constant 128 : i32
        %mul3A_84 = arith.muli %scan3A_82, %mul3A_83 : i32
        %add3A_85 = arith.addi %mul3A_59, %mul3A_84 : i32
        "tpu.region"() ({
          %run_scoped3A = tpu.sem_alloc : memref<!tpu.dma_semaphore, #tpu.memory_space<semaphore_mem>>
          %dma_start3A = arith.constant 0 : i32
          %dma_start3A_147 = tpu.memref_slice %arg15[%add3A_85, %dma_start3A] : memref<10240x128xf32, #tpu.memory_space<vmem_shared>> -> memref<128x128xf32, #tpu.memory_space<vmem_shared>>
          %dma_start3A_148 = arith.constant 0 : i32
          %dma_start3A_149 = tpu.memref_slice %arg15[%add3A_85, %dma_start3A_148] : memref<10240x128xf32, #tpu.memory_space<vmem_shared>> -> memref<128x128xf32, #tpu.memory_space<vmem_shared>>
          tpu.enqueue_dma source(%dma_start3A_149 : memref<128x128xf32, #tpu.memory_space<vmem_shared>>) target(%arg12 : memref<128x128xf32, #tpu.memory_space<vmem>>) target_semaphore(%run_scoped3A : memref<!tpu.dma_semaphore, #tpu.memory_space<semaphore_mem>>)
          %dma_wait3A = arith.constant 0 : i32
          %dma_wait3A_150 = tpu.memref_slice %arg15[%add3A_85, %dma_wait3A] : memref<10240x128xf32, #tpu.memory_space<vmem_shared>> -> memref<128x128xf32, #tpu.memory_space<vmem_shared>>
          %dma_wait3A_151 = arith.constant 0 : i32
          %dma_wait3A_152 = tpu.memref_slice %arg15[%add3A_85, %dma_wait3A_151] : memref<10240x128xf32, #tpu.memory_space<vmem_shared>> -> memref<128x128xf32, #tpu.memory_space<vmem_shared>>
          tpu.wait_dma2 semaphore(%run_scoped3A : memref<!tpu.dma_semaphore, #tpu.memory_space<semaphore_mem>>) src(%dma_wait3A_152 : memref<128x128xf32, #tpu.memory_space<vmem_shared>>) dst(%arg12 : memref<128x128xf32, #tpu.memory_space<vmem>>)
          tpu.yield
        }) : () -> ()
        %scan3A_86 = arith.constant 0 : i32
        %scan3A_87 = arith.constant 0 : i32
        %scan3A_88 = arith.constant 128 : i32
        %scan3A_89 = arith.addi %scan3A_87, %scan3A_88 : i32
        %scan3A_90 = arith.constant 1 : i32
        scf.for %scan3A_147 = %scan3A_87 to %scan3A_89 step %scan3A_90  : i32 {
          %mul3A_148 = arith.constant 128 : i32
          %mul3A_149 = arith.muli %scan3A_82, %mul3A_148 : i32
          %add3A_150 = arith.addi %mul3A_149, %scan3A_147 : i32
          %broadcast_in_dim3A_151 = vector.broadcast %add3A_150 : i32 to vector<16xi32>
          %gather3A = tpu.vector_load_idx %arg14[%broadcast_in_dim3A_151] : memref<640xf32, #tpu.memory_space<vmem>>[vector<16xi32>], vector<16xf32>,
          %get3A = arith.index_cast %scan3A_147 : i32 to index
          %get3A_152 = arith.constant 0 : index
          %get3A_153 = tpu.vector_load %arg12[%get3A, %get3A_152] {strides = array<i32>} : memref<128x128xf32, #tpu.memory_space<vmem>>, vector<16xf32>,
          %mul3A_154 = arith.mulf %get3A_153, %gather3A : vector<16xf32>
          %gt3A = arith.constant 0.000000e+00 : f32
          %gt3A_155 = vector.broadcast %gt3A : f32 to vector<16xf32>
          %gt3A_156 = arith.cmpf ogt, %mul3A_154, %gt3A_155 : vector<16xf32>
          %exp3A = math.exp %mul3A_154 : vector<16xf32>
          %sub3A = arith.constant 1.000000e+00 : f32
          %sub3A_157 = vector.broadcast %sub3A : f32 to vector<16xf32>
          %sub3A_158 = arith.subf %exp3A, %sub3A_157 : vector<16xf32>
          %select_n3A = arith.select %gt3A_156, %mul3A_154, %sub3A_158 : vector<16xi1>, vector<16xf32>
          %swap3A = arith.index_cast %scan3A_147 : i32 to index
          %swap3A_159 = arith.constant 0 : index
          %swap3A_160 = tpu.vector_load %arg12[%swap3A, %swap3A_159] {strides = array<i32>} : memref<128x128xf32, #tpu.memory_space<vmem>>, vector<16xf32>,
          tpu.vector_store %arg12[%swap3A, %swap3A_159], %select_n3A {strides = array<i32>} : memref<128x128xf32, #tpu.memory_space<vmem>>, vector<16xf32>,
          %get3A_161 = arith.index_cast %scan3A_147 : i32 to index
          %get3A_162 = arith.constant 16 : index
          %get3A_163 = tpu.vector_load %arg12[%get3A_161, %get3A_162] {strides = array<i32>} : memref<128x128xf32, #tpu.memory_space<vmem>>, vector<16xf32>,
          %mul3A_164 = arith.mulf %get3A_163, %gather3A : vector<16xf32>
          %gt3A_165 = arith.constant 0.000000e+00 : f32
          %gt3A_166 = vector.broadcast %gt3A_165 : f32 to vector<16xf32>
          %gt3A_167 = arith.cmpf ogt, %mul3A_164, %gt3A_166 : vector<16xf32>
          %exp3A_168 = math.exp %mul3A_164 : vector<16xf32>
          %sub3A_169 = arith.constant 1.000000e+00 : f32
          %sub3A_170 = vector.broadcast %sub3A_169 : f32 to vector<16xf32>
          %sub3A_171 = arith.subf %exp3A_168, %sub3A_170 : vector<16xf32>
          %select_n3A_172 = arith.select %gt3A_167, %mul3A_164, %sub3A_171 : vector<16xi1>, vector<16xf32>
          %swap3A_173 = arith.index_cast %scan3A_147 : i32 to index
          %swap3A_174 = arith.constant 16 : index
          %swap3A_175 = tpu.vector_load %arg12[%swap3A_173, %swap3A_174] {strides = array<i32>} : memref<128x128xf32, #tpu.memory_space<vmem>>, vector<16xf32>,
          tpu.vector_store %arg12[%swap3A_173, %swap3A_174], %select_n3A_172 {strides = array<i32>} : memref<128x128xf32, #tpu.memory_space<vmem>>, vector<16xf32>,
          %get3A_176 = arith.index_cast %scan3A_147 : i32 to index
          %get3A_177 = arith.constant 32 : index
          %get3A_178 = tpu.vector_load %arg12[%get3A_176, %get3A_177] {strides = array<i32>} : memref<128x128xf32, #tpu.memory_space<vmem>>, vector<16xf32>,
          %mul3A_179 = arith.mulf %get3A_178, %gather3A : vector<16xf32>
          %gt3A_180 = arith.constant 0.000000e+00 : f32
          %gt3A_181 = vector.broadcast %gt3A_180 : f32 to vector<16xf32>
          %gt3A_182 = arith.cmpf ogt, %mul3A_179, %gt3A_181 : vector<16xf32>
          %exp3A_183 = math.exp %mul3A_179 : vector<16xf32>
          %sub3A_184 = arith.constant 1.000000e+00 : f32
          %sub3A_185 = vector.broadcast %sub3A_184 : f32 to vector<16xf32>
          %sub3A_186 = arith.subf %exp3A_183, %sub3A_185 : vector<16xf32>
          %select_n3A_187 = arith.select %gt3A_182, %mul3A_179, %sub3A_186 : vector<16xi1>, vector<16xf32>
          %swap3A_188 = arith.index_cast %scan3A_147 : i32 to index
          %swap3A_189 = arith.constant 32 : index
          %swap3A_190 = tpu.vector_load %arg12[%swap3A_188, %swap3A_189] {strides = array<i32>} : memref<128x128xf32, #tpu.memory_space<vmem>>, vector<16xf32>,
          tpu.vector_store %arg12[%swap3A_188, %swap3A_189], %select_n3A_187 {strides = array<i32>} : memref<128x128xf32, #tpu.memory_space<vmem>>, vector<16xf32>,
          %get3A_191 = arith.index_cast %scan3A_147 : i32 to index
          %get3A_192 = arith.constant 48 : index
          %get3A_193 = tpu.vector_load %arg12[%get3A_191, %get3A_192] {strides = array<i32>} : memref<128x128xf32, #tpu.memory_space<vmem>>, vector<16xf32>,
          %mul3A_194 = arith.mulf %get3A_193, %gather3A : vector<16xf32>
          %gt3A_195 = arith.constant 0.000000e+00 : f32
          %gt3A_196 = vector.broadcast %gt3A_195 : f32 to vector<16xf32>
          %gt3A_197 = arith.cmpf ogt, %mul3A_194, %gt3A_196 : vector<16xf32>
          %exp3A_198 = math.exp %mul3A_194 : vector<16xf32>
          %sub3A_199 = arith.constant 1.000000e+00 : f32
          %sub3A_200 = vector.broadcast %sub3A_199 : f32 to vector<16xf32>
          %sub3A_201 = arith.subf %exp3A_198, %sub3A_200 : vector<16xf32>
          %select_n3A_202 = arith.select %gt3A_197, %mul3A_194, %sub3A_201 : vector<16xi1>, vector<16xf32>
          %swap3A_203 = arith.index_cast %scan3A_147 : i32 to index
          %swap3A_204 = arith.constant 48 : index
          %swap3A_205 = tpu.vector_load %arg12[%swap3A_203, %swap3A_204] {strides = array<i32>} : memref<128x128xf32, #tpu.memory_space<vmem>>, vector<16xf32>,
          tpu.vector_store %arg12[%swap3A_203, %swap3A_204], %select_n3A_202 {strides = array<i32>} : memref<128x128xf32, #tpu.memory_space<vmem>>, vector<16xf32>,
          %get3A_206 = arith.index_cast %scan3A_147 : i32 to index
          %get3A_207 = arith.constant 64 : index
          %get3A_208 = tpu.vector_load %arg12[%get3A_206, %get3A_207] {strides = array<i32>} : memref<128x128xf32, #tpu.memory_space<vmem>>, vector<16xf32>,
          %mul3A_209 = arith.mulf %get3A_208, %gather3A : vector<16xf32>
          %gt3A_210 = arith.constant 0.000000e+00 : f32
          %gt3A_211 = vector.broadcast %gt3A_210 : f32 to vector<16xf32>
          %gt3A_212 = arith.cmpf ogt, %mul3A_209, %gt3A_211 : vector<16xf32>
          %exp3A_213 = math.exp %mul3A_209 : vector<16xf32>
          %sub3A_214 = arith.constant 1.000000e+00 : f32
          %sub3A_215 = vector.broadcast %sub3A_214 : f32 to vector<16xf32>
          %sub3A_216 = arith.subf %exp3A_213, %sub3A_215 : vector<16xf32>
          %select_n3A_217 = arith.select %gt3A_212, %mul3A_209, %sub3A_216 : vector<16xi1>, vector<16xf32>
          %swap3A_218 = arith.index_cast %scan3A_147 : i32 to index
          %swap3A_219 = arith.constant 64 : index
          %swap3A_220 = tpu.vector_load %arg12[%swap3A_218, %swap3A_219] {strides = array<i32>} : memref<128x128xf32, #tpu.memory_space<vmem>>, vector<16xf32>,
          tpu.vector_store %arg12[%swap3A_218, %swap3A_219], %select_n3A_217 {strides = array<i32>} : memref<128x128xf32, #tpu.memory_space<vmem>>, vector<16xf32>,
          %get3A_221 = arith.index_cast %scan3A_147 : i32 to index
          %get3A_222 = arith.constant 80 : index
          %get3A_223 = tpu.vector_load %arg12[%get3A_221, %get3A_222] {strides = array<i32>} : memref<128x128xf32, #tpu.memory_space<vmem>>, vector<16xf32>,
          %mul3A_224 = arith.mulf %get3A_223, %gather3A : vector<16xf32>
          %gt3A_225 = arith.constant 0.000000e+00 : f32
          %gt3A_226 = vector.broadcast %gt3A_225 : f32 to vector<16xf32>
          %gt3A_227 = arith.cmpf ogt, %mul3A_224, %gt3A_226 : vector<16xf32>
          %exp3A_228 = math.exp %mul3A_224 : vector<16xf32>
          %sub3A_229 = arith.constant 1.000000e+00 : f32
          %sub3A_230 = vector.broadcast %sub3A_229 : f32 to vector<16xf32>
          %sub3A_231 = arith.subf %exp3A_228, %sub3A_230 : vector<16xf32>
          %select_n3A_232 = arith.select %gt3A_227, %mul3A_224, %sub3A_231 : vector<16xi1>, vector<16xf32>
          %swap3A_233 = arith.index_cast %scan3A_147 : i32 to index
          %swap3A_234 = arith.constant 80 : index
          %swap3A_235 = tpu.vector_load %arg12[%swap3A_233, %swap3A_234] {strides = array<i32>} : memref<128x128xf32, #tpu.memory_space<vmem>>, vector<16xf32>,
          tpu.vector_store %arg12[%swap3A_233, %swap3A_234], %select_n3A_232 {strides = array<i32>} : memref<128x128xf32, #tpu.memory_space<vmem>>, vector<16xf32>,
          %get3A_236 = arith.index_cast %scan3A_147 : i32 to index
          %get3A_237 = arith.constant 96 : index
          %get3A_238 = tpu.vector_load %arg12[%get3A_236, %get3A_237] {strides = array<i32>} : memref<128x128xf32, #tpu.memory_space<vmem>>, vector<16xf32>,
          %mul3A_239 = arith.mulf %get3A_238, %gather3A : vector<16xf32>
          %gt3A_240 = arith.constant 0.000000e+00 : f32
          %gt3A_241 = vector.broadcast %gt3A_240 : f32 to vector<16xf32>
          %gt3A_242 = arith.cmpf ogt, %mul3A_239, %gt3A_241 : vector<16xf32>
          %exp3A_243 = math.exp %mul3A_239 : vector<16xf32>
          %sub3A_244 = arith.constant 1.000000e+00 : f32
          %sub3A_245 = vector.broadcast %sub3A_244 : f32 to vector<16xf32>
          %sub3A_246 = arith.subf %exp3A_243, %sub3A_245 : vector<16xf32>
          %select_n3A_247 = arith.select %gt3A_242, %mul3A_239, %sub3A_246 : vector<16xi1>, vector<16xf32>
          %swap3A_248 = arith.index_cast %scan3A_147 : i32 to index
          %swap3A_249 = arith.constant 96 : index
          %swap3A_250 = tpu.vector_load %arg12[%swap3A_248, %swap3A_249] {strides = array<i32>} : memref<128x128xf32, #tpu.memory_space<vmem>>, vector<16xf32>,
          tpu.vector_store %arg12[%swap3A_248, %swap3A_249], %select_n3A_247 {strides = array<i32>} : memref<128x128xf32, #tpu.memory_space<vmem>>, vector<16xf32>,
          %get3A_251 = arith.index_cast %scan3A_147 : i32 to index
          %get3A_252 = arith.constant 112 : index
          %get3A_253 = tpu.vector_load %arg12[%get3A_251, %get3A_252] {strides = array<i32>} : memref<128x128xf32, #tpu.memory_space<vmem>>, vector<16xf32>,
          %mul3A_254 = arith.mulf %get3A_253, %gather3A : vector<16xf32>
          %gt3A_255 = arith.constant 0.000000e+00 : f32
          %gt3A_256 = vector.broadcast %gt3A_255 : f32 to vector<16xf32>
          %gt3A_257 = arith.cmpf ogt, %mul3A_254, %gt3A_256 : vector<16xf32>
          %exp3A_258 = math.exp %mul3A_254 : vector<16xf32>
          %sub3A_259 = arith.constant 1.000000e+00 : f32
          %sub3A_260 = vector.broadcast %sub3A_259 : f32 to vector<16xf32>
          %sub3A_261 = arith.subf %exp3A_258, %sub3A_260 : vector<16xf32>
          %select_n3A_262 = arith.select %gt3A_257, %mul3A_254, %sub3A_261 : vector<16xi1>, vector<16xf32>
          %swap3A_263 = arith.index_cast %scan3A_147 : i32 to index
          %swap3A_264 = arith.constant 112 : index
          %swap3A_265 = tpu.vector_load %arg12[%swap3A_263, %swap3A_264] {strides = array<i32>} : memref<128x128xf32, #tpu.memory_space<vmem>>, vector<16xf32>,
          tpu.vector_store %arg12[%swap3A_263, %swap3A_264], %select_n3A_262 {strides = array<i32>} : memref<128x128xf32, #tpu.memory_space<vmem>>, vector<16xf32>,
        }
        %scan3A_91 = arith.constant 128 : i32
        %add3A_92 = arith.constant 0 : i32
        %add3A_93 = arith.addi %add3A_85, %add3A_92 : i32
        %lt3A = arith.constant 10000 : i32
        %lt3A_94 = arith.cmpi slt, %add3A_93, %lt3A : i32
        %convert_element_type3A_95 = arith.extui %lt3A_94 : i1 to i32
        %cond3A_96 = arith.constant 0 : i32
        %cond3A_97 = arith.cmpi ne, %convert_element_type3A_95, %cond3A_96 : i32
        scf.if %cond3A_97 {
          "tpu.region"() ({
            %run_scoped3A = tpu.sem_alloc : memref<!tpu.dma_semaphore, #tpu.memory_space<semaphore_mem>>
            %dma_start3A = arith.constant 0 : i32
            %dma_start3A_147 = arith.constant 0 : i32
            %dma_start3A_148 = tpu.memref_slice %arg12[%dma_start3A, %dma_start3A_147] : memref<128x128xf32, #tpu.memory_space<vmem>> -> memref<16x128xf32, #tpu.memory_space<vmem>>
            %dma_start3A_149 = arith.constant 128 : i32
            %dma_start3A_150 = tpu.memref_slice %arg8[%add3A_93, %dma_start3A_149] : memref<10000x256xf32, #tpu.memory_space<hbm>> -> memref<16x128xf32, #tpu.memory_space<hbm>>
            %dma_start3A_151 = arith.constant 128 : i32
            %dma_start3A_152 = tpu.memref_slice %arg8[%add3A_93, %dma_start3A_151] : memref<10000x256xf32, #tpu.memory_space<hbm>> -> memref<16x128xf32, #tpu.memory_space<hbm>>
            %dma_start3A_153 = arith.constant 0 : i32
            %dma_start3A_154 = arith.constant 0 : i32
            %dma_start3A_155 = tpu.memref_slice %arg12[%dma_start3A_153, %dma_start3A_154] : memref<128x128xf32, #tpu.memory_space<vmem>> -> memref<16x128xf32, #tpu.memory_space<vmem>>
            tpu.enqueue_dma source(%dma_start3A_155 : memref<16x128xf32, #tpu.memory_space<vmem>>) target(%dma_start3A_152 : memref<16x128xf32, #tpu.memory_space<hbm>>) target_semaphore(%run_scoped3A : memref<!tpu.dma_semaphore, #tpu.memory_space<semaphore_mem>>)
            %dma_wait3A = arith.constant 0 : i32
            %dma_wait3A_156 = arith.constant 0 : i32
            %dma_wait3A_157 = tpu.memref_slice %arg12[%dma_wait3A, %dma_wait3A_156] : memref<128x128xf32, #tpu.memory_space<vmem>> -> memref<16x128xf32, #tpu.memory_space<vmem>>
            %dma_wait3A_158 = arith.constant 128 : i32
            %dma_wait3A_159 = tpu.memref_slice %arg8[%add3A_93, %dma_wait3A_158] : memref<10000x256xf32, #tpu.memory_space<hbm>> -> memref<16x128xf32, #tpu.memory_space<hbm>>
            %dma_wait3A_160 = arith.constant 128 : i32
            %dma_wait3A_161 = tpu.memref_slice %arg8[%add3A_93, %dma_wait3A_160] : memref<10000x256xf32, #tpu.memory_space<hbm>> -> memref<16x128xf32, #tpu.memory_space<hbm>>
            %dma_wait3A_162 = arith.constant 0 : i32
            %dma_wait3A_163 = arith.constant 0 : i32
            %dma_wait3A_164 = tpu.memref_slice %arg12[%dma_wait3A_162, %dma_wait3A_163] : memref<128x128xf32, #tpu.memory_space<vmem>> -> memref<16x128xf32, #tpu.memory_space<vmem>>
            tpu.wait_dma2 semaphore(%run_scoped3A : memref<!tpu.dma_semaphore, #tpu.memory_space<semaphore_mem>>) src(%dma_wait3A_164 : memref<16x128xf32, #tpu.memory_space<vmem>>) dst(%dma_wait3A_161 : memref<16x128xf32, #tpu.memory_space<hbm>>)
            tpu.yield
          }) : () -> ()
        } else {
        }
        %add3A_98 = arith.constant 16 : i32
        %add3A_99 = arith.addi %add3A_85, %add3A_98 : i32
        %lt3A_100 = arith.constant 10000 : i32
        %lt3A_101 = arith.cmpi slt, %add3A_99, %lt3A_100 : i32
        %convert_element_type3A_102 = arith.extui %lt3A_101 : i1 to i32
        %cond3A_103 = arith.constant 0 : i32
        %cond3A_104 = arith.cmpi ne, %convert_element_type3A_102, %cond3A_103 : i32
        scf.if %cond3A_104 {
          "tpu.region"() ({
            %run_scoped3A = tpu.sem_alloc : memref<!tpu.dma_semaphore, #tpu.memory_space<semaphore_mem>>
            %dma_start3A = arith.constant 16 : i32
            %dma_start3A_147 = arith.constant 0 : i32
            %dma_start3A_148 = tpu.memref_slice %arg12[%dma_start3A, %dma_start3A_147] : memref<128x128xf32, #tpu.memory_space<vmem>> -> memref<16x128xf32, #tpu.memory_space<vmem>>
            %dma_start3A_149 = arith.constant 128 : i32
            %dma_start3A_150 = tpu.memref_slice %arg8[%add3A_99, %dma_start3A_149] : memref<10000x256xf32, #tpu.memory_space<hbm>> -> memref<16x128xf32, #tpu.memory_space<hbm>>
            %dma_start3A_151 = arith.constant 128 : i32
            %dma_start3A_152 = tpu.memref_slice %arg8[%add3A_99, %dma_start3A_151] : memref<10000x256xf32, #tpu.memory_space<hbm>> -> memref<16x128xf32, #tpu.memory_space<hbm>>
            %dma_start3A_153 = arith.constant 16 : i32
            %dma_start3A_154 = arith.constant 0 : i32
            %dma_start3A_155 = tpu.memref_slice %arg12[%dma_start3A_153, %dma_start3A_154] : memref<128x128xf32, #tpu.memory_space<vmem>> -> memref<16x128xf32, #tpu.memory_space<vmem>>
            tpu.enqueue_dma source(%dma_start3A_155 : memref<16x128xf32, #tpu.memory_space<vmem>>) target(%dma_start3A_152 : memref<16x128xf32, #tpu.memory_space<hbm>>) target_semaphore(%run_scoped3A : memref<!tpu.dma_semaphore, #tpu.memory_space<semaphore_mem>>)
            %dma_wait3A = arith.constant 16 : i32
            %dma_wait3A_156 = arith.constant 0 : i32
            %dma_wait3A_157 = tpu.memref_slice %arg12[%dma_wait3A, %dma_wait3A_156] : memref<128x128xf32, #tpu.memory_space<vmem>> -> memref<16x128xf32, #tpu.memory_space<vmem>>
            %dma_wait3A_158 = arith.constant 128 : i32
            %dma_wait3A_159 = tpu.memref_slice %arg8[%add3A_99, %dma_wait3A_158] : memref<10000x256xf32, #tpu.memory_space<hbm>> -> memref<16x128xf32, #tpu.memory_space<hbm>>
            %dma_wait3A_160 = arith.constant 128 : i32
            %dma_wait3A_161 = tpu.memref_slice %arg8[%add3A_99, %dma_wait3A_160] : memref<10000x256xf32, #tpu.memory_space<hbm>> -> memref<16x128xf32, #tpu.memory_space<hbm>>
            %dma_wait3A_162 = arith.constant 16 : i32
            %dma_wait3A_163 = arith.constant 0 : i32
            %dma_wait3A_164 = tpu.memref_slice %arg12[%dma_wait3A_162, %dma_wait3A_163] : memref<128x128xf32, #tpu.memory_space<vmem>> -> memref<16x128xf32, #tpu.memory_space<vmem>>
            tpu.wait_dma2 semaphore(%run_scoped3A : memref<!tpu.dma_semaphore, #tpu.memory_space<semaphore_mem>>) src(%dma_wait3A_164 : memref<16x128xf32, #tpu.memory_space<vmem>>) dst(%dma_wait3A_161 : memref<16x128xf32, #tpu.memory_space<hbm>>)
            tpu.yield
          }) : () -> ()
        } else {
        }
        %add3A_105 = arith.constant 32 : i32
        %add3A_106 = arith.addi %add3A_85, %add3A_105 : i32
        %lt3A_107 = arith.constant 10000 : i32
        %lt3A_108 = arith.cmpi slt, %add3A_106, %lt3A_107 : i32
        %convert_element_type3A_109 = arith.extui %lt3A_108 : i1 to i32
        %cond3A_110 = arith.constant 0 : i32
        %cond3A_111 = arith.cmpi ne, %convert_element_type3A_109, %cond3A_110 : i32
        scf.if %cond3A_111 {
          "tpu.region"() ({
            %run_scoped3A = tpu.sem_alloc : memref<!tpu.dma_semaphore, #tpu.memory_space<semaphore_mem>>
            %dma_start3A = arith.constant 32 : i32
            %dma_start3A_147 = arith.constant 0 : i32
            %dma_start3A_148 = tpu.memref_slice %arg12[%dma_start3A, %dma_start3A_147] : memref<128x128xf32, #tpu.memory_space<vmem>> -> memref<16x128xf32, #tpu.memory_space<vmem>>
            %dma_start3A_149 = arith.constant 128 : i32
            %dma_start3A_150 = tpu.memref_slice %arg8[%add3A_106, %dma_start3A_149] : memref<10000x256xf32, #tpu.memory_space<hbm>> -> memref<16x128xf32, #tpu.memory_space<hbm>>
            %dma_start3A_151 = arith.constant 128 : i32
            %dma_start3A_152 = tpu.memref_slice %arg8[%add3A_106, %dma_start3A_151] : memref<10000x256xf32, #tpu.memory_space<hbm>> -> memref<16x128xf32, #tpu.memory_space<hbm>>
            %dma_start3A_153 = arith.constant 32 : i32
            %dma_start3A_154 = arith.constant 0 : i32
            %dma_start3A_155 = tpu.memref_slice %arg12[%dma_start3A_153, %dma_start3A_154] : memref<128x128xf32, #tpu.memory_space<vmem>> -> memref<16x128xf32, #tpu.memory_space<vmem>>
            tpu.enqueue_dma source(%dma_start3A_155 : memref<16x128xf32, #tpu.memory_space<vmem>>) target(%dma_start3A_152 : memref<16x128xf32, #tpu.memory_space<hbm>>) target_semaphore(%run_scoped3A : memref<!tpu.dma_semaphore, #tpu.memory_space<semaphore_mem>>)
            %dma_wait3A = arith.constant 32 : i32
            %dma_wait3A_156 = arith.constant 0 : i32
            %dma_wait3A_157 = tpu.memref_slice %arg12[%dma_wait3A, %dma_wait3A_156] : memref<128x128xf32, #tpu.memory_space<vmem>> -> memref<16x128xf32, #tpu.memory_space<vmem>>
            %dma_wait3A_158 = arith.constant 128 : i32
            %dma_wait3A_159 = tpu.memref_slice %arg8[%add3A_106, %dma_wait3A_158] : memref<10000x256xf32, #tpu.memory_space<hbm>> -> memref<16x128xf32, #tpu.memory_space<hbm>>
            %dma_wait3A_160 = arith.constant 128 : i32
            %dma_wait3A_161 = tpu.memref_slice %arg8[%add3A_106, %dma_wait3A_160] : memref<10000x256xf32, #tpu.memory_space<hbm>> -> memref<16x128xf32, #tpu.memory_space<hbm>>
            %dma_wait3A_162 = arith.constant 32 : i32
            %dma_wait3A_163 = arith.constant 0 : i32
            %dma_wait3A_164 = tpu.memref_slice %arg12[%dma_wait3A_162, %dma_wait3A_163] : memref<128x128xf32, #tpu.memory_space<vmem>> -> memref<16x128xf32, #tpu.memory_space<vmem>>
            tpu.wait_dma2 semaphore(%run_scoped3A : memref<!tpu.dma_semaphore, #tpu.memory_space<semaphore_mem>>) src(%dma_wait3A_164 : memref<16x128xf32, #tpu.memory_space<vmem>>) dst(%dma_wait3A_161 : memref<16x128xf32, #tpu.memory_space<hbm>>)
            tpu.yield
          }) : () -> ()
        } else {
        }
        %add3A_112 = arith.constant 48 : i32
        %add3A_113 = arith.addi %add3A_85, %add3A_112 : i32
        %lt3A_114 = arith.constant 10000 : i32
        %lt3A_115 = arith.cmpi slt, %add3A_113, %lt3A_114 : i32
        %convert_element_type3A_116 = arith.extui %lt3A_115 : i1 to i32
        %cond3A_117 = arith.constant 0 : i32
        %cond3A_118 = arith.cmpi ne, %convert_element_type3A_116, %cond3A_117 : i32
        scf.if %cond3A_118 {
          "tpu.region"() ({
            %run_scoped3A = tpu.sem_alloc : memref<!tpu.dma_semaphore, #tpu.memory_space<semaphore_mem>>
            %dma_start3A = arith.constant 48 : i32
            %dma_start3A_147 = arith.constant 0 : i32
            %dma_start3A_148 = tpu.memref_slice %arg12[%dma_start3A, %dma_start3A_147] : memref<128x128xf32, #tpu.memory_space<vmem>> -> memref<16x128xf32, #tpu.memory_space<vmem>>
            %dma_start3A_149 = arith.constant 128 : i32
            %dma_start3A_150 = tpu.memref_slice %arg8[%add3A_113, %dma_start3A_149] : memref<10000x256xf32, #tpu.memory_space<hbm>> -> memref<16x128xf32, #tpu.memory_space<hbm>>
            %dma_start3A_151 = arith.constant 128 : i32
            %dma_start3A_152 = tpu.memref_slice %arg8[%add3A_113, %dma_start3A_151] : memref<10000x256xf32, #tpu.memory_space<hbm>> -> memref<16x128xf32, #tpu.memory_space<hbm>>
            %dma_start3A_153 = arith.constant 48 : i32
            %dma_start3A_154 = arith.constant 0 : i32
            %dma_start3A_155 = tpu.memref_slice %arg12[%dma_start3A_153, %dma_start3A_154] : memref<128x128xf32, #tpu.memory_space<vmem>> -> memref<16x128xf32, #tpu.memory_space<vmem>>
            tpu.enqueue_dma source(%dma_start3A_155 : memref<16x128xf32, #tpu.memory_space<vmem>>) target(%dma_start3A_152 : memref<16x128xf32, #tpu.memory_space<hbm>>) target_semaphore(%run_scoped3A : memref<!tpu.dma_semaphore, #tpu.memory_space<semaphore_mem>>)
            %dma_wait3A = arith.constant 48 : i32
            %dma_wait3A_156 = arith.constant 0 : i32
            %dma_wait3A_157 = tpu.memref_slice %arg12[%dma_wait3A, %dma_wait3A_156] : memref<128x128xf32, #tpu.memory_space<vmem>> -> memref<16x128xf32, #tpu.memory_space<vmem>>
            %dma_wait3A_158 = arith.constant 128 : i32
            %dma_wait3A_159 = tpu.memref_slice %arg8[%add3A_113, %dma_wait3A_158] : memref<10000x256xf32, #tpu.memory_space<hbm>> -> memref<16x128xf32, #tpu.memory_space<hbm>>
            %dma_wait3A_160 = arith.constant 128 : i32
            %dma_wait3A_161 = tpu.memref_slice %arg8[%add3A_113, %dma_wait3A_160] : memref<10000x256xf32, #tpu.memory_space<hbm>> -> memref<16x128xf32, #tpu.memory_space<hbm>>
            %dma_wait3A_162 = arith.constant 48 : i32
            %dma_wait3A_163 = arith.constant 0 : i32
            %dma_wait3A_164 = tpu.memref_slice %arg12[%dma_wait3A_162, %dma_wait3A_163] : memref<128x128xf32, #tpu.memory_space<vmem>> -> memref<16x128xf32, #tpu.memory_space<vmem>>
            tpu.wait_dma2 semaphore(%run_scoped3A : memref<!tpu.dma_semaphore, #tpu.memory_space<semaphore_mem>>) src(%dma_wait3A_164 : memref<16x128xf32, #tpu.memory_space<vmem>>) dst(%dma_wait3A_161 : memref<16x128xf32, #tpu.memory_space<hbm>>)
            tpu.yield
          }) : () -> ()
        } else {
        }
        %add3A_119 = arith.constant 64 : i32
        %add3A_120 = arith.addi %add3A_85, %add3A_119 : i32
        %lt3A_121 = arith.constant 10000 : i32
        %lt3A_122 = arith.cmpi slt, %add3A_120, %lt3A_121 : i32
        %convert_element_type3A_123 = arith.extui %lt3A_122 : i1 to i32
        %cond3A_124 = arith.constant 0 : i32
        %cond3A_125 = arith.cmpi ne, %convert_element_type3A_123, %cond3A_124 : i32
        scf.if %cond3A_125 {
          "tpu.region"() ({
            %run_scoped3A = tpu.sem_alloc : memref<!tpu.dma_semaphore, #tpu.memory_space<semaphore_mem>>
            %dma_start3A = arith.constant 64 : i32
            %dma_start3A_147 = arith.constant 0 : i32
            %dma_start3A_148 = tpu.memref_slice %arg12[%dma_start3A, %dma_start3A_147] : memref<128x128xf32, #tpu.memory_space<vmem>> -> memref<16x128xf32, #tpu.memory_space<vmem>>
            %dma_start3A_149 = arith.constant 128 : i32
            %dma_start3A_150 = tpu.memref_slice %arg8[%add3A_120, %dma_start3A_149] : memref<10000x256xf32, #tpu.memory_space<hbm>> -> memref<16x128xf32, #tpu.memory_space<hbm>>
            %dma_start3A_151 = arith.constant 128 : i32
            %dma_start3A_152 = tpu.memref_slice %arg8[%add3A_120, %dma_start3A_151] : memref<10000x256xf32, #tpu.memory_space<hbm>> -> memref<16x128xf32, #tpu.memory_space<hbm>>
            %dma_start3A_153 = arith.constant 64 : i32
            %dma_start3A_154 = arith.constant 0 : i32
            %dma_start3A_155 = tpu.memref_slice %arg12[%dma_start3A_153, %dma_start3A_154] : memref<128x128xf32, #tpu.memory_space<vmem>> -> memref<16x128xf32, #tpu.memory_space<vmem>>
            tpu.enqueue_dma source(%dma_start3A_155 : memref<16x128xf32, #tpu.memory_space<vmem>>) target(%dma_start3A_152 : memref<16x128xf32, #tpu.memory_space<hbm>>) target_semaphore(%run_scoped3A : memref<!tpu.dma_semaphore, #tpu.memory_space<semaphore_mem>>)
            %dma_wait3A = arith.constant 64 : i32
            %dma_wait3A_156 = arith.constant 0 : i32
            %dma_wait3A_157 = tpu.memref_slice %arg12[%dma_wait3A, %dma_wait3A_156] : memref<128x128xf32, #tpu.memory_space<vmem>> -> memref<16x128xf32, #tpu.memory_space<vmem>>
            %dma_wait3A_158 = arith.constant 128 : i32
            %dma_wait3A_159 = tpu.memref_slice %arg8[%add3A_120, %dma_wait3A_158] : memref<10000x256xf32, #tpu.memory_space<hbm>> -> memref<16x128xf32, #tpu.memory_space<hbm>>
            %dma_wait3A_160 = arith.constant 128 : i32
            %dma_wait3A_161 = tpu.memref_slice %arg8[%add3A_120, %dma_wait3A_160] : memref<10000x256xf32, #tpu.memory_space<hbm>> -> memref<16x128xf32, #tpu.memory_space<hbm>>
            %dma_wait3A_162 = arith.constant 64 : i32
            %dma_wait3A_163 = arith.constant 0 : i32
            %dma_wait3A_164 = tpu.memref_slice %arg12[%dma_wait3A_162, %dma_wait3A_163] : memref<128x128xf32, #tpu.memory_space<vmem>> -> memref<16x128xf32, #tpu.memory_space<vmem>>
            tpu.wait_dma2 semaphore(%run_scoped3A : memref<!tpu.dma_semaphore, #tpu.memory_space<semaphore_mem>>) src(%dma_wait3A_164 : memref<16x128xf32, #tpu.memory_space<vmem>>) dst(%dma_wait3A_161 : memref<16x128xf32, #tpu.memory_space<hbm>>)
            tpu.yield
          }) : () -> ()
        } else {
        }
        %add3A_126 = arith.constant 80 : i32
        %add3A_127 = arith.addi %add3A_85, %add3A_126 : i32
        %lt3A_128 = arith.constant 10000 : i32
        %lt3A_129 = arith.cmpi slt, %add3A_127, %lt3A_128 : i32
        %convert_element_type3A_130 = arith.extui %lt3A_129 : i1 to i32
        %cond3A_131 = arith.constant 0 : i32
        %cond3A_132 = arith.cmpi ne, %convert_element_type3A_130, %cond3A_131 : i32
        scf.if %cond3A_132 {
          "tpu.region"() ({
            %run_scoped3A = tpu.sem_alloc : memref<!tpu.dma_semaphore, #tpu.memory_space<semaphore_mem>>
            %dma_start3A = arith.constant 80 : i32
            %dma_start3A_147 = arith.constant 0 : i32
            %dma_start3A_148 = tpu.memref_slice %arg12[%dma_start3A, %dma_start3A_147] : memref<128x128xf32, #tpu.memory_space<vmem>> -> memref<16x128xf32, #tpu.memory_space<vmem>>
            %dma_start3A_149 = arith.constant 128 : i32
            %dma_start3A_150 = tpu.memref_slice %arg8[%add3A_127, %dma_start3A_149] : memref<10000x256xf32, #tpu.memory_space<hbm>> -> memref<16x128xf32, #tpu.memory_space<hbm>>
            %dma_start3A_151 = arith.constant 128 : i32
            %dma_start3A_152 = tpu.memref_slice %arg8[%add3A_127, %dma_start3A_151] : memref<10000x256xf32, #tpu.memory_space<hbm>> -> memref<16x128xf32, #tpu.memory_space<hbm>>
            %dma_start3A_153 = arith.constant 80 : i32
            %dma_start3A_154 = arith.constant 0 : i32
            %dma_start3A_155 = tpu.memref_slice %arg12[%dma_start3A_153, %dma_start3A_154] : memref<128x128xf32, #tpu.memory_space<vmem>> -> memref<16x128xf32, #tpu.memory_space<vmem>>
            tpu.enqueue_dma source(%dma_start3A_155 : memref<16x128xf32, #tpu.memory_space<vmem>>) target(%dma_start3A_152 : memref<16x128xf32, #tpu.memory_space<hbm>>) target_semaphore(%run_scoped3A : memref<!tpu.dma_semaphore, #tpu.memory_space<semaphore_mem>>)
            %dma_wait3A = arith.constant 80 : i32
            %dma_wait3A_156 = arith.constant 0 : i32
            %dma_wait3A_157 = tpu.memref_slice %arg12[%dma_wait3A, %dma_wait3A_156] : memref<128x128xf32, #tpu.memory_space<vmem>> -> memref<16x128xf32, #tpu.memory_space<vmem>>
            %dma_wait3A_158 = arith.constant 128 : i32
            %dma_wait3A_159 = tpu.memref_slice %arg8[%add3A_127, %dma_wait3A_158] : memref<10000x256xf32, #tpu.memory_space<hbm>> -> memref<16x128xf32, #tpu.memory_space<hbm>>
            %dma_wait3A_160 = arith.constant 128 : i32
            %dma_wait3A_161 = tpu.memref_slice %arg8[%add3A_127, %dma_wait3A_160] : memref<10000x256xf32, #tpu.memory_space<hbm>> -> memref<16x128xf32, #tpu.memory_space<hbm>>
            %dma_wait3A_162 = arith.constant 80 : i32
            %dma_wait3A_163 = arith.constant 0 : i32
            %dma_wait3A_164 = tpu.memref_slice %arg12[%dma_wait3A_162, %dma_wait3A_163] : memref<128x128xf32, #tpu.memory_space<vmem>> -> memref<16x128xf32, #tpu.memory_space<vmem>>
            tpu.wait_dma2 semaphore(%run_scoped3A : memref<!tpu.dma_semaphore, #tpu.memory_space<semaphore_mem>>) src(%dma_wait3A_164 : memref<16x128xf32, #tpu.memory_space<vmem>>) dst(%dma_wait3A_161 : memref<16x128xf32, #tpu.memory_space<hbm>>)
            tpu.yield
          }) : () -> ()
        } else {
        }
        %add3A_133 = arith.constant 96 : i32
        %add3A_134 = arith.addi %add3A_85, %add3A_133 : i32
        %lt3A_135 = arith.constant 10000 : i32
        %lt3A_136 = arith.cmpi slt, %add3A_134, %lt3A_135 : i32
        %convert_element_type3A_137 = arith.extui %lt3A_136 : i1 to i32
        %cond3A_138 = arith.constant 0 : i32
        %cond3A_139 = arith.cmpi ne, %convert_element_type3A_137, %cond3A_138 : i32
        scf.if %cond3A_139 {
          "tpu.region"() ({
            %run_scoped3A = tpu.sem_alloc : memref<!tpu.dma_semaphore, #tpu.memory_space<semaphore_mem>>
            %dma_start3A = arith.constant 96 : i32
            %dma_start3A_147 = arith.constant 0 : i32
            %dma_start3A_148 = tpu.memref_slice %arg12[%dma_start3A, %dma_start3A_147] : memref<128x128xf32, #tpu.memory_space<vmem>> -> memref<16x128xf32, #tpu.memory_space<vmem>>
            %dma_start3A_149 = arith.constant 128 : i32
            %dma_start3A_150 = tpu.memref_slice %arg8[%add3A_134, %dma_start3A_149] : memref<10000x256xf32, #tpu.memory_space<hbm>> -> memref<16x128xf32, #tpu.memory_space<hbm>>
            %dma_start3A_151 = arith.constant 128 : i32
            %dma_start3A_152 = tpu.memref_slice %arg8[%add3A_134, %dma_start3A_151] : memref<10000x256xf32, #tpu.memory_space<hbm>> -> memref<16x128xf32, #tpu.memory_space<hbm>>
            %dma_start3A_153 = arith.constant 96 : i32
            %dma_start3A_154 = arith.constant 0 : i32
            %dma_start3A_155 = tpu.memref_slice %arg12[%dma_start3A_153, %dma_start3A_154] : memref<128x128xf32, #tpu.memory_space<vmem>> -> memref<16x128xf32, #tpu.memory_space<vmem>>
            tpu.enqueue_dma source(%dma_start3A_155 : memref<16x128xf32, #tpu.memory_space<vmem>>) target(%dma_start3A_152 : memref<16x128xf32, #tpu.memory_space<hbm>>) target_semaphore(%run_scoped3A : memref<!tpu.dma_semaphore, #tpu.memory_space<semaphore_mem>>)
            %dma_wait3A = arith.constant 96 : i32
            %dma_wait3A_156 = arith.constant 0 : i32
            %dma_wait3A_157 = tpu.memref_slice %arg12[%dma_wait3A, %dma_wait3A_156] : memref<128x128xf32, #tpu.memory_space<vmem>> -> memref<16x128xf32, #tpu.memory_space<vmem>>
            %dma_wait3A_158 = arith.constant 128 : i32
            %dma_wait3A_159 = tpu.memref_slice %arg8[%add3A_134, %dma_wait3A_158] : memref<10000x256xf32, #tpu.memory_space<hbm>> -> memref<16x128xf32, #tpu.memory_space<hbm>>
            %dma_wait3A_160 = arith.constant 128 : i32
            %dma_wait3A_161 = tpu.memref_slice %arg8[%add3A_134, %dma_wait3A_160] : memref<10000x256xf32, #tpu.memory_space<hbm>> -> memref<16x128xf32, #tpu.memory_space<hbm>>
            %dma_wait3A_162 = arith.constant 96 : i32
            %dma_wait3A_163 = arith.constant 0 : i32
            %dma_wait3A_164 = tpu.memref_slice %arg12[%dma_wait3A_162, %dma_wait3A_163] : memref<128x128xf32, #tpu.memory_space<vmem>> -> memref<16x128xf32, #tpu.memory_space<vmem>>
            tpu.wait_dma2 semaphore(%run_scoped3A : memref<!tpu.dma_semaphore, #tpu.memory_space<semaphore_mem>>) src(%dma_wait3A_164 : memref<16x128xf32, #tpu.memory_space<vmem>>) dst(%dma_wait3A_161 : memref<16x128xf32, #tpu.memory_space<hbm>>)
            tpu.yield
          }) : () -> ()
        } else {
        }
        %add3A_140 = arith.constant 112 : i32
        %add3A_141 = arith.addi %add3A_85, %add3A_140 : i32
        %lt3A_142 = arith.constant 10000 : i32
        %lt3A_143 = arith.cmpi slt, %add3A_141, %lt3A_142 : i32
        %convert_element_type3A_144 = arith.extui %lt3A_143 : i1 to i32
        %cond3A_145 = arith.constant 0 : i32
        %cond3A_146 = arith.cmpi ne, %convert_element_type3A_144, %cond3A_145 : i32
        scf.if %cond3A_146 {
          "tpu.region"() ({
            %run_scoped3A = tpu.sem_alloc : memref<!tpu.dma_semaphore, #tpu.memory_space<semaphore_mem>>
            %dma_start3A = arith.constant 112 : i32
            %dma_start3A_147 = arith.constant 0 : i32
            %dma_start3A_148 = tpu.memref_slice %arg12[%dma_start3A, %dma_start3A_147] : memref<128x128xf32, #tpu.memory_space<vmem>> -> memref<16x128xf32, #tpu.memory_space<vmem>>
            %dma_start3A_149 = arith.constant 128 : i32
            %dma_start3A_150 = tpu.memref_slice %arg8[%add3A_141, %dma_start3A_149] : memref<10000x256xf32, #tpu.memory_space<hbm>> -> memref<16x128xf32, #tpu.memory_space<hbm>>
            %dma_start3A_151 = arith.constant 128 : i32
            %dma_start3A_152 = tpu.memref_slice %arg8[%add3A_141, %dma_start3A_151] : memref<10000x256xf32, #tpu.memory_space<hbm>> -> memref<16x128xf32, #tpu.memory_space<hbm>>
            %dma_start3A_153 = arith.constant 112 : i32
            %dma_start3A_154 = arith.constant 0 : i32
            %dma_start3A_155 = tpu.memref_slice %arg12[%dma_start3A_153, %dma_start3A_154] : memref<128x128xf32, #tpu.memory_space<vmem>> -> memref<16x128xf32, #tpu.memory_space<vmem>>
            tpu.enqueue_dma source(%dma_start3A_155 : memref<16x128xf32, #tpu.memory_space<vmem>>) target(%dma_start3A_152 : memref<16x128xf32, #tpu.memory_space<hbm>>) target_semaphore(%run_scoped3A : memref<!tpu.dma_semaphore, #tpu.memory_space<semaphore_mem>>)
            %dma_wait3A = arith.constant 112 : i32
            %dma_wait3A_156 = arith.constant 0 : i32
            %dma_wait3A_157 = tpu.memref_slice %arg12[%dma_wait3A, %dma_wait3A_156] : memref<128x128xf32, #tpu.memory_space<vmem>> -> memref<16x128xf32, #tpu.memory_space<vmem>>
            %dma_wait3A_158 = arith.constant 128 : i32
            %dma_wait3A_159 = tpu.memref_slice %arg8[%add3A_141, %dma_wait3A_158] : memref<10000x256xf32, #tpu.memory_space<hbm>> -> memref<16x128xf32, #tpu.memory_space<hbm>>
            %dma_wait3A_160 = arith.constant 128 : i32
            %dma_wait3A_161 = tpu.memref_slice %arg8[%add3A_141, %dma_wait3A_160] : memref<10000x256xf32, #tpu.memory_space<hbm>> -> memref<16x128xf32, #tpu.memory_space<hbm>>
            %dma_wait3A_162 = arith.constant 112 : i32
            %dma_wait3A_163 = arith.constant 0 : i32
            %dma_wait3A_164 = tpu.memref_slice %arg12[%dma_wait3A_162, %dma_wait3A_163] : memref<128x128xf32, #tpu.memory_space<vmem>> -> memref<16x128xf32, #tpu.memory_space<vmem>>
            tpu.wait_dma2 semaphore(%run_scoped3A : memref<!tpu.dma_semaphore, #tpu.memory_space<semaphore_mem>>) src(%dma_wait3A_164 : memref<16x128xf32, #tpu.memory_space<vmem>>) dst(%dma_wait3A_161 : memref<16x128xf32, #tpu.memory_space<hbm>>)
            tpu.yield
          }) : () -> ()
        } else {
        }
      }
      %scan3A_81 = arith.constant 5 : i32
    } else {
    }
    return
  }
}

module attributes {stable_mosaic.version = 14 : i64} {
  func.func @_mm_body(%arg0: i32, %arg1: memref<1024x256xf32, #tpu.memory_space<vmem>>, %arg2: memref<256x256xf32, #tpu.memory_space<vmem>>, %arg3: memref<256x8xf32, #tpu.memory_space<vmem>>, %arg4: memref<1024x128xf32, #tpu.memory_space<vmem>>, %arg5: memref<1024x128xf32, #tpu.memory_space<vmem>>, %arg6: memref<1024x8xf32, #tpu.memory_space<vmem>>) attributes {dimension_semantics = [#tpu.dimension_semantics<arbitrary>], iteration_bounds = array<i64: 10>, scalar_prefetch = 0 : i64, scratch_operands = 0 : i64, tpu.core_type = #tpu.core_type<tc>, window_params = [{transform_indices = @transform_0, window_bounds = array<i64: 1024, 256>}, {pipeline_mode = #tpu.pipeline_mode<synchronous>, transform_indices = @transform_1, window_bounds = array<i64: 256, 256>}, {pipeline_mode = #tpu.pipeline_mode<synchronous>, transform_indices = @transform_2, window_bounds = array<i64: 256, 8>}, {transform_indices = @transform_3, window_bounds = array<i64: 1024, 128>}, {transform_indices = @transform_4, window_bounds = array<i64: 1024, 128>}, {transform_indices = @transform_5, window_bounds = array<i64: 1024, 8>}]} {
    %get3A = arith.constant 0 : index
    %get3A_0 = arith.constant 0 : index
    %get3A_1 = vector.load %arg1[%get3A, %get3A_0] : memref<1024x256xf32, #tpu.memory_space<vmem>>, vector<1024x256xf32>
    %get3A_2 = arith.constant 0 : index
    %get3A_3 = arith.constant 0 : index
    %get3A_4 = vector.load %arg2[%get3A_2, %get3A_3] : memref<256x256xf32, #tpu.memory_space<vmem>>, vector<256x256xf32>
    %dot_general3A = arith.constant dense<0.000000e+00> : vector<1024x256xf32>
    %dot_general3A_5 = tpu.matmul %get3A_1, %get3A_4, %dot_general3A {dimension_numbers = #tpu.dot_dimension_numbers<[1], [0], [0], [1], [0, 0, 1, 1], [], []>, transpose_lhs_hint = false} : vector<1024x256xf32>, vector<256x256xf32>, vector<1024x256xf32> -> vector<1024x256xf32>
    %slice3A = vector.extract_strided_slice %dot_general3A_5 {offsets = [0, 0], sizes = [1024, 128], strides = [1, 1]} : vector<1024x256xf32> to vector<1024x128xf32>
    %swap3A = arith.constant 0 : index
    %swap3A_6 = arith.constant 0 : index
    %swap3A_7 = vector.load %arg4[%swap3A, %swap3A_6] : memref<1024x128xf32, #tpu.memory_space<vmem>>, vector<1024x128xf32>
    tpu.vector_store %arg4[%swap3A, %swap3A_6], %slice3A {strides = array<i32>} : memref<1024x128xf32, #tpu.memory_space<vmem>>, vector<1024x128xf32>,
    %slice3A_8 = vector.extract_strided_slice %dot_general3A_5 {offsets = [0, 128], sizes = [1024, 128], strides = [1, 1]} : vector<1024x256xf32> to vector<1024x128xf32>
    %swap3A_9 = arith.constant 0 : index
    %swap3A_10 = arith.constant 0 : index
    %swap3A_11 = vector.load %arg5[%swap3A_9, %swap3A_10] : memref<1024x128xf32, #tpu.memory_space<vmem>>, vector<1024x128xf32>
    tpu.vector_store %arg5[%swap3A_9, %swap3A_10], %slice3A_8 {strides = array<i32>} : memref<1024x128xf32, #tpu.memory_space<vmem>>, vector<1024x128xf32>,
    %get3A_12 = arith.constant 0 : index
    %get3A_13 = arith.constant 0 : index
    %get3A_14 = vector.load %arg3[%get3A_12, %get3A_13] : memref<256x8xf32, #tpu.memory_space<vmem>>, vector<256x8xf32>
    %dot_general3A_15 = arith.constant dense<0.000000e+00> : vector<1024x8xf32>
    %dot_general3A_16 = tpu.matmul %dot_general3A_5, %get3A_14, %dot_general3A_15 {dimension_numbers = #tpu.dot_dimension_numbers<[1], [0], [0], [1], [0, 0, 1, 1], [], []>, transpose_lhs_hint = false} : vector<1024x256xf32>, vector<256x8xf32>, vector<1024x8xf32> -> vector<1024x8xf32>
    %swap3A_17 = arith.constant 0 : index
    %swap3A_18 = arith.constant 0 : index
    %swap3A_19 = vector.load %arg6[%swap3A_17, %swap3A_18] : memref<1024x8xf32, #tpu.memory_space<vmem>>, vector<1024x8xf32>
    tpu.vector_store %arg6[%swap3A_17, %swap3A_18], %dot_general3A_16 {strides = array<i32>} : memref<1024x8xf32, #tpu.memory_space<vmem>>, vector<1024x8xf32>,
    return
  }
  func.func @transform_0(%arg0: i32) -> (i32, i32) {
    %c0_i32 = arith.constant 0 : i32
    %c0_i32_0 = arith.constant 0 : i32
    return %arg0, %c0_i32 : i32, i32
  }
  func.func @transform_1(%arg0: i32) -> (i32, i32) {
    %c0_i32 = arith.constant 0 : i32
    %c0_i32_0 = arith.constant 0 : i32
    %c0_i32_1 = arith.constant 0 : i32
    return %c0_i32, %c0_i32_0 : i32, i32
  }
  func.func @transform_2(%arg0: i32) -> (i32, i32) {
    %c0_i32 = arith.constant 0 : i32
    %c0_i32_0 = arith.constant 0 : i32
    %c0_i32_1 = arith.constant 0 : i32
    return %c0_i32, %c0_i32_0 : i32, i32
  }
  func.func @transform_3(%arg0: i32) -> (i32, i32) {
    %c0_i32 = arith.constant 0 : i32
    %c0_i32_0 = arith.constant 0 : i32
    return %arg0, %c0_i32 : i32, i32
  }
  func.func @transform_4(%arg0: i32) -> (i32, i32) {
    %c0_i32 = arith.constant 0 : i32
    %c0_i32_0 = arith.constant 0 : i32
    return %arg0, %c0_i32 : i32, i32
  }
  func.func @transform_5(%arg0: i32) -> (i32, i32) {
    %c0_i32 = arith.constant 0 : i32
    %c0_i32_0 = arith.constant 0 : i32
    return %arg0, %c0_i32 : i32, i32
  }
}

</mosaic_0001>

<sc_bundles>
// kernel: kernel.4.cloned.1.call-start
scs
__scs_entry_jumppad:
0x0: {  	(pc) =	sbr.rel $0x88, $3  }
0x1: {  	(tag) =	ssettag $0x0;
	lr =	simm.s32 $0x1  }
0x2: {  	[smem:$0x3F9D] =	sst lr;
	_ =	strace $0xD0000000  }
0x3: {  	_ = 	snop  }
0x4: {  	_ = 	snop  }
0x5: {  	_ = 	snop  }
0x6: {  	_ = 	snop  }
0x7: {  	_ = 	snop  }
__scs_overlays_trampoline_lowered:
0x8: {  	[smem:$0x3FAC] =	sst s0  }
0x9: {  	[smem:$0x3FAD] =	sst s1  }
0xa: {  	[smem:$0x3FAE] =	sst s2  }
0xb: {  	[smem:$0x3FAF] =	sst s3  }
0xc: {  	[smem:$0x3FB0] =	sst s4  }
0xd: {  	[smem:$0x3FB1] =	sst s5  }
0xe: {  	[smem:$0x3FB2] =	sst s6  }
0xf: {  	[smem:$0x3FB3] =	sst s7  }
0x10: {  	[smem:$0x3FB4] =	sst s8  }
0x11: {  	[smem:$0x3FB5] =	sst s9;
	s0 =	simm.s32 @!p0 $0x0  }
0x12: {  	s1 =	sld [smem:$0x3F9B];
	s0 =	simm.s32 @p0 $0x1  }
0x13: {  	[smem:$0x3FB6] =	sst s0;
	s0 =	simm.s32 @!p1 $0x0  }
0x14: {  	s2 =	sld [smem:$0x3F9A];
	s0 =	simm.s32 @p1 $0x1  }
0x15: {  	[smem:$0x3FB7] =	sst s0;
	s0 =	simm.s32 @!p2 $0x0  }
0x16: {  	s3 =	sld [smem:$0x3FDB];
	s0 =	simm.s32 @p2 $0x1  }
0x17: {  	s4 =	simm.s32 $0x1BF5;
	[smem:$0x3FB9] =	sst s0  }
0x18: {  	s0 =	sld [smem:$0x3F9C];
	_ =	swait.ge [sflag:s4], $0x0  }
0x19: {  	s7 =	sld [smem:$0x3F9D]  }
0x1a: {  	s8 =	sadd.s32 $0xFFFFE003, lr  }
0x1b: {  	s9 =	sadd.s32 $0xFFFFFEF7, lr;
	s5 =	simm.s32 $0xFFFFFFFF;
	p2 =	slt.u32 s8, $0xFFFFF086  }
0x1c: {  	p1 =	slt.u32 s9, $0xF7A;
	s5 =	simm.s32 @!p2 $0x0  }
0x1d: {  	s5 =	simm.s32 @p1 $0x1;
	p0 =	seq.s32 s7, s2  }
0x1e: {  	s7 =	smul.u32 @!p0 $0xF7A, s2;
	p2 =	seq.s32 @!p0 s5, $0x0  }
0x1f: {  	s9 =	smul.u32 $0xF7A, s1;
	s8 =	simm.s32 @!p0 $0x1BF5;
	p2 =	por !p2, p0  }
0x20: {  	[sflag:s8] =	ssyncset.s32 @!p0 $0xFFFFF086;
	s6 =	sadd.s32 @!p0 s3, s7;
	s7 =	simm.s32 @!p0 $0x108  }
0x21: {  	s3 =	sadd.s32 s3, s9;
	s6 =	sadd.s32 @!p0 $0x88, s6;
	s7 =	simm.s32 @p2 $0x1082  }
0x22: {  	[simem:s7], [sflag:s8] =	dma.local @!p0 [hbm:s6], $0xF7A  }
0x23: {  	s9 =	sor.u32 $0xD0000000, s2;
	s6 =	simm.s32 $0x108;
	_ =	swait.ge @!p0 [sflag:s8], $0x0  }
0x24: {  	s3 =	sadd.s32 $0x88, s3;
	s6 =	simm.s32 @!p1 $0x1082;
	[sflag:s4] =	ssyncset.s32 $0xFFFFF086  }
0x25: {  	[simem:s6], [sflag:s4] =	dma.local [hbm:s3], $0xF7A  }
0x26: {  	[smem:$0x3F9D] =	sst s1;
	(tag) =	ssettag s2;
	_ =	strace s9  }
0x27: {  	s1 =	sld [smem:$0x3FAD]  }
0x28: {  	s2 =	sld [smem:$0x3FAE]  }
0x29: {  	s4 =	sld [smem:$0x3FB0]  }
0x2a: {  	p0 =	seq.s32 s5, $0x0;
	s5 =	sld [smem:$0x3FB1]  }
0x2b: {  	s6 =	sld [smem:$0x3FB2]  }
0x2c: {  	s7 =	sld [smem:$0x3FB3]  }
0x2d: {  	s3 =	simm.s32 $0x108;
	s8 =	sld [smem:$0x3FB4]  }
0x2e: {  	s3 =	simm.s32 @!p0 $0x1082;
	s9 =	sld [smem:$0x3FB5]  }
0x2f: {  	lr =	sadd.s32 s0, s3;
	s0 =	sld [smem:$0x3FAC]  }
0x30: {  	s3 =	sld [smem:$0x3FAF]  }
0x31: {  	[smem:$0x3FB8] =	sst s10  }
0x32: {  	s10 =	sld [smem:$0x3FB6];
	_ =	sdelay $0x3  }
0x33: {  	p0 =	seq.s32 s10, $0x1;
	s10 =	sld [smem:$0x3FB8];
	_ =	sdelay $0x3  }
0x34: {  	[smem:$0x3FB8] =	sst s10  }
0x35: {  	s10 =	sld [smem:$0x3FB7];
	_ =	sdelay $0x3  }
0x36: {  	p1 =	seq.s32 s10, $0x1;
	s10 =	sld [smem:$0x3FB8];
	_ =	sdelay $0x3  }
0x37: {  	[smem:$0x3FB8] =	sst s10  }
0x38: {  	s10 =	sld [smem:$0x3FB9]  }
0x39: {  	_ = 	snop;
	(pc) =	sbr.ind lr, $3  }
0x3a: {  	_ = 	snop  }
0x3b: {  	_ = 	snop  }
0x3c: {  	p2 =	seq.s32 s10, $0x1;
	s10 =	sld [smem:$0x3FB8]  }
0x3d: {  	_ =	shalt  }
0x3e: {  	_ =	shalt  }
0x3f: {  	_ =	shalt  }
0x40: {  	_ =	shalt  }
0x41: {  	_ =	shalt  }
0x42: {  	_ =	shalt  }
0x43: {  	_ =	shalt  }
0x44: {  	_ =	shalt  }
0x45: {  	_ =	shalt  }
0x46: {  	_ =	shalt  }
0x47: {  	_ =	shalt  }
0x48: {  	_ =	shalt  }
0x49: {  	_ =	shalt  }
0x4a: {  	_ =	shalt  }
0x4b: {  	_ =	shalt  }
0x4c: {  	_ =	shalt  }
0x4d: {  	_ =	shalt  }
0x4e: {  	_ =	shalt  }
0x4f: {  	_ =	shalt  }
0x50: {  	_ =	shalt  }
0x51: {  	_ =	shalt  }
0x52: {  	_ =	shalt  }
0x53: {  	_ =	shalt  }
0x54: {  	_ =	shalt  }
0x55: {  	_ =	shalt  }
0x56: {  	_ =	shalt  }
0x57: {  	_ =	shalt  }
0x58: {  	_ =	shalt  }
0x59: {  	_ =	shalt  }
0x5a: {  	_ =	shalt  }
0x5b: {  	_ =	shalt  }
0x5c: {  	_ =	shalt  }
0x5d: {  	_ =	shalt  }
0x5e: {  	_ =	shalt  }
0x5f: {  	_ =	shalt  }
0x60: {  	_ =	shalt  }
0x61: {  	_ =	shalt  }
0x62: {  	_ =	shalt  }
0x63: {  	_ =	shalt  }
0x64: {  	_ =	shalt  }
0x65: {  	_ =	shalt  }
0x66: {  	_ =	shalt  }
0x67: {  	_ =	shalt  }
0x68: {  	_ =	shalt  }
0x69: {  	_ =	shalt  }
0x6a: {  	_ =	shalt  }
0x6b: {  	_ =	shalt  }
0x6c: {  	_ =	shalt  }
0x6d: {  	_ =	shalt  }
0x6e: {  	_ =	shalt  }
0x6f: {  	_ =	shalt  }
0x70: {  	_ =	shalt  }
0x71: {  	_ =	shalt  }
0x72: {  	_ =	shalt  }
0x73: {  	_ =	shalt  }
0x74: {  	_ =	shalt  }
0x75: {  	_ =	shalt  }
0x76: {  	_ =	shalt  }
0x77: {  	_ =	shalt  }
0x78: {  	_ =	shalt  }
0x79: {  	_ =	shalt  }
0x7a: {  	_ =	shalt  }
0x7b: {  	_ =	shalt  }
0x7c: {  	_ =	shalt  }
0x7d: {  	_ =	shalt  }
0x7e: {  	_ =	shalt  }
0x7f: {  	_ =	shalt  }
0x80: {  	_ =	shalt  }
0x81: {  	_ =	shalt  }
0x82: {  	_ =	shalt  }
0x83: {  	_ =	shalt  }
0x84: {  	_ =	shalt  }
0x85: {  	_ =	shalt  }
0x86: {  	_ =	shalt  }
0x87: {  	_ =	shalt  }
.Lfunc_end0:
.L_simem_size_0:
called_computation_lowered:
.L_overlay_start_0:
0x88: {  	s2 =	sld [smem:$0x3FD9]  }
0x89: {  	s3 =	sld [smem:$0x3FFE];
	_ =	sdelay $0x1  }
0x8a: {  	s1 =	srdreg.scid  }
0x8b: {  	s0 =	sand.u32 $0x1, s1  }
0x8c: {  	s17 =	sshll.u32 s0, $0xA;
	s2 =	sadd.s32 s3, s2  }
0x8d: {  	s2 =	sadd.s32 s2, s17  }
0x8e: {  	[smem:$0x3FC4] =	sst s2  }
0x8f: {  	_ = 	snop  }
0x90: {  	s2 =	sld [smem:$0x3FD0];
	(tm) =	ssettm $0x1  }
0x91: {  	s18 =	sld [smem:$0x3FFB];
	_ =	sdelay $0x3  }
0x92: {  	_ =	strace s18  }
0x93: {  	s3 =	sld [smem:$0x3FFC];
	_ =	sdelay $0x3  }
0x94: {  	_ =	strace s3  }
0x95: {  	s3 =	sld [smem:$0x3FFD];
	_ =	sdelay $0x3  }
0x96: {  	_ =	strace s3  }
0x97: {  	_ =	strace $0x8FFFFFFF  }
0x98: {  	s19 =	sld [smem:$0x3FDB];
	_ =	sdelay $0x1  }
0x99: {  	s4 =	simm.s32 $_scs_section_size  }
0x9a: {  	s5 =	simm.s32 $_size__tile_overlayer_lowered;
	s6 =	simm.s32 $_tile_overlayer_lowered  }
0x9b: {  	s22 =	simm.s32 $0x1BFF;
	s21 =	sshll.u32 s6, $0x1;
	s3 =	sadd.s32 s4, s19  }
0x9c: {  	s7 =	simm.s32 $0x0;
	s20 =	sshll.u32 s5, $0x1;
	s5 =	sadd.s32 s21, s3  }
0x9d: {  	[timem:s7], [sflag:s22] =	dma.local [hbm:s5], s20  }
0x9e: {  	_ =	swait.ge [sflag:s22], s20  }
0x9f: {  	s4 =	ssub.s32 $0x0, s20;
	[sflag:s22] =	ssyncset.done $0x0  }
0xa0: {  	[sflag:s22] =	ssyncadd.s32 s4;
	_ =	sdelay $0x1  }
0xa1: {  	s23 =	simm.s32 $0x1B8B  }
0xa2: {  	_ =	swait.ge [sflag:s23], $0x1  }
0xa3: {  	[sflag:s23] =	ssyncset.done $0x0  }
0xa4: {  	s25 =	simm.s32 $0x1B8E;
	s24 =	sld [smem:$0x3FFE];
	[sflag:s23] =	ssyncadd.s32 $0xFFFFFFFF  }
0xa5: {  	s26 =	simm.s32 $execute0_lowered;
	[smem:$0x3FD2] =	sst s25  }
0xa6: {  	s5 =	sshll.u32 s26, $0x1;
	_ =	strace $0x80000046;
	[dreg:$0x1] =	wrdreg $0xFFFFFFFF  }
0xa7: {  	s28 =	simm.s32 $_size_execute0_lowered;
	s3 =	sadd.s32 s3, s5;
	[dreg:$0x0] =	wrdreg $0x0  }
0xa8: {  	s5 =	sshll.u32 s28, $0x1;
	[dreg:$0x2] =	wrdreg s3  }
0xa9: {  	[dreg:$0x3] =	wrdreg s5  }
0xaa: {  	[dreg:$0x4] =	wrdreg $0xC0  }
0xab: {  	_ =	task [dreg:s7], $0x5FFFF  }
0xac: {  	[dreg:$0x1] =	wrdreg $0xFFFFFFFF  }
0xad: {  	[dreg:$0x0] =	wrdreg $0x60  }
0xae: {  	[dreg:$0x2] =	wrdreg s24  }
0xaf: {  	[dreg:$0x3] =	wrdreg s2  }
0xb0: {  	[dreg:$0x4] =	wrdreg $0xBA800  }
0xb1: {  	[dreg:$0x5] =	wrdreg $0x1FA800  }
0xb2: {  	[dreg:$0x6] =	wrdreg $0x9  }
0xb3: {  	_ =	task.clear_ibuf [dreg:s7], $0x7FFFF;
	_ =	strace $0x90000046  }
0xb4: {  	s29 =	simm.s32 $0x9;
	_ =	strace $0x80000048  }
0xb5: {  	_ =	swait.ge [sflag:s29], $0x1  }
0xb6: {  	[sflag:s29] =	ssyncadd.s32 $0xFFFFFFFF  }
0xb7: {  	_ =	strace $0x90000048  }
0xb8: {  	_ =	sfence  }
0xb9: {  	s30 =	sld [smem:$0x0];
	_ =	sdelay $0x2  }
0xba: {  	s31 =	sshll.u32 s1, $0xD;
	s1 =	sshrl.u32 s1, $0x2  }
0xbb: {  	s3 =	sand.u32 $0x4000, s31;
	s1 =	sadd.s32 s1, s30  }
0xbc: {  	s0 =	sor.u32 s3, s0;
	s1 =	sshll.u32 s1, $0x11  }
0xbd: {  	s0 =	sor.u32 s1, s0  }
0xbe: {  	s0 =	sadd.s32 $0x8F2B, s0  }
0xbf: {  	[sflag:s0] =	ssyncadd.remote.s32 $0x1  }
0xc0: {  	_ =	sfence.sel $0xFFFF  }
0xc1: {  	[dreg:$0x0] =	wrdreg $0xFFFFFFFF;
	(pc) =	sbr.abs _section_cstart, $3  }
0xc2: {  	[dreg:$0x1] =	wrdreg $0xFFFFFFFF  }
0xc3: {  	_ =	task.clear_ibuf [dreg:s7], $0x2FFFF;
	_ =	strace $0x9FFFFFFF  }
0xc4: {  	(tm) =	ssettm $0x7FFFFFFF  }
0xc5: {  	_ =	shalt  }
tec
execute0_lowered:
.L_overlay_start_1:
0x0: {  	(tag) =	ssettag $0x1  }
0x1: {  	s4 =	rddreg [dreg:$0x0]  }
0x2: {  	s2 =	rddreg [dreg:$0x1]  }
0x3: {  	s3 =	rddreg [dreg:$0x2]  }
0x4: {  	s9 =	rddreg [dreg:$0x3]  }
0x5: {  	s5 =	simm.s32 $0x0;
	s18 =	srdreg.scid;
	s13 =	stileid.u32  }
0x6: {  	s28 =	simm.s32 $0x1;
	s29 =	simm.s32 $0x3800;
	s30 =	simm.s32 $0xB800  }
0x7: {  	s31 =	simm.s32 $0x4;
	[smem:$0x7FF] =	sst s5;
	s1 =	smul.u32 $0x50000, s13  }
0x8: {  	s0 =	sadd.s32 $0x28000, s4;
	s16 =	sadd.s32 $0x50600, s4;
	s12 =	smul.u32 $0x50, s13  }
0x9: {  	s17 =	sadd.s32 $0x50000, s4;
	s10 =	sadd.s32 $0x55C00, s4;
	s19 =	smul.u32 $0x2800, s13  }
0xa: {  	s20 =	smul.u32 $0x280, s13;
	_ =	strace $0x80000047;
	[dreg:$0x8] =	wrdreg s0  }
0xb: {  	s11 =	sadd.s32 $0x50C00, s4;
	s22 =	smul.u32 $0x500, s13;
	[dreg:$0x5] =	wrdreg s16  }
0xc: {  	s25 =	smul.u32 $0xA, s13;
	[dreg:$0x6] =	wrdreg s17;
	s0 =	sand.u32 $0x1, s18  }
0xd: {  	s16 =	simm.s32 $0x5;
	s18 =	simm.s32 $0x8;
	s6 =	ssub.s32 $0x2, s0  }
0xe: {  	[dreg:$0x7] =	wrdreg s19;
	s1 =	sshrl.u32 s1, $0x2;
	s4 =	sadd.s32 s20, s9  }
0xf: {  	s24 =	sadd.s32 s10, s22;
	[dreg:$0x11] =	wrdreg s25;
	p0 =	sne.s32 s0, $0x0  }
0x10: {  	s0 =	simm.s32 $0x3;
	s9 =	simm.s32 $0x2;
	[dreg:$0xe] =	wrdreg s4  }
0x11: {  	s8 =	sshrl.u32 s6, $0x1;
	s7 =	sadd.s32 s1, s3;
	[dreg:$0xf] =	wrdreg s24  }
0x12: {  	s24 =	sadd.s32 $0x80, s2;
	s1 =	sadd.s32 $0x4000, s7;
	[dreg:$0x9] =	wrdreg s7  }
0x13: {  	s4 =	simm.s32 $0x0;
	s21 =	sadd.s32 $0x8000, s7;
	[dreg:$0xa] =	wrdreg s1  }
.Ltmp0:
0x14: {  	s23 =	sadd.s32 $0xC000, s7;
	[dreg:$0xb] =	wrdreg s21;
	(pc) =	sbr.rel .LBB2_1-.Ltmp0, $4  }
0x15: {  	s6 =	ssub.s32 s6, s8;
	s7 =	sadd.s32 $0x10000, s7;
	[dreg:$0xc] =	wrdreg s23  }
0x16: {  	s8 =	simm.s32 $0x2800;
	[dreg:$0xd] =	wrdreg s7;
	s1 =	sadd.s32 s11, s22  }
0x17: {  	s7 =	smov.u32 s20;
	s26 =	smax.u32 s6, $0x1;
	[dreg:$0x10] =	wrdreg s1  }
0x18: {  	v0 =	vimm.f32 $0.0e+00;
	s6 =	simm.s32 $0x80;
	[dreg:$0x12] =	wrdreg s26;
	s26 =	simm.s32 $0x7  }
.LBB2_45:
0x19: {  	s4 =	rddreg [dreg:$0x13]  }
0x1a: {  	s1 =	rddreg [dreg:$0x12];
	s4 =	sadd.s32 $0x1, s4  }
0x1b: {  	p1 =	sne.s32 s4, s1  }
.Ltmp1:
0x1c: {  	_ = 	snop;
	(pc) =	sbr.rel @!p1 .LBB2_46-.Ltmp1, $2  }
0x1d: {  	_ =	sdelay $0x2  }
0x1e: {  	s8 =	simm.s32 $0x2800  }
.LBB2_1:
0x1f: {  	s1 =	rddreg [dreg:$0x5]  }
0x20: {  	[tilespmem:s5], [sflag:$0x7] =	stream.linear.gather [hbm4b:s1+s5], $0x2800, $0x38;
	[tilespmem:$0x1FD00] =	vst v63  }
0x21: {  	_ =	swait.ge [sflag:s26], $0x2800  }
0x22: {  	p1 =	por $0x0, $0x0;
	[sflag:s26] =	ssyncset.done $0x0  }
0x23: {  	s13 =	simm.s32 $0x0;
	s1 =	simm.s32 $0x3800;
	[sflag:s26] =	ssyncadd.s32 $0xFFFFD800  }
.LBB2_2:
0x24: {  	s15 =	sshll.u32 s13, $0x3  }
0x25: {  	s17 =	sshll.u32 s13, $0xA;
	s15 =	sadd.s32 s12, s15  }
0x26: {  	s17 =	sand.u32 $0x400, s17;
	s19 =	sshll.u32 s15, $0x4  }
0x27: {  	s20 =	sor.u32 $0x2800, s17;
	s15 =	simm.s32 $0x0;
	s21 =	sadd.s32 s10, s19  }
0x28: {  	[tilespmem:s20], [sflag:$0x7] =	stream.linear.gather [hbm4b:s21+s15], $0x400, $0x38;
	[tilespmem:$0x1FD00] =	vst v63  }
0x29: {  	s20 =	simm.s32 $0x1;
	_ =	swait.ge [sflag:s26], $0x400  }
0x2a: {  	s17 =	sor.u32 $0x3000, s17;
	s20 =	simm.s32 @!p1 $0x0;
	[sflag:s26] =	ssyncset.done $0x0  }
0x2b: {  	s19 =	sadd.s32 s11, s19;
	s25 =	sshll.u32 s20, $0xA;
	[sflag:s26] =	ssyncadd.s32 $0xFFFFFC00  }
0x2c: {  	[tilespmem:s17], [sflag:$0x7] =	stream.linear.gather [hbm4b:s19+s15], $0x400, $0x38;
	[tilespmem:$0x1FD00] =	vst v63  }
0x2d: {  	s17 =	sor.u32 $0x2840, s25  }
0x2e: {  	v1 =	vmov s17  }
0x2f: {  	_ =	swait.ge [sflag:s26], $0x400  }
0x30: {  	[sflag:s26] =	ssyncset.done $0x0  }
0x31: {  	v2 =	vmov s1;
	[sflag:s26] =	ssyncadd.s32 $0xFFFFFC00  }
.LBB2_3:
0x32: {  	s17 =	sshra.s32 s15, $0x2  }
0x33: {  	v3 =	vld.idx.msk [tilespmem:v1+s17+$0xFFFFFFC0 ss:$0x1], $0xffff;
	_ =	sdelay $0x7  }
0x34: {  	v3 =	vld.idx.msk [tilespmem:v3+s5+$0x0], $0xffff;
	_ =	sdelay $0x4  }
0x35: {  	[tilespmem:v2+s17+$0x0 ss:$0x1] =	vst.idx.msk $0xffff, v3  }
0x36: {  	v3 =	vld.idx.msk [tilespmem:v1+s17+$0xFFFFFFD0 ss:$0x1], $0xffff;
	_ =	sdelay $0x7  }
0x37: {  	v3 =	vld.idx.msk [tilespmem:v3+s5+$0x0], $0xffff;
	_ =	sdelay $0x4  }
0x38: {  	[tilespmem:v2+s17+$0x10 ss:$0x1] =	vst.idx.msk $0xffff, v3  }
0x39: {  	v3 =	vld.idx.msk [tilespmem:v1+s17+$0xFFFFFFE0 ss:$0x1], $0xffff;
	_ =	sdelay $0x7  }
0x3a: {  	v3 =	vld.idx.msk [tilespmem:v3+s5+$0x0], $0xffff;
	_ =	sdelay $0x4  }
0x3b: {  	[tilespmem:v2+s17+$0x20 ss:$0x1] =	vst.idx.msk $0xffff, v3  }
0x3c: {  	v3 =	vld.idx.msk [tilespmem:v1+s17+$0xFFFFFFF0 ss:$0x1], $0xffff;
	_ =	sdelay $0x7  }
0x3d: {  	v3 =	vld.idx.msk [tilespmem:v3+s5+$0x0], $0xffff;
	_ =	sdelay $0x4  }
0x3e: {  	[tilespmem:v2+s17+$0x30 ss:$0x1] =	vst.idx.msk $0xffff, v3  }
0x3f: {  	v3 =	vld.idx.msk [tilespmem:v1+s17+$0x0 ss:$0x1], $0xffff;
	_ =	sdelay $0x7  }
0x40: {  	v3 =	vld.idx.msk [tilespmem:v3+s5+$0x0], $0xffff;
	_ =	sdelay $0x4  }
0x41: {  	[tilespmem:v2+s17+$0x40 ss:$0x1] =	vst.idx.msk $0xffff, v3  }
0x42: {  	v3 =	vld.idx.msk [tilespmem:v1+s17+$0x10 ss:$0x1], $0xffff;
	_ =	sdelay $0x7  }
0x43: {  	v3 =	vld.idx.msk [tilespmem:v3+s5+$0x0], $0xffff;
	_ =	sdelay $0x4  }
0x44: {  	[tilespmem:v2+s17+$0x50 ss:$0x1] =	vst.idx.msk $0xffff, v3  }
0x45: {  	v3 =	vld.idx.msk [tilespmem:v1+s17+$0x20 ss:$0x1], $0xffff;
	_ =	sdelay $0x7  }
0x46: {  	v3 =	vld.idx.msk [tilespmem:v3+s5+$0x0], $0xffff;
	_ =	sdelay $0x4  }
0x47: {  	[tilespmem:v2+s17+$0x60 ss:$0x1] =	vst.idx.msk $0xffff, v3  }
0x48: {  	v3 =	vld.idx.msk [tilespmem:v1+s17+$0x30 ss:$0x1], $0xffff;
	_ =	sdelay $0x7  }
0x49: {  	p2 =	sne.s32 s15, $0xE00;
	v3 =	vld.idx.msk [tilespmem:v3+s5+$0x0], $0xffff  }
.Ltmp2:
0x4a: {  	_ = 	snop;
	(pc) =	sbr.rel @p2 .LBB2_3-.Ltmp2, $2  }
0x4b: {  	_ =	sdelay $0x2  }
0x4c: {  	s15 =	sadd.s32 $0x200, s15;
	[tilespmem:v2+s17+$0x70 ss:$0x1] =	vst.idx.msk $0xffff, v3  }
0x4d: {  	s13 =	sadd.s32 $0x1, s13  }
0x4e: {  	p2 =	sne.s32 s13, $0xA  }
.Ltmp3:
0x4f: {  	_ = 	snop;
	(pc) =	sbr.rel @p2 .LBB2_2-.Ltmp3, $2  }
0x50: {  	_ =	sdelay $0x2  }
0x51: {  	s1 =	sadd.s32 $0x400, s1;
	p1 =	por !p1, !p1  }
0x52: {  	[dreg:$0x13] =	wrdreg s4  }
0x53: {  	s1 =	simm.s32 $0x0;
	s25 =	rddreg [dreg:$0x6]  }
0x54: {  	[tilespmem:s1], [sflag:$0x7] =	stream.linear.gather [hbm4b:s25+s1], $0x2800, $0x38;
	[tilespmem:$0x1FD00] =	vst v63  }
0x55: {  	_ =	swait.ge [sflag:s26], $0x2800  }
0x56: {  	p1 =	por $0x0, $0x0;
	s13 =	simm.s32 $0x3840;
	[sflag:s26] =	ssyncset.done $0x0  }
0x57: {  	s17 =	simm.s32 $0x0;
	s15 =	rddreg [dreg:$0x7];
	[sflag:s26] =	ssyncadd.s32 $0xFFFFD800  }
.LBB2_6:
0x58: {  	s19 =	sshll.u32 s17, $0x3  }
0x59: {  	s20 =	sshll.u32 s17, $0xA;
	s19 =	sadd.s32 s12, s19  }
0x5a: {  	s20 =	sand.u32 $0x400, s20;
	s19 =	sshll.u32 s19, $0x4  }
0x5b: {  	s21 =	sor.u32 $0x2800, s20;
	s22 =	sadd.s32 s10, s19  }
0x5c: {  	[tilespmem:s21], [sflag:$0x7] =	stream.linear.gather [hbm4b:s22+s1], $0x400, $0x38;
	[tilespmem:$0x1FD00] =	vst v63  }
0x5d: {  	_ =	swait.ge [sflag:s26], $0x400  }
0x5e: {  	s20 =	sor.u32 $0x3000, s20;
	[sflag:s26] =	ssyncset.done $0x0  }
0x5f: {  	s19 =	sadd.s32 s11, s19;
	s21 =	simm.s32 $0x1;
	[sflag:s26] =	ssyncadd.s32 $0xFFFFFC00  }
0x60: {  	[tilespmem:s20], [sflag:$0x7] =	stream.linear.gather [hbm4b:s19+s1], $0x400, $0x38;
	[tilespmem:$0x1FD00] =	vst v63  }
0x61: {  	s21 =	simm.s32 @!p1 $0x0;
	_ =	swait.ge [sflag:s26], $0x400  }
0x62: {  	s25 =	sshll.u32 s21, $0xA;
	s21 =	simm.s32 $0x0;
	[sflag:s26] =	ssyncset.done $0x0  }
0x63: {  	s19 =	sor.u32 $0x3040, s25;
	s20 =	smov.u32 s13;
	[sflag:s26] =	ssyncadd.s32 $0xFFFFFC00  }
.LBB2_7:
0x64: {  	v1 =	vld [tilespmem:s19+$0xFFFFFFC0];
	_ =	sdelay $0x6  }
0x65: {  	v2 =	vld [tilespmem:s20+$0xFFFFFFC0]  }
0x66: {  	v1 =	vld.idx.msk [tilespmem:v1+s5+$0x0], $0xffff;
	_ =	sdelay $0x4  }
0x67: {  	v1 =	vadd.f32 v1, v2;
	_ =	sdelay $0x1  }
0x68: {  	v2 =	vmul.f32 $2.000000030e-01, v1  }
0x69: {  	vm0 =	vge.f32 v1, $0.0e+00  }
0x6a: {  	v1 =	vsel vm0, v1, v2  }
0x6b: {  	v1 =	vmul.f32 $1.442695020e+00, v1;
	_ =	sdelay $0x1  }
0x6c: {  	(erf) = vpow2.f32 v1;
	_ =	sdelay $0x7  }
0x6d: {  	s22 =	sadd.s32 s21, s15  }
0x6e: {  	p2 =	slt.u32 s22, $0x27100;
	v1 =	vpop (erf)  }
0x6f: {  	v1 =	vpsel !p2, $0x0, v1  }
0x70: {  	[tilespmem:s20+$0xFFFFFFC0] =	vst v1  }
0x71: {  	v1 =	vld [tilespmem:s19+$0xFFFFFFD0];
	_ =	sdelay $0x6  }
0x72: {  	v2 =	vld [tilespmem:s20+$0xFFFFFFD0]  }
0x73: {  	v1 =	vld.idx.msk [tilespmem:v1+s5+$0x0], $0xffff;
	_ =	sdelay $0x4  }
0x74: {  	v1 =	vadd.f32 v1, v2;
	_ =	sdelay $0x1  }
0x75: {  	v2 =	vmul.f32 $2.000000030e-01, v1  }
0x76: {  	vm9 =	vge.f32 v1, $0.0e+00  }
0x77: {  	v1 =	vsel vm9, v1, v2  }
0x78: {  	v1 =	vmul.f32 $1.442695020e+00, v1;
	_ =	sdelay $0x1  }
0x79: {  	(erf) = vpow2.f32 v1;
	_ =	sdelay $0x7  }
0x7a: {  	s23 =	sadd.s32 $0x10, s22  }
0x7b: {  	p4 =	slt.u32 s23, $0x27100;
	v1 =	vpop (erf)  }
0x7c: {  	v1 =	vpsel !p4, $0x0, v1  }
0x7d: {  	[tilespmem:s20+$0xFFFFFFD0] =	vst v1  }
0x7e: {  	v1 =	vld [tilespmem:s19+$0xFFFFFFE0];
	_ =	sdelay $0x6  }
0x7f: {  	v2 =	vld [tilespmem:s20+$0xFFFFFFE0]  }
0x80: {  	v1 =	vld.idx.msk [tilespmem:v1+s5+$0x0], $0xffff;
	_ =	sdelay $0x4  }
0x81: {  	v1 =	vadd.f32 v1, v2;
	_ =	sdelay $0x1  }
0x82: {  	v2 =	vmul.f32 $2.000000030e-01, v1  }
0x83: {  	vm10 =	vge.f32 v1, $0.0e+00  }
0x84: {  	v1 =	vsel vm10, v1, v2  }
0x85: {  	v1 =	vmul.f32 $1.442695020e+00, v1;
	_ =	sdelay $0x1  }
0x86: {  	(erf) = vpow2.f32 v1;
	_ =	sdelay $0x7  }
0x87: {  	s14 =	sadd.s32 $0x20, s22  }
0x88: {  	p5 =	slt.u32 s14, $0x27100;
	v1 =	vpop (erf)  }
0x89: {  	v1 =	vpsel !p5, $0x0, v1  }
0x8a: {  	[tilespmem:s20+$0xFFFFFFE0] =	vst v1  }
0x8b: {  	v1 =	vld [tilespmem:s19+$0xFFFFFFF0];
	_ =	sdelay $0x6  }
0x8c: {  	v2 =	vld [tilespmem:s20+$0xFFFFFFF0]  }
0x8d: {  	v1 =	vld.idx.msk [tilespmem:v1+s5+$0x0], $0xffff;
	_ =	sdelay $0x4  }
0x8e: {  	v1 =	vadd.f32 v1, v2;
	_ =	sdelay $0x1  }
0x8f: {  	v2 =	vmul.f32 $2.000000030e-01, v1  }
0x90: {  	vm11 =	vge.f32 v1, $0.0e+00  }
0x91: {  	v1 =	vsel vm11, v1, v2  }
0x92: {  	v1 =	vmul.f32 $1.442695020e+00, v1;
	_ =	sdelay $0x1  }
0x93: {  	(erf) = vpow2.f32 v1;
	_ =	sdelay $0x7  }
0x94: {  	s25 =	sadd.s32 $0x30, s22  }
0x95: {  	p6 =	slt.u32 s25, $0x27100;
	v1 =	vpop (erf)  }
0x96: {  	v1 =	vpsel !p6, $0x0, v1  }
0x97: {  	[tilespmem:s20+$0xFFFFFFF0] =	vst v1  }
0x98: {  	v1 =	vld [tilespmem:s19+$0x0];
	_ =	sdelay $0x6  }
0x99: {  	v2 =	vld [tilespmem:s20+$0x0]  }
0x9a: {  	v1 =	vld.idx.msk [tilespmem:v1+s5+$0x0], $0xffff;
	_ =	sdelay $0x4  }
0x9b: {  	v1 =	vadd.f32 v1, v2;
	_ =	sdelay $0x1  }
0x9c: {  	v2 =	vmul.f32 $2.000000030e-01, v1  }
0x9d: {  	vm12 =	vge.f32 v1, $0.0e+00  }
0x9e: {  	v1 =	vsel vm12, v1, v2  }
0x9f: {  	v1 =	vmul.f32 $1.442695020e+00, v1;
	_ =	sdelay $0x1  }
0xa0: {  	(erf) = vpow2.f32 v1;
	_ =	sdelay $0x7  }
0xa1: {  	s4 =	sadd.s32 $0x40, s22  }
0xa2: {  	p3 =	slt.u32 s4, $0x27100;
	v1 =	vpop (erf)  }
0xa3: {  	v1 =	vpsel !p3, $0x0, v1  }
0xa4: {  	[tilespmem:s20+$0x0] =	vst v1  }
0xa5: {  	v1 =	vld [tilespmem:s19+$0x10];
	_ =	sdelay $0x6  }
0xa6: {  	v2 =	vld [tilespmem:s20+$0x10]  }
0xa7: {  	v1 =	vld.idx.msk [tilespmem:v1+s5+$0x0], $0xffff;
	_ =	sdelay $0x4  }
0xa8: {  	v1 =	vadd.f32 v1, v2;
	_ =	sdelay $0x1  }
0xa9: {  	v2 =	vmul.f32 $2.000000030e-01, v1  }
0xaa: {  	vm13 =	vge.f32 v1, $0.0e+00  }
0xab: {  	v1 =	vsel vm13, v1, v2  }
0xac: {  	v1 =	vmul.f32 $1.442695020e+00, v1;
	_ =	sdelay $0x1  }
0xad: {  	(erf) = vpow2.f32 v1;
	_ =	sdelay $0x7  }
0xae: {  	s14 =	sadd.s32 $0x50, s22  }
0xaf: {  	p4 =	slt.u32 s14, $0x27100;
	v1 =	vpop (erf)  }
0xb0: {  	v1 =	vpsel !p4, $0x0, v1  }
0xb1: {  	[tilespmem:s20+$0x10] =	vst v1  }
0xb2: {  	v1 =	vld [tilespmem:s19+$0x20];
	_ =	sdelay $0x6  }
0xb3: {  	v2 =	vld [tilespmem:s20+$0x20]  }
0xb4: {  	v1 =	vld.idx.msk [tilespmem:v1+s5+$0x0], $0xffff;
	_ =	sdelay $0x4  }
0xb5: {  	v1 =	vadd.f32 v1, v2;
	_ =	sdelay $0x1  }
0xb6: {  	v2 =	vmul.f32 $2.000000030e-01, v1  }
0xb7: {  	vm14 =	vge.f32 v1, $0.0e+00  }
0xb8: {  	v1 =	vsel vm14, v1, v2  }
0xb9: {  	v1 =	vmul.f32 $1.442695020e+00, v1;
	_ =	sdelay $0x1  }
0xba: {  	(erf) = vpow2.f32 v1;
	_ =	sdelay $0x7  }
0xbb: {  	s25 =	sadd.s32 $0x60, s22  }
0xbc: {  	p5 =	slt.u32 s25, $0x27100;
	v1 =	vpop (erf)  }
0xbd: {  	v1 =	vpsel !p5, $0x0, v1  }
0xbe: {  	[tilespmem:s20+$0x20] =	vst v1  }
0xbf: {  	v1 =	vld [tilespmem:s19+$0x30];
	_ =	sdelay $0x6  }
0xc0: {  	v2 =	vld [tilespmem:s20+$0x30]  }
0xc1: {  	v1 =	vld.idx.msk [tilespmem:v1+s5+$0x0], $0xffff;
	_ =	sdelay $0x4  }
0xc2: {  	v1 =	vadd.f32 v1, v2;
	_ =	sdelay $0x1  }
0xc3: {  	v2 =	vmul.f32 $2.000000030e-01, v1  }
0xc4: {  	vm15 =	vge.f32 v1, $0.0e+00  }
0xc5: {  	v1 =	vsel vm15, v1, v2  }
0xc6: {  	v1 =	vmul.f32 $1.442695020e+00, v1;
	_ =	sdelay $0x1  }
0xc7: {  	(erf) = vpow2.f32 v1;
	_ =	sdelay $0x5  }
0xc8: {  	p2 =	sne.s32 s21, $0x380  }
.Ltmp4:
0xc9: {  	_ = 	snop;
	(pc) =	sbr.rel @p2 .LBB2_7-.Ltmp4, $4  }
0xca: {  	s22 =	sadd.s32 $0x70, s22  }
0xcb: {  	p6 =	slt.u32 s22, $0x27100;
	v1 =	vpop (erf)  }
0xcc: {  	v1 =	vpsel !p6, $0x0, v1  }
0xcd: {  	s21 =	sadd.s32 $0x80, s21;
	s19 =	sadd.s32 $0x80, s19;
	[tilespmem:s20+$0x30] =	vst v1;
	s20 =	sadd.s32 $0x80, s20  }
0xce: {  	s17 =	sadd.s32 $0x1, s17  }
0xcf: {  	p2 =	sne.s32 s17, $0xA  }
.Ltmp5:
0xd0: {  	_ = 	snop;
	(pc) =	sbr.rel @p2 .LBB2_6-.Ltmp5, $3  }
0xd1: {  	_ =	sdelay $0x1  }
0xd2: {  	s15 =	sadd.s32 $0x400, s15  }
0xd3: {  	p1 =	por !p1, !p1;
	s13 =	sadd.s32 $0x400, s13;
	s19 =	simm.s32 $0x0  }
0xd4: {  	s13 =	sand.u32 $0x3FF0, s19  }
0xd5: {  	v1 =	vld [tilespmem:s13+$0x3800];
	_ =	sdelay $0x3  }
0xd6: {  	s1 =	sadd.s32 $0x10, s19  }
.LBB2_10:
0xd7: {  	s13 =	sand.u32 $0x3FF0, s1;
	p1 =	sne.s32 s1, $0x27F0;
	s1 =	sadd.s32 $0x10, s1;
	[tilespmem:s19+$0x0] =	vst v1  }
.Ltmp6:
0xd8: {  	v1 =	vld [tilespmem:s13+$0x3800];
	(pc) =	sbr.rel @p1 .LBB2_10-.Ltmp6, $2  }
0xd9: {  	_ =	sdelay $0x2  }
0xda: {  	s19 =	sadd.s32 $0x10, s19  }
0xdb: {  	[tilespmem:s19+$0x0] =	vst v1;
	s1 =	simm.s32 $0x0;
	s13 =	simm.s32 $0x200  }
.LBB2_12:
0xdc: {  	p1 =	sne.s32 s13, $0xFE00;
	[tilespmem:s1+$0x3870] =	vst v0  }
0xdd: {  	[tilespmem:s1+$0x3800] =	vst v0  }
0xde: {  	[tilespmem:s1+$0x3810] =	vst v0  }
.Ltmp7:
0xdf: {  	[tilespmem:s1+$0x3820] =	vst v0;
	(pc) =	sbr.rel @p1 .LBB2_12-.Ltmp7, $4  }
0xe0: {  	[tilespmem:s1+$0x3830] =	vst v0  }
0xe1: {  	[tilespmem:s1+$0x3840] =	vst v0  }
0xe2: {  	[tilespmem:s1+$0x3850] =	vst v0  }
0xe3: {  	[tilespmem:s1+$0x3860] =	vst v0;
	s1 =	sshra.s32 s13, $0x2;
	s13 =	sadd.s32 $0x200, s13  }
0xe4: {  	[tilespmem:s1+$0x3870] =	vst v0  }
0xe5: {  	[tilespmem:s1+$0x3800] =	vst v0  }
0xe6: {  	[tilespmem:s1+$0x3810] =	vst v0  }
0xe7: {  	[tilespmem:s1+$0x3820] =	vst v0  }
0xe8: {  	[tilespmem:s1+$0x3830] =	vst v0  }
0xe9: {  	[tilespmem:s1+$0x3840] =	vst v0  }
0xea: {  	[tilespmem:s1+$0x3850] =	vst v0  }
0xeb: {  	[tilespmem:s1+$0x3860] =	vst v0;
	s15 =	rddreg [dreg:$0x9]  }
0xec: {  	[spmem:s15] =	stream.linear.scatter [tilespmem:s29], [sflag:$0x7], $0x4000, $0x38;
	[tilespmem:$0x1FD00] =	vst v63  }
0xed: {  	_ =	swait.ge [sflag:s26], $0x4000  }
0xee: {  	[sflag:s26] =	ssyncset.done $0x0  }
0xef: {  	s17 =	rddreg [dreg:$0xa];
	[sflag:s26] =	ssyncadd.s32 $0xFFFFC000  }
0xf0: {  	[spmem:s17] =	stream.linear.scatter [tilespmem:s29], [sflag:$0x7], $0x4000, $0x38;
	[tilespmem:$0x1FD00] =	vst v63  }
0xf1: {  	_ =	swait.ge [sflag:s26], $0x4000  }
0xf2: {  	[sflag:s26] =	ssyncset.done $0x0  }
0xf3: {  	s19 =	rddreg [dreg:$0xb];
	[sflag:s26] =	ssyncadd.s32 $0xFFFFC000  }
0xf4: {  	[spmem:s19] =	stream.linear.scatter [tilespmem:s29], [sflag:$0x7], $0x4000, $0x38;
	[tilespmem:$0x1FD00] =	vst v63  }
0xf5: {  	_ =	swait.ge [sflag:s26], $0x4000  }
0xf6: {  	[sflag:s26] =	ssyncset.done $0x0  }
0xf7: {  	s20 =	rddreg [dreg:$0xc];
	[sflag:s26] =	ssyncadd.s32 $0xFFFFC000  }
0xf8: {  	[spmem:s20] =	stream.linear.scatter [tilespmem:s29], [sflag:$0x7], $0x4000, $0x38;
	[tilespmem:$0x1FD00] =	vst v63  }
0xf9: {  	_ =	swait.ge [sflag:s26], $0x4000  }
0xfa: {  	[sflag:s26] =	ssyncset.done $0x0  }
0xfb: {  	s21 =	rddreg [dreg:$0xd];
	[sflag:s26] =	ssyncadd.s32 $0xFFFFC000  }
0xfc: {  	[spmem:s21] =	stream.linear.scatter [tilespmem:s29], [sflag:$0x7], $0x4000, $0x38;
	[tilespmem:$0x1FD00] =	vst v63  }
0xfd: {  	_ =	swait.ge [sflag:s26], $0x4000  }
0xfe: {  	[sflag:s26] =	ssyncset.done $0x0  }
0xff: {  	[sflag:s26] =	ssyncadd.s32 $0xFFFFC000  }
0x100: {  	[tilespmem:$0xB800] =	vst v0  }
0x101: {  	[tilespmem:$0xB810] =	vst v0  }
0x102: {  	[tilespmem:$0xB820] =	vst v0  }
0x103: {  	[tilespmem:$0xB830] =	vst v0  }
0x104: {  	[tilespmem:$0xB840] =	vst v0  }
0x105: {  	[tilespmem:$0xB850] =	vst v0  }
0x106: {  	[tilespmem:$0xB860] =	vst v0  }
0x107: {  	[tilespmem:$0xB870] =	vst v0  }
0x108: {  	[tilespmem:$0xB880] =	vst v0  }
0x109: {  	[tilespmem:$0xB890] =	vst v0  }
0x10a: {  	[tilespmem:$0xB8A0] =	vst v0  }
0x10b: {  	[tilespmem:$0xB8B0] =	vst v0  }
0x10c: {  	[tilespmem:$0xB8C0] =	vst v0  }
0x10d: {  	[tilespmem:$0xB8D0] =	vst v0  }
0x10e: {  	[tilespmem:$0xB8E0] =	vst v0  }
0x10f: {  	[tilespmem:$0xB8F0] =	vst v0  }
0x110: {  	[tilespmem:$0xB900] =	vst v0  }
0x111: {  	[tilespmem:$0xB910] =	vst v0  }
0x112: {  	[tilespmem:$0xB920] =	vst v0  }
0x113: {  	[tilespmem:$0xB930] =	vst v0  }
0x114: {  	[tilespmem:$0xB940] =	vst v0  }
0x115: {  	[tilespmem:$0xB950] =	vst v0  }
0x116: {  	[tilespmem:$0xB960] =	vst v0  }
0x117: {  	[tilespmem:$0xB970] =	vst v0  }
0x118: {  	[tilespmem:$0xB980] =	vst v0  }
0x119: {  	[tilespmem:$0xB990] =	vst v0  }
0x11a: {  	[tilespmem:$0xB9A0] =	vst v0  }
0x11b: {  	[tilespmem:$0xB9B0] =	vst v0  }
0x11c: {  	[tilespmem:$0xB9C0] =	vst v0  }
0x11d: {  	[tilespmem:$0xB9D0] =	vst v0  }
0x11e: {  	[tilespmem:$0xB9E0] =	vst v0  }
0x11f: {  	[tilespmem:$0xB9F0] =	vst v0  }
0x120: {  	[tilespmem:$0xBA00] =	vst v0  }
0x121: {  	[tilespmem:$0xBA10] =	vst v0  }
0x122: {  	[tilespmem:$0xBA20] =	vst v0  }
0x123: {  	[tilespmem:$0xBA30] =	vst v0  }
0x124: {  	[tilespmem:$0xBA40] =	vst v0  }
0x125: {  	[tilespmem:$0xBA50] =	vst v0  }
0x126: {  	[tilespmem:$0xBA60] =	vst v0  }
0x127: {  	s22 =	rddreg [dreg:$0xe];
	[tilespmem:$0xBA70] =	vst v0  }
0x128: {  	[spmem:s22] =	stream.linear.scatter [tilespmem:s30], [sflag:$0x7], $0x280, $0x38;
	[tilespmem:$0x1FD00] =	vst v63  }
0x129: {  	_ =	swait.ge [sflag:s26], $0x280  }
0x12a: {  	[sflag:s26] =	ssyncset.done $0x0  }
0x12b: {  	[sflag:s26] =	ssyncadd.s32 $0xFFFFFD80  }
0x12c: {  	[bflag:$0x0] =	sbarrier.arrive $0xFFFF  }
0x12d: {  	s23 =	rddreg [dreg:$0xf]  }
0x12e: {  	[tilespmem:s8], [sflag:$0x7] =	stream.linear.gather [hbm4b:s23+s5], $0x400, $0x38;
	[tilespmem:$0x1FD00] =	vst v63  }
0x12f: {  	_ =	swait.ge [sflag:s26], $0x400  }
0x130: {  	s4 =	simm.s32 $0x3000;
	[sflag:s26] =	ssyncset.done $0x0  }
.Ltmp8:
0x131: {  	s25 =	rddreg [dreg:$0x10];
	[sflag:s26] =	ssyncadd.s32 $0xFFFFFC00;
	(pc) =	sbr.rel @p0 .LBB2_25-.Ltmp8, $4  }
0x132: {  	[tilespmem:s4], [sflag:$0x7] =	stream.linear.gather [hbm4b:s25+s5], $0x400, $0x38;
	[tilespmem:$0x1FD00] =	vst v63  }
0x133: {  	_ =	swait.ge [sflag:s26], $0x400  }
0x134: {  	[sflag:s26] =	ssyncset.done $0x0  }
0x135: {  	[sflag:s26] =	ssyncadd.s32 $0xFFFFFC00  }
0x136: {  	s1 =	rddreg [dreg:$0x0];
	s21 =	simm.s32 $0x0;
	s22 =	simm.s32 $0x0  }
0x137: {  	[tilespmem:s29], [sflag:$0x1] =	stream.indirect.gather [hbm4b:s1+s6], $0x80, s8, s6, $0xb8;
	[tilespmem:$0x1FD00] =	vst v63  }
.LBB2_15:
0x138: {  	s1 =	sand.u32 $0x3, s22;
	p1 =	sgt.u32 s22, $0x23  }
0x139: {  	p2 =	sne.s32 @!p1 s1, $0x3  }
0x13a: {  	p1 =	por p1, p2  }
.Ltmp9:
0x13b: {  	_ = 	snop;
	(pc) =	sbr.rel @p1 .LBB2_18-.Ltmp9, $1  }
0x13c: {  	_ =	sdelay $0x3  }
0x13d: {  	s1 =	sshrl.u32 s22, $0x2  }
0x13e: {  	s4 =	rddreg [dreg:$0x11];
	s1 =	sadd.s32 $0x1, s1  }
0x13f: {  	s13 =	sadd.s32 s4, s1;
	s1 =	sshll.u32 s1, $0xA  }
0x140: {  	s1 =	sand.u32 $0x400, s1;
	s13 =	sshll.u32 s13, $0x7  }
0x141: {  	s15 =	sor.u32 $0x2800, s1;
	s17 =	sadd.s32 s10, s13  }
0x142: {  	[tilespmem:s15], [sflag:$0x7] =	stream.linear.gather [hbm4b:s17+s5], $0x400, $0x38;
	[tilespmem:$0x1FD00] =	vst v63  }
0x143: {  	_ =	swait.ge [sflag:s26], $0x400  }
0x144: {  	s1 =	sor.u32 $0x3000, s1;
	[sflag:s26] =	ssyncset.done $0x0  }
.Ltmp10:
0x145: {  	s13 =	sadd.s32 s11, s13;
	[sflag:s26] =	ssyncadd.s32 $0xFFFFFC00;
	(pc) =	sbr.rel .LBB2_17-.Ltmp10, $4  }
0x146: {  	[tilespmem:s1], [sflag:$0x7] =	stream.linear.gather [hbm4b:s13+s5], $0x400, $0x38;
	[tilespmem:$0x1FD00] =	vst v63  }
0x147: {  	_ =	swait.ge [sflag:s26], $0x400  }
0x148: {  	[sflag:s26] =	ssyncset.done $0x0  }
0x149: {  	[sflag:s26] =	ssyncadd.s32 $0xFFFFFC00  }
.LBB2_18:
0x14a: {  	p1 =	seq.s32 s22, $0x0  }
.Ltmp11:
0x14b: {  	_ = 	snop;
	(pc) =	sbr.rel @p1 .LBB2_19-.Ltmp11, $1  }
0x14c: {  	_ =	sdelay $0x3  }
.LBB2_17:
0x14d: {  	_ =	swait.ge [sflag:s0], $0x80  }
0x14e: {  	[sflag:s0] =	ssyncset.done $0x0  }
0x14f: {  	[sflag:s0] =	ssyncadd.s32 $0xFFFFFF80  }
0x150: {  	_ =	swait.ge [sflag:s31], $0x80  }
0x151: {  	[sflag:s31] =	ssyncset.done $0x0  }
0x152: {  	s15 =	sshll.u32 s22, $0x1;
	p1 =	por $0x0, $0x0;
	[sflag:s31] =	ssyncadd.s32 $0xFFFFFF80  }
.LBB2_20:
0x153: {  	s1 =	sshll.u32 s22, $0x8  }
0x154: {  	s13 =	sand.u32 $0x700, s1  }
0x155: {  	s4 =	rddreg [dreg:$0x3];
	s17 =	sor.u32 $0x3000, s13;
	s13 =	sshll.u32 s15, $0x7  }
0x156: {  	[spmem:s4] =	stream.indirect.scatter.add.f32 [tilespmem:s1], [sflag:$0x3], $0x1, s17, s6, $0xb8;
	[tilespmem:$0x1FD00] =	vst v63  }
0x157: {  	s19 =	sor.u32 $0x80, s13  }
0x158: {  	s1 =	sand.u32 $0x400, s1;
	s20 =	sand.u32 $0x380, s19  }
0x159: {  	s20 =	sor.u32 s1, s20  }
0x15a: {  	s19 =	sand.u32 $0x3FFFFF80, s19;
	s25 =	sor.u32 $0x3000, s20  }
0x15b: {  	[spmem:s4] =	stream.indirect.scatter.add.f32 [tilespmem:s19], [sflag:$0x4], $0x1, s25, s6, $0xb8;
	[tilespmem:$0x1FD00] =	vst v63  }
0x15c: {  	_ =	swait.ge [sflag:s28], $0x4000  }
0x15d: {  	s1 =	sadd.s32 $0x0, s21;
	[sflag:s28] =	ssyncset.done $0x0  }
0x15e: {  	v1 =	vmov s1;
	s19 =	simm.s32 @!p1 $0x6;
	[sflag:s28] =	ssyncadd.s32 $0xFFFFC000  }
0x15f: {  	v1 =	vand.u32 $0xFFFFFFFC, v1;
	_ =	swait.ge @!p1 [sflag:s19], $0x4000  }
0x160: {  	v1 =	vbroadcast v1, $0x0;
	[sflag:s19] =	ssyncset.done @!p1 $0x0  }
0x161: {  	[sflag:s19] =	ssyncadd.s32 @!p1 $0xFFFFC000  }
0x162: {  	s8 =	simm.s32 $0x7800;
	s20 =	sor.u32 $0x2800, s20;
	s23 =	rddreg [dreg:$0x0]  }
0x163: {  	[tilespmem:s8], [sflag:$0x2] =	stream.indirect.gather [hbm4b:s23+s6], $0x80, s20, s6, $0xb8;
	[tilespmem:$0x1FD00] =	vst v63  }
0x164: {  	s20 =	simm.s32 $0x3900  }
0x165: {  	v2 =	vld [tilespmem:s20+$0xFFFFFF70]  }
0x166: {  	v1 =	vld.idx.msk [tilespmem:v1+s5+$0x0], $0xffff  }
0x167: {  	v3 =	vld [tilespmem:s20+$0xFFFFFF00]  }
0x168: {  	v4 =	vld [tilespmem:s20+$0xFFFFFF20]  }
0x169: {  	v5 =	vld [tilespmem:s20+$0xFFFFFF50]  }
0x16a: {  	v6 =	vld [tilespmem:s20+$0xFFFFFF40]  }
0x16b: {  	v7 =	vld [tilespmem:s20+$0xFFFFFF60];
	v2 =	vmul.f32 v2, v1  }
0x16c: {  	s14 =	sadd.s32 $0x1, s1;
	v8 =	vld [tilespmem:s20+$0xFFFFFF30];
	v3 =	vmul.f32 v3, v1  }
0x16d: {  	v9 =	vmov s14;
	v10 =	vld [tilespmem:s20+$0xFFFFFF10];
	v4 =	vmul.f32 v4, v1;
	[tilespmem:s20+$0xFFFFFF70] =	vst v2  }
0x16e: {  	v5 =	vmul.f32 v5, v1;
	v2 =	vand.u32 $0xFFFFFFFD, v9;
	[tilespmem:s20+$0xFFFFFF00] =	vst v3  }
0x16f: {  	v3 =	vmul.f32 v6, v1;
	[tilespmem:s20+$0xFFFFFF20] =	vst v4;
	v2 =	vbroadcast v2, $0x0  }
0x170: {  	v4 =	vmul.f32 v7, v1;
	[tilespmem:s20+$0xFFFFFF50] =	vst v5  }
0x171: {  	v5 =	vmul.f32 v8, v1;
	[tilespmem:s20+$0xFFFFFF40] =	vst v3  }
0x172: {  	v1 =	vmul.f32 v10, v1;
	[tilespmem:s20+$0xFFFFFF60] =	vst v4  }
0x173: {  	[tilespmem:s20+$0xFFFFFF30] =	vst v5  }
0x174: {  	[tilespmem:s20+$0xFFFFFF10] =	vst v1;
	v1 =	vld [tilespmem:s20+$0xFFFFFF90]  }
0x175: {  	v3 =	vld.idx.msk [tilespmem:v2+s5+$0x0], $0xffff  }
0x176: {  	v2 =	vld [tilespmem:s20+$0xFFFFFFA0]  }
0x177: {  	v4 =	vld [tilespmem:s20+$0xFFFFFF80]  }
0x178: {  	v5 =	vld [tilespmem:s20+$0xFFFFFFB0]  }
0x179: {  	v6 =	vld [tilespmem:s20+$0xFFFFFFC0]  }
0x17a: {  	v7 =	vld [tilespmem:s20+$0xFFFFFFD0];
	v1 =	vmul.f32 v1, v3  }
0x17b: {  	s23 =	sadd.s32 $0x2, s1;
	v8 =	vld [tilespmem:s20+$0xFFFFFFF0];
	v2 =	vmul.f32 v2, v3  }
0x17c: {  	v62 =	vmov s23;
	v63 =	vld [tilespmem:s20+$0xFFFFFFE0];
	v4 =	vmul.f32 v4, v3;
	[tilespmem:s20+$0xFFFFFF90] =	vst v1  }
0x17d: {  	v5 =	vmul.f32 v5, v3;
	v1 =	vand.u32 $0xFFFFFFFE, v62;
	[tilespmem:s20+$0xFFFFFFA0] =	vst v2  }
0x17e: {  	v2 =	vmul.f32 v6, v3;
	[tilespmem:s20+$0xFFFFFF80] =	vst v4;
	v6 =	vld [tilespmem:s20+$0x60];
	v9 =	vbroadcast v1, $0x0  }
0x17f: {  	v4 =	vmul.f32 v7, v3;
	[tilespmem:s20+$0xFFFFFFB0] =	vst v5;
	v7 =	vld [tilespmem:s20+$0x0]  }
0x180: {  	v5 =	vmul.f32 v8, v3;
	v1 =	vld [tilespmem:s20+$0x20];
	[tilespmem:s20+$0xFFFFFFC0] =	vst v2  }
0x181: {  	v3 =	vmul.f32 v63, v3;
	v2 =	vld [tilespmem:s20+$0x30];
	[tilespmem:s20+$0xFFFFFFD0] =	vst v4  }
0x182: {  	[tilespmem:s20+$0xFFFFFFF0] =	vst v5;
	v4 =	vld [tilespmem:s20+$0x40]  }
0x183: {  	[tilespmem:s20+$0xFFFFFFE0] =	vst v3;
	v5 =	vld [tilespmem:s20+$0x10]  }
0x184: {  	s19 =	simm.s32 $0x4;
	s23 =	sadd.s32 $0x3, s1;
	s1 =	simm.s32 $0x3900;
	v3 =	vld.idx.msk [tilespmem:v9+s5+$0x0], $0xffff  }
.LBB2_21:
0x185: {  	p1 =	sne.s32 s19, $0x7C  }
0x186: {  	v8 =	vld [tilespmem:s20+$0x50];
	s1 =	sadd.s32 $0x200, s1;
	s4 =	smov.u32 s19;
	s19 =	sadd.s32 $0x4, s19  }
0x187: {  	v9 =	vld [tilespmem:s20+$0x70];
	_ =	sdelay $0x1  }
0x188: {  	v6 =	vmul.f32 v6, v3;
	v7 =	vmul.f32 v7, v3  }
0x189: {  	v4 =	vmul.f32 v4, v3;
	v5 =	vmul.f32 v5, v3  }
0x18a: {  	v1 =	vmul.f32 v1, v3;
	v2 =	vmul.f32 v2, v3;
	[tilespmem:s20+$0x60] =	vst v6  }
0x18b: {  	[tilespmem:s20+$0x40] =	vst v4;
	v4 =	vmul.f32 v8, v3;
	v3 =	vmul.f32 v9, v3  }
0x18c: {  	[tilespmem:s20+$0x20] =	vst v1;
	v6 =	vld [tilespmem:s20+$0x80]  }
0x18d: {  	v1 =	vld [tilespmem:s1+$0x20];
	[tilespmem:s20+$0x0] =	vst v7;
	v7 =	vmov s23  }
0x18e: {  	[tilespmem:s20+$0x50] =	vst v4;
	v4 =	vld [tilespmem:s20+$0xE0]  }
0x18f: {  	[tilespmem:s20+$0x30] =	vst v2;
	v8 =	vld [tilespmem:s20+$0xC0]  }
0x190: {  	v2 =	vld [tilespmem:s1+$0x30];
	[tilespmem:s20+$0x10] =	vst v5  }
0x191: {  	[tilespmem:s20+$0x70] =	vst v3;
	v3 =	vld [tilespmem:s20+$0xA0]  }
0x192: {  	v5 =	vld.idx.msk [tilespmem:v7+s5+$0x0], $0xffff  }
0x193: {  	v7 =	vld [tilespmem:s20+$0x90]  }
0x194: {  	v9 =	vld [tilespmem:s20+$0xB0]  }
0x195: {  	v10 =	vld [tilespmem:s20+$0xD0]  }
0x196: {  	v11 =	vld [tilespmem:s20+$0xF0];
	_ =	sdelay $0x1  }
0x197: {  	v6 =	vmul.f32 v6, v5;
	v7 =	vmul.f32 v7, v5  }
0x198: {  	s4 =	sadd.s32 s4, s21;
	v3 =	vmul.f32 v3, v5;
	v9 =	vmul.f32 v9, v5  }
0x199: {  	v12 =	vmov s4;
	s14 =	sadd.s32 $0x1, s4;
	s8 =	sadd.s32 $0x2, s4;
	s23 =	sadd.s32 $0x3, s4;
	[tilespmem:s20+$0x80] =	vst v6;
	v6 =	vmul.f32 v8, v5;
	v8 =	vmul.f32 v10, v5  }
0x19a: {  	v10 =	vand.u32 $0xFFFFFFFC, v12;
	[tilespmem:s20+$0xA0] =	vst v3;
	v3 =	vmul.f32 v4, v5;
	v4 =	vmul.f32 v11, v5  }
0x19b: {  	v5 =	vbroadcast v10, $0x0;
	v10 =	vmov s14;
	v11 =	vmov s8;
	[tilespmem:s20+$0xC0] =	vst v6  }
0x19c: {  	v6 =	vand.u32 $0xFFFFFFFD, v10;
	v10 =	vand.u32 $0xFFFFFFFE, v11;
	[tilespmem:s20+$0xF0] =	vst v4  }
0x19d: {  	v4 =	vld [tilespmem:s1+$0xFFFFFF40];
	[tilespmem:s20+$0xE0] =	vst v3  }
0x19e: {  	v3 =	vld [tilespmem:s1+$0xFFFFFF50];
	[tilespmem:s20+$0x90] =	vst v7  }
0x19f: {  	v7 =	vld [tilespmem:s1+$0xFFFFFF60];
	[tilespmem:s20+$0xB0] =	vst v9  }
0x1a0: {  	v9 =	vld [tilespmem:s1+$0xFFFFFF70];
	[tilespmem:s20+$0xD0] =	vst v8;
	s20 =	smov.u32 s1  }
0x1a1: {  	v5 =	vld.idx.msk [tilespmem:v5+s5+$0x0], $0xffff  }
0x1a2: {  	v8 =	vld [tilespmem:s1+$0xFFFFFF00]  }
0x1a3: {  	v11 =	vld [tilespmem:s1+$0xFFFFFF20]  }
0x1a4: {  	v12 =	vld [tilespmem:s1+$0xFFFFFF10]  }
0x1a5: {  	v13 =	vld [tilespmem:s1+$0xFFFFFF30];
	_ =	sdelay $0x1  }
0x1a6: {  	v9 =	vmul.f32 v9, v5;
	v8 =	vmul.f32 v8, v5  }
0x1a7: {  	v7 =	vmul.f32 v7, v5;
	v11 =	vmul.f32 v11, v5  }
0x1a8: {  	v3 =	vmul.f32 v3, v5;
	v12 =	vmul.f32 v12, v5;
	[tilespmem:s1+$0xFFFFFF70] =	vst v9  }
0x1a9: {  	v4 =	vmul.f32 v4, v5;
	[tilespmem:s1+$0xFFFFFF00] =	vst v8;
	v8 =	vmul.f32 v13, v5  }
0x1aa: {  	v5 =	vbroadcast v6, $0x0;
	[tilespmem:s1+$0xFFFFFF20] =	vst v11  }
0x1ab: {  	[tilespmem:s1+$0xFFFFFF50] =	vst v3  }
0x1ac: {  	[tilespmem:s1+$0xFFFFFF40] =	vst v4;
	v3 =	vld [tilespmem:s1+$0xFFFFFFF0]  }
0x1ad: {  	[tilespmem:s1+$0xFFFFFF60] =	vst v7;
	v4 =	vld [tilespmem:s1+$0xFFFFFFC0]  }
0x1ae: {  	[tilespmem:s1+$0xFFFFFF30] =	vst v8;
	v6 =	vld [tilespmem:s1+$0xFFFFFFD0]  }
0x1af: {  	[tilespmem:s1+$0xFFFFFF10] =	vst v12;
	v7 =	vld [tilespmem:s1+$0xFFFFFF90]  }
0x1b0: {  	v5 =	vld.idx.msk [tilespmem:v5+s5+$0x0], $0xffff  }
0x1b1: {  	v8 =	vld [tilespmem:s1+$0xFFFFFF80]  }
0x1b2: {  	v9 =	vld [tilespmem:s1+$0xFFFFFFA0]  }
0x1b3: {  	v11 =	vld [tilespmem:s1+$0xFFFFFFB0]  }
0x1b4: {  	v12 =	vld [tilespmem:s1+$0xFFFFFFE0];
	_ =	sdelay $0x1  }
0x1b5: {  	v7 =	vmul.f32 v7, v5;
	v8 =	vmul.f32 v8, v5  }
0x1b6: {  	v6 =	vmul.f32 v6, v5;
	v9 =	vmul.f32 v9, v5  }
0x1b7: {  	v4 =	vmul.f32 v4, v5;
	[tilespmem:s1+$0xFFFFFF90] =	vst v7;
	v7 =	vmul.f32 v11, v5  }
0x1b8: {  	v3 =	vmul.f32 v3, v5;
	[tilespmem:s1+$0xFFFFFFA0] =	vst v9;
	v9 =	vmul.f32 v12, v5  }
0x1b9: {  	v5 =	vbroadcast v10, $0x0;
	[tilespmem:s1+$0xFFFFFF80] =	vst v8  }
0x1ba: {  	[tilespmem:s1+$0xFFFFFFB0] =	vst v7  }
0x1bb: {  	[tilespmem:s1+$0xFFFFFFC0] =	vst v4  }
0x1bc: {  	[tilespmem:s1+$0xFFFFFFD0] =	vst v6  }
.Ltmp12:
0x1bd: {  	[tilespmem:s1+$0xFFFFFFF0] =	vst v3;
	v4 =	vld [tilespmem:s1+$0x40];
	(pc) =	sbr.rel @p1 .LBB2_21-.Ltmp12, $4  }
0x1be: {  	[tilespmem:s1+$0xFFFFFFE0] =	vst v9;
	v6 =	vld [tilespmem:s1+$0x60]  }
0x1bf: {  	v3 =	vld.idx.msk [tilespmem:v5+s5+$0x0], $0xffff  }
0x1c0: {  	v7 =	vld [tilespmem:s1+$0x0]  }
0x1c1: {  	v5 =	vld [tilespmem:s1+$0x10]  }
0x1c2: {  	_ =	sdelay $0x1  }
0x1c3: {  	v6 =	vmul.f32 v6, v3  }
0x1c4: {  	v8 =	vld [tilespmem:s20+$0x50];
	v4 =	vmul.f32 v4, v3  }
0x1c5: {  	v9 =	vld [tilespmem:s20+$0x70];
	v1 =	vmul.f32 v1, v3;
	[tilespmem:s20+$0x60] =	vst v6  }
0x1c6: {  	v6 =	vmul.f32 v7, v3;
	[tilespmem:s20+$0x40] =	vst v4  }
0x1c7: {  	[tilespmem:s20+$0x20] =	vst v1;
	v1 =	vmul.f32 v2, v3  }
0x1c8: {  	v5 =	vmul.f32 v5, v3;
	[tilespmem:s20+$0x0] =	vst v6;
	v6 =	vmov s23  }
0x1c9: {  	v4 =	vmul.f32 v8, v3;
	[tilespmem:s20+$0x30] =	vst v1  }
0x1ca: {  	v3 =	vmul.f32 v9, v3;
	[tilespmem:s20+$0x10] =	vst v5  }
0x1cb: {  	[tilespmem:s20+$0x50] =	vst v4  }
0x1cc: {  	v2 =	vld [tilespmem:s20+$0x80];
	[tilespmem:s20+$0x70] =	vst v3  }
0x1cd: {  	v1 =	vld.idx.msk [tilespmem:v6+s5+$0x0], $0xffff  }
0x1ce: {  	v3 =	vld [tilespmem:s20+$0xA0]  }
0x1cf: {  	v4 =	vld [tilespmem:s20+$0xC0]  }
0x1d0: {  	v5 =	vld [tilespmem:s20+$0xF0]  }
0x1d1: {  	v6 =	vld [tilespmem:s20+$0xE0]  }
0x1d2: {  	v7 =	vld [tilespmem:s20+$0x90];
	v2 =	vmul.f32 v2, v1  }
0x1d3: {  	v8 =	vld [tilespmem:s20+$0xB0];
	v3 =	vmul.f32 v3, v1  }
0x1d4: {  	v60 =	vld [tilespmem:s20+$0xD0];
	[tilespmem:s20+$0x80] =	vst v2;
	v2 =	vmul.f32 v4, v1  }
0x1d5: {  	[tilespmem:s20+$0xA0] =	vst v3;
	v3 =	vmul.f32 v5, v1  }
0x1d6: {  	v4 =	vmul.f32 v6, v1;
	[tilespmem:s20+$0xC0] =	vst v2  }
0x1d7: {  	v2 =	vmul.f32 v7, v1;
	[tilespmem:s20+$0xF0] =	vst v3  }
0x1d8: {  	v3 =	vmul.f32 v8, v1;
	[tilespmem:s20+$0xE0] =	vst v4  }
0x1d9: {  	v1 =	vmul.f32 v60, v1;
	[tilespmem:s20+$0x90] =	vst v2  }
0x1da: {  	[tilespmem:s20+$0xB0] =	vst v3  }
0x1db: {  	[tilespmem:s20+$0xD0] =	vst v1  }
0x1dc: {  	[spmem:s3] =	stream.indirect.scatter.add.f32 [tilespmem:s29], [sflag:$0x5], $0x80, s17, s6, $0xb8;
	[tilespmem:$0x1FD00] =	vst v63  }
0x1dd: {  	s1 =	sadd.s32 $0xFFFFFF80, s13;
	_ =	swait.ge [sflag:s9], $0x4000  }
0x1de: {  	s4 =	sadd.s32 $0x100, s1;
	[sflag:s9] =	ssyncset.done $0x0  }
0x1df: {  	p1 =	seq.s32 s22, $0x27;
	v1 =	vmov s4;
	[sflag:s9] =	ssyncadd.s32 $0xFFFFC000  }
0x1e0: {  	s4 =	sshll.u32 @!p1 s15, $0x7;
	v1 =	vand.u32 $0xFFFFFFFC, v1;
	_ =	swait.ge [sflag:s16], $0x4000  }
0x1e1: {  	s4 =	sadd.s32 @!p1 $0x100, s4;
	v1 =	vbroadcast v1, $0x0;
	[sflag:s16] =	ssyncset.done $0x0  }
0x1e2: {  	s8 =	simm.s32 @!p1 $0x80;
	s4 =	sand.u32 @!p1 $0x700, s4;
	[sflag:s16] =	ssyncadd.s32 $0xFFFFC000  }
0x1e3: {  	s14 =	simm.s32 @!p1 $0x3800;
	s4 =	sor.u32 @!p1 $0x2800, s4;
	s15 =	rddreg [dreg:$0x0]  }
0x1e4: {  	[tilespmem:s14], [sflag:$0x1] =	stream.indirect.gather @!p1 [hbm4b:s15+s8], $0x80, s4, s8, $0xb8;
	[tilespmem:$0x1FD00] =	vst v63  }
0x1e5: {  	s15 =	simm.s32 $0x7900  }
0x1e6: {  	v2 =	vld [tilespmem:s15+$0xFFFFFF70]  }
0x1e7: {  	v1 =	vld.idx.msk [tilespmem:v1+s5+$0x0], $0xffff  }
0x1e8: {  	v3 =	vld [tilespmem:s15+$0xFFFFFF00]  }
0x1e9: {  	v4 =	vld [tilespmem:s15+$0xFFFFFF20]  }
0x1ea: {  	v5 =	vld [tilespmem:s15+$0xFFFFFF50]  }
0x1eb: {  	v6 =	vld [tilespmem:s15+$0xFFFFFF40]  }
0x1ec: {  	v7 =	vld [tilespmem:s15+$0xFFFFFF60];
	v2 =	vmul.f32 v2, v1  }
0x1ed: {  	s20 =	sadd.s32 $0x101, s1;
	v8 =	vld [tilespmem:s15+$0xFFFFFF30];
	v3 =	vmul.f32 v3, v1  }
0x1ee: {  	v61 =	vmov s20;
	v10 =	vld [tilespmem:s15+$0xFFFFFF10];
	v4 =	vmul.f32 v4, v1;
	[tilespmem:s15+$0xFFFFFF70] =	vst v2  }
0x1ef: {  	v5 =	vmul.f32 v5, v1;
	v2 =	vand.u32 $0xFFFFFFFD, v61;
	[tilespmem:s15+$0xFFFFFF00] =	vst v3  }
0x1f0: {  	v3 =	vmul.f32 v6, v1;
	[tilespmem:s15+$0xFFFFFF20] =	vst v4;
	v2 =	vbroadcast v2, $0x0  }
0x1f1: {  	v4 =	vmul.f32 v7, v1;
	[tilespmem:s15+$0xFFFFFF50] =	vst v5  }
0x1f2: {  	v5 =	vmul.f32 v8, v1;
	[tilespmem:s15+$0xFFFFFF40] =	vst v3  }
0x1f3: {  	v1 =	vmul.f32 v10, v1;
	[tilespmem:s15+$0xFFFFFF60] =	vst v4  }
0x1f4: {  	[tilespmem:s15+$0xFFFFFF30] =	vst v5  }
0x1f5: {  	[tilespmem:s15+$0xFFFFFF10] =	vst v1;
	v1 =	vld [tilespmem:s15+$0xFFFFFF90]  }
0x1f6: {  	v3 =	vld.idx.msk [tilespmem:v2+s5+$0x0], $0xffff  }
0x1f7: {  	v2 =	vld [tilespmem:s15+$0xFFFFFFA0]  }
0x1f8: {  	v4 =	vld [tilespmem:s15+$0xFFFFFF80]  }
0x1f9: {  	v5 =	vld [tilespmem:s15+$0xFFFFFFB0]  }
0x1fa: {  	v6 =	vld [tilespmem:s15+$0xFFFFFFC0]  }
0x1fb: {  	v7 =	vld [tilespmem:s15+$0xFFFFFFD0];
	v1 =	vmul.f32 v1, v3  }
0x1fc: {  	s23 =	sadd.s32 $0x102, s1;
	v8 =	vld [tilespmem:s15+$0xFFFFFFF0];
	v2 =	vmul.f32 v2, v3  }
0x1fd: {  	v62 =	vmov s23;
	v63 =	vld [tilespmem:s15+$0xFFFFFFE0];
	v4 =	vmul.f32 v4, v3;
	[tilespmem:s15+$0xFFFFFF90] =	vst v1  }
0x1fe: {  	v5 =	vmul.f32 v5, v3;
	v1 =	vand.u32 $0xFFFFFFFE, v62;
	[tilespmem:s15+$0xFFFFFFA0] =	vst v2  }
0x1ff: {  	v2 =	vmul.f32 v6, v3;
	[tilespmem:s15+$0xFFFFFF80] =	vst v4;
	v6 =	vld [tilespmem:s15+$0x60];
	v9 =	vbroadcast v1, $0x0  }
0x200: {  	v4 =	vmul.f32 v7, v3;
	[tilespmem:s15+$0xFFFFFFB0] =	vst v5;
	v7 =	vld [tilespmem:s15+$0x0]  }
0x201: {  	v5 =	vmul.f32 v8, v3;
	v1 =	vld [tilespmem:s15+$0x20];
	[tilespmem:s15+$0xFFFFFFC0] =	vst v2  }
0x202: {  	v3 =	vmul.f32 v63, v3;
	v2 =	vld [tilespmem:s15+$0x30];
	[tilespmem:s15+$0xFFFFFFD0] =	vst v4  }
0x203: {  	[tilespmem:s15+$0xFFFFFFF0] =	vst v5;
	v4 =	vld [tilespmem:s15+$0x40]  }
0x204: {  	[tilespmem:s15+$0xFFFFFFE0] =	vst v3;
	v5 =	vld [tilespmem:s15+$0x10]  }
0x205: {  	s19 =	simm.s32 $0x7900;
	s1 =	sadd.s32 $0x103, s1;
	s17 =	simm.s32 $0xFFFFFF84;
	v3 =	vld.idx.msk [tilespmem:v9+s5+$0x0], $0xffff  }
.LBB2_23:
0x206: {  	p1 =	sne.s32 s17, $0xFFFFFFFC  }
0x207: {  	v8 =	vld [tilespmem:s15+$0x50];
	s19 =	sadd.s32 $0x200, s19;
	s4 =	smov.u32 s17;
	s17 =	sadd.s32 $0x4, s17  }
0x208: {  	v9 =	vld [tilespmem:s15+$0x70];
	_ =	sdelay $0x1  }
0x209: {  	v6 =	vmul.f32 v6, v3;
	v7 =	vmul.f32 v7, v3  }
0x20a: {  	v4 =	vmul.f32 v4, v3;
	v5 =	vmul.f32 v5, v3  }
0x20b: {  	v1 =	vmul.f32 v1, v3;
	v2 =	vmul.f32 v2, v3;
	[tilespmem:s15+$0x60] =	vst v6  }
0x20c: {  	[tilespmem:s15+$0x40] =	vst v4;
	v4 =	vmul.f32 v8, v3;
	v3 =	vmul.f32 v9, v3  }
0x20d: {  	[tilespmem:s15+$0x20] =	vst v1;
	v6 =	vld [tilespmem:s15+$0x80]  }
0x20e: {  	v1 =	vld [tilespmem:s19+$0x20];
	[tilespmem:s15+$0x0] =	vst v7;
	v7 =	vmov s1  }
0x20f: {  	[tilespmem:s15+$0x50] =	vst v4;
	v4 =	vld [tilespmem:s15+$0xE0]  }
0x210: {  	[tilespmem:s15+$0x30] =	vst v2;
	v8 =	vld [tilespmem:s15+$0xC0]  }
0x211: {  	v2 =	vld [tilespmem:s19+$0x30];
	[tilespmem:s15+$0x10] =	vst v5  }
0x212: {  	[tilespmem:s15+$0x70] =	vst v3;
	v3 =	vld [tilespmem:s15+$0xA0]  }
0x213: {  	v5 =	vld.idx.msk [tilespmem:v7+s5+$0x0], $0xffff  }
0x214: {  	v7 =	vld [tilespmem:s15+$0x90]  }
0x215: {  	v9 =	vld [tilespmem:s15+$0xB0]  }
0x216: {  	v10 =	vld [tilespmem:s15+$0xD0]  }
0x217: {  	v11 =	vld [tilespmem:s15+$0xF0];
	_ =	sdelay $0x1  }
0x218: {  	s1 =	sadd.s32 s4, s13;
	v6 =	vmul.f32 v6, v5;
	v7 =	vmul.f32 v7, v5  }
0x219: {  	s4 =	sadd.s32 $0x100, s1;
	s8 =	sadd.s32 $0x101, s1;
	s14 =	sadd.s32 $0x102, s1;
	v3 =	vmul.f32 v3, v5;
	v9 =	vmul.f32 v9, v5  }
0x21a: {  	s1 =	sadd.s32 $0x103, s1;
	v12 =	vmov s4;
	[tilespmem:s15+$0x80] =	vst v6;
	v6 =	vmul.f32 v8, v5;
	v8 =	vmul.f32 v10, v5  }
0x21b: {  	v10 =	vand.u32 $0xFFFFFFFC, v12;
	[tilespmem:s15+$0xA0] =	vst v3;
	v3 =	vmul.f32 v4, v5;
	v4 =	vmul.f32 v11, v5  }
0x21c: {  	v5 =	vbroadcast v10, $0x0;
	v10 =	vmov s8;
	v11 =	vmov s14;
	[tilespmem:s15+$0xC0] =	vst v6  }
0x21d: {  	v6 =	vand.u32 $0xFFFFFFFD, v10;
	v10 =	vand.u32 $0xFFFFFFFE, v11;
	[tilespmem:s15+$0xF0] =	vst v4  }
0x21e: {  	v4 =	vld [tilespmem:s19+$0xFFFFFF40];
	[tilespmem:s15+$0xE0] =	vst v3  }
0x21f: {  	v3 =	vld [tilespmem:s19+$0xFFFFFF50];
	[tilespmem:s15+$0x90] =	vst v7  }
0x220: {  	v7 =	vld [tilespmem:s19+$0xFFFFFF60];
	[tilespmem:s15+$0xB0] =	vst v9  }
0x221: {  	v9 =	vld [tilespmem:s19+$0xFFFFFF70];
	[tilespmem:s15+$0xD0] =	vst v8;
	s15 =	smov.u32 s19  }
0x222: {  	v5 =	vld.idx.msk [tilespmem:v5+s5+$0x0], $0xffff  }
0x223: {  	v8 =	vld [tilespmem:s19+$0xFFFFFF00]  }
0x224: {  	v11 =	vld [tilespmem:s19+$0xFFFFFF20]  }
0x225: {  	v12 =	vld [tilespmem:s19+$0xFFFFFF10]  }
0x226: {  	v13 =	vld [tilespmem:s19+$0xFFFFFF30];
	_ =	sdelay $0x1  }
0x227: {  	v9 =	vmul.f32 v9, v5;
	v8 =	vmul.f32 v8, v5  }
0x228: {  	v7 =	vmul.f32 v7, v5;
	v11 =	vmul.f32 v11, v5  }
0x229: {  	v3 =	vmul.f32 v3, v5;
	v12 =	vmul.f32 v12, v5;
	[tilespmem:s19+$0xFFFFFF70] =	vst v9  }
0x22a: {  	v4 =	vmul.f32 v4, v5;
	[tilespmem:s19+$0xFFFFFF00] =	vst v8;
	v8 =	vmul.f32 v13, v5  }
0x22b: {  	v5 =	vbroadcast v6, $0x0;
	[tilespmem:s19+$0xFFFFFF20] =	vst v11  }
0x22c: {  	[tilespmem:s19+$0xFFFFFF50] =	vst v3  }
0x22d: {  	[tilespmem:s19+$0xFFFFFF40] =	vst v4;
	v3 =	vld [tilespmem:s19+$0xFFFFFFF0]  }
0x22e: {  	[tilespmem:s19+$0xFFFFFF60] =	vst v7;
	v4 =	vld [tilespmem:s19+$0xFFFFFFC0]  }
0x22f: {  	[tilespmem:s19+$0xFFFFFF30] =	vst v8;
	v6 =	vld [tilespmem:s19+$0xFFFFFFD0]  }
0x230: {  	[tilespmem:s19+$0xFFFFFF10] =	vst v12;
	v7 =	vld [tilespmem:s19+$0xFFFFFF90]  }
0x231: {  	v5 =	vld.idx.msk [tilespmem:v5+s5+$0x0], $0xffff  }
0x232: {  	v8 =	vld [tilespmem:s19+$0xFFFFFF80]  }
0x233: {  	v9 =	vld [tilespmem:s19+$0xFFFFFFA0]  }
0x234: {  	v11 =	vld [tilespmem:s19+$0xFFFFFFB0]  }
0x235: {  	v12 =	vld [tilespmem:s19+$0xFFFFFFE0];
	_ =	sdelay $0x1  }
0x236: {  	v7 =	vmul.f32 v7, v5;
	v8 =	vmul.f32 v8, v5  }
0x237: {  	v6 =	vmul.f32 v6, v5;
	v9 =	vmul.f32 v9, v5  }
0x238: {  	v4 =	vmul.f32 v4, v5;
	[tilespmem:s19+$0xFFFFFF90] =	vst v7;
	v7 =	vmul.f32 v11, v5  }
0x239: {  	v3 =	vmul.f32 v3, v5;
	[tilespmem:s19+$0xFFFFFFA0] =	vst v9;
	v9 =	vmul.f32 v12, v5  }
0x23a: {  	v5 =	vbroadcast v10, $0x0;
	[tilespmem:s19+$0xFFFFFF80] =	vst v8  }
0x23b: {  	[tilespmem:s19+$0xFFFFFFB0] =	vst v7  }
0x23c: {  	[tilespmem:s19+$0xFFFFFFC0] =	vst v4  }
0x23d: {  	[tilespmem:s19+$0xFFFFFFD0] =	vst v6  }
.Ltmp13:
0x23e: {  	[tilespmem:s19+$0xFFFFFFF0] =	vst v3;
	v4 =	vld [tilespmem:s19+$0x40];
	(pc) =	sbr.rel @p1 .LBB2_23-.Ltmp13, $4  }
0x23f: {  	[tilespmem:s19+$0xFFFFFFE0] =	vst v9;
	v6 =	vld [tilespmem:s19+$0x60]  }
0x240: {  	v3 =	vld.idx.msk [tilespmem:v5+s5+$0x0], $0xffff  }
0x241: {  	v7 =	vld [tilespmem:s19+$0x0]  }
0x242: {  	v5 =	vld [tilespmem:s19+$0x10]  }
0x243: {  	_ =	sdelay $0x1  }
0x244: {  	v6 =	vmul.f32 v6, v3  }
0x245: {  	v8 =	vld [tilespmem:s15+$0x50];
	v4 =	vmul.f32 v4, v3  }
0x246: {  	v9 =	vld [tilespmem:s15+$0x70];
	v1 =	vmul.f32 v1, v3;
	[tilespmem:s15+$0x60] =	vst v6  }
0x247: {  	v54 =	vmul.f32 v7, v3;
	[tilespmem:s15+$0x40] =	vst v4  }
0x248: {  	[tilespmem:s15+$0x20] =	vst v1;
	v1 =	vmul.f32 v2, v3  }
0x249: {  	v56 =	vmov s1;
	v5 =	vmul.f32 v5, v3;
	[tilespmem:s15+$0x0] =	vst v54  }
0x24a: {  	v55 =	vmul.f32 v8, v3;
	[tilespmem:s15+$0x30] =	vst v1  }
0x24b: {  	v3 =	vmul.f32 v9, v3;
	[tilespmem:s15+$0x10] =	vst v5  }
0x24c: {  	[tilespmem:s15+$0x50] =	vst v55  }
0x24d: {  	v2 =	vld [tilespmem:s15+$0x80];
	[tilespmem:s15+$0x70] =	vst v3  }
0x24e: {  	v1 =	vld.idx.msk [tilespmem:v56+s5+$0x0], $0xffff  }
0x24f: {  	v3 =	vld [tilespmem:s15+$0xA0]  }
0x250: {  	v59 =	vld [tilespmem:s15+$0xE0]  }
0x251: {  	v57 =	vld [tilespmem:s15+$0xC0]  }
0x252: {  	v58 =	vld [tilespmem:s15+$0xF0]  }
0x253: {  	v60 =	vld [tilespmem:s15+$0x90];
	v2 =	vmul.f32 v2, v1  }
0x254: {  	v61 =	vld [tilespmem:s15+$0xB0];
	v3 =	vmul.f32 v3, v1  }
0x255: {  	v62 =	vld [tilespmem:s15+$0xD0];
	v63 =	vmul.f32 v59, v1;
	[tilespmem:s15+$0x80] =	vst v2  }
0x256: {  	v2 =	vmul.f32 v57, v1;
	[tilespmem:s15+$0xA0] =	vst v3  }
0x257: {  	s22 =	sadd.s32 $0x1, s22;
	v3 =	vmul.f32 v58, v1;
	[tilespmem:s15+$0xE0] =	vst v63  }
0x258: {  	p1 =	seq.s32 s22, $0x28;
	[tilespmem:s15+$0xC0] =	vst v2;
	v2 =	vmul.f32 v60, v1  }
.Ltmp14:
0x259: {  	[tilespmem:s15+$0xF0] =	vst v3;
	v3 =	vmul.f32 v61, v1;
	(pc) =	sbr.rel @!p1 .LBB2_15-.Ltmp14, $4  }
.Ltmp15:
0x25a: {  	v1 =	vmul.f32 v62, v1;
	[tilespmem:s15+$0x90] =	vst v2;
	(pc) =	sbr.rel @p1 .LBB2_36-.Ltmp15, $4  }
0x25b: {  	[tilespmem:s15+$0xB0] =	vst v3  }
0x25c: {  	s23 =	simm.s32 $0x7800;
	s21 =	sadd.s32 $0x100, s21;
	[tilespmem:s15+$0xD0] =	vst v1  }
0x25d: {  	[spmem:s3] =	stream.indirect.scatter.add.f32 [tilespmem:s23], [sflag:$0x6], $0x80, s25, s6, $0xb8;
	[tilespmem:$0x1FD00] =	vst v63  }
0x25e: {  	_ = 	snop  }
.LBB2_19:
.Ltmp16:
0x25f: {  	(pc) =	sbr.rel .LBB2_20-.Ltmp16, $2  }
0x260: {  	_ =	sdelay $0x2  }
0x261: {  	s15 =	simm.s32 $0x0;
	p1 =	por $0x1, $0x1  }
.LBB2_25:
0x262: {  	s1 =	rddreg [dreg:$0x8];
	s21 =	simm.s32 $0x0;
	s22 =	simm.s32 $0x0  }
0x263: {  	[tilespmem:s29], [sflag:$0x1] =	stream.indirect.gather [hbm4b:s1+s6], $0x80, s8, s6, $0xb8;
	[tilespmem:$0x1FD00] =	vst v63  }
.LBB2_26:
0x264: {  	s1 =	sand.u32 $0x3, s22;
	p1 =	sgt.u32 s22, $0x23  }
0x265: {  	p2 =	sne.s32 @!p1 s1, $0x3  }
0x266: {  	p1 =	por p1, p2  }
.Ltmp17:
0x267: {  	_ = 	snop;
	(pc) =	sbr.rel @p1 .LBB2_29-.Ltmp17, $1  }
0x268: {  	_ =	sdelay $0x3  }
0x269: {  	s1 =	sshrl.u32 s22, $0x2  }
0x26a: {  	s4 =	rddreg [dreg:$0x11];
	s1 =	sadd.s32 $0x1, s1  }
0x26b: {  	s4 =	sadd.s32 s4, s1;
	s1 =	sshll.u32 s1, $0xA  }
0x26c: {  	s1 =	sand.u32 $0x400, s1;
	s4 =	sshll.u32 s4, $0x7  }
0x26d: {  	s8 =	sor.u32 $0x2800, s1;
	s13 =	sadd.s32 s10, s4  }
0x26e: {  	[tilespmem:s8], [sflag:$0x7] =	stream.linear.gather [hbm4b:s13+s5], $0x400, $0x38;
	[tilespmem:$0x1FD00] =	vst v63  }
0x26f: {  	_ =	swait.ge [sflag:s26], $0x400  }
0x270: {  	s1 =	sor.u32 $0x3000, s1;
	[sflag:s26] =	ssyncset.done $0x0  }
.Ltmp18:
0x271: {  	s4 =	sadd.s32 s11, s4;
	[sflag:s26] =	ssyncadd.s32 $0xFFFFFC00;
	(pc) =	sbr.rel .LBB2_28-.Ltmp18, $4  }
0x272: {  	[tilespmem:s1], [sflag:$0x7] =	stream.linear.gather [hbm4b:s4+s5], $0x400, $0x38;
	[tilespmem:$0x1FD00] =	vst v63  }
0x273: {  	_ =	swait.ge [sflag:s26], $0x400  }
0x274: {  	[sflag:s26] =	ssyncset.done $0x0  }
0x275: {  	[sflag:s26] =	ssyncadd.s32 $0xFFFFFC00  }
.LBB2_29:
0x276: {  	p1 =	seq.s32 s22, $0x0  }
.Ltmp19:
0x277: {  	_ = 	snop;
	(pc) =	sbr.rel @p1 .LBB2_30-.Ltmp19, $1  }
0x278: {  	_ =	sdelay $0x3  }
.LBB2_28:
0x279: {  	_ =	swait.ge [sflag:s0], $0x80  }
0x27a: {  	[sflag:s0] =	ssyncset.done $0x0  }
0x27b: {  	[sflag:s0] =	ssyncadd.s32 $0xFFFFFF80  }
0x27c: {  	_ =	swait.ge [sflag:s31], $0x80  }
0x27d: {  	[sflag:s31] =	ssyncset.done $0x0  }
0x27e: {  	s15 =	sshll.u32 s22, $0x1;
	p1 =	por $0x0, $0x0;
	[sflag:s31] =	ssyncadd.s32 $0xFFFFFF80  }
.LBB2_31:
0x27f: {  	s1 =	sshll.u32 s22, $0x8  }
0x280: {  	s13 =	sshll.u32 s15, $0x7;
	s4 =	sand.u32 $0x700, s1  }
0x281: {  	s14 =	rddreg [dreg:$0x3];
	s25 =	sor.u32 $0x80, s13;
	s17 =	sor.u32 $0x3000, s4  }
0x282: {  	[spmem:s14] =	stream.indirect.scatter.add.f32 [tilespmem:s1], [sflag:$0x3], $0x1, s17, s6, $0xb8;
	[tilespmem:$0x1FD00] =	vst v63  }
0x283: {  	s8 =	sand.u32 $0x380, s25;
	s1 =	sand.u32 $0x400, s1  }
0x284: {  	s8 =	sor.u32 s1, s8  }
0x285: {  	s4 =	sand.u32 $0x3FFFFF80, s25;
	s25 =	sor.u32 $0x3000, s8  }
0x286: {  	[spmem:s14] =	stream.indirect.scatter.add.f32 [tilespmem:s4], [sflag:$0x4], $0x1, s25, s6, $0xb8;
	[tilespmem:$0x1FD00] =	vst v63  }
0x287: {  	s1 =	sadd.s32 $0x0, s21;
	_ =	swait.ge [sflag:s28], $0x4000  }
0x288: {  	v1 =	vmov s1;
	[sflag:s28] =	ssyncset.done $0x0  }
0x289: {  	s4 =	simm.s32 @!p1 $0x6;
	v1 =	vand.u32 $0xFFFFFFFC, v1;
	[sflag:s28] =	ssyncadd.s32 $0xFFFFC000  }
0x28a: {  	v1 =	vbroadcast v1, $0x0;
	_ =	swait.ge @!p1 [sflag:s4], $0x4000  }
0x28b: {  	s23 =	simm.s32 $0x7800;
	[sflag:s4] =	ssyncset.done @!p1 $0x0  }
0x28c: {  	s19 =	sor.u32 $0x2800, s8;
	s20 =	rddreg [dreg:$0x8];
	[sflag:s4] =	ssyncadd.s32 @!p1 $0xFFFFC000  }
0x28d: {  	[tilespmem:s23], [sflag:$0x2] =	stream.indirect.gather [hbm4b:s20+s6], $0x80, s19, s6, $0xb8;
	[tilespmem:$0x1FD00] =	vst v63  }
0x28e: {  	s20 =	simm.s32 $0x3900  }
0x28f: {  	v2 =	vld [tilespmem:s20+$0xFFFFFF70]  }
0x290: {  	v1 =	vld.idx.msk [tilespmem:v1+s5+$0x0], $0xffff  }
0x291: {  	v3 =	vld [tilespmem:s20+$0xFFFFFF00]  }
0x292: {  	v4 =	vld [tilespmem:s20+$0xFFFFFF20]  }
0x293: {  	v5 =	vld [tilespmem:s20+$0xFFFFFF50]  }
0x294: {  	v6 =	vld [tilespmem:s20+$0xFFFFFF40]  }
0x295: {  	v7 =	vld [tilespmem:s20+$0xFFFFFF60];
	v2 =	vmul.f32 v2, v1  }
0x296: {  	s19 =	sadd.s32 $0x1, s1;
	v8 =	vld [tilespmem:s20+$0xFFFFFF30];
	v3 =	vmul.f32 v3, v1  }
0x297: {  	v9 =	vmov s19;
	v10 =	vld [tilespmem:s20+$0xFFFFFF10];
	v4 =	vmul.f32 v4, v1;
	[tilespmem:s20+$0xFFFFFF70] =	vst v2  }
0x298: {  	v5 =	vmul.f32 v5, v1;
	v2 =	vand.u32 $0xFFFFFFFD, v9;
	[tilespmem:s20+$0xFFFFFF00] =	vst v3  }
0x299: {  	v3 =	vmul.f32 v6, v1;
	[tilespmem:s20+$0xFFFFFF20] =	vst v4;
	v2 =	vbroadcast v2, $0x0  }
0x29a: {  	v4 =	vmul.f32 v7, v1;
	[tilespmem:s20+$0xFFFFFF50] =	vst v5  }
0x29b: {  	v5 =	vmul.f32 v8, v1;
	[tilespmem:s20+$0xFFFFFF40] =	vst v3  }
0x29c: {  	v1 =	vmul.f32 v10, v1;
	[tilespmem:s20+$0xFFFFFF60] =	vst v4  }
0x29d: {  	[tilespmem:s20+$0xFFFFFF30] =	vst v5  }
0x29e: {  	[tilespmem:s20+$0xFFFFFF10] =	vst v1;
	v1 =	vld [tilespmem:s20+$0xFFFFFF90]  }
0x29f: {  	v3 =	vld.idx.msk [tilespmem:v2+s5+$0x0], $0xffff  }
0x2a0: {  	v2 =	vld [tilespmem:s20+$0xFFFFFFA0]  }
0x2a1: {  	v4 =	vld [tilespmem:s20+$0xFFFFFF80]  }
0x2a2: {  	v5 =	vld [tilespmem:s20+$0xFFFFFFB0]  }
0x2a3: {  	v6 =	vld [tilespmem:s20+$0xFFFFFFC0]  }
0x2a4: {  	v7 =	vld [tilespmem:s20+$0xFFFFFFD0];
	v1 =	vmul.f32 v1, v3  }
0x2a5: {  	s23 =	sadd.s32 $0x2, s1;
	v8 =	vld [tilespmem:s20+$0xFFFFFFF0];
	v2 =	vmul.f32 v2, v3  }
0x2a6: {  	v62 =	vmov s23;
	v63 =	vld [tilespmem:s20+$0xFFFFFFE0];
	v4 =	vmul.f32 v4, v3;
	[tilespmem:s20+$0xFFFFFF90] =	vst v1  }
0x2a7: {  	v5 =	vmul.f32 v5, v3;
	v1 =	vand.u32 $0xFFFFFFFE, v62;
	[tilespmem:s20+$0xFFFFFFA0] =	vst v2  }
0x2a8: {  	v2 =	vmul.f32 v6, v3;
	[tilespmem:s20+$0xFFFFFF80] =	vst v4;
	v6 =	vld [tilespmem:s20+$0x60];
	v9 =	vbroadcast v1, $0x0  }
0x2a9: {  	v4 =	vmul.f32 v7, v3;
	[tilespmem:s20+$0xFFFFFFB0] =	vst v5;
	v7 =	vld [tilespmem:s20+$0x0]  }
0x2aa: {  	v5 =	vmul.f32 v8, v3;
	v1 =	vld [tilespmem:s20+$0x20];
	[tilespmem:s20+$0xFFFFFFC0] =	vst v2  }
0x2ab: {  	v3 =	vmul.f32 v63, v3;
	v2 =	vld [tilespmem:s20+$0x30];
	[tilespmem:s20+$0xFFFFFFD0] =	vst v4  }
0x2ac: {  	[tilespmem:s20+$0xFFFFFFF0] =	vst v5;
	v4 =	vld [tilespmem:s20+$0x40]  }
0x2ad: {  	[tilespmem:s20+$0xFFFFFFE0] =	vst v3;
	v5 =	vld [tilespmem:s20+$0x10]  }
0x2ae: {  	s19 =	simm.s32 $0x4;
	s23 =	sadd.s32 $0x3, s1;
	s1 =	simm.s32 $0x3900;
	v3 =	vld.idx.msk [tilespmem:v9+s5+$0x0], $0xffff  }
.LBB2_32:
0x2af: {  	p1 =	sne.s32 s19, $0x7C  }
0x2b0: {  	v8 =	vld [tilespmem:s20+$0x50];
	s1 =	sadd.s32 $0x200, s1;
	s4 =	smov.u32 s19;
	s19 =	sadd.s32 $0x4, s19  }
0x2b1: {  	v9 =	vld [tilespmem:s20+$0x70];
	_ =	sdelay $0x1  }
0x2b2: {  	v6 =	vmul.f32 v6, v3;
	v7 =	vmul.f32 v7, v3  }
0x2b3: {  	v4 =	vmul.f32 v4, v3;
	v5 =	vmul.f32 v5, v3  }
0x2b4: {  	v1 =	vmul.f32 v1, v3;
	v2 =	vmul.f32 v2, v3;
	[tilespmem:s20+$0x60] =	vst v6  }
0x2b5: {  	[tilespmem:s20+$0x40] =	vst v4;
	v4 =	vmul.f32 v8, v3;
	v3 =	vmul.f32 v9, v3  }
0x2b6: {  	[tilespmem:s20+$0x20] =	vst v1;
	v6 =	vld [tilespmem:s20+$0x80]  }
0x2b7: {  	v1 =	vld [tilespmem:s1+$0x20];
	[tilespmem:s20+$0x0] =	vst v7;
	v7 =	vmov s23  }
0x2b8: {  	[tilespmem:s20+$0x50] =	vst v4;
	v4 =	vld [tilespmem:s20+$0xE0]  }
0x2b9: {  	[tilespmem:s20+$0x30] =	vst v2;
	v8 =	vld [tilespmem:s20+$0xC0]  }
0x2ba: {  	v2 =	vld [tilespmem:s1+$0x30];
	[tilespmem:s20+$0x10] =	vst v5  }
0x2bb: {  	[tilespmem:s20+$0x70] =	vst v3;
	v3 =	vld [tilespmem:s20+$0xA0]  }
0x2bc: {  	v5 =	vld.idx.msk [tilespmem:v7+s5+$0x0], $0xffff  }
0x2bd: {  	v7 =	vld [tilespmem:s20+$0x90]  }
0x2be: {  	v9 =	vld [tilespmem:s20+$0xB0]  }
0x2bf: {  	v10 =	vld [tilespmem:s20+$0xD0]  }
0x2c0: {  	v11 =	vld [tilespmem:s20+$0xF0];
	_ =	sdelay $0x1  }
0x2c1: {  	v6 =	vmul.f32 v6, v5;
	v7 =	vmul.f32 v7, v5  }
0x2c2: {  	s4 =	sadd.s32 s4, s21;
	v3 =	vmul.f32 v3, v5;
	v9 =	vmul.f32 v9, v5  }
0x2c3: {  	v12 =	vmov s4;
	s8 =	sadd.s32 $0x1, s4;
	s14 =	sadd.s32 $0x2, s4;
	s23 =	sadd.s32 $0x3, s4;
	[tilespmem:s20+$0x80] =	vst v6;
	v6 =	vmul.f32 v8, v5;
	v8 =	vmul.f32 v10, v5  }
0x2c4: {  	v10 =	vand.u32 $0xFFFFFFFC, v12;
	[tilespmem:s20+$0xA0] =	vst v3;
	v3 =	vmul.f32 v4, v5;
	v4 =	vmul.f32 v11, v5  }
0x2c5: {  	v5 =	vbroadcast v10, $0x0;
	v10 =	vmov s8;
	v11 =	vmov s14;
	[tilespmem:s20+$0xC0] =	vst v6  }
0x2c6: {  	v6 =	vand.u32 $0xFFFFFFFD, v10;
	v10 =	vand.u32 $0xFFFFFFFE, v11;
	[tilespmem:s20+$0xF0] =	vst v4  }
0x2c7: {  	v4 =	vld [tilespmem:s1+$0xFFFFFF40];
	[tilespmem:s20+$0xE0] =	vst v3  }
0x2c8: {  	v3 =	vld [tilespmem:s1+$0xFFFFFF50];
	[tilespmem:s20+$0x90] =	vst v7  }
0x2c9: {  	v7 =	vld [tilespmem:s1+$0xFFFFFF60];
	[tilespmem:s20+$0xB0] =	vst v9  }
0x2ca: {  	v9 =	vld [tilespmem:s1+$0xFFFFFF70];
	[tilespmem:s20+$0xD0] =	vst v8;
	s20 =	smov.u32 s1  }
0x2cb: {  	v5 =	vld.idx.msk [tilespmem:v5+s5+$0x0], $0xffff  }
0x2cc: {  	v8 =	vld [tilespmem:s1+$0xFFFFFF00]  }
0x2cd: {  	v11 =	vld [tilespmem:s1+$0xFFFFFF20]  }
0x2ce: {  	v12 =	vld [tilespmem:s1+$0xFFFFFF10]  }
0x2cf: {  	v13 =	vld [tilespmem:s1+$0xFFFFFF30];
	_ =	sdelay $0x1  }
0x2d0: {  	v9 =	vmul.f32 v9, v5;
	v8 =	vmul.f32 v8, v5  }
0x2d1: {  	v7 =	vmul.f32 v7, v5;
	v11 =	vmul.f32 v11, v5  }
0x2d2: {  	v3 =	vmul.f32 v3, v5;
	v12 =	vmul.f32 v12, v5;
	[tilespmem:s1+$0xFFFFFF70] =	vst v9  }
0x2d3: {  	v4 =	vmul.f32 v4, v5;
	[tilespmem:s1+$0xFFFFFF00] =	vst v8;
	v8 =	vmul.f32 v13, v5  }
0x2d4: {  	v5 =	vbroadcast v6, $0x0;
	[tilespmem:s1+$0xFFFFFF20] =	vst v11  }
0x2d5: {  	[tilespmem:s1+$0xFFFFFF50] =	vst v3  }
0x2d6: {  	[tilespmem:s1+$0xFFFFFF40] =	vst v4;
	v3 =	vld [tilespmem:s1+$0xFFFFFFF0]  }
0x2d7: {  	[tilespmem:s1+$0xFFFFFF60] =	vst v7;
	v4 =	vld [tilespmem:s1+$0xFFFFFFC0]  }
0x2d8: {  	[tilespmem:s1+$0xFFFFFF30] =	vst v8;
	v6 =	vld [tilespmem:s1+$0xFFFFFFD0]  }
0x2d9: {  	[tilespmem:s1+$0xFFFFFF10] =	vst v12;
	v7 =	vld [tilespmem:s1+$0xFFFFFF90]  }
0x2da: {  	v5 =	vld.idx.msk [tilespmem:v5+s5+$0x0], $0xffff  }
0x2db: {  	v8 =	vld [tilespmem:s1+$0xFFFFFF80]  }
0x2dc: {  	v9 =	vld [tilespmem:s1+$0xFFFFFFA0]  }
0x2dd: {  	v11 =	vld [tilespmem:s1+$0xFFFFFFB0]  }
0x2de: {  	v12 =	vld [tilespmem:s1+$0xFFFFFFE0];
	_ =	sdelay $0x1  }
0x2df: {  	v7 =	vmul.f32 v7, v5;
	v8 =	vmul.f32 v8, v5  }
0x2e0: {  	v6 =	vmul.f32 v6, v5;
	v9 =	vmul.f32 v9, v5  }
0x2e1: {  	v4 =	vmul.f32 v4, v5;
	[tilespmem:s1+$0xFFFFFF90] =	vst v7;
	v7 =	vmul.f32 v11, v5  }
0x2e2: {  	v3 =	vmul.f32 v3, v5;
	[tilespmem:s1+$0xFFFFFFA0] =	vst v9;
	v9 =	vmul.f32 v12, v5  }
0x2e3: {  	v5 =	vbroadcast v10, $0x0;
	[tilespmem:s1+$0xFFFFFF80] =	vst v8  }
0x2e4: {  	[tilespmem:s1+$0xFFFFFFB0] =	vst v7  }
0x2e5: {  	[tilespmem:s1+$0xFFFFFFC0] =	vst v4  }
0x2e6: {  	[tilespmem:s1+$0xFFFFFFD0] =	vst v6  }
.Ltmp20:
0x2e7: {  	[tilespmem:s1+$0xFFFFFFF0] =	vst v3;
	v4 =	vld [tilespmem:s1+$0x40];
	(pc) =	sbr.rel @p1 .LBB2_32-.Ltmp20, $4  }
0x2e8: {  	[tilespmem:s1+$0xFFFFFFE0] =	vst v9;
	v6 =	vld [tilespmem:s1+$0x60]  }
0x2e9: {  	v3 =	vld.idx.msk [tilespmem:v5+s5+$0x0], $0xffff  }
0x2ea: {  	v7 =	vld [tilespmem:s1+$0x0]  }
0x2eb: {  	v5 =	vld [tilespmem:s1+$0x10]  }
0x2ec: {  	_ =	sdelay $0x1  }
0x2ed: {  	v6 =	vmul.f32 v6, v3  }
0x2ee: {  	v8 =	vld [tilespmem:s20+$0x50];
	v4 =	vmul.f32 v4, v3  }
0x2ef: {  	v9 =	vld [tilespmem:s20+$0x70];
	v1 =	vmul.f32 v1, v3;
	[tilespmem:s20+$0x60] =	vst v6  }
0x2f0: {  	v6 =	vmul.f32 v7, v3;
	[tilespmem:s20+$0x40] =	vst v4  }
0x2f1: {  	[tilespmem:s20+$0x20] =	vst v1;
	v1 =	vmul.f32 v2, v3  }
0x2f2: {  	v5 =	vmul.f32 v5, v3;
	[tilespmem:s20+$0x0] =	vst v6;
	v6 =	vmov s23  }
0x2f3: {  	v4 =	vmul.f32 v8, v3;
	[tilespmem:s20+$0x30] =	vst v1  }
0x2f4: {  	v3 =	vmul.f32 v9, v3;
	[tilespmem:s20+$0x10] =	vst v5  }
0x2f5: {  	[tilespmem:s20+$0x50] =	vst v4  }
0x2f6: {  	v2 =	vld [tilespmem:s20+$0x80];
	[tilespmem:s20+$0x70] =	vst v3  }
0x2f7: {  	v1 =	vld.idx.msk [tilespmem:v6+s5+$0x0], $0xffff  }
0x2f8: {  	v3 =	vld [tilespmem:s20+$0xA0]  }
0x2f9: {  	v4 =	vld [tilespmem:s20+$0xC0]  }
0x2fa: {  	v5 =	vld [tilespmem:s20+$0xF0]  }
0x2fb: {  	v6 =	vld [tilespmem:s20+$0xE0]  }
0x2fc: {  	v7 =	vld [tilespmem:s20+$0x90];
	v2 =	vmul.f32 v2, v1  }
0x2fd: {  	v8 =	vld [tilespmem:s20+$0xB0];
	v3 =	vmul.f32 v3, v1  }
0x2fe: {  	v60 =	vld [tilespmem:s20+$0xD0];
	[tilespmem:s20+$0x80] =	vst v2;
	v2 =	vmul.f32 v4, v1  }
0x2ff: {  	[tilespmem:s20+$0xA0] =	vst v3;
	v3 =	vmul.f32 v5, v1  }
0x300: {  	v4 =	vmul.f32 v6, v1;
	[tilespmem:s20+$0xC0] =	vst v2  }
0x301: {  	v2 =	vmul.f32 v7, v1;
	[tilespmem:s20+$0xF0] =	vst v3  }
0x302: {  	v3 =	vmul.f32 v8, v1;
	[tilespmem:s20+$0xE0] =	vst v4  }
0x303: {  	v1 =	vmul.f32 v60, v1;
	[tilespmem:s20+$0x90] =	vst v2  }
0x304: {  	[tilespmem:s20+$0xB0] =	vst v3  }
0x305: {  	s1 =	sadd.s32 $0xFFFFFF80, s13;
	[tilespmem:s20+$0xD0] =	vst v1  }
0x306: {  	[spmem:s3] =	stream.indirect.scatter.add.f32 [tilespmem:s29], [sflag:$0x5], $0x80, s17, s6, $0xb8;
	[tilespmem:$0x1FD00] =	vst v63  }
0x307: {  	s4 =	sadd.s32 $0x100, s1;
	_ =	swait.ge [sflag:s9], $0x4000  }
0x308: {  	p1 =	seq.s32 s22, $0x27;
	v1 =	vmov s4;
	[sflag:s9] =	ssyncset.done $0x0  }
0x309: {  	s4 =	sshll.u32 @!p1 s15, $0x7;
	v1 =	vand.u32 $0xFFFFFFFC, v1;
	[sflag:s9] =	ssyncadd.s32 $0xFFFFC000  }
0x30a: {  	s8 =	simm.s32 @!p1 $0x80;
	s4 =	sadd.s32 @!p1 $0x100, s4;
	v1 =	vbroadcast v1, $0x0;
	_ =	swait.ge [sflag:s16], $0x4000  }
0x30b: {  	s14 =	simm.s32 @!p1 $0x3800;
	s4 =	sand.u32 @!p1 $0x700, s4;
	[sflag:s16] =	ssyncset.done $0x0  }
0x30c: {  	s4 =	sor.u32 @!p1 $0x2800, s4;
	s15 =	rddreg [dreg:$0x8];
	[sflag:s16] =	ssyncadd.s32 $0xFFFFC000  }
0x30d: {  	[tilespmem:s14], [sflag:$0x1] =	stream.indirect.gather @!p1 [hbm4b:s15+s8], $0x80, s4, s8, $0xb8;
	[tilespmem:$0x1FD00] =	vst v63  }
0x30e: {  	s15 =	simm.s32 $0x7900  }
0x30f: {  	v2 =	vld [tilespmem:s15+$0xFFFFFF70]  }
0x310: {  	v1 =	vld.idx.msk [tilespmem:v1+s5+$0x0], $0xffff  }
0x311: {  	v3 =	vld [tilespmem:s15+$0xFFFFFF00]  }
0x312: {  	v4 =	vld [tilespmem:s15+$0xFFFFFF20]  }
0x313: {  	v5 =	vld [tilespmem:s15+$0xFFFFFF50]  }
0x314: {  	v6 =	vld [tilespmem:s15+$0xFFFFFF40]  }
0x315: {  	v7 =	vld [tilespmem:s15+$0xFFFFFF60];
	v2 =	vmul.f32 v2, v1  }
0x316: {  	s20 =	sadd.s32 $0x101, s1;
	v8 =	vld [tilespmem:s15+$0xFFFFFF30];
	v3 =	vmul.f32 v3, v1  }
0x317: {  	v61 =	vmov s20;
	v10 =	vld [tilespmem:s15+$0xFFFFFF10];
	v4 =	vmul.f32 v4, v1;
	[tilespmem:s15+$0xFFFFFF70] =	vst v2  }
0x318: {  	v5 =	vmul.f32 v5, v1;
	v2 =	vand.u32 $0xFFFFFFFD, v61;
	[tilespmem:s15+$0xFFFFFF00] =	vst v3  }
0x319: {  	v3 =	vmul.f32 v6, v1;
	[tilespmem:s15+$0xFFFFFF20] =	vst v4;
	v2 =	vbroadcast v2, $0x0  }
0x31a: {  	v4 =	vmul.f32 v7, v1;
	[tilespmem:s15+$0xFFFFFF50] =	vst v5  }
0x31b: {  	v5 =	vmul.f32 v8, v1;
	[tilespmem:s15+$0xFFFFFF40] =	vst v3  }
0x31c: {  	v1 =	vmul.f32 v10, v1;
	[tilespmem:s15+$0xFFFFFF60] =	vst v4  }
0x31d: {  	[tilespmem:s15+$0xFFFFFF30] =	vst v5  }
0x31e: {  	[tilespmem:s15+$0xFFFFFF10] =	vst v1;
	v1 =	vld [tilespmem:s15+$0xFFFFFF90]  }
0x31f: {  	v3 =	vld.idx.msk [tilespmem:v2+s5+$0x0], $0xffff  }
0x320: {  	v2 =	vld [tilespmem:s15+$0xFFFFFFA0]  }
0x321: {  	v4 =	vld [tilespmem:s15+$0xFFFFFF80]  }
0x322: {  	v5 =	vld [tilespmem:s15+$0xFFFFFFB0]  }
0x323: {  	v6 =	vld [tilespmem:s15+$0xFFFFFFC0]  }
0x324: {  	v7 =	vld [tilespmem:s15+$0xFFFFFFD0];
	v1 =	vmul.f32 v1, v3  }
0x325: {  	s23 =	sadd.s32 $0x102, s1;
	v8 =	vld [tilespmem:s15+$0xFFFFFFF0];
	v2 =	vmul.f32 v2, v3  }
0x326: {  	v62 =	vmov s23;
	v63 =	vld [tilespmem:s15+$0xFFFFFFE0];
	v4 =	vmul.f32 v4, v3;
	[tilespmem:s15+$0xFFFFFF90] =	vst v1  }
0x327: {  	v5 =	vmul.f32 v5, v3;
	v1 =	vand.u32 $0xFFFFFFFE, v62;
	[tilespmem:s15+$0xFFFFFFA0] =	vst v2  }
0x328: {  	v2 =	vmul.f32 v6, v3;
	[tilespmem:s15+$0xFFFFFF80] =	vst v4;
	v6 =	vld [tilespmem:s15+$0x60];
	v9 =	vbroadcast v1, $0x0  }
0x329: {  	v4 =	vmul.f32 v7, v3;
	[tilespmem:s15+$0xFFFFFFB0] =	vst v5;
	v7 =	vld [tilespmem:s15+$0x0]  }
0x32a: {  	v5 =	vmul.f32 v8, v3;
	v1 =	vld [tilespmem:s15+$0x20];
	[tilespmem:s15+$0xFFFFFFC0] =	vst v2  }
0x32b: {  	v3 =	vmul.f32 v63, v3;
	v2 =	vld [tilespmem:s15+$0x30];
	[tilespmem:s15+$0xFFFFFFD0] =	vst v4  }
0x32c: {  	[tilespmem:s15+$0xFFFFFFF0] =	vst v5;
	v4 =	vld [tilespmem:s15+$0x40]  }
0x32d: {  	[tilespmem:s15+$0xFFFFFFE0] =	vst v3;
	v5 =	vld [tilespmem:s15+$0x10]  }
0x32e: {  	s19 =	simm.s32 $0x7900;
	s1 =	sadd.s32 $0x103, s1;
	s17 =	simm.s32 $0xFFFFFF84;
	v3 =	vld.idx.msk [tilespmem:v9+s5+$0x0], $0xffff  }
.LBB2_34:
0x32f: {  	p1 =	sne.s32 s17, $0xFFFFFFFC  }
0x330: {  	v8 =	vld [tilespmem:s15+$0x50];
	s19 =	sadd.s32 $0x200, s19;
	s4 =	smov.u32 s17;
	s17 =	sadd.s32 $0x4, s17  }
0x331: {  	v9 =	vld [tilespmem:s15+$0x70];
	_ =	sdelay $0x1  }
0x332: {  	v6 =	vmul.f32 v6, v3;
	v7 =	vmul.f32 v7, v3  }
0x333: {  	v4 =	vmul.f32 v4, v3;
	v5 =	vmul.f32 v5, v3  }
0x334: {  	v1 =	vmul.f32 v1, v3;
	v2 =	vmul.f32 v2, v3;
	[tilespmem:s15+$0x60] =	vst v6  }
0x335: {  	[tilespmem:s15+$0x40] =	vst v4;
	v4 =	vmul.f32 v8, v3;
	v3 =	vmul.f32 v9, v3  }
0x336: {  	[tilespmem:s15+$0x20] =	vst v1;
	v6 =	vld [tilespmem:s15+$0x80]  }
0x337: {  	v1 =	vld [tilespmem:s19+$0x20];
	[tilespmem:s15+$0x0] =	vst v7;
	v7 =	vmov s1  }
0x338: {  	[tilespmem:s15+$0x50] =	vst v4;
	v4 =	vld [tilespmem:s15+$0xE0]  }
0x339: {  	[tilespmem:s15+$0x30] =	vst v2;
	v8 =	vld [tilespmem:s15+$0xC0]  }
0x33a: {  	v2 =	vld [tilespmem:s19+$0x30];
	[tilespmem:s15+$0x10] =	vst v5  }
0x33b: {  	[tilespmem:s15+$0x70] =	vst v3;
	v3 =	vld [tilespmem:s15+$0xA0]  }
0x33c: {  	v5 =	vld.idx.msk [tilespmem:v7+s5+$0x0], $0xffff  }
0x33d: {  	v7 =	vld [tilespmem:s15+$0x90]  }
0x33e: {  	v9 =	vld [tilespmem:s15+$0xB0]  }
0x33f: {  	v10 =	vld [tilespmem:s15+$0xD0]  }
0x340: {  	v11 =	vld [tilespmem:s15+$0xF0];
	_ =	sdelay $0x1  }
0x341: {  	s1 =	sadd.s32 s4, s13;
	v6 =	vmul.f32 v6, v5;
	v7 =	vmul.f32 v7, v5  }
0x342: {  	s4 =	sadd.s32 $0x100, s1;
	s8 =	sadd.s32 $0x101, s1;
	s14 =	sadd.s32 $0x102, s1;
	v3 =	vmul.f32 v3, v5;
	v9 =	vmul.f32 v9, v5  }
0x343: {  	s1 =	sadd.s32 $0x103, s1;
	v12 =	vmov s4;
	[tilespmem:s15+$0x80] =	vst v6;
	v6 =	vmul.f32 v8, v5;
	v8 =	vmul.f32 v10, v5  }
0x344: {  	v10 =	vand.u32 $0xFFFFFFFC, v12;
	[tilespmem:s15+$0xA0] =	vst v3;
	v3 =	vmul.f32 v4, v5;
	v4 =	vmul.f32 v11, v5  }
0x345: {  	v5 =	vbroadcast v10, $0x0;
	v10 =	vmov s8;
	v11 =	vmov s14;
	[tilespmem:s15+$0xC0] =	vst v6  }
0x346: {  	v6 =	vand.u32 $0xFFFFFFFD, v10;
	v10 =	vand.u32 $0xFFFFFFFE, v11;
	[tilespmem:s15+$0xF0] =	vst v4  }
0x347: {  	v4 =	vld [tilespmem:s19+$0xFFFFFF40];
	[tilespmem:s15+$0xE0] =	vst v3  }
0x348: {  	v3 =	vld [tilespmem:s19+$0xFFFFFF50];
	[tilespmem:s15+$0x90] =	vst v7  }
0x349: {  	v7 =	vld [tilespmem:s19+$0xFFFFFF60];
	[tilespmem:s15+$0xB0] =	vst v9  }
0x34a: {  	v9 =	vld [tilespmem:s19+$0xFFFFFF70];
	[tilespmem:s15+$0xD0] =	vst v8;
	s15 =	smov.u32 s19  }
0x34b: {  	v5 =	vld.idx.msk [tilespmem:v5+s5+$0x0], $0xffff  }
0x34c: {  	v8 =	vld [tilespmem:s19+$0xFFFFFF00]  }
0x34d: {  	v11 =	vld [tilespmem:s19+$0xFFFFFF20]  }
0x34e: {  	v12 =	vld [tilespmem:s19+$0xFFFFFF10]  }
0x34f: {  	v13 =	vld [tilespmem:s19+$0xFFFFFF30];
	_ =	sdelay $0x1  }
0x350: {  	v9 =	vmul.f32 v9, v5;
	v8 =	vmul.f32 v8, v5  }
0x351: {  	v7 =	vmul.f32 v7, v5;
	v11 =	vmul.f32 v11, v5  }
0x352: {  	v3 =	vmul.f32 v3, v5;
	v12 =	vmul.f32 v12, v5;
	[tilespmem:s19+$0xFFFFFF70] =	vst v9  }
0x353: {  	v4 =	vmul.f32 v4, v5;
	[tilespmem:s19+$0xFFFFFF00] =	vst v8;
	v8 =	vmul.f32 v13, v5  }
0x354: {  	v5 =	vbroadcast v6, $0x0;
	[tilespmem:s19+$0xFFFFFF20] =	vst v11  }
0x355: {  	[tilespmem:s19+$0xFFFFFF50] =	vst v3  }
0x356: {  	[tilespmem:s19+$0xFFFFFF40] =	vst v4;
	v3 =	vld [tilespmem:s19+$0xFFFFFFF0]  }
0x357: {  	[tilespmem:s19+$0xFFFFFF60] =	vst v7;
	v4 =	vld [tilespmem:s19+$0xFFFFFFC0]  }
0x358: {  	[tilespmem:s19+$0xFFFFFF30] =	vst v8;
	v6 =	vld [tilespmem:s19+$0xFFFFFFD0]  }
0x359: {  	[tilespmem:s19+$0xFFFFFF10] =	vst v12;
	v7 =	vld [tilespmem:s19+$0xFFFFFF90]  }
0x35a: {  	v5 =	vld.idx.msk [tilespmem:v5+s5+$0x0], $0xffff  }
0x35b: {  	v8 =	vld [tilespmem:s19+$0xFFFFFF80]  }
0x35c: {  	v9 =	vld [tilespmem:s19+$0xFFFFFFA0]  }
0x35d: {  	v11 =	vld [tilespmem:s19+$0xFFFFFFB0]  }
0x35e: {  	v12 =	vld [tilespmem:s19+$0xFFFFFFE0];
	_ =	sdelay $0x1  }
0x35f: {  	v7 =	vmul.f32 v7, v5;
	v8 =	vmul.f32 v8, v5  }
0x360: {  	v6 =	vmul.f32 v6, v5;
	v9 =	vmul.f32 v9, v5  }
0x361: {  	v4 =	vmul.f32 v4, v5;
	[tilespmem:s19+$0xFFFFFF90] =	vst v7;
	v7 =	vmul.f32 v11, v5  }
0x362: {  	v3 =	vmul.f32 v3, v5;
	[tilespmem:s19+$0xFFFFFFA0] =	vst v9;
	v9 =	vmul.f32 v12, v5  }
0x363: {  	v5 =	vbroadcast v10, $0x0;
	[tilespmem:s19+$0xFFFFFF80] =	vst v8  }
0x364: {  	[tilespmem:s19+$0xFFFFFFB0] =	vst v7  }
0x365: {  	[tilespmem:s19+$0xFFFFFFC0] =	vst v4  }
0x366: {  	[tilespmem:s19+$0xFFFFFFD0] =	vst v6  }
.Ltmp21:
0x367: {  	[tilespmem:s19+$0xFFFFFFF0] =	vst v3;
	v4 =	vld [tilespmem:s19+$0x40];
	(pc) =	sbr.rel @p1 .LBB2_34-.Ltmp21, $4  }
0x368: {  	[tilespmem:s19+$0xFFFFFFE0] =	vst v9;
	v6 =	vld [tilespmem:s19+$0x60]  }
0x369: {  	v3 =	vld.idx.msk [tilespmem:v5+s5+$0x0], $0xffff  }
0x36a: {  	v7 =	vld [tilespmem:s19+$0x0]  }
0x36b: {  	v5 =	vld [tilespmem:s19+$0x10]  }
0x36c: {  	_ =	sdelay $0x1  }
0x36d: {  	v6 =	vmul.f32 v6, v3  }
0x36e: {  	v8 =	vld [tilespmem:s15+$0x50];
	v4 =	vmul.f32 v4, v3  }
0x36f: {  	v9 =	vld [tilespmem:s15+$0x70];
	v1 =	vmul.f32 v1, v3;
	[tilespmem:s15+$0x60] =	vst v6  }
0x370: {  	v54 =	vmul.f32 v7, v3;
	[tilespmem:s15+$0x40] =	vst v4  }
0x371: {  	[tilespmem:s15+$0x20] =	vst v1;
	v1 =	vmul.f32 v2, v3  }
0x372: {  	v56 =	vmov s1;
	v5 =	vmul.f32 v5, v3;
	[tilespmem:s15+$0x0] =	vst v54  }
0x373: {  	v55 =	vmul.f32 v8, v3;
	[tilespmem:s15+$0x30] =	vst v1  }
0x374: {  	v3 =	vmul.f32 v9, v3;
	[tilespmem:s15+$0x10] =	vst v5  }
0x375: {  	[tilespmem:s15+$0x50] =	vst v55  }
0x376: {  	v2 =	vld [tilespmem:s15+$0x80];
	[tilespmem:s15+$0x70] =	vst v3  }
0x377: {  	v1 =	vld.idx.msk [tilespmem:v56+s5+$0x0], $0xffff  }
0x378: {  	v3 =	vld [tilespmem:s15+$0xA0]  }
0x379: {  	v59 =	vld [tilespmem:s15+$0xE0]  }
0x37a: {  	v57 =	vld [tilespmem:s15+$0xC0]  }
0x37b: {  	v58 =	vld [tilespmem:s15+$0xF0]  }
0x37c: {  	v60 =	vld [tilespmem:s15+$0x90];
	v2 =	vmul.f32 v2, v1  }
0x37d: {  	v61 =	vld [tilespmem:s15+$0xB0];
	v3 =	vmul.f32 v3, v1  }
0x37e: {  	v62 =	vld [tilespmem:s15+$0xD0];
	v63 =	vmul.f32 v59, v1;
	[tilespmem:s15+$0x80] =	vst v2  }
0x37f: {  	v2 =	vmul.f32 v57, v1;
	[tilespmem:s15+$0xA0] =	vst v3  }
0x380: {  	s22 =	sadd.s32 $0x1, s22;
	v3 =	vmul.f32 v58, v1;
	[tilespmem:s15+$0xE0] =	vst v63  }
0x381: {  	p1 =	sne.s32 s22, $0x28;
	[tilespmem:s15+$0xC0] =	vst v2;
	v2 =	vmul.f32 v60, v1  }
.Ltmp22:
0x382: {  	[tilespmem:s15+$0xF0] =	vst v3;
	v3 =	vmul.f32 v61, v1;
	(pc) =	sbr.rel @p1 .LBB2_26-.Ltmp22, $4  }
.Ltmp23:
0x383: {  	v1 =	vmul.f32 v62, v1;
	[tilespmem:s15+$0x90] =	vst v2;
	(pc) =	sbr.rel @!p1 .LBB2_36-.Ltmp23, $4  }
0x384: {  	[tilespmem:s15+$0xB0] =	vst v3  }
0x385: {  	s23 =	simm.s32 $0x7800;
	s21 =	sadd.s32 $0x100, s21;
	[tilespmem:s15+$0xD0] =	vst v1  }
0x386: {  	[spmem:s3] =	stream.indirect.scatter.add.f32 [tilespmem:s23], [sflag:$0x6], $0x80, s25, s6, $0xb8;
	[tilespmem:$0x1FD00] =	vst v63  }
0x387: {  	_ = 	snop  }
.LBB2_30:
.Ltmp24:
0x388: {  	(pc) =	sbr.rel .LBB2_31-.Ltmp24, $2  }
0x389: {  	_ =	sdelay $0x2  }
0x38a: {  	s15 =	simm.s32 $0x0;
	p1 =	por $0x1, $0x1  }
.LBB2_36:
0x38b: {  	_ =	swait.ge [sflag:s0], $0x80  }
0x38c: {  	[sflag:s0] =	ssyncset.done $0x0  }
0x38d: {  	[sflag:s0] =	ssyncadd.s32 $0xFFFFFF80  }
0x38e: {  	_ =	swait.ge [sflag:s31], $0x80  }
0x38f: {  	[sflag:s31] =	ssyncset.done $0x0  }
0x390: {  	s1 =	simm.s32 $0x6;
	[sflag:s31] =	ssyncadd.s32 $0xFFFFFF80  }
0x391: {  	_ =	swait.ge [sflag:s1], $0x4000  }
0x392: {  	[sflag:s1] =	ssyncset.done $0x0  }
0x393: {  	[sflag:s1] =	ssyncadd.s32 $0xFFFFC000  }
0x394: {  	[bflag:$0x0] =	sbarrier.arrive $0xFFFF  }
0x395: {  	s25 =	rddreg [dreg:$0xe]  }
0x396: {  	[tilespmem:s30], [sflag:$0x7] =	stream.linear.gather [spmem:s25], $0x280, $0x38;
	[tilespmem:$0x1FD00] =	vst v63  }
0x397: {  	_ =	swait.ge [sflag:s26], $0x280  }
0x398: {  	[sflag:s26] =	ssyncset.done $0x0  }
0x399: {  	s13 =	simm.s32 $0x40;
	s1 =	simm.s32 $0x0;
	[sflag:s26] =	ssyncadd.s32 $0xFFFFFD80  }
.LBB2_37:
0x39a: {  	p1 =	sne.s32 s13, $0x9C0;
	v1 =	vld [tilespmem:s1+$0xB800];
	_ =	sdelay $0x4  }
0x39b: {  	vm0 =	vgt.f32 v1, $0.0e+00  }
0x39c: {  	v1 =	vnsel vm0, $0x3F800000, v1  }
0x39d: {  	(erf) = vrcp.f32 v1;
	_ =	sdelay $0x6  }
.Ltmp25:
0x39e: {  	(pc) =	sbr.rel @p1 .LBB2_37-.Ltmp25, $4  }
0x39f: {  	_ = 	snop  }
0x3a0: {  	v1 =	vpop (erf)  }
0x3a1: {  	v1 =	vnsel vm0, $0x0, v1  }
0x3a2: {  	[tilespmem:s1+$0xB800] =	vst v1;
	s1 =	sshra.s32 s13, $0x2;
	s13 =	sadd.s32 $0x40, s13  }
0x3a3: {  	v1 =	vld [tilespmem:s1+$0xB800];
	_ =	sdelay $0x4  }
0x3a4: {  	vm0 =	vgt.f32 v1, $0.0e+00  }
0x3a5: {  	v1 =	vnsel vm0, $0x3F800000, v1  }
0x3a6: {  	(erf) = vrcp.f32 v1;
	_ =	sdelay $0x6  }
.Ltmp26:
0x3a7: {  	_ = 	snop;
	(pc) =	sbr.rel @p0 .LBB2_42-.Ltmp26, $4  }
0x3a8: {  	_ = 	snop  }
0x3a9: {  	v1 =	vpop (erf)  }
0x3aa: {  	v1 =	vnsel vm0, $0x0, v1  }
0x3ab: {  	s21 =	simm.s32 $0x0;
	s13 =	simm.s32 $0x0;
	s22 =	simm.s32 $0x0;
	[tilespmem:s1+$0xB800] =	vst v1  }
.LBB2_39:
0x3ac: {  	s1 =	sshll.u32 s13, $0x7  }
0x3ad: {  	s22 =	sadd.s32 s7, s1  }
0x3ae: {  	s1 =	sshll.u32 s22, $0x7  }
0x3af: {  	s1 =	sand.u32 $0x3FFFFF80, s1  }
0x3b0: {  	s1 =	sadd.s32 s1, s3  }
0x3b1: {  	[tilespmem:s29], [sflag:$0x8] =	stream.linear.gather [spmem:s1], $0x4000, $0x38;
	[tilespmem:$0x1FD00] =	vst v63  }
0x3b2: {  	s25 =	sadd.s32 $0x0, s21;
	_ =	swait.ge [sflag:s18], $0x4000  }
0x3b3: {  	v1 =	vmov s25;
	[sflag:s18] =	ssyncset.done $0x0  }
0x3b4: {  	s17 =	simm.s32 $0x3840;
	[sflag:s18] =	ssyncadd.s32 $0xFFFFC000  }
0x3b5: {  	v2 =	vld [tilespmem:s17+$0x30]  }
0x3b6: {  	v3 =	vld [tilespmem:s17+$0xFFFFFFC0]  }
0x3b7: {  	v4 =	vld [tilespmem:s17+$0xFFFFFFD0]  }
0x3b8: {  	v1 =	vld.idx.msk [tilespmem:v1+s30+$0x0], $0xffff  }
0x3b9: {  	v5 =	vld [tilespmem:s17+$0x20]  }
0x3ba: {  	v6 =	vld [tilespmem:s17+$0xFFFFFFE0];
	_ =	sdelay $0x2  }
0x3bb: {  	v10 =	vld [tilespmem:s17+$0xFFFFFFF0];
	v4 =	vmul.f32 v4, v1;
	v8 =	vmul.f32 v2, v1  }
0x3bc: {  	v11 =	vld [tilespmem:s17+$0x0];
	v7 =	vmul.f32 v3, v1;
	v9 =	vmul.f32 v5, v1  }
0x3bd: {  	v3 =	vld [tilespmem:s17+$0x10];
	v6 =	vmul.f32 v6, v1;
	v2 =	vmul.f32 $1.442695020e+00, v8  }
0x3be: {  	v12 =	vmul.f32 $1.442695020e+00, v4;
	v13 =	vmul.f32 $1.442695020e+00, v7  }
0x3bf: {  	v5 =	vmul.f32 $1.442695020e+00, v9;
	(erf) = vpow2.f32 v2  }
0x3c0: {  	v2 =	vmul.f32 v10, v1;
	v10 =	vmul.f32 $1.442695020e+00, v6  }
0x3c1: {  	(erf) = vpow2.f32 v5;
	v5 =	vmul.f32 v11, v1  }
0x3c2: {  	s4 =	sadd.s32 $0x1, s21;
	v3 =	vmul.f32 v3, v1;
	(erf) = vpow2.f32 v13  }
0x3c3: {  	s19 =	simm.s32 $0x38C0;
	s15 =	simm.s32 $0x38C0;
	s1 =	simm.s32 $0x2;
	v1 =	vmov s4;
	v11 =	vmul.f32 $1.442695020e+00, v5;
	(erf) = vpow2.f32 v12  }
.LBB2_40:
0x3c4: {  	p1 =	sne.s32 s1, $0x7F  }
0x3c5: {  	s19 =	sadd.s32 $0x80, s19;
	v12 =	vmul.f32 $1.442695020e+00, v2;
	(erf) = vpow2.f32 v10;
	s4 =	smov.u32 s1;
	s1 =	sadd.s32 $0x1, s1  }
0x3c6: {  	v10 =	vmul.f32 $1.442695020e+00, v3;
	(erf) = vpow2.f32 v11  }
0x3c7: {  	(erf) = vpow2.f32 v12  }
0x3c8: {  	s4 =	sadd.s32 s4, s21;
	(erf) = vpow2.f32 v10  }
0x3c9: {  	v10 =	vmov s4;
	v11 =	vpop (erf)  }
0x3ca: {  	v11 =	vadd.f32 $-1.000000000e+00, v11;
	v12 =	vpop (erf)  }
0x3cb: {  	vm0 =	vgt.f32 v8, $0.0e+00;
	v12 =	vadd.f32 $-1.000000000e+00, v12;
	v13 =	vpop (erf)  }
0x3cc: {  	vm1 =	vgt.f32 v9, $0.0e+00;
	v13 =	vadd.f32 $-1.000000000e+00, v13;
	v11 =	vsel vm0, v8, v11  }
0x3cd: {  	vm0 =	vgt.f32 v7, $0.0e+00;
	v12 =	vsel vm1, v9, v12;
	[tilespmem:s17+$0x30] =	vst v11;
	v8 =	vpop (erf)  }
0x3ce: {  	v7 =	vsel vm0, v7, v13;
	v8 =	vadd.f32 $-1.000000000e+00, v8;
	[tilespmem:s17+$0x20] =	vst v12;
	v9 =	vpop (erf)  }
0x3cf: {  	vm1 =	vgt.f32 v2, $0.0e+00;
	vm0 =	vgt.f32 v4, $0.0e+00;
	[tilespmem:s17+$0xFFFFFFC0] =	vst v7;
	v11 =	vadd.f32 $-1.000000000e+00, v9;
	v9 =	vpop (erf)  }
0x3d0: {  	v4 =	vsel vm0, v4, v8;
	vm0 =	vgt.f32 v6, $0.0e+00;
	v8 =	vadd.f32 $-1.000000000e+00, v9;
	v9 =	vpop (erf)  }
0x3d1: {  	[tilespmem:s17+$0xFFFFFFD0] =	vst v4;
	v4 =	vsel vm0, v6, v11;
	v6 =	vadd.f32 $-1.000000000e+00, v9;
	vm0 =	vgt.f32 v5, $0.0e+00;
	v7 =	vpop (erf)  }
0x3d2: {  	v9 =	vld [tilespmem:s15+$0x30];
	[tilespmem:s17+$0xFFFFFFE0] =	vst v4;
	v4 =	vsel vm0, v5, v8;
	vm0 =	vgt.f32 v3, $0.0e+00;
	v5 =	vadd.f32 $-1.000000000e+00, v7  }
0x3d3: {  	v7 =	vld [tilespmem:s15+$0xFFFFFFC0];
	v2 =	vsel vm1, v2, v6;
	[tilespmem:s17+$0x0] =	vst v4  }
0x3d4: {  	v4 =	vld [tilespmem:s15+$0xFFFFFFD0];
	[tilespmem:s17+$0xFFFFFFF0] =	vst v2;
	v2 =	vsel vm0, v3, v5  }
0x3d5: {  	v3 =	vld [tilespmem:s15+$0x0];
	[tilespmem:s17+$0x10] =	vst v2;
	s17 =	smov.u32 s15;
	s15 =	smov.u32 s19  }
0x3d6: {  	v11 =	vld.idx.msk [tilespmem:v1+s30+$0x0], $0xffff;
	v1 =	vmov v10  }
0x3d7: {  	v2 =	vld [tilespmem:s17+$0xFFFFFFE0]  }
0x3d8: {  	v5 =	vld [tilespmem:s17+$0x20];
	_ =	sdelay $0x3  }
0x3d9: {  	v4 =	vmul.f32 v4, v11;
	v8 =	vmul.f32 v9, v11;
	v10 =	vld [tilespmem:s17+$0xFFFFFFF0]  }
0x3da: {  	v7 =	vmul.f32 v7, v11;
	v9 =	vmul.f32 v5, v11  }
0x3db: {  	v12 =	vmul.f32 $1.442695020e+00, v4;
	v5 =	vmul.f32 $1.442695020e+00, v8;
	v13 =	vld [tilespmem:s17+$0x10]  }
0x3dc: {  	v14 =	vmul.f32 $1.442695020e+00, v7;
	v15 =	vmul.f32 $1.442695020e+00, v9  }
.Ltmp27:
0x3dd: {  	v6 =	vmul.f32 v2, v11;
	(erf) = vpow2.f32 v5;
	(pc) =	sbr.rel @p1 .LBB2_40-.Ltmp27, $4  }
0x3de: {  	v2 =	vmul.f32 v10, v11;
	(erf) = vpow2.f32 v15  }
0x3df: {  	v5 =	vmul.f32 v3, v11;
	(erf) = vpow2.f32 v14  }
0x3e0: {  	v10 =	vmul.f32 $1.442695020e+00, v6;
	v3 =	vmul.f32 v13, v11  }
0x3e1: {  	v11 =	vmul.f32 $1.442695020e+00, v5;
	(erf) = vpow2.f32 v12  }
0x3e2: {  	(erf) = vpow2.f32 v10;
	v24 =	vmul.f32 $1.442695020e+00, v2  }
0x3e3: {  	v25 =	vmul.f32 $1.442695020e+00, v3;
	(erf) = vpow2.f32 v11  }
0x3e4: {  	(erf) = vpow2.f32 v24  }
0x3e5: {  	(erf) = vpow2.f32 v25;
	_ =	sdelay $0x1  }
0x3e6: {  	v26 =	vpop (erf)  }
0x3e7: {  	v10 =	vadd.f32 $-1.000000000e+00, v26;
	v27 =	vpop (erf)  }
0x3e8: {  	vm0 =	vgt.f32 v8, $0.0e+00;
	v11 =	vadd.f32 $-1.000000000e+00, v27;
	v12 =	vpop (erf)  }
0x3e9: {  	vm1 =	vgt.f32 v9, $0.0e+00;
	v12 =	vadd.f32 $-1.000000000e+00, v12;
	v8 =	vsel vm0, v8, v10;
	v28 =	vpop (erf)  }
0x3ea: {  	vm14 =	vgt.f32 v7, $0.0e+00;
	v9 =	vsel vm1, v9, v11;
	[tilespmem:s17+$0x30] =	vst v8;
	v29 =	vadd.f32 $-1.000000000e+00, v28;
	v30 =	vpop (erf)  }
0x3eb: {  	vm15 =	vgt.f32 v4, $0.0e+00;
	v7 =	vsel vm14, v7, v12;
	[tilespmem:s17+$0x20] =	vst v9;
	v31 =	vadd.f32 $-1.000000000e+00, v30;
	v32 =	vpop (erf)  }
0x3ec: {  	vm4 =	vgt.f32 v6, $0.0e+00;
	[tilespmem:s17+$0xFFFFFFC0] =	vst v7;
	v4 =	vsel vm15, v4, v29;
	v33 =	vadd.f32 $-1.000000000e+00, v32;
	v34 =	vpop (erf)  }
0x3ed: {  	vm5 =	vgt.f32 v5, $0.0e+00;
	[tilespmem:s17+$0xFFFFFFD0] =	vst v4;
	v35 =	vsel vm4, v6, v31;
	v36 =	vadd.f32 $-1.000000000e+00, v34;
	v39 =	vpop (erf)  }
0x3ee: {  	vm6 =	vgt.f32 v2, $0.0e+00;
	v37 =	vld [tilespmem:s15+$0x30];
	[tilespmem:s17+$0xFFFFFFE0] =	vst v35;
	v38 =	vsel vm5, v5, v33;
	v41 =	vadd.f32 $-1.000000000e+00, v39  }
0x3ef: {  	vm7 =	vgt.f32 v3, $0.0e+00;
	v40 =	vld [tilespmem:s15+$0xFFFFFFC0];
	[tilespmem:s17+$0x0] =	vst v38;
	v2 =	vsel vm6, v2, v36  }
0x3f0: {  	v42 =	vld [tilespmem:s15+$0xFFFFFFD0];
	[tilespmem:s17+$0xFFFFFFF0] =	vst v2;
	v2 =	vsel vm7, v3, v41  }
0x3f1: {  	v3 =	vld [tilespmem:s15+$0x0];
	[tilespmem:s17+$0x10] =	vst v2  }
0x3f2: {  	v1 =	vld.idx.msk [tilespmem:v1+s30+$0x0], $0xffff  }
0x3f3: {  	v2 =	vld [tilespmem:s15+$0x20]  }
0x3f4: {  	v43 =	vld [tilespmem:s15+$0xFFFFFFE0]  }
0x3f5: {  	v44 =	vld [tilespmem:s15+$0xFFFFFFF0];
	_ =	sdelay $0x1  }
0x3f6: {  	v46 =	vld [tilespmem:s15+$0x10]  }
0x3f7: {  	v5 =	vmul.f32 v42, v1;
	v8 =	vmul.f32 v37, v1  }
0x3f8: {  	v7 =	vmul.f32 v40, v1;
	v2 =	vmul.f32 v2, v1  }
0x3f9: {  	v4 =	vmul.f32 v43, v1;
	v6 =	vmul.f32 v44, v1  }
0x3fa: {  	v3 =	vmul.f32 v3, v1;
	v47 =	vmul.f32 $1.442695020e+00, v8  }
0x3fb: {  	v1 =	vmul.f32 v46, v1;
	v13 =	vmul.f32 $1.442695020e+00, v2  }
0x3fc: {  	v48 =	vmul.f32 $1.442695020e+00, v7;
	(erf) = vpow2.f32 v47  }
0x3fd: {  	v45 =	vmul.f32 $1.442695020e+00, v5;
	(erf) = vpow2.f32 v13  }
0x3fe: {  	v49 =	vmul.f32 $1.442695020e+00, v4;
	(erf) = vpow2.f32 v48  }
0x3ff: {  	v50 =	vmul.f32 $1.442695020e+00, v3;
	(erf) = vpow2.f32 v45  }
0x400: {  	v51 =	vmul.f32 $1.442695020e+00, v6;
	(erf) = vpow2.f32 v49  }
0x401: {  	v52 =	vmul.f32 $1.442695020e+00, v1;
	(erf) = vpow2.f32 v50  }
0x402: {  	(erf) = vpow2.f32 v51  }
0x403: {  	(erf) = vpow2.f32 v52;
	_ =	sdelay $0x1  }
0x404: {  	v53 =	vpop (erf)  }
0x405: {  	v9 =	vadd.f32 $-1.000000000e+00, v53;
	v54 =	vpop (erf)  }
0x406: {  	vm8 =	vgt.f32 v8, $0.0e+00;
	v10 =	vadd.f32 $-1.000000000e+00, v54;
	v55 =	vpop (erf)  }
0x407: {  	vm9 =	vgt.f32 v2, $0.0e+00;
	v11 =	vadd.f32 $-1.000000000e+00, v55;
	v8 =	vsel vm8, v8, v9;
	v56 =	vpop (erf)  }
0x408: {  	vm10 =	vgt.f32 v7, $0.0e+00;
	v2 =	vsel vm9, v2, v10;
	[tilespmem:s15+$0x30] =	vst v8;
	v57 =	vadd.f32 $-1.000000000e+00, v56;
	v58 =	vpop (erf)  }
0x409: {  	vm11 =	vgt.f32 v5, $0.0e+00;
	v7 =	vsel vm10, v7, v11;
	[tilespmem:s15+$0x20] =	vst v2;
	v2 =	vadd.f32 $-1.000000000e+00, v58;
	v59 =	vpop (erf)  }
0x40a: {  	vm12 =	vgt.f32 v4, $0.0e+00;
	[tilespmem:s15+$0xFFFFFFC0] =	vst v7;
	v5 =	vsel vm11, v5, v57;
	v60 =	vadd.f32 $-1.000000000e+00, v59;
	v61 =	vpop (erf)  }
0x40b: {  	vm13 =	vgt.f32 v3, $0.0e+00;
	[tilespmem:s15+$0xFFFFFFD0] =	vst v5;
	v2 =	vsel vm12, v4, v2;
	v62 =	vadd.f32 $-1.000000000e+00, v61;
	v63 =	vpop (erf)  }
0x40c: {  	vm14 =	vgt.f32 v6, $0.0e+00;
	[tilespmem:s15+$0xFFFFFFE0] =	vst v2;
	v2 =	vsel vm13, v3, v60;
	v3 =	vadd.f32 $-1.000000000e+00, v63  }
0x40d: {  	p1 =	sgt.u32 s22, $0x270F;
	vm15 =	vgt.f32 v1, $0.0e+00;
	v4 =	vsel vm14, v6, v62;
	[tilespmem:s15+$0x0] =	vst v2  }
0x40e: {  	s1 =	sshll.u32 @!p1 s22, $0x5;
	s4 =	simm.s32 @!p1 $0x400;
	[tilespmem:s15+$0xFFFFFFF0] =	vst v4;
	v1 =	vsel vm15, v1, v3  }
0x40f: {  	s8 =	simm.s32 @!p1 $0x800;
	s14 =	simm.s32 @!p1 $0x3800;
	s1 =	sadd.s32 @!p1 s2, s1;
	[tilespmem:s15+$0x10] =	vst v1  }
0x410: {  	[hbm4b:s1+s4] =	stream.strided.scatter @!p1 [tilespmem:s14], [sflag:$0x8], $0x800, s8, s4, $0x38;
	[tilespmem:$0x1FD00] =	vst v63  }
0x411: {  	s1 =	simm.s32 @!p1 $0x8  }
0x412: {  	s4 =	sor.u32 $0x10, s22;
	_ =	swait.ge @!p1 [sflag:s1], $0x800  }
0x413: {  	p2 =	sgt.u32 s4, $0x270F;
	[sflag:s1] =	ssyncset.done @!p1 $0x0  }
0x414: {  	s4 =	sshll.u32 @!p2 s4, $0x5;
	s8 =	simm.s32 @!p2 $0x800;
	s14 =	simm.s32 @!p2 $0x4000  }
0x415: {  	[sflag:s1] =	ssyncadd.s32 @!p1 $0xFFFFF800;
	s1 =	sadd.s32 @!p2 s2, s4;
	s4 =	simm.s32 @!p2 $0x400  }
0x416: {  	[hbm4b:s1+s4] =	stream.strided.scatter @!p2 [tilespmem:s14], [sflag:$0x8], $0x800, s8, s4, $0x38;
	[tilespmem:$0x1FD00] =	vst v63  }
0x417: {  	s1 =	simm.s32 @!p2 $0x8  }
0x418: {  	s4 =	sor.u32 $0x20, s22;
	_ =	swait.ge @!p2 [sflag:s1], $0x800  }
0x419: {  	p1 =	sgt.u32 s4, $0x270F;
	[sflag:s1] =	ssyncset.done @!p2 $0x0  }
0x41a: {  	s4 =	sshll.u32 @!p1 s4, $0x5;
	s8 =	simm.s32 @!p1 $0x800;
	s14 =	simm.s32 @!p1 $0x4800  }
0x41b: {  	[sflag:s1] =	ssyncadd.s32 @!p2 $0xFFFFF800;
	s1 =	sadd.s32 @!p1 s2, s4;
	s4 =	simm.s32 @!p1 $0x400  }
0x41c: {  	[hbm4b:s1+s4] =	stream.strided.scatter @!p1 [tilespmem:s14], [sflag:$0x8], $0x800, s8, s4, $0x38;
	[tilespmem:$0x1FD00] =	vst v63  }
0x41d: {  	s1 =	simm.s32 @!p1 $0x8  }
0x41e: {  	s4 =	sor.u32 $0x30, s22;
	_ =	swait.ge @!p1 [sflag:s1], $0x800  }
0x41f: {  	p2 =	sgt.u32 s4, $0x270F;
	[sflag:s1] =	ssyncset.done @!p1 $0x0  }
0x420: {  	s4 =	sshll.u32 @!p2 s4, $0x5;
	s8 =	simm.s32 @!p2 $0x800;
	s14 =	simm.s32 @!p2 $0x5000  }
0x421: {  	[sflag:s1] =	ssyncadd.s32 @!p1 $0xFFFFF800;
	s1 =	sadd.s32 @!p2 s2, s4;
	s4 =	simm.s32 @!p2 $0x400  }
0x422: {  	[hbm4b:s1+s4] =	stream.strided.scatter @!p2 [tilespmem:s14], [sflag:$0x8], $0x800, s8, s4, $0x38;
	[tilespmem:$0x1FD00] =	vst v63  }
0x423: {  	s1 =	simm.s32 @!p2 $0x8  }
0x424: {  	s4 =	sor.u32 $0x40, s22;
	_ =	swait.ge @!p2 [sflag:s1], $0x800  }
0x425: {  	p1 =	sgt.u32 s4, $0x270F;
	[sflag:s1] =	ssyncset.done @!p2 $0x0  }
0x426: {  	s4 =	sshll.u32 @!p1 s4, $0x5;
	s8 =	simm.s32 @!p1 $0x800;
	s14 =	simm.s32 @!p1 $0x5800  }
0x427: {  	[sflag:s1] =	ssyncadd.s32 @!p2 $0xFFFFF800;
	s1 =	sadd.s32 @!p1 s2, s4;
	s4 =	simm.s32 @!p1 $0x400  }
0x428: {  	[hbm4b:s1+s4] =	stream.strided.scatter @!p1 [tilespmem:s14], [sflag:$0x8], $0x800, s8, s4, $0x38;
	[tilespmem:$0x1FD00] =	vst v63  }
0x429: {  	s1 =	simm.s32 @!p1 $0x8  }
0x42a: {  	s4 =	sor.u32 $0x50, s22;
	_ =	swait.ge @!p1 [sflag:s1], $0x800  }
0x42b: {  	p2 =	sgt.u32 s4, $0x270F;
	[sflag:s1] =	ssyncset.done @!p1 $0x0  }
0x42c: {  	s4 =	sshll.u32 @!p2 s4, $0x5;
	s8 =	simm.s32 @!p2 $0x800;
	s14 =	simm.s32 @!p2 $0x6000  }
0x42d: {  	[sflag:s1] =	ssyncadd.s32 @!p1 $0xFFFFF800;
	s1 =	sadd.s32 @!p2 s2, s4;
	s4 =	simm.s32 @!p2 $0x400  }
0x42e: {  	[hbm4b:s1+s4] =	stream.strided.scatter @!p2 [tilespmem:s14], [sflag:$0x8], $0x800, s8, s4, $0x38;
	[tilespmem:$0x1FD00] =	vst v63  }
0x42f: {  	s1 =	simm.s32 @!p2 $0x8  }
0x430: {  	s4 =	sor.u32 $0x60, s22;
	_ =	swait.ge @!p2 [sflag:s1], $0x800  }
0x431: {  	p1 =	sgt.u32 s4, $0x270F;
	[sflag:s1] =	ssyncset.done @!p2 $0x0  }
0x432: {  	s4 =	sshll.u32 @!p1 s4, $0x5;
	s8 =	simm.s32 @!p1 $0x800;
	s14 =	simm.s32 @!p1 $0x6800  }
0x433: {  	[sflag:s1] =	ssyncadd.s32 @!p2 $0xFFFFF800;
	s1 =	sadd.s32 @!p1 s2, s4;
	s4 =	simm.s32 @!p1 $0x400  }
0x434: {  	[hbm4b:s1+s4] =	stream.strided.scatter @!p1 [tilespmem:s14], [sflag:$0x8], $0x800, s8, s4, $0x38;
	[tilespmem:$0x1FD00] =	vst v63  }
0x435: {  	s1 =	simm.s32 @!p1 $0x8;
	s4 =	sor.u32 $0x70, s22  }
0x436: {  	_ =	swait.ge @!p1 [sflag:s1], $0x800;
	p2 =	sgt.u32 s4, $0x270F  }
0x437: {  	s13 =	sadd.s32 $0x1, s13;
	[sflag:s1] =	ssyncset.done @!p1 $0x0;
	s4 =	sshll.u32 @!p2 s4, $0x5  }
0x438: {  	s8 =	simm.s32 @!p2 $0x800;
	s14 =	simm.s32 @!p2 $0x7000;
	[sflag:s1] =	ssyncadd.s32 @!p1 $0xFFFFF800  }
0x439: {  	s1 =	sadd.s32 @!p2 s2, s4;
	s4 =	simm.s32 @!p2 $0x400;
	p1 =	seq.s32 s13, $0x5  }
0x43a: {  	[hbm4b:s1+s4] =	stream.strided.scatter @!p2 [tilespmem:s14], [sflag:$0x7], $0x800, s8, s4, $0x38;
	[tilespmem:$0x1FD00] =	vst v63  }
.Ltmp28:
0x43b: {  	_ = 	snop;
	(pc) =	sbr.rel @!p1 .LBB2_39-.Ltmp28, $4  }
.Ltmp29:
0x43c: {  	s1 =	simm.s32 @!p2 $0x7;
	(pc) =	sbr.rel @p1 .LBB2_45-.Ltmp29, $4  }
0x43d: {  	_ =	swait.ge @!p2 [sflag:s1], $0x800  }
0x43e: {  	[sflag:s1] =	ssyncset.done @!p2 $0x0  }
0x43f: {  	s21 =	sadd.s32 $0x80, s21;
	[sflag:s1] =	ssyncadd.s32 @!p2 $0xFFFFF800  }
0x440: {  	_ = 	snop  }
.LBB2_42:
0x441: {  	s1 =	sshll.u32 s22, $0x7  }
0x442: {  	s13 =	sadd.s32 s7, s1  }
0x443: {  	s1 =	sshll.u32 s13, $0x7  }
0x444: {  	s1 =	sand.u32 $0x3FFFFF80, s1  }
0x445: {  	s1 =	sadd.s32 s1, s3  }
0x446: {  	[tilespmem:s29], [sflag:$0x8] =	stream.linear.gather [spmem:s1], $0x4000, $0x38;
	[tilespmem:$0x1FD00] =	vst v63  }
0x447: {  	s25 =	sadd.s32 $0x0, s21;
	_ =	swait.ge [sflag:s18], $0x4000  }
0x448: {  	v1 =	vmov s25;
	[sflag:s18] =	ssyncset.done $0x0  }
0x449: {  	s17 =	simm.s32 $0x3840;
	[sflag:s18] =	ssyncadd.s32 $0xFFFFC000  }
0x44a: {  	v2 =	vld [tilespmem:s17+$0x30]  }
0x44b: {  	v3 =	vld [tilespmem:s17+$0xFFFFFFC0]  }
0x44c: {  	v4 =	vld [tilespmem:s17+$0xFFFFFFD0]  }
0x44d: {  	v1 =	vld.idx.msk [tilespmem:v1+s30+$0x0], $0xffff  }
0x44e: {  	v5 =	vld [tilespmem:s17+$0x20]  }
0x44f: {  	v6 =	vld [tilespmem:s17+$0xFFFFFFE0];
	_ =	sdelay $0x2  }
0x450: {  	v10 =	vld [tilespmem:s17+$0xFFFFFFF0];
	v4 =	vmul.f32 v4, v1;
	v8 =	vmul.f32 v2, v1  }
0x451: {  	v11 =	vld [tilespmem:s17+$0x0];
	v7 =	vmul.f32 v3, v1;
	v9 =	vmul.f32 v5, v1  }
0x452: {  	v3 =	vld [tilespmem:s17+$0x10];
	v6 =	vmul.f32 v6, v1;
	v2 =	vmul.f32 $1.442695020e+00, v8  }
0x453: {  	v12 =	vmul.f32 $1.442695020e+00, v4;
	v13 =	vmul.f32 $1.442695020e+00, v7  }
0x454: {  	v5 =	vmul.f32 $1.442695020e+00, v9;
	(erf) = vpow2.f32 v2  }
0x455: {  	v2 =	vmul.f32 v10, v1;
	v10 =	vmul.f32 $1.442695020e+00, v6  }
0x456: {  	(erf) = vpow2.f32 v5;
	v5 =	vmul.f32 v11, v1  }
0x457: {  	s4 =	sadd.s32 $0x1, s21;
	v3 =	vmul.f32 v3, v1;
	(erf) = vpow2.f32 v13  }
0x458: {  	s19 =	simm.s32 $0x38C0;
	s15 =	simm.s32 $0x38C0;
	s1 =	simm.s32 $0x2;
	v1 =	vmov s4;
	v11 =	vmul.f32 $1.442695020e+00, v5;
	(erf) = vpow2.f32 v12  }
.LBB2_43:
0x459: {  	p1 =	sne.s32 s1, $0x7F  }
0x45a: {  	s19 =	sadd.s32 $0x80, s19;
	v12 =	vmul.f32 $1.442695020e+00, v2;
	(erf) = vpow2.f32 v10;
	s4 =	smov.u32 s1;
	s1 =	sadd.s32 $0x1, s1  }
0x45b: {  	v10 =	vmul.f32 $1.442695020e+00, v3;
	(erf) = vpow2.f32 v11  }
0x45c: {  	(erf) = vpow2.f32 v12  }
0x45d: {  	s4 =	sadd.s32 s4, s21;
	(erf) = vpow2.f32 v10  }
0x45e: {  	v10 =	vmov s4;
	v11 =	vpop (erf)  }
0x45f: {  	v11 =	vadd.f32 $-1.000000000e+00, v11;
	v12 =	vpop (erf)  }
0x460: {  	vm0 =	vgt.f32 v8, $0.0e+00;
	v12 =	vadd.f32 $-1.000000000e+00, v12;
	v13 =	vpop (erf)  }
0x461: {  	vm1 =	vgt.f32 v9, $0.0e+00;
	v13 =	vadd.f32 $-1.000000000e+00, v13;
	v11 =	vsel vm0, v8, v11  }
0x462: {  	vm0 =	vgt.f32 v7, $0.0e+00;
	v12 =	vsel vm1, v9, v12;
	[tilespmem:s17+$0x30] =	vst v11;
	v8 =	vpop (erf)  }
0x463: {  	v7 =	vsel vm0, v7, v13;
	v8 =	vadd.f32 $-1.000000000e+00, v8;
	[tilespmem:s17+$0x20] =	vst v12;
	v9 =	vpop (erf)  }
0x464: {  	vm1 =	vgt.f32 v2, $0.0e+00;
	vm0 =	vgt.f32 v4, $0.0e+00;
	[tilespmem:s17+$0xFFFFFFC0] =	vst v7;
	v11 =	vadd.f32 $-1.000000000e+00, v9;
	v9 =	vpop (erf)  }
0x465: {  	v4 =	vsel vm0, v4, v8;
	vm0 =	vgt.f32 v6, $0.0e+00;
	v8 =	vadd.f32 $-1.000000000e+00, v9;
	v9 =	vpop (erf)  }
0x466: {  	[tilespmem:s17+$0xFFFFFFD0] =	vst v4;
	v4 =	vsel vm0, v6, v11;
	v6 =	vadd.f32 $-1.000000000e+00, v9;
	vm0 =	vgt.f32 v5, $0.0e+00;
	v7 =	vpop (erf)  }
0x467: {  	v9 =	vld [tilespmem:s15+$0x30];
	[tilespmem:s17+$0xFFFFFFE0] =	vst v4;
	v4 =	vsel vm0, v5, v8;
	vm0 =	vgt.f32 v3, $0.0e+00;
	v5 =	vadd.f32 $-1.000000000e+00, v7  }
0x468: {  	v7 =	vld [tilespmem:s15+$0xFFFFFFC0];
	v2 =	vsel vm1, v2, v6;
	[tilespmem:s17+$0x0] =	vst v4  }
0x469: {  	v4 =	vld [tilespmem:s15+$0xFFFFFFD0];
	[tilespmem:s17+$0xFFFFFFF0] =	vst v2;
	v2 =	vsel vm0, v3, v5  }
0x46a: {  	v3 =	vld [tilespmem:s15+$0x0];
	[tilespmem:s17+$0x10] =	vst v2;
	s17 =	smov.u32 s15;
	s15 =	smov.u32 s19  }
0x46b: {  	v11 =	vld.idx.msk [tilespmem:v1+s30+$0x0], $0xffff;
	v1 =	vmov v10  }
0x46c: {  	v2 =	vld [tilespmem:s17+$0xFFFFFFE0]  }
0x46d: {  	v5 =	vld [tilespmem:s17+$0x20];
	_ =	sdelay $0x3  }
0x46e: {  	v4 =	vmul.f32 v4, v11;
	v8 =	vmul.f32 v9, v11;
	v10 =	vld [tilespmem:s17+$0xFFFFFFF0]  }
0x46f: {  	v7 =	vmul.f32 v7, v11;
	v9 =	vmul.f32 v5, v11  }
0x470: {  	v12 =	vmul.f32 $1.442695020e+00, v4;
	v5 =	vmul.f32 $1.442695020e+00, v8;
	v13 =	vld [tilespmem:s17+$0x10]  }
0x471: {  	v14 =	vmul.f32 $1.442695020e+00, v7;
	v15 =	vmul.f32 $1.442695020e+00, v9  }
.Ltmp30:
0x472: {  	v6 =	vmul.f32 v2, v11;
	(erf) = vpow2.f32 v5;
	(pc) =	sbr.rel @p1 .LBB2_43-.Ltmp30, $4  }
0x473: {  	v2 =	vmul.f32 v10, v11;
	(erf) = vpow2.f32 v15  }
0x474: {  	v5 =	vmul.f32 v3, v11;
	(erf) = vpow2.f32 v14  }
0x475: {  	v10 =	vmul.f32 $1.442695020e+00, v6;
	v3 =	vmul.f32 v13, v11  }
0x476: {  	v11 =	vmul.f32 $1.442695020e+00, v5;
	(erf) = vpow2.f32 v12  }
0x477: {  	(erf) = vpow2.f32 v10;
	v24 =	vmul.f32 $1.442695020e+00, v2  }
0x478: {  	v25 =	vmul.f32 $1.442695020e+00, v3;
	(erf) = vpow2.f32 v11  }
0x479: {  	(erf) = vpow2.f32 v24  }
0x47a: {  	(erf) = vpow2.f32 v25;
	_ =	sdelay $0x1  }
0x47b: {  	v26 =	vpop (erf)  }
0x47c: {  	v10 =	vadd.f32 $-1.000000000e+00, v26;
	v27 =	vpop (erf)  }
0x47d: {  	vm0 =	vgt.f32 v8, $0.0e+00;
	v11 =	vadd.f32 $-1.000000000e+00, v27;
	v12 =	vpop (erf)  }
0x47e: {  	vm1 =	vgt.f32 v9, $0.0e+00;
	v12 =	vadd.f32 $-1.000000000e+00, v12;
	v8 =	vsel vm0, v8, v10;
	v28 =	vpop (erf)  }
0x47f: {  	vm14 =	vgt.f32 v7, $0.0e+00;
	v9 =	vsel vm1, v9, v11;
	[tilespmem:s17+$0x30] =	vst v8;
	v29 =	vadd.f32 $-1.000000000e+00, v28;
	v30 =	vpop (erf)  }
0x480: {  	vm15 =	vgt.f32 v4, $0.0e+00;
	v7 =	vsel vm14, v7, v12;
	[tilespmem:s17+$0x20] =	vst v9;
	v31 =	vadd.f32 $-1.000000000e+00, v30;
	v32 =	vpop (erf)  }
0x481: {  	vm4 =	vgt.f32 v6, $0.0e+00;
	[tilespmem:s17+$0xFFFFFFC0] =	vst v7;
	v4 =	vsel vm15, v4, v29;
	v33 =	vadd.f32 $-1.000000000e+00, v32;
	v34 =	vpop (erf)  }
0x482: {  	vm5 =	vgt.f32 v5, $0.0e+00;
	[tilespmem:s17+$0xFFFFFFD0] =	vst v4;
	v35 =	vsel vm4, v6, v31;
	v36 =	vadd.f32 $-1.000000000e+00, v34;
	v39 =	vpop (erf)  }
0x483: {  	vm6 =	vgt.f32 v2, $0.0e+00;
	v37 =	vld [tilespmem:s15+$0x30];
	[tilespmem:s17+$0xFFFFFFE0] =	vst v35;
	v38 =	vsel vm5, v5, v33;
	v41 =	vadd.f32 $-1.000000000e+00, v39  }
0x484: {  	vm7 =	vgt.f32 v3, $0.0e+00;
	v40 =	vld [tilespmem:s15+$0xFFFFFFC0];
	[tilespmem:s17+$0x0] =	vst v38;
	v2 =	vsel vm6, v2, v36  }
0x485: {  	v42 =	vld [tilespmem:s15+$0xFFFFFFD0];
	[tilespmem:s17+$0xFFFFFFF0] =	vst v2;
	v2 =	vsel vm7, v3, v41  }
0x486: {  	v3 =	vld [tilespmem:s15+$0x0];
	[tilespmem:s17+$0x10] =	vst v2  }
0x487: {  	v1 =	vld.idx.msk [tilespmem:v1+s30+$0x0], $0xffff  }
0x488: {  	v2 =	vld [tilespmem:s15+$0x20]  }
0x489: {  	v43 =	vld [tilespmem:s15+$0xFFFFFFE0]  }
0x48a: {  	v44 =	vld [tilespmem:s15+$0xFFFFFFF0];
	_ =	sdelay $0x1  }
0x48b: {  	v46 =	vld [tilespmem:s15+$0x10]  }
0x48c: {  	v5 =	vmul.f32 v42, v1;
	v8 =	vmul.f32 v37, v1  }
0x48d: {  	v7 =	vmul.f32 v40, v1;
	v2 =	vmul.f32 v2, v1  }
0x48e: {  	v4 =	vmul.f32 v43, v1;
	v6 =	vmul.f32 v44, v1  }
0x48f: {  	v3 =	vmul.f32 v3, v1;
	v47 =	vmul.f32 $1.442695020e+00, v8  }
0x490: {  	v1 =	vmul.f32 v46, v1;
	v13 =	vmul.f32 $1.442695020e+00, v2  }
0x491: {  	v48 =	vmul.f32 $1.442695020e+00, v7;
	(erf) = vpow2.f32 v47  }
0x492: {  	v45 =	vmul.f32 $1.442695020e+00, v5;
	(erf) = vpow2.f32 v13  }
0x493: {  	v49 =	vmul.f32 $1.442695020e+00, v4;
	(erf) = vpow2.f32 v48  }
0x494: {  	v50 =	vmul.f32 $1.442695020e+00, v3;
	(erf) = vpow2.f32 v45  }
0x495: {  	v51 =	vmul.f32 $1.442695020e+00, v6;
	(erf) = vpow2.f32 v49  }
0x496: {  	v52 =	vmul.f32 $1.442695020e+00, v1;
	(erf) = vpow2.f32 v50  }
0x497: {  	(erf) = vpow2.f32 v51  }
0x498: {  	(erf) = vpow2.f32 v52;
	_ =	sdelay $0x1  }
0x499: {  	v53 =	vpop (erf)  }
0x49a: {  	v9 =	vadd.f32 $-1.000000000e+00, v53;
	v54 =	vpop (erf)  }
0x49b: {  	vm8 =	vgt.f32 v8, $0.0e+00;
	v10 =	vadd.f32 $-1.000000000e+00, v54;
	v55 =	vpop (erf)  }
0x49c: {  	vm9 =	vgt.f32 v2, $0.0e+00;
	v11 =	vadd.f32 $-1.000000000e+00, v55;
	v8 =	vsel vm8, v8, v9;
	v56 =	vpop (erf)  }
0x49d: {  	vm10 =	vgt.f32 v7, $0.0e+00;
	v2 =	vsel vm9, v2, v10;
	[tilespmem:s15+$0x30] =	vst v8;
	v57 =	vadd.f32 $-1.000000000e+00, v56;
	v58 =	vpop (erf)  }
0x49e: {  	vm11 =	vgt.f32 v5, $0.0e+00;
	v7 =	vsel vm10, v7, v11;
	[tilespmem:s15+$0x20] =	vst v2;
	v2 =	vadd.f32 $-1.000000000e+00, v58;
	v59 =	vpop (erf)  }
0x49f: {  	vm12 =	vgt.f32 v4, $0.0e+00;
	[tilespmem:s15+$0xFFFFFFC0] =	vst v7;
	v5 =	vsel vm11, v5, v57;
	v60 =	vadd.f32 $-1.000000000e+00, v59;
	v61 =	vpop (erf)  }
0x4a0: {  	vm13 =	vgt.f32 v3, $0.0e+00;
	[tilespmem:s15+$0xFFFFFFD0] =	vst v5;
	v2 =	vsel vm12, v4, v2;
	v62 =	vadd.f32 $-1.000000000e+00, v61;
	v63 =	vpop (erf)  }
0x4a1: {  	vm14 =	vgt.f32 v6, $0.0e+00;
	[tilespmem:s15+$0xFFFFFFE0] =	vst v2;
	v2 =	vsel vm13, v3, v60;
	v3 =	vadd.f32 $-1.000000000e+00, v63  }
0x4a2: {  	p1 =	sgt.u32 s13, $0x270F;
	vm15 =	vgt.f32 v1, $0.0e+00;
	v4 =	vsel vm14, v6, v62;
	[tilespmem:s15+$0x0] =	vst v2  }
0x4a3: {  	s1 =	sshll.u32 @!p1 s13, $0x5;
	s4 =	simm.s32 @!p1 $0x400;
	[tilespmem:s15+$0xFFFFFFF0] =	vst v4;
	v1 =	vsel vm15, v1, v3  }
0x4a4: {  	s8 =	simm.s32 @!p1 $0x800;
	s14 =	simm.s32 @!p1 $0x3800;
	s1 =	sadd.s32 @!p1 s1, s24;
	[tilespmem:s15+$0x10] =	vst v1  }
0x4a5: {  	[hbm4b:s1+s4] =	stream.strided.scatter @!p1 [tilespmem:s14], [sflag:$0x8], $0x800, s8, s4, $0x38;
	[tilespmem:$0x1FD00] =	vst v63  }
0x4a6: {  	s1 =	simm.s32 @!p1 $0x8  }
0x4a7: {  	s4 =	sor.u32 $0x10, s13;
	_ =	swait.ge @!p1 [sflag:s1], $0x800  }
0x4a8: {  	p2 =	sgt.u32 s4, $0x270F;
	[sflag:s1] =	ssyncset.done @!p1 $0x0  }
0x4a9: {  	s4 =	sshll.u32 @!p2 s4, $0x5;
	s8 =	simm.s32 @!p2 $0x800;
	s14 =	simm.s32 @!p2 $0x4000  }
0x4aa: {  	[sflag:s1] =	ssyncadd.s32 @!p1 $0xFFFFF800;
	s1 =	sadd.s32 @!p2 s4, s24;
	s4 =	simm.s32 @!p2 $0x400  }
0x4ab: {  	[hbm4b:s1+s4] =	stream.strided.scatter @!p2 [tilespmem:s14], [sflag:$0x8], $0x800, s8, s4, $0x38;
	[tilespmem:$0x1FD00] =	vst v63  }
0x4ac: {  	s1 =	simm.s32 @!p2 $0x8  }
0x4ad: {  	s4 =	sor.u32 $0x20, s13;
	_ =	swait.ge @!p2 [sflag:s1], $0x800  }
0x4ae: {  	p1 =	sgt.u32 s4, $0x270F;
	[sflag:s1] =	ssyncset.done @!p2 $0x0  }
0x4af: {  	s4 =	sshll.u32 @!p1 s4, $0x5;
	s8 =	simm.s32 @!p1 $0x800;
	s14 =	simm.s32 @!p1 $0x4800  }
0x4b0: {  	[sflag:s1] =	ssyncadd.s32 @!p2 $0xFFFFF800;
	s1 =	sadd.s32 @!p1 s4, s24;
	s4 =	simm.s32 @!p1 $0x400  }
0x4b1: {  	[hbm4b:s1+s4] =	stream.strided.scatter @!p1 [tilespmem:s14], [sflag:$0x8], $0x800, s8, s4, $0x38;
	[tilespmem:$0x1FD00] =	vst v63  }
0x4b2: {  	s1 =	simm.s32 @!p1 $0x8  }
0x4b3: {  	s4 =	sor.u32 $0x30, s13;
	_ =	swait.ge @!p1 [sflag:s1], $0x800  }
0x4b4: {  	p2 =	sgt.u32 s4, $0x270F;
	[sflag:s1] =	ssyncset.done @!p1 $0x0  }
0x4b5: {  	s4 =	sshll.u32 @!p2 s4, $0x5;
	s8 =	simm.s32 @!p2 $0x800;
	s14 =	simm.s32 @!p2 $0x5000  }
0x4b6: {  	[sflag:s1] =	ssyncadd.s32 @!p1 $0xFFFFF800;
	s1 =	sadd.s32 @!p2 s4, s24;
	s4 =	simm.s32 @!p2 $0x400  }
0x4b7: {  	[hbm4b:s1+s4] =	stream.strided.scatter @!p2 [tilespmem:s14], [sflag:$0x8], $0x800, s8, s4, $0x38;
	[tilespmem:$0x1FD00] =	vst v63  }
0x4b8: {  	s1 =	simm.s32 @!p2 $0x8  }
0x4b9: {  	s4 =	sor.u32 $0x40, s13;
	_ =	swait.ge @!p2 [sflag:s1], $0x800  }
0x4ba: {  	p1 =	sgt.u32 s4, $0x270F;
	[sflag:s1] =	ssyncset.done @!p2 $0x0  }
0x4bb: {  	s4 =	sshll.u32 @!p1 s4, $0x5;
	s8 =	simm.s32 @!p1 $0x800;
	s14 =	simm.s32 @!p1 $0x5800  }
0x4bc: {  	[sflag:s1] =	ssyncadd.s32 @!p2 $0xFFFFF800;
	s1 =	sadd.s32 @!p1 s4, s24;
	s4 =	simm.s32 @!p1 $0x400  }
0x4bd: {  	[hbm4b:s1+s4] =	stream.strided.scatter @!p1 [tilespmem:s14], [sflag:$0x8], $0x800, s8, s4, $0x38;
	[tilespmem:$0x1FD00] =	vst v63  }
0x4be: {  	s1 =	simm.s32 @!p1 $0x8  }
0x4bf: {  	s4 =	sor.u32 $0x50, s13;
	_ =	swait.ge @!p1 [sflag:s1], $0x800  }
0x4c0: {  	p2 =	sgt.u32 s4, $0x270F;
	[sflag:s1] =	ssyncset.done @!p1 $0x0  }
0x4c1: {  	s4 =	sshll.u32 @!p2 s4, $0x5;
	s8 =	simm.s32 @!p2 $0x800;
	s14 =	simm.s32 @!p2 $0x6000  }
0x4c2: {  	[sflag:s1] =	ssyncadd.s32 @!p1 $0xFFFFF800;
	s1 =	sadd.s32 @!p2 s4, s24;
	s4 =	simm.s32 @!p2 $0x400  }
0x4c3: {  	[hbm4b:s1+s4] =	stream.strided.scatter @!p2 [tilespmem:s14], [sflag:$0x8], $0x800, s8, s4, $0x38;
	[tilespmem:$0x1FD00] =	vst v63  }
0x4c4: {  	s1 =	simm.s32 @!p2 $0x8  }
0x4c5: {  	s4 =	sor.u32 $0x60, s13;
	_ =	swait.ge @!p2 [sflag:s1], $0x800  }
0x4c6: {  	p1 =	sgt.u32 s4, $0x270F;
	[sflag:s1] =	ssyncset.done @!p2 $0x0  }
0x4c7: {  	s4 =	sshll.u32 @!p1 s4, $0x5;
	s8 =	simm.s32 @!p1 $0x800;
	s14 =	simm.s32 @!p1 $0x6800  }
0x4c8: {  	[sflag:s1] =	ssyncadd.s32 @!p2 $0xFFFFF800;
	s1 =	sadd.s32 @!p1 s4, s24;
	s4 =	simm.s32 @!p1 $0x400  }
0x4c9: {  	[hbm4b:s1+s4] =	stream.strided.scatter @!p1 [tilespmem:s14], [sflag:$0x8], $0x800, s8, s4, $0x38;
	[tilespmem:$0x1FD00] =	vst v63  }
0x4ca: {  	s1 =	simm.s32 @!p1 $0x8;
	s4 =	sor.u32 $0x70, s13  }
0x4cb: {  	_ =	swait.ge @!p1 [sflag:s1], $0x800;
	p2 =	sgt.u32 s4, $0x270F  }
0x4cc: {  	s22 =	sadd.s32 $0x1, s22;
	[sflag:s1] =	ssyncset.done @!p1 $0x0;
	s4 =	sshll.u32 @!p2 s4, $0x5  }
0x4cd: {  	s8 =	simm.s32 @!p2 $0x800;
	s13 =	simm.s32 @!p2 $0x7000;
	[sflag:s1] =	ssyncadd.s32 @!p1 $0xFFFFF800  }
0x4ce: {  	s1 =	sadd.s32 @!p2 s4, s24;
	s4 =	simm.s32 @!p2 $0x400;
	p1 =	sne.s32 s22, $0x5  }
0x4cf: {  	[hbm4b:s1+s4] =	stream.strided.scatter @!p2 [tilespmem:s13], [sflag:$0x7], $0x800, s8, s4, $0x38;
	[tilespmem:$0x1FD00] =	vst v63  }
.Ltmp31:
0x4d0: {  	_ = 	snop;
	(pc) =	sbr.rel @p1 .LBB2_42-.Ltmp31, $4  }
.Ltmp32:
0x4d1: {  	s1 =	simm.s32 @!p2 $0x7;
	(pc) =	sbr.rel @!p1 .LBB2_45-.Ltmp32, $4  }
0x4d2: {  	_ =	swait.ge @!p2 [sflag:s1], $0x800  }
0x4d3: {  	[sflag:s1] =	ssyncset.done @!p2 $0x0  }
0x4d4: {  	s21 =	sadd.s32 $0x80, s21;
	[sflag:s1] =	ssyncadd.s32 @!p2 $0xFFFFF800  }
0x4d5: {  	_ = 	snop  }
.LBB2_46:
0x4d6: {  	_ =	sfence.sel $0x180000  }
0x4d7: {  	[bflag:$0x0] =	sbarrier.arrive $0xFFFF  }
0x4d8: {  	_ =	strace $0x90000047  }
0x4d9: {  	s0 =	stileid.u32;
	[bflag:$0x2] =	sbarrier.arrive $0xFFFF  }
0x4da: {  	p0 =	sne.s32 s0, $0x0;
	s0 =	rddreg [dreg:$0x4]  }
0x4db: {  	s0 =	sadd.s32 @!p0 $0x100000, s0  }
0x4dc: {  	[sflag:s0] =	ssyncadd.tile.s32 @!p0 $0x1;
	_ =	shalt  }
.Lfunc_end2:
_tile_overlayer_lowered:
.L_overlay_start_2:
0x4dd: {  	(tag) =	ssettag $0x2  }
0x4de: {  	s0 =	rddreg [dreg:$0x0];
	s2 =	stileid.u32  }
0x4df: {  	s1 =	rddreg [dreg:$0x1];
	p0 =	sne.s32 s2, $0x0  }
0x4e0: {  	s3 =	rddreg [dreg:$0x2];
	[bflag:$0x3] =	sbarrier.arrive $0xFFFF;
	s2 =	simm.s32 @!p0 $0x1C07  }
0x4e1: {  	[timem:s3], [sflag:s2] =	dma.local @!p0 [hbm:s0], s1  }
0x4e2: {  	s0 =	simm.s32 @!p0 $0x7  }
0x4e3: {  	_ =	swait.ge @!p0 [sflag:s0], s1  }
0x4e4: {  	s1 =	ssub.s32 @!p0 $0x0, s1;
	[sflag:s0] =	ssyncset.done @!p0 $0x0  }
0x4e5: {  	[sflag:s0] =	ssyncadd.s32 @!p0 s1  }
0x4e6: {  	[bflag:$0x3] =	sbarrier.arrive $0xFFFF  }
0x4e7: {  	_ =	shalt  }

</sc_bundles>
